<compile_context>
chip_gen: v7x
topology: tpu7x:2x2x1
jax: 0.10.2.dev20260603
libtpu: 0.0.44.dev20260713+nightly
codegen_flags: <defaults>
</compile_context>

<pallas_src>
import jax
import jax.numpy as jnp
from jax import lax
from jax.experimental import pallas as pl
from jax.experimental.pallas import tpu as pltpu
from jax.experimental.pallas import tpu_sc as plsc

N = 1048576
NC, NS = 2, 16
NW = NC * NS
BPW = N // NW
CHUNK = 1024
GB = 128
K = CHUNK // GB
NCHUNK = BPW // CHUNK


def _sc_body(c0_hbm, c1_hbm, c3_hbm, c4_hbm, c5_hbm, idx_hbm,
             r0_hbm, r1_hbm, vx_hbm, vy_hbm, vz_hbm,
             idx_v, ga, gb, gsem_a, gsem_b):
    c = lax.axis_index("c")
    s = lax.axis_index("s")
    wid = s * NC + c
    pltpu.sync_copy(idx_hbm.at[pl.ds(wid * (BPW // GB), BPW // GB)], idx_v)

    cols_in = (c0_hbm, c1_hbm, c3_hbm, c4_hbm, c5_hbm)
    outs = (r0_hbm, r1_hbm, vx_hbm, vy_hbm, vz_hbm)

    def fire(ci, buf, sem):
        for j in range(K):
            row = idx_v.at[ci * K + j]
            for q in range(5):
                pltpu.async_copy(
                    cols_in[q].at[row],
                    buf.at[pl.ds(q * CHUNK + j * GB, GB)],
                    sem,
                )

    def drain(buf, sem):
        pltpu.make_async_copy(
            c0_hbm.at[pl.ds(0, 5 * CHUNK)], buf, sem
        ).wait()

    def process(ci, buf):
        def group(g, carry2):
            r3 = buf[pl.ds(2 * CHUNK + g * 16, 16)]
            r4 = buf[pl.ds(3 * CHUNK + g * 16, 16)]
            r5 = buf[pl.ds(4 * CHUNK + g * 16, 16)]

            ssq = r3 * r3 + r4 * r4 + r5 * r5
            seed = plsc.bitcast(
                jnp.int32(0x5F3759DF) - lax.shift_right_logical(
                    plsc.bitcast(ssq, jnp.int32), 1
                ),
                jnp.float32,
            )
            half = 0.5 * ssq
            y = seed * (1.5 - half * seed * seed)
            y = y * (1.5 - half * y * y)
            y = y * (1.5 - half * y * y)
            inv = y

            buf[pl.ds(2 * CHUNK + g * 16, 16)] = r3 * inv
            buf[pl.ds(3 * CHUNK + g * 16, 16)] = r4 * inv
            buf[pl.ds(4 * CHUNK + g * 16, 16)] = r5 * inv
            return carry2

        lax.fori_loop(0, CHUNK // 16, group, 0)

        base = wid * BPW + ci * CHUNK
        for q in range(5):
            pltpu.sync_copy(
                buf.at[pl.ds(q * CHUNK, CHUNK)], outs[q].at[pl.ds(base, CHUNK)]
            )

    bufs_a = ga
    bufs_b = gb

    fire(0, bufs_a, gsem_a)

    def body(tt, carry):
        ca = 2 * tt
        fire(ca + 1, bufs_b, gsem_b)
        drain(bufs_a, gsem_a)
        process(ca, bufs_a)
        fire(ca + 2, bufs_a, gsem_a)
        drain(bufs_b, gsem_b)
        process(ca + 1, bufs_b)
        return carry

    lax.fori_loop(0, NCHUNK // 2 - 1, body, 0)

    fire(NCHUNK - 1, bufs_b, gsem_b)
    drain(bufs_a, gsem_a)
    process(NCHUNK - 2, bufs_a)
    drain(bufs_b, gsem_b)
    process(NCHUNK - 1, bufs_b)


_sc_call = pl.kernel(
    _sc_body,
    out_type=tuple(
        jax.ShapeDtypeStruct((N,), jnp.float32) for _ in range(5)
    ),
    mesh=plsc.VectorSubcoreMesh(core_axis_name="c", subcore_axis_name="s"),
    compiler_params=pltpu.CompilerParams(
        needs_layout_passes=False, use_tc_tiling_on_sc=False
    ),
    scratch_types=[
        pltpu.VMEM((BPW // GB, GB), jnp.int32),
        pltpu.VMEM((5 * CHUNK,), jnp.float32),
        pltpu.VMEM((5 * CHUNK,), jnp.float32),
        pltpu.SemaphoreType.DMA,
        pltpu.SemaphoreType.DMA,
    ],
)


def kernel(all_rays, indices):
    cols = [all_rays[:, c] for c in (0, 1, 3, 4, 5)]
    idx2 = indices.reshape(N // GB, GB)
    r0g, r1g, vx, vy, vz = _sc_call(*cols, idx2)
    p = jnp.stack(
        [jnp.zeros((N,), jnp.float32), 1000.0 * r0g, 1000.0 * r1g], axis=0
    ).T
    v = jnp.stack([-vz, vx, vy], axis=0).T
    return (p, v)

# --- scband reference (transcript-rebuilt; emitter-appended) ---
"""Pipeline reference for scband-xxlight-source-7378753815168 (READ-ONLY COPY).

The authoritative reference and input builder live on the scoring server;
editing this copy changes nothing except your own understanding.
"""

import jax, jax.numpy as jnp
import numpy as np

N_RAYS = 1000000
N_SAMPLES = 1048576

def setup_inputs(seed: int = 0) -> dict:
    key = jax.random.key(seed)
    k1, k2 = jax.random.split(key)
    all_rays = jax.random.normal(k1, (N_RAYS, 6), dtype=jnp.float32)
    indices = jax.random.randint(k2, (N_SAMPLES,), 0, N_RAYS)
    return {"all_rays": all_rays, "indices": indices}

def reference(all_rays, indices):
    # rays = self.all_rays[indices]  (the torch module draws indices internally
    # via torch.randint; we externalize them for determinism)
    rays = jnp.take(all_rays, indices, axis=0)
    # P = 1000 * stack((0, rays[:,0], rays[:,1]), -1)
    P = 1000.0 * jnp.stack(
        (jnp.zeros_like(rays[:, 0]), rays[:, 0], rays[:, 1]), axis=-1
    )
    # V = normalize(stack((-rays[:,5], rays[:,3], rays[:,4]), -1))
    V = jnp.stack((-rays[:, 5], rays[:, 3], rays[:, 4]), axis=-1)
    norm = jnp.linalg.norm(V, axis=-1, keepdims=True)
    V = V / jnp.maximum(norm, 1e-12)  # matches torch F.normalize eps=1e-12
    return (P, V)

if __name__ == "__main__":
    import jax
    _d = setup_inputs()
    print(jax.jit(kernel)(*tuple(_d.values())))

</pallas_src>

<mosaic_0001>
#map = affine_map<(d0, d1) -> (0)>
#map1 = affine_map<(d0, d1) -> (0, 0)>
module attributes {stable_mosaic.version = 14 : i64} {
  func.func @_sc_body(%arg0: i32, %arg1: i32, %arg2: memref<1000000xf32, #tpu.memory_space<hbm>>, %arg3: memref<1000000xf32, #tpu.memory_space<hbm>>, %arg4: memref<1000000xf32, #tpu.memory_space<hbm>>, %arg5: memref<1000000xf32, #tpu.memory_space<hbm>>, %arg6: memref<1000000xf32, #tpu.memory_space<hbm>>, %arg7: memref<8192x128xi32, #tpu.memory_space<hbm>>, %arg8: memref<1048576xf32, #tpu.memory_space<hbm>>, %arg9: memref<1048576xf32, #tpu.memory_space<hbm>>, %arg10: memref<1048576xf32, #tpu.memory_space<hbm>>, %arg11: memref<1048576xf32, #tpu.memory_space<hbm>>, %arg12: memref<1048576xf32, #tpu.memory_space<hbm>>, %arg13: memref<256x128xi32, #tpu.memory_space<vmem>>, %arg14: memref<5120xf32, #tpu.memory_space<vmem>>, %arg15: memref<5120xf32, #tpu.memory_space<vmem>>, %arg16: memref<!tpu.dma_semaphore, #tpu.memory_space<semaphore_mem>>, %arg17: memref<!tpu.dma_semaphore, #tpu.memory_space<semaphore_mem>>) attributes {dimension_semantics = [#tpu.dimension_semantics<core_parallel>, #tpu.dimension_semantics<subcore_parallel>], iteration_bounds = array<i64: 2, 16>, scalar_prefetch = 0 : i64, scratch_operands = 5 : i64, tpu.core_type = #tpu.core_type<sc_vector_subcore>, window_params = [{transform_indices = #map}, {transform_indices = #map}, {transform_indices = #map}, {transform_indices = #map}, {transform_indices = #map}, {transform_indices = #map1}, {transform_indices = #map}, {transform_indices = #map}, {transform_indices = #map}, {transform_indices = #map}, {transform_indices = #map}]} {
    %mul3A = arith.constant 2 : i32
    %mul3A_0 = arith.muli %arg1, %mul3A : i32
    %add3A = arith.addi %mul3A_0, %arg0 : i32
    %mul3A_1 = arith.constant 256 : i32
    %mul3A_2 = arith.muli %add3A, %mul3A_1 : i32
    "tpu.region"() ({
      %run_scoped3A = tpu.sem_alloc : memref<!tpu.dma_semaphore, #tpu.memory_space<semaphore_mem>>
      %dma_start3A_674 = arith.constant 0 : i32
      %dma_start3A_675 = tpu.memref_slice %arg7[%mul3A_2, %dma_start3A_674] : memref<8192x128xi32, #tpu.memory_space<hbm>> -> memref<256x128xi32, #tpu.memory_space<hbm>>
      %dma_start3A_676 = arith.constant 0 : i32
      %dma_start3A_677 = tpu.memref_slice %arg7[%mul3A_2, %dma_start3A_676] : memref<8192x128xi32, #tpu.memory_space<hbm>> -> memref<256x128xi32, #tpu.memory_space<hbm>>
      tpu.enqueue_dma source(%dma_start3A_677 : memref<256x128xi32, #tpu.memory_space<hbm>>) target(%arg13 : memref<256x128xi32, #tpu.memory_space<vmem>>) target_semaphore(%run_scoped3A : memref<!tpu.dma_semaphore, #tpu.memory_space<semaphore_mem>>)
      %dma_wait3A_678 = arith.constant 0 : i32
      %dma_wait3A_679 = tpu.memref_slice %arg7[%mul3A_2, %dma_wait3A_678] : memref<8192x128xi32, #tpu.memory_space<hbm>> -> memref<256x128xi32, #tpu.memory_space<hbm>>
      %dma_wait3A_680 = arith.constant 0 : i32
      %dma_wait3A_681 = tpu.memref_slice %arg7[%mul3A_2, %dma_wait3A_680] : memref<8192x128xi32, #tpu.memory_space<hbm>> -> memref<256x128xi32, #tpu.memory_space<hbm>>
      tpu.wait_dma2 semaphore(%run_scoped3A : memref<!tpu.dma_semaphore, #tpu.memory_space<semaphore_mem>>) src(%dma_wait3A_681 : memref<256x128xi32, #tpu.memory_space<hbm>>) dst(%arg13 : memref<256x128xi32, #tpu.memory_space<vmem>>)
      tpu.yield
    }) : () -> ()
    %dma_start3A = arith.constant 0 : i32
    %dma_start3A_3 = arith.constant 0 : i32
    %dma_start3A_4 = tpu.memref_slice %arg14[%dma_start3A_3] : memref<5120xf32, #tpu.memory_space<vmem>> -> memref<128xf32, #tpu.memory_space<vmem>>
    %dma_start3A_5 = arith.constant 0 : i32
    %dma_start3A_6 = tpu.memref_slice %arg13[%dma_start3A, %dma_start3A_5] : memref<256x128xi32, #tpu.memory_space<vmem>> -> memref<1x128xi32, #tpu.memory_space<vmem>>
    %dma_start3A_7 = tpu.memref_squeeze %dma_start3A_6 : memref<1x128xi32, #tpu.memory_space<vmem>> -> memref<128xi32, #tpu.memory_space<vmem>>
    %dma_start3A_8 = arith.constant 0 : i32
    %dma_start3A_9 = tpu.memref_slice %arg2[%dma_start3A_8] : memref<1000000xf32, #tpu.memory_space<hbm>> -> memref<1000000xf32, #tpu.memory_space<hbm>>
    tpu.enqueue_indirect_dma source(%dma_start3A_9 : memref<1000000xf32, #tpu.memory_space<hbm>>) target(%dma_start3A_4 : memref<128xf32, #tpu.memory_space<vmem>>) offsets(%dma_start3A_7 : memref<128xi32, #tpu.memory_space<vmem>>) semaphore(%arg16 : memref<!tpu.dma_semaphore, #tpu.memory_space<semaphore_mem>>)
    %dma_start3A_10 = arith.constant 0 : i32
    %dma_start3A_11 = arith.constant 1024 : i32
    %dma_start3A_12 = tpu.memref_slice %arg14[%dma_start3A_11] : memref<5120xf32, #tpu.memory_space<vmem>> -> memref<128xf32, #tpu.memory_space<vmem>>
    %dma_start3A_13 = arith.constant 0 : i32
    %dma_start3A_14 = tpu.memref_slice %arg13[%dma_start3A_10, %dma_start3A_13] : memref<256x128xi32, #tpu.memory_space<vmem>> -> memref<1x128xi32, #tpu.memory_space<vmem>>
    %dma_start3A_15 = tpu.memref_squeeze %dma_start3A_14 : memref<1x128xi32, #tpu.memory_space<vmem>> -> memref<128xi32, #tpu.memory_space<vmem>>
    %dma_start3A_16 = arith.constant 0 : i32
    %dma_start3A_17 = tpu.memref_slice %arg3[%dma_start3A_16] : memref<1000000xf32, #tpu.memory_space<hbm>> -> memref<1000000xf32, #tpu.memory_space<hbm>>
    tpu.enqueue_indirect_dma source(%dma_start3A_17 : memref<1000000xf32, #tpu.memory_space<hbm>>) target(%dma_start3A_12 : memref<128xf32, #tpu.memory_space<vmem>>) offsets(%dma_start3A_15 : memref<128xi32, #tpu.memory_space<vmem>>) semaphore(%arg16 : memref<!tpu.dma_semaphore, #tpu.memory_space<semaphore_mem>>)
    %dma_start3A_18 = arith.constant 0 : i32
    %dma_start3A_19 = arith.constant 2048 : i32
    %dma_start3A_20 = tpu.memref_slice %arg14[%dma_start3A_19] : memref<5120xf32, #tpu.memory_space<vmem>> -> memref<128xf32, #tpu.memory_space<vmem>>
    %dma_start3A_21 = arith.constant 0 : i32
    %dma_start3A_22 = tpu.memref_slice %arg13[%dma_start3A_18, %dma_start3A_21] : memref<256x128xi32, #tpu.memory_space<vmem>> -> memref<1x128xi32, #tpu.memory_space<vmem>>
    %dma_start3A_23 = tpu.memref_squeeze %dma_start3A_22 : memref<1x128xi32, #tpu.memory_space<vmem>> -> memref<128xi32, #tpu.memory_space<vmem>>
    %dma_start3A_24 = arith.constant 0 : i32
    %dma_start3A_25 = tpu.memref_slice %arg4[%dma_start3A_24] : memref<1000000xf32, #tpu.memory_space<hbm>> -> memref<1000000xf32, #tpu.memory_space<hbm>>
    tpu.enqueue_indirect_dma source(%dma_start3A_25 : memref<1000000xf32, #tpu.memory_space<hbm>>) target(%dma_start3A_20 : memref<128xf32, #tpu.memory_space<vmem>>) offsets(%dma_start3A_23 : memref<128xi32, #tpu.memory_space<vmem>>) semaphore(%arg16 : memref<!tpu.dma_semaphore, #tpu.memory_space<semaphore_mem>>)
    %dma_start3A_26 = arith.constant 0 : i32
    %dma_start3A_27 = arith.constant 3072 : i32
    %dma_start3A_28 = tpu.memref_slice %arg14[%dma_start3A_27] : memref<5120xf32, #tpu.memory_space<vmem>> -> memref<128xf32, #tpu.memory_space<vmem>>
    %dma_start3A_29 = arith.constant 0 : i32
    %dma_start3A_30 = tpu.memref_slice %arg13[%dma_start3A_26, %dma_start3A_29] : memref<256x128xi32, #tpu.memory_space<vmem>> -> memref<1x128xi32, #tpu.memory_space<vmem>>
    %dma_start3A_31 = tpu.memref_squeeze %dma_start3A_30 : memref<1x128xi32, #tpu.memory_space<vmem>> -> memref<128xi32, #tpu.memory_space<vmem>>
    %dma_start3A_32 = arith.constant 0 : i32
    %dma_start3A_33 = tpu.memref_slice %arg5[%dma_start3A_32] : memref<1000000xf32, #tpu.memory_space<hbm>> -> memref<1000000xf32, #tpu.memory_space<hbm>>
    tpu.enqueue_indirect_dma source(%dma_start3A_33 : memref<1000000xf32, #tpu.memory_space<hbm>>) target(%dma_start3A_28 : memref<128xf32, #tpu.memory_space<vmem>>) offsets(%dma_start3A_31 : memref<128xi32, #tpu.memory_space<vmem>>) semaphore(%arg16 : memref<!tpu.dma_semaphore, #tpu.memory_space<semaphore_mem>>)
    %dma_start3A_34 = arith.constant 0 : i32
    %dma_start3A_35 = arith.constant 4096 : i32
    %dma_start3A_36 = tpu.memref_slice %arg14[%dma_start3A_35] : memref<5120xf32, #tpu.memory_space<vmem>> -> memref<128xf32, #tpu.memory_space<vmem>>
    %dma_start3A_37 = arith.constant 0 : i32
    %dma_start3A_38 = tpu.memref_slice %arg13[%dma_start3A_34, %dma_start3A_37] : memref<256x128xi32, #tpu.memory_space<vmem>> -> memref<1x128xi32, #tpu.memory_space<vmem>>
    %dma_start3A_39 = tpu.memref_squeeze %dma_start3A_38 : memref<1x128xi32, #tpu.memory_space<vmem>> -> memref<128xi32, #tpu.memory_space<vmem>>
    %dma_start3A_40 = arith.constant 0 : i32
    %dma_start3A_41 = tpu.memref_slice %arg6[%dma_start3A_40] : memref<1000000xf32, #tpu.memory_space<hbm>> -> memref<1000000xf32, #tpu.memory_space<hbm>>
    tpu.enqueue_indirect_dma source(%dma_start3A_41 : memref<1000000xf32, #tpu.memory_space<hbm>>) target(%dma_start3A_36 : memref<128xf32, #tpu.memory_space<vmem>>) offsets(%dma_start3A_39 : memref<128xi32, #tpu.memory_space<vmem>>) semaphore(%arg16 : memref<!tpu.dma_semaphore, #tpu.memory_space<semaphore_mem>>)
    %dma_start3A_42 = arith.constant 1 : i32
    %dma_start3A_43 = arith.constant 128 : i32
    %dma_start3A_44 = tpu.memref_slice %arg14[%dma_start3A_43] : memref<5120xf32, #tpu.memory_space<vmem>> -> memref<128xf32, #tpu.memory_space<vmem>>
    %dma_start3A_45 = arith.constant 0 : i32
    %dma_start3A_46 = tpu.memref_slice %arg13[%dma_start3A_42, %dma_start3A_45] : memref<256x128xi32, #tpu.memory_space<vmem>> -> memref<1x128xi32, #tpu.memory_space<vmem>>
    %dma_start3A_47 = tpu.memref_squeeze %dma_start3A_46 : memref<1x128xi32, #tpu.memory_space<vmem>> -> memref<128xi32, #tpu.memory_space<vmem>>
    %dma_start3A_48 = arith.constant 0 : i32
    %dma_start3A_49 = tpu.memref_slice %arg2[%dma_start3A_48] : memref<1000000xf32, #tpu.memory_space<hbm>> -> memref<1000000xf32, #tpu.memory_space<hbm>>
    tpu.enqueue_indirect_dma source(%dma_start3A_49 : memref<1000000xf32, #tpu.memory_space<hbm>>) target(%dma_start3A_44 : memref<128xf32, #tpu.memory_space<vmem>>) offsets(%dma_start3A_47 : memref<128xi32, #tpu.memory_space<vmem>>) semaphore(%arg16 : memref<!tpu.dma_semaphore, #tpu.memory_space<semaphore_mem>>)
    %dma_start3A_50 = arith.constant 1 : i32
    %dma_start3A_51 = arith.constant 1152 : i32
    %dma_start3A_52 = tpu.memref_slice %arg14[%dma_start3A_51] : memref<5120xf32, #tpu.memory_space<vmem>> -> memref<128xf32, #tpu.memory_space<vmem>>
    %dma_start3A_53 = arith.constant 0 : i32
    %dma_start3A_54 = tpu.memref_slice %arg13[%dma_start3A_50, %dma_start3A_53] : memref<256x128xi32, #tpu.memory_space<vmem>> -> memref<1x128xi32, #tpu.memory_space<vmem>>
    %dma_start3A_55 = tpu.memref_squeeze %dma_start3A_54 : memref<1x128xi32, #tpu.memory_space<vmem>> -> memref<128xi32, #tpu.memory_space<vmem>>
    %dma_start3A_56 = arith.constant 0 : i32
    %dma_start3A_57 = tpu.memref_slice %arg3[%dma_start3A_56] : memref<1000000xf32, #tpu.memory_space<hbm>> -> memref<1000000xf32, #tpu.memory_space<hbm>>
    tpu.enqueue_indirect_dma source(%dma_start3A_57 : memref<1000000xf32, #tpu.memory_space<hbm>>) target(%dma_start3A_52 : memref<128xf32, #tpu.memory_space<vmem>>) offsets(%dma_start3A_55 : memref<128xi32, #tpu.memory_space<vmem>>) semaphore(%arg16 : memref<!tpu.dma_semaphore, #tpu.memory_space<semaphore_mem>>)
    %dma_start3A_58 = arith.constant 1 : i32
    %dma_start3A_59 = arith.constant 2176 : i32
    %dma_start3A_60 = tpu.memref_slice %arg14[%dma_start3A_59] : memref<5120xf32, #tpu.memory_space<vmem>> -> memref<128xf32, #tpu.memory_space<vmem>>
    %dma_start3A_61 = arith.constant 0 : i32
    %dma_start3A_62 = tpu.memref_slice %arg13[%dma_start3A_58, %dma_start3A_61] : memref<256x128xi32, #tpu.memory_space<vmem>> -> memref<1x128xi32, #tpu.memory_space<vmem>>
    %dma_start3A_63 = tpu.memref_squeeze %dma_start3A_62 : memref<1x128xi32, #tpu.memory_space<vmem>> -> memref<128xi32, #tpu.memory_space<vmem>>
    %dma_start3A_64 = arith.constant 0 : i32
    %dma_start3A_65 = tpu.memref_slice %arg4[%dma_start3A_64] : memref<1000000xf32, #tpu.memory_space<hbm>> -> memref<1000000xf32, #tpu.memory_space<hbm>>
    tpu.enqueue_indirect_dma source(%dma_start3A_65 : memref<1000000xf32, #tpu.memory_space<hbm>>) target(%dma_start3A_60 : memref<128xf32, #tpu.memory_space<vmem>>) offsets(%dma_start3A_63 : memref<128xi32, #tpu.memory_space<vmem>>) semaphore(%arg16 : memref<!tpu.dma_semaphore, #tpu.memory_space<semaphore_mem>>)
    %dma_start3A_66 = arith.constant 1 : i32
    %dma_start3A_67 = arith.constant 3200 : i32
    %dma_start3A_68 = tpu.memref_slice %arg14[%dma_start3A_67] : memref<5120xf32, #tpu.memory_space<vmem>> -> memref<128xf32, #tpu.memory_space<vmem>>
    %dma_start3A_69 = arith.constant 0 : i32
    %dma_start3A_70 = tpu.memref_slice %arg13[%dma_start3A_66, %dma_start3A_69] : memref<256x128xi32, #tpu.memory_space<vmem>> -> memref<1x128xi32, #tpu.memory_space<vmem>>
    %dma_start3A_71 = tpu.memref_squeeze %dma_start3A_70 : memref<1x128xi32, #tpu.memory_space<vmem>> -> memref<128xi32, #tpu.memory_space<vmem>>
    %dma_start3A_72 = arith.constant 0 : i32
    %dma_start3A_73 = tpu.memref_slice %arg5[%dma_start3A_72] : memref<1000000xf32, #tpu.memory_space<hbm>> -> memref<1000000xf32, #tpu.memory_space<hbm>>
    tpu.enqueue_indirect_dma source(%dma_start3A_73 : memref<1000000xf32, #tpu.memory_space<hbm>>) target(%dma_start3A_68 : memref<128xf32, #tpu.memory_space<vmem>>) offsets(%dma_start3A_71 : memref<128xi32, #tpu.memory_space<vmem>>) semaphore(%arg16 : memref<!tpu.dma_semaphore, #tpu.memory_space<semaphore_mem>>)
    %dma_start3A_74 = arith.constant 1 : i32
    %dma_start3A_75 = arith.constant 4224 : i32
    %dma_start3A_76 = tpu.memref_slice %arg14[%dma_start3A_75] : memref<5120xf32, #tpu.memory_space<vmem>> -> memref<128xf32, #tpu.memory_space<vmem>>
    %dma_start3A_77 = arith.constant 0 : i32
    %dma_start3A_78 = tpu.memref_slice %arg13[%dma_start3A_74, %dma_start3A_77] : memref<256x128xi32, #tpu.memory_space<vmem>> -> memref<1x128xi32, #tpu.memory_space<vmem>>
    %dma_start3A_79 = tpu.memref_squeeze %dma_start3A_78 : memref<1x128xi32, #tpu.memory_space<vmem>> -> memref<128xi32, #tpu.memory_space<vmem>>
    %dma_start3A_80 = arith.constant 0 : i32
    %dma_start3A_81 = tpu.memref_slice %arg6[%dma_start3A_80] : memref<1000000xf32, #tpu.memory_space<hbm>> -> memref<1000000xf32, #tpu.memory_space<hbm>>
    tpu.enqueue_indirect_dma source(%dma_start3A_81 : memref<1000000xf32, #tpu.memory_space<hbm>>) target(%dma_start3A_76 : memref<128xf32, #tpu.memory_space<vmem>>) offsets(%dma_start3A_79 : memref<128xi32, #tpu.memory_space<vmem>>) semaphore(%arg16 : memref<!tpu.dma_semaphore, #tpu.memory_space<semaphore_mem>>)
    %dma_start3A_82 = arith.constant 2 : i32
    %dma_start3A_83 = arith.constant 256 : i32
    %dma_start3A_84 = tpu.memref_slice %arg14[%dma_start3A_83] : memref<5120xf32, #tpu.memory_space<vmem>> -> memref<128xf32, #tpu.memory_space<vmem>>
    %dma_start3A_85 = arith.constant 0 : i32
    %dma_start3A_86 = tpu.memref_slice %arg13[%dma_start3A_82, %dma_start3A_85] : memref<256x128xi32, #tpu.memory_space<vmem>> -> memref<1x128xi32, #tpu.memory_space<vmem>>
    %dma_start3A_87 = tpu.memref_squeeze %dma_start3A_86 : memref<1x128xi32, #tpu.memory_space<vmem>> -> memref<128xi32, #tpu.memory_space<vmem>>
    %dma_start3A_88 = arith.constant 0 : i32
    %dma_start3A_89 = tpu.memref_slice %arg2[%dma_start3A_88] : memref<1000000xf32, #tpu.memory_space<hbm>> -> memref<1000000xf32, #tpu.memory_space<hbm>>
    tpu.enqueue_indirect_dma source(%dma_start3A_89 : memref<1000000xf32, #tpu.memory_space<hbm>>) target(%dma_start3A_84 : memref<128xf32, #tpu.memory_space<vmem>>) offsets(%dma_start3A_87 : memref<128xi32, #tpu.memory_space<vmem>>) semaphore(%arg16 : memref<!tpu.dma_semaphore, #tpu.memory_space<semaphore_mem>>)
    %dma_start3A_90 = arith.constant 2 : i32
    %dma_start3A_91 = arith.constant 1280 : i32
    %dma_start3A_92 = tpu.memref_slice %arg14[%dma_start3A_91] : memref<5120xf32, #tpu.memory_space<vmem>> -> memref<128xf32, #tpu.memory_space<vmem>>
    %dma_start3A_93 = arith.constant 0 : i32
    %dma_start3A_94 = tpu.memref_slice %arg13[%dma_start3A_90, %dma_start3A_93] : memref<256x128xi32, #tpu.memory_space<vmem>> -> memref<1x128xi32, #tpu.memory_space<vmem>>
    %dma_start3A_95 = tpu.memref_squeeze %dma_start3A_94 : memref<1x128xi32, #tpu.memory_space<vmem>> -> memref<128xi32, #tpu.memory_space<vmem>>
    %dma_start3A_96 = arith.constant 0 : i32
    %dma_start3A_97 = tpu.memref_slice %arg3[%dma_start3A_96] : memref<1000000xf32, #tpu.memory_space<hbm>> -> memref<1000000xf32, #tpu.memory_space<hbm>>
    tpu.enqueue_indirect_dma source(%dma_start3A_97 : memref<1000000xf32, #tpu.memory_space<hbm>>) target(%dma_start3A_92 : memref<128xf32, #tpu.memory_space<vmem>>) offsets(%dma_start3A_95 : memref<128xi32, #tpu.memory_space<vmem>>) semaphore(%arg16 : memref<!tpu.dma_semaphore, #tpu.memory_space<semaphore_mem>>)
    %dma_start3A_98 = arith.constant 2 : i32
    %dma_start3A_99 = arith.constant 2304 : i32
    %dma_start3A_100 = tpu.memref_slice %arg14[%dma_start3A_99] : memref<5120xf32, #tpu.memory_space<vmem>> -> memref<128xf32, #tpu.memory_space<vmem>>
    %dma_start3A_101 = arith.constant 0 : i32
    %dma_start3A_102 = tpu.memref_slice %arg13[%dma_start3A_98, %dma_start3A_101] : memref<256x128xi32, #tpu.memory_space<vmem>> -> memref<1x128xi32, #tpu.memory_space<vmem>>
    %dma_start3A_103 = tpu.memref_squeeze %dma_start3A_102 : memref<1x128xi32, #tpu.memory_space<vmem>> -> memref<128xi32, #tpu.memory_space<vmem>>
    %dma_start3A_104 = arith.constant 0 : i32
    %dma_start3A_105 = tpu.memref_slice %arg4[%dma_start3A_104] : memref<1000000xf32, #tpu.memory_space<hbm>> -> memref<1000000xf32, #tpu.memory_space<hbm>>
    tpu.enqueue_indirect_dma source(%dma_start3A_105 : memref<1000000xf32, #tpu.memory_space<hbm>>) target(%dma_start3A_100 : memref<128xf32, #tpu.memory_space<vmem>>) offsets(%dma_start3A_103 : memref<128xi32, #tpu.memory_space<vmem>>) semaphore(%arg16 : memref<!tpu.dma_semaphore, #tpu.memory_space<semaphore_mem>>)
    %dma_start3A_106 = arith.constant 2 : i32
    %dma_start3A_107 = arith.constant 3328 : i32
    %dma_start3A_108 = tpu.memref_slice %arg14[%dma_start3A_107] : memref<5120xf32, #tpu.memory_space<vmem>> -> memref<128xf32, #tpu.memory_space<vmem>>
    %dma_start3A_109 = arith.constant 0 : i32
    %dma_start3A_110 = tpu.memref_slice %arg13[%dma_start3A_106, %dma_start3A_109] : memref<256x128xi32, #tpu.memory_space<vmem>> -> memref<1x128xi32, #tpu.memory_space<vmem>>
    %dma_start3A_111 = tpu.memref_squeeze %dma_start3A_110 : memref<1x128xi32, #tpu.memory_space<vmem>> -> memref<128xi32, #tpu.memory_space<vmem>>
    %dma_start3A_112 = arith.constant 0 : i32
    %dma_start3A_113 = tpu.memref_slice %arg5[%dma_start3A_112] : memref<1000000xf32, #tpu.memory_space<hbm>> -> memref<1000000xf32, #tpu.memory_space<hbm>>
    tpu.enqueue_indirect_dma source(%dma_start3A_113 : memref<1000000xf32, #tpu.memory_space<hbm>>) target(%dma_start3A_108 : memref<128xf32, #tpu.memory_space<vmem>>) offsets(%dma_start3A_111 : memref<128xi32, #tpu.memory_space<vmem>>) semaphore(%arg16 : memref<!tpu.dma_semaphore, #tpu.memory_space<semaphore_mem>>)
    %dma_start3A_114 = arith.constant 2 : i32
    %dma_start3A_115 = arith.constant 4352 : i32
    %dma_start3A_116 = tpu.memref_slice %arg14[%dma_start3A_115] : memref<5120xf32, #tpu.memory_space<vmem>> -> memref<128xf32, #tpu.memory_space<vmem>>
    %dma_start3A_117 = arith.constant 0 : i32
    %dma_start3A_118 = tpu.memref_slice %arg13[%dma_start3A_114, %dma_start3A_117] : memref<256x128xi32, #tpu.memory_space<vmem>> -> memref<1x128xi32, #tpu.memory_space<vmem>>
    %dma_start3A_119 = tpu.memref_squeeze %dma_start3A_118 : memref<1x128xi32, #tpu.memory_space<vmem>> -> memref<128xi32, #tpu.memory_space<vmem>>
    %dma_start3A_120 = arith.constant 0 : i32
    %dma_start3A_121 = tpu.memref_slice %arg6[%dma_start3A_120] : memref<1000000xf32, #tpu.memory_space<hbm>> -> memref<1000000xf32, #tpu.memory_space<hbm>>
    tpu.enqueue_indirect_dma source(%dma_start3A_121 : memref<1000000xf32, #tpu.memory_space<hbm>>) target(%dma_start3A_116 : memref<128xf32, #tpu.memory_space<vmem>>) offsets(%dma_start3A_119 : memref<128xi32, #tpu.memory_space<vmem>>) semaphore(%arg16 : memref<!tpu.dma_semaphore, #tpu.memory_space<semaphore_mem>>)
    %dma_start3A_122 = arith.constant 3 : i32
    %dma_start3A_123 = arith.constant 384 : i32
    %dma_start3A_124 = tpu.memref_slice %arg14[%dma_start3A_123] : memref<5120xf32, #tpu.memory_space<vmem>> -> memref<128xf32, #tpu.memory_space<vmem>>
    %dma_start3A_125 = arith.constant 0 : i32
    %dma_start3A_126 = tpu.memref_slice %arg13[%dma_start3A_122, %dma_start3A_125] : memref<256x128xi32, #tpu.memory_space<vmem>> -> memref<1x128xi32, #tpu.memory_space<vmem>>
    %dma_start3A_127 = tpu.memref_squeeze %dma_start3A_126 : memref<1x128xi32, #tpu.memory_space<vmem>> -> memref<128xi32, #tpu.memory_space<vmem>>
    %dma_start3A_128 = arith.constant 0 : i32
    %dma_start3A_129 = tpu.memref_slice %arg2[%dma_start3A_128] : memref<1000000xf32, #tpu.memory_space<hbm>> -> memref<1000000xf32, #tpu.memory_space<hbm>>
    tpu.enqueue_indirect_dma source(%dma_start3A_129 : memref<1000000xf32, #tpu.memory_space<hbm>>) target(%dma_start3A_124 : memref<128xf32, #tpu.memory_space<vmem>>) offsets(%dma_start3A_127 : memref<128xi32, #tpu.memory_space<vmem>>) semaphore(%arg16 : memref<!tpu.dma_semaphore, #tpu.memory_space<semaphore_mem>>)
    %dma_start3A_130 = arith.constant 3 : i32
    %dma_start3A_131 = arith.constant 1408 : i32
    %dma_start3A_132 = tpu.memref_slice %arg14[%dma_start3A_131] : memref<5120xf32, #tpu.memory_space<vmem>> -> memref<128xf32, #tpu.memory_space<vmem>>
    %dma_start3A_133 = arith.constant 0 : i32
    %dma_start3A_134 = tpu.memref_slice %arg13[%dma_start3A_130, %dma_start3A_133] : memref<256x128xi32, #tpu.memory_space<vmem>> -> memref<1x128xi32, #tpu.memory_space<vmem>>
    %dma_start3A_135 = tpu.memref_squeeze %dma_start3A_134 : memref<1x128xi32, #tpu.memory_space<vmem>> -> memref<128xi32, #tpu.memory_space<vmem>>
    %dma_start3A_136 = arith.constant 0 : i32
    %dma_start3A_137 = tpu.memref_slice %arg3[%dma_start3A_136] : memref<1000000xf32, #tpu.memory_space<hbm>> -> memref<1000000xf32, #tpu.memory_space<hbm>>
    tpu.enqueue_indirect_dma source(%dma_start3A_137 : memref<1000000xf32, #tpu.memory_space<hbm>>) target(%dma_start3A_132 : memref<128xf32, #tpu.memory_space<vmem>>) offsets(%dma_start3A_135 : memref<128xi32, #tpu.memory_space<vmem>>) semaphore(%arg16 : memref<!tpu.dma_semaphore, #tpu.memory_space<semaphore_mem>>)
    %dma_start3A_138 = arith.constant 3 : i32
    %dma_start3A_139 = arith.constant 2432 : i32
    %dma_start3A_140 = tpu.memref_slice %arg14[%dma_start3A_139] : memref<5120xf32, #tpu.memory_space<vmem>> -> memref<128xf32, #tpu.memory_space<vmem>>
    %dma_start3A_141 = arith.constant 0 : i32
    %dma_start3A_142 = tpu.memref_slice %arg13[%dma_start3A_138, %dma_start3A_141] : memref<256x128xi32, #tpu.memory_space<vmem>> -> memref<1x128xi32, #tpu.memory_space<vmem>>
    %dma_start3A_143 = tpu.memref_squeeze %dma_start3A_142 : memref<1x128xi32, #tpu.memory_space<vmem>> -> memref<128xi32, #tpu.memory_space<vmem>>
    %dma_start3A_144 = arith.constant 0 : i32
    %dma_start3A_145 = tpu.memref_slice %arg4[%dma_start3A_144] : memref<1000000xf32, #tpu.memory_space<hbm>> -> memref<1000000xf32, #tpu.memory_space<hbm>>
    tpu.enqueue_indirect_dma source(%dma_start3A_145 : memref<1000000xf32, #tpu.memory_space<hbm>>) target(%dma_start3A_140 : memref<128xf32, #tpu.memory_space<vmem>>) offsets(%dma_start3A_143 : memref<128xi32, #tpu.memory_space<vmem>>) semaphore(%arg16 : memref<!tpu.dma_semaphore, #tpu.memory_space<semaphore_mem>>)
    %dma_start3A_146 = arith.constant 3 : i32
    %dma_start3A_147 = arith.constant 3456 : i32
    %dma_start3A_148 = tpu.memref_slice %arg14[%dma_start3A_147] : memref<5120xf32, #tpu.memory_space<vmem>> -> memref<128xf32, #tpu.memory_space<vmem>>
    %dma_start3A_149 = arith.constant 0 : i32
    %dma_start3A_150 = tpu.memref_slice %arg13[%dma_start3A_146, %dma_start3A_149] : memref<256x128xi32, #tpu.memory_space<vmem>> -> memref<1x128xi32, #tpu.memory_space<vmem>>
    %dma_start3A_151 = tpu.memref_squeeze %dma_start3A_150 : memref<1x128xi32, #tpu.memory_space<vmem>> -> memref<128xi32, #tpu.memory_space<vmem>>
    %dma_start3A_152 = arith.constant 0 : i32
    %dma_start3A_153 = tpu.memref_slice %arg5[%dma_start3A_152] : memref<1000000xf32, #tpu.memory_space<hbm>> -> memref<1000000xf32, #tpu.memory_space<hbm>>
    tpu.enqueue_indirect_dma source(%dma_start3A_153 : memref<1000000xf32, #tpu.memory_space<hbm>>) target(%dma_start3A_148 : memref<128xf32, #tpu.memory_space<vmem>>) offsets(%dma_start3A_151 : memref<128xi32, #tpu.memory_space<vmem>>) semaphore(%arg16 : memref<!tpu.dma_semaphore, #tpu.memory_space<semaphore_mem>>)
    %dma_start3A_154 = arith.constant 3 : i32
    %dma_start3A_155 = arith.constant 4480 : i32
    %dma_start3A_156 = tpu.memref_slice %arg14[%dma_start3A_155] : memref<5120xf32, #tpu.memory_space<vmem>> -> memref<128xf32, #tpu.memory_space<vmem>>
    %dma_start3A_157 = arith.constant 0 : i32
    %dma_start3A_158 = tpu.memref_slice %arg13[%dma_start3A_154, %dma_start3A_157] : memref<256x128xi32, #tpu.memory_space<vmem>> -> memref<1x128xi32, #tpu.memory_space<vmem>>
    %dma_start3A_159 = tpu.memref_squeeze %dma_start3A_158 : memref<1x128xi32, #tpu.memory_space<vmem>> -> memref<128xi32, #tpu.memory_space<vmem>>
    %dma_start3A_160 = arith.constant 0 : i32
    %dma_start3A_161 = tpu.memref_slice %arg6[%dma_start3A_160] : memref<1000000xf32, #tpu.memory_space<hbm>> -> memref<1000000xf32, #tpu.memory_space<hbm>>
    tpu.enqueue_indirect_dma source(%dma_start3A_161 : memref<1000000xf32, #tpu.memory_space<hbm>>) target(%dma_start3A_156 : memref<128xf32, #tpu.memory_space<vmem>>) offsets(%dma_start3A_159 : memref<128xi32, #tpu.memory_space<vmem>>) semaphore(%arg16 : memref<!tpu.dma_semaphore, #tpu.memory_space<semaphore_mem>>)
    %dma_start3A_162 = arith.constant 4 : i32
    %dma_start3A_163 = arith.constant 512 : i32
    %dma_start3A_164 = tpu.memref_slice %arg14[%dma_start3A_163] : memref<5120xf32, #tpu.memory_space<vmem>> -> memref<128xf32, #tpu.memory_space<vmem>>
    %dma_start3A_165 = arith.constant 0 : i32
    %dma_start3A_166 = tpu.memref_slice %arg13[%dma_start3A_162, %dma_start3A_165] : memref<256x128xi32, #tpu.memory_space<vmem>> -> memref<1x128xi32, #tpu.memory_space<vmem>>
    %dma_start3A_167 = tpu.memref_squeeze %dma_start3A_166 : memref<1x128xi32, #tpu.memory_space<vmem>> -> memref<128xi32, #tpu.memory_space<vmem>>
    %dma_start3A_168 = arith.constant 0 : i32
    %dma_start3A_169 = tpu.memref_slice %arg2[%dma_start3A_168] : memref<1000000xf32, #tpu.memory_space<hbm>> -> memref<1000000xf32, #tpu.memory_space<hbm>>
    tpu.enqueue_indirect_dma source(%dma_start3A_169 : memref<1000000xf32, #tpu.memory_space<hbm>>) target(%dma_start3A_164 : memref<128xf32, #tpu.memory_space<vmem>>) offsets(%dma_start3A_167 : memref<128xi32, #tpu.memory_space<vmem>>) semaphore(%arg16 : memref<!tpu.dma_semaphore, #tpu.memory_space<semaphore_mem>>)
    %dma_start3A_170 = arith.constant 4 : i32
    %dma_start3A_171 = arith.constant 1536 : i32
    %dma_start3A_172 = tpu.memref_slice %arg14[%dma_start3A_171] : memref<5120xf32, #tpu.memory_space<vmem>> -> memref<128xf32, #tpu.memory_space<vmem>>
    %dma_start3A_173 = arith.constant 0 : i32
    %dma_start3A_174 = tpu.memref_slice %arg13[%dma_start3A_170, %dma_start3A_173] : memref<256x128xi32, #tpu.memory_space<vmem>> -> memref<1x128xi32, #tpu.memory_space<vmem>>
    %dma_start3A_175 = tpu.memref_squeeze %dma_start3A_174 : memref<1x128xi32, #tpu.memory_space<vmem>> -> memref<128xi32, #tpu.memory_space<vmem>>
    %dma_start3A_176 = arith.constant 0 : i32
    %dma_start3A_177 = tpu.memref_slice %arg3[%dma_start3A_176] : memref<1000000xf32, #tpu.memory_space<hbm>> -> memref<1000000xf32, #tpu.memory_space<hbm>>
    tpu.enqueue_indirect_dma source(%dma_start3A_177 : memref<1000000xf32, #tpu.memory_space<hbm>>) target(%dma_start3A_172 : memref<128xf32, #tpu.memory_space<vmem>>) offsets(%dma_start3A_175 : memref<128xi32, #tpu.memory_space<vmem>>) semaphore(%arg16 : memref<!tpu.dma_semaphore, #tpu.memory_space<semaphore_mem>>)
    %dma_start3A_178 = arith.constant 4 : i32
    %dma_start3A_179 = arith.constant 2560 : i32
    %dma_start3A_180 = tpu.memref_slice %arg14[%dma_start3A_179] : memref<5120xf32, #tpu.memory_space<vmem>> -> memref<128xf32, #tpu.memory_space<vmem>>
    %dma_start3A_181 = arith.constant 0 : i32
    %dma_start3A_182 = tpu.memref_slice %arg13[%dma_start3A_178, %dma_start3A_181] : memref<256x128xi32, #tpu.memory_space<vmem>> -> memref<1x128xi32, #tpu.memory_space<vmem>>
    %dma_start3A_183 = tpu.memref_squeeze %dma_start3A_182 : memref<1x128xi32, #tpu.memory_space<vmem>> -> memref<128xi32, #tpu.memory_space<vmem>>
    %dma_start3A_184 = arith.constant 0 : i32
    %dma_start3A_185 = tpu.memref_slice %arg4[%dma_start3A_184] : memref<1000000xf32, #tpu.memory_space<hbm>> -> memref<1000000xf32, #tpu.memory_space<hbm>>
    tpu.enqueue_indirect_dma source(%dma_start3A_185 : memref<1000000xf32, #tpu.memory_space<hbm>>) target(%dma_start3A_180 : memref<128xf32, #tpu.memory_space<vmem>>) offsets(%dma_start3A_183 : memref<128xi32, #tpu.memory_space<vmem>>) semaphore(%arg16 : memref<!tpu.dma_semaphore, #tpu.memory_space<semaphore_mem>>)
    %dma_start3A_186 = arith.constant 4 : i32
    %dma_start3A_187 = arith.constant 3584 : i32
    %dma_start3A_188 = tpu.memref_slice %arg14[%dma_start3A_187] : memref<5120xf32, #tpu.memory_space<vmem>> -> memref<128xf32, #tpu.memory_space<vmem>>
    %dma_start3A_189 = arith.constant 0 : i32
    %dma_start3A_190 = tpu.memref_slice %arg13[%dma_start3A_186, %dma_start3A_189] : memref<256x128xi32, #tpu.memory_space<vmem>> -> memref<1x128xi32, #tpu.memory_space<vmem>>
    %dma_start3A_191 = tpu.memref_squeeze %dma_start3A_190 : memref<1x128xi32, #tpu.memory_space<vmem>> -> memref<128xi32, #tpu.memory_space<vmem>>
    %dma_start3A_192 = arith.constant 0 : i32
    %dma_start3A_193 = tpu.memref_slice %arg5[%dma_start3A_192] : memref<1000000xf32, #tpu.memory_space<hbm>> -> memref<1000000xf32, #tpu.memory_space<hbm>>
    tpu.enqueue_indirect_dma source(%dma_start3A_193 : memref<1000000xf32, #tpu.memory_space<hbm>>) target(%dma_start3A_188 : memref<128xf32, #tpu.memory_space<vmem>>) offsets(%dma_start3A_191 : memref<128xi32, #tpu.memory_space<vmem>>) semaphore(%arg16 : memref<!tpu.dma_semaphore, #tpu.memory_space<semaphore_mem>>)
    %dma_start3A_194 = arith.constant 4 : i32
    %dma_start3A_195 = arith.constant 4608 : i32
    %dma_start3A_196 = tpu.memref_slice %arg14[%dma_start3A_195] : memref<5120xf32, #tpu.memory_space<vmem>> -> memref<128xf32, #tpu.memory_space<vmem>>
    %dma_start3A_197 = arith.constant 0 : i32
    %dma_start3A_198 = tpu.memref_slice %arg13[%dma_start3A_194, %dma_start3A_197] : memref<256x128xi32, #tpu.memory_space<vmem>> -> memref<1x128xi32, #tpu.memory_space<vmem>>
    %dma_start3A_199 = tpu.memref_squeeze %dma_start3A_198 : memref<1x128xi32, #tpu.memory_space<vmem>> -> memref<128xi32, #tpu.memory_space<vmem>>
    %dma_start3A_200 = arith.constant 0 : i32
    %dma_start3A_201 = tpu.memref_slice %arg6[%dma_start3A_200] : memref<1000000xf32, #tpu.memory_space<hbm>> -> memref<1000000xf32, #tpu.memory_space<hbm>>
    tpu.enqueue_indirect_dma source(%dma_start3A_201 : memref<1000000xf32, #tpu.memory_space<hbm>>) target(%dma_start3A_196 : memref<128xf32, #tpu.memory_space<vmem>>) offsets(%dma_start3A_199 : memref<128xi32, #tpu.memory_space<vmem>>) semaphore(%arg16 : memref<!tpu.dma_semaphore, #tpu.memory_space<semaphore_mem>>)
    %dma_start3A_202 = arith.constant 5 : i32
    %dma_start3A_203 = arith.constant 640 : i32
    %dma_start3A_204 = tpu.memref_slice %arg14[%dma_start3A_203] : memref<5120xf32, #tpu.memory_space<vmem>> -> memref<128xf32, #tpu.memory_space<vmem>>
    %dma_start3A_205 = arith.constant 0 : i32
    %dma_start3A_206 = tpu.memref_slice %arg13[%dma_start3A_202, %dma_start3A_205] : memref<256x128xi32, #tpu.memory_space<vmem>> -> memref<1x128xi32, #tpu.memory_space<vmem>>
    %dma_start3A_207 = tpu.memref_squeeze %dma_start3A_206 : memref<1x128xi32, #tpu.memory_space<vmem>> -> memref<128xi32, #tpu.memory_space<vmem>>
    %dma_start3A_208 = arith.constant 0 : i32
    %dma_start3A_209 = tpu.memref_slice %arg2[%dma_start3A_208] : memref<1000000xf32, #tpu.memory_space<hbm>> -> memref<1000000xf32, #tpu.memory_space<hbm>>
    tpu.enqueue_indirect_dma source(%dma_start3A_209 : memref<1000000xf32, #tpu.memory_space<hbm>>) target(%dma_start3A_204 : memref<128xf32, #tpu.memory_space<vmem>>) offsets(%dma_start3A_207 : memref<128xi32, #tpu.memory_space<vmem>>) semaphore(%arg16 : memref<!tpu.dma_semaphore, #tpu.memory_space<semaphore_mem>>)
    %dma_start3A_210 = arith.constant 5 : i32
    %dma_start3A_211 = arith.constant 1664 : i32
    %dma_start3A_212 = tpu.memref_slice %arg14[%dma_start3A_211] : memref<5120xf32, #tpu.memory_space<vmem>> -> memref<128xf32, #tpu.memory_space<vmem>>
    %dma_start3A_213 = arith.constant 0 : i32
    %dma_start3A_214 = tpu.memref_slice %arg13[%dma_start3A_210, %dma_start3A_213] : memref<256x128xi32, #tpu.memory_space<vmem>> -> memref<1x128xi32, #tpu.memory_space<vmem>>
    %dma_start3A_215 = tpu.memref_squeeze %dma_start3A_214 : memref<1x128xi32, #tpu.memory_space<vmem>> -> memref<128xi32, #tpu.memory_space<vmem>>
    %dma_start3A_216 = arith.constant 0 : i32
    %dma_start3A_217 = tpu.memref_slice %arg3[%dma_start3A_216] : memref<1000000xf32, #tpu.memory_space<hbm>> -> memref<1000000xf32, #tpu.memory_space<hbm>>
    tpu.enqueue_indirect_dma source(%dma_start3A_217 : memref<1000000xf32, #tpu.memory_space<hbm>>) target(%dma_start3A_212 : memref<128xf32, #tpu.memory_space<vmem>>) offsets(%dma_start3A_215 : memref<128xi32, #tpu.memory_space<vmem>>) semaphore(%arg16 : memref<!tpu.dma_semaphore, #tpu.memory_space<semaphore_mem>>)
    %dma_start3A_218 = arith.constant 5 : i32
    %dma_start3A_219 = arith.constant 2688 : i32
    %dma_start3A_220 = tpu.memref_slice %arg14[%dma_start3A_219] : memref<5120xf32, #tpu.memory_space<vmem>> -> memref<128xf32, #tpu.memory_space<vmem>>
    %dma_start3A_221 = arith.constant 0 : i32
    %dma_start3A_222 = tpu.memref_slice %arg13[%dma_start3A_218, %dma_start3A_221] : memref<256x128xi32, #tpu.memory_space<vmem>> -> memref<1x128xi32, #tpu.memory_space<vmem>>
    %dma_start3A_223 = tpu.memref_squeeze %dma_start3A_222 : memref<1x128xi32, #tpu.memory_space<vmem>> -> memref<128xi32, #tpu.memory_space<vmem>>
    %dma_start3A_224 = arith.constant 0 : i32
    %dma_start3A_225 = tpu.memref_slice %arg4[%dma_start3A_224] : memref<1000000xf32, #tpu.memory_space<hbm>> -> memref<1000000xf32, #tpu.memory_space<hbm>>
    tpu.enqueue_indirect_dma source(%dma_start3A_225 : memref<1000000xf32, #tpu.memory_space<hbm>>) target(%dma_start3A_220 : memref<128xf32, #tpu.memory_space<vmem>>) offsets(%dma_start3A_223 : memref<128xi32, #tpu.memory_space<vmem>>) semaphore(%arg16 : memref<!tpu.dma_semaphore, #tpu.memory_space<semaphore_mem>>)
    %dma_start3A_226 = arith.constant 5 : i32
    %dma_start3A_227 = arith.constant 3712 : i32
    %dma_start3A_228 = tpu.memref_slice %arg14[%dma_start3A_227] : memref<5120xf32, #tpu.memory_space<vmem>> -> memref<128xf32, #tpu.memory_space<vmem>>
    %dma_start3A_229 = arith.constant 0 : i32
    %dma_start3A_230 = tpu.memref_slice %arg13[%dma_start3A_226, %dma_start3A_229] : memref<256x128xi32, #tpu.memory_space<vmem>> -> memref<1x128xi32, #tpu.memory_space<vmem>>
    %dma_start3A_231 = tpu.memref_squeeze %dma_start3A_230 : memref<1x128xi32, #tpu.memory_space<vmem>> -> memref<128xi32, #tpu.memory_space<vmem>>
    %dma_start3A_232 = arith.constant 0 : i32
    %dma_start3A_233 = tpu.memref_slice %arg5[%dma_start3A_232] : memref<1000000xf32, #tpu.memory_space<hbm>> -> memref<1000000xf32, #tpu.memory_space<hbm>>
    tpu.enqueue_indirect_dma source(%dma_start3A_233 : memref<1000000xf32, #tpu.memory_space<hbm>>) target(%dma_start3A_228 : memref<128xf32, #tpu.memory_space<vmem>>) offsets(%dma_start3A_231 : memref<128xi32, #tpu.memory_space<vmem>>) semaphore(%arg16 : memref<!tpu.dma_semaphore, #tpu.memory_space<semaphore_mem>>)
    %dma_start3A_234 = arith.constant 5 : i32
    %dma_start3A_235 = arith.constant 4736 : i32
    %dma_start3A_236 = tpu.memref_slice %arg14[%dma_start3A_235] : memref<5120xf32, #tpu.memory_space<vmem>> -> memref<128xf32, #tpu.memory_space<vmem>>
    %dma_start3A_237 = arith.constant 0 : i32
    %dma_start3A_238 = tpu.memref_slice %arg13[%dma_start3A_234, %dma_start3A_237] : memref<256x128xi32, #tpu.memory_space<vmem>> -> memref<1x128xi32, #tpu.memory_space<vmem>>
    %dma_start3A_239 = tpu.memref_squeeze %dma_start3A_238 : memref<1x128xi32, #tpu.memory_space<vmem>> -> memref<128xi32, #tpu.memory_space<vmem>>
    %dma_start3A_240 = arith.constant 0 : i32
    %dma_start3A_241 = tpu.memref_slice %arg6[%dma_start3A_240] : memref<1000000xf32, #tpu.memory_space<hbm>> -> memref<1000000xf32, #tpu.memory_space<hbm>>
    tpu.enqueue_indirect_dma source(%dma_start3A_241 : memref<1000000xf32, #tpu.memory_space<hbm>>) target(%dma_start3A_236 : memref<128xf32, #tpu.memory_space<vmem>>) offsets(%dma_start3A_239 : memref<128xi32, #tpu.memory_space<vmem>>) semaphore(%arg16 : memref<!tpu.dma_semaphore, #tpu.memory_space<semaphore_mem>>)
    %dma_start3A_242 = arith.constant 6 : i32
    %dma_start3A_243 = arith.constant 768 : i32
    %dma_start3A_244 = tpu.memref_slice %arg14[%dma_start3A_243] : memref<5120xf32, #tpu.memory_space<vmem>> -> memref<128xf32, #tpu.memory_space<vmem>>
    %dma_start3A_245 = arith.constant 0 : i32
    %dma_start3A_246 = tpu.memref_slice %arg13[%dma_start3A_242, %dma_start3A_245] : memref<256x128xi32, #tpu.memory_space<vmem>> -> memref<1x128xi32, #tpu.memory_space<vmem>>
    %dma_start3A_247 = tpu.memref_squeeze %dma_start3A_246 : memref<1x128xi32, #tpu.memory_space<vmem>> -> memref<128xi32, #tpu.memory_space<vmem>>
    %dma_start3A_248 = arith.constant 0 : i32
    %dma_start3A_249 = tpu.memref_slice %arg2[%dma_start3A_248] : memref<1000000xf32, #tpu.memory_space<hbm>> -> memref<1000000xf32, #tpu.memory_space<hbm>>
    tpu.enqueue_indirect_dma source(%dma_start3A_249 : memref<1000000xf32, #tpu.memory_space<hbm>>) target(%dma_start3A_244 : memref<128xf32, #tpu.memory_space<vmem>>) offsets(%dma_start3A_247 : memref<128xi32, #tpu.memory_space<vmem>>) semaphore(%arg16 : memref<!tpu.dma_semaphore, #tpu.memory_space<semaphore_mem>>)
    %dma_start3A_250 = arith.constant 6 : i32
    %dma_start3A_251 = arith.constant 1792 : i32
    %dma_start3A_252 = tpu.memref_slice %arg14[%dma_start3A_251] : memref<5120xf32, #tpu.memory_space<vmem>> -> memref<128xf32, #tpu.memory_space<vmem>>
    %dma_start3A_253 = arith.constant 0 : i32
    %dma_start3A_254 = tpu.memref_slice %arg13[%dma_start3A_250, %dma_start3A_253] : memref<256x128xi32, #tpu.memory_space<vmem>> -> memref<1x128xi32, #tpu.memory_space<vmem>>
    %dma_start3A_255 = tpu.memref_squeeze %dma_start3A_254 : memref<1x128xi32, #tpu.memory_space<vmem>> -> memref<128xi32, #tpu.memory_space<vmem>>
    %dma_start3A_256 = arith.constant 0 : i32
    %dma_start3A_257 = tpu.memref_slice %arg3[%dma_start3A_256] : memref<1000000xf32, #tpu.memory_space<hbm>> -> memref<1000000xf32, #tpu.memory_space<hbm>>
    tpu.enqueue_indirect_dma source(%dma_start3A_257 : memref<1000000xf32, #tpu.memory_space<hbm>>) target(%dma_start3A_252 : memref<128xf32, #tpu.memory_space<vmem>>) offsets(%dma_start3A_255 : memref<128xi32, #tpu.memory_space<vmem>>) semaphore(%arg16 : memref<!tpu.dma_semaphore, #tpu.memory_space<semaphore_mem>>)
    %dma_start3A_258 = arith.constant 6 : i32
    %dma_start3A_259 = arith.constant 2816 : i32
    %dma_start3A_260 = tpu.memref_slice %arg14[%dma_start3A_259] : memref<5120xf32, #tpu.memory_space<vmem>> -> memref<128xf32, #tpu.memory_space<vmem>>
    %dma_start3A_261 = arith.constant 0 : i32
    %dma_start3A_262 = tpu.memref_slice %arg13[%dma_start3A_258, %dma_start3A_261] : memref<256x128xi32, #tpu.memory_space<vmem>> -> memref<1x128xi32, #tpu.memory_space<vmem>>
    %dma_start3A_263 = tpu.memref_squeeze %dma_start3A_262 : memref<1x128xi32, #tpu.memory_space<vmem>> -> memref<128xi32, #tpu.memory_space<vmem>>
    %dma_start3A_264 = arith.constant 0 : i32
    %dma_start3A_265 = tpu.memref_slice %arg4[%dma_start3A_264] : memref<1000000xf32, #tpu.memory_space<hbm>> -> memref<1000000xf32, #tpu.memory_space<hbm>>
    tpu.enqueue_indirect_dma source(%dma_start3A_265 : memref<1000000xf32, #tpu.memory_space<hbm>>) target(%dma_start3A_260 : memref<128xf32, #tpu.memory_space<vmem>>) offsets(%dma_start3A_263 : memref<128xi32, #tpu.memory_space<vmem>>) semaphore(%arg16 : memref<!tpu.dma_semaphore, #tpu.memory_space<semaphore_mem>>)
    %dma_start3A_266 = arith.constant 6 : i32
    %dma_start3A_267 = arith.constant 3840 : i32
    %dma_start3A_268 = tpu.memref_slice %arg14[%dma_start3A_267] : memref<5120xf32, #tpu.memory_space<vmem>> -> memref<128xf32, #tpu.memory_space<vmem>>
    %dma_start3A_269 = arith.constant 0 : i32
    %dma_start3A_270 = tpu.memref_slice %arg13[%dma_start3A_266, %dma_start3A_269] : memref<256x128xi32, #tpu.memory_space<vmem>> -> memref<1x128xi32, #tpu.memory_space<vmem>>
    %dma_start3A_271 = tpu.memref_squeeze %dma_start3A_270 : memref<1x128xi32, #tpu.memory_space<vmem>> -> memref<128xi32, #tpu.memory_space<vmem>>
    %dma_start3A_272 = arith.constant 0 : i32
    %dma_start3A_273 = tpu.memref_slice %arg5[%dma_start3A_272] : memref<1000000xf32, #tpu.memory_space<hbm>> -> memref<1000000xf32, #tpu.memory_space<hbm>>
    tpu.enqueue_indirect_dma source(%dma_start3A_273 : memref<1000000xf32, #tpu.memory_space<hbm>>) target(%dma_start3A_268 : memref<128xf32, #tpu.memory_space<vmem>>) offsets(%dma_start3A_271 : memref<128xi32, #tpu.memory_space<vmem>>) semaphore(%arg16 : memref<!tpu.dma_semaphore, #tpu.memory_space<semaphore_mem>>)
    %dma_start3A_274 = arith.constant 6 : i32
    %dma_start3A_275 = arith.constant 4864 : i32
    %dma_start3A_276 = tpu.memref_slice %arg14[%dma_start3A_275] : memref<5120xf32, #tpu.memory_space<vmem>> -> memref<128xf32, #tpu.memory_space<vmem>>
    %dma_start3A_277 = arith.constant 0 : i32
    %dma_start3A_278 = tpu.memref_slice %arg13[%dma_start3A_274, %dma_start3A_277] : memref<256x128xi32, #tpu.memory_space<vmem>> -> memref<1x128xi32, #tpu.memory_space<vmem>>
    %dma_start3A_279 = tpu.memref_squeeze %dma_start3A_278 : memref<1x128xi32, #tpu.memory_space<vmem>> -> memref<128xi32, #tpu.memory_space<vmem>>
    %dma_start3A_280 = arith.constant 0 : i32
    %dma_start3A_281 = tpu.memref_slice %arg6[%dma_start3A_280] : memref<1000000xf32, #tpu.memory_space<hbm>> -> memref<1000000xf32, #tpu.memory_space<hbm>>
    tpu.enqueue_indirect_dma source(%dma_start3A_281 : memref<1000000xf32, #tpu.memory_space<hbm>>) target(%dma_start3A_276 : memref<128xf32, #tpu.memory_space<vmem>>) offsets(%dma_start3A_279 : memref<128xi32, #tpu.memory_space<vmem>>) semaphore(%arg16 : memref<!tpu.dma_semaphore, #tpu.memory_space<semaphore_mem>>)
    %dma_start3A_282 = arith.constant 7 : i32
    %dma_start3A_283 = arith.constant 896 : i32
    %dma_start3A_284 = tpu.memref_slice %arg14[%dma_start3A_283] : memref<5120xf32, #tpu.memory_space<vmem>> -> memref<128xf32, #tpu.memory_space<vmem>>
    %dma_start3A_285 = arith.constant 0 : i32
    %dma_start3A_286 = tpu.memref_slice %arg13[%dma_start3A_282, %dma_start3A_285] : memref<256x128xi32, #tpu.memory_space<vmem>> -> memref<1x128xi32, #tpu.memory_space<vmem>>
    %dma_start3A_287 = tpu.memref_squeeze %dma_start3A_286 : memref<1x128xi32, #tpu.memory_space<vmem>> -> memref<128xi32, #tpu.memory_space<vmem>>
    %dma_start3A_288 = arith.constant 0 : i32
    %dma_start3A_289 = tpu.memref_slice %arg2[%dma_start3A_288] : memref<1000000xf32, #tpu.memory_space<hbm>> -> memref<1000000xf32, #tpu.memory_space<hbm>>
    tpu.enqueue_indirect_dma source(%dma_start3A_289 : memref<1000000xf32, #tpu.memory_space<hbm>>) target(%dma_start3A_284 : memref<128xf32, #tpu.memory_space<vmem>>) offsets(%dma_start3A_287 : memref<128xi32, #tpu.memory_space<vmem>>) semaphore(%arg16 : memref<!tpu.dma_semaphore, #tpu.memory_space<semaphore_mem>>)
    %dma_start3A_290 = arith.constant 7 : i32
    %dma_start3A_291 = arith.constant 1920 : i32
    %dma_start3A_292 = tpu.memref_slice %arg14[%dma_start3A_291] : memref<5120xf32, #tpu.memory_space<vmem>> -> memref<128xf32, #tpu.memory_space<vmem>>
    %dma_start3A_293 = arith.constant 0 : i32
    %dma_start3A_294 = tpu.memref_slice %arg13[%dma_start3A_290, %dma_start3A_293] : memref<256x128xi32, #tpu.memory_space<vmem>> -> memref<1x128xi32, #tpu.memory_space<vmem>>
    %dma_start3A_295 = tpu.memref_squeeze %dma_start3A_294 : memref<1x128xi32, #tpu.memory_space<vmem>> -> memref<128xi32, #tpu.memory_space<vmem>>
    %dma_start3A_296 = arith.constant 0 : i32
    %dma_start3A_297 = tpu.memref_slice %arg3[%dma_start3A_296] : memref<1000000xf32, #tpu.memory_space<hbm>> -> memref<1000000xf32, #tpu.memory_space<hbm>>
    tpu.enqueue_indirect_dma source(%dma_start3A_297 : memref<1000000xf32, #tpu.memory_space<hbm>>) target(%dma_start3A_292 : memref<128xf32, #tpu.memory_space<vmem>>) offsets(%dma_start3A_295 : memref<128xi32, #tpu.memory_space<vmem>>) semaphore(%arg16 : memref<!tpu.dma_semaphore, #tpu.memory_space<semaphore_mem>>)
    %dma_start3A_298 = arith.constant 7 : i32
    %dma_start3A_299 = arith.constant 2944 : i32
    %dma_start3A_300 = tpu.memref_slice %arg14[%dma_start3A_299] : memref<5120xf32, #tpu.memory_space<vmem>> -> memref<128xf32, #tpu.memory_space<vmem>>
    %dma_start3A_301 = arith.constant 0 : i32
    %dma_start3A_302 = tpu.memref_slice %arg13[%dma_start3A_298, %dma_start3A_301] : memref<256x128xi32, #tpu.memory_space<vmem>> -> memref<1x128xi32, #tpu.memory_space<vmem>>
    %dma_start3A_303 = tpu.memref_squeeze %dma_start3A_302 : memref<1x128xi32, #tpu.memory_space<vmem>> -> memref<128xi32, #tpu.memory_space<vmem>>
    %dma_start3A_304 = arith.constant 0 : i32
    %dma_start3A_305 = tpu.memref_slice %arg4[%dma_start3A_304] : memref<1000000xf32, #tpu.memory_space<hbm>> -> memref<1000000xf32, #tpu.memory_space<hbm>>
    tpu.enqueue_indirect_dma source(%dma_start3A_305 : memref<1000000xf32, #tpu.memory_space<hbm>>) target(%dma_start3A_300 : memref<128xf32, #tpu.memory_space<vmem>>) offsets(%dma_start3A_303 : memref<128xi32, #tpu.memory_space<vmem>>) semaphore(%arg16 : memref<!tpu.dma_semaphore, #tpu.memory_space<semaphore_mem>>)
    %dma_start3A_306 = arith.constant 7 : i32
    %dma_start3A_307 = arith.constant 3968 : i32
    %dma_start3A_308 = tpu.memref_slice %arg14[%dma_start3A_307] : memref<5120xf32, #tpu.memory_space<vmem>> -> memref<128xf32, #tpu.memory_space<vmem>>
    %dma_start3A_309 = arith.constant 0 : i32
    %dma_start3A_310 = tpu.memref_slice %arg13[%dma_start3A_306, %dma_start3A_309] : memref<256x128xi32, #tpu.memory_space<vmem>> -> memref<1x128xi32, #tpu.memory_space<vmem>>
    %dma_start3A_311 = tpu.memref_squeeze %dma_start3A_310 : memref<1x128xi32, #tpu.memory_space<vmem>> -> memref<128xi32, #tpu.memory_space<vmem>>
    %dma_start3A_312 = arith.constant 0 : i32
    %dma_start3A_313 = tpu.memref_slice %arg5[%dma_start3A_312] : memref<1000000xf32, #tpu.memory_space<hbm>> -> memref<1000000xf32, #tpu.memory_space<hbm>>
    tpu.enqueue_indirect_dma source(%dma_start3A_313 : memref<1000000xf32, #tpu.memory_space<hbm>>) target(%dma_start3A_308 : memref<128xf32, #tpu.memory_space<vmem>>) offsets(%dma_start3A_311 : memref<128xi32, #tpu.memory_space<vmem>>) semaphore(%arg16 : memref<!tpu.dma_semaphore, #tpu.memory_space<semaphore_mem>>)
    %dma_start3A_314 = arith.constant 7 : i32
    %dma_start3A_315 = arith.constant 4992 : i32
    %dma_start3A_316 = tpu.memref_slice %arg14[%dma_start3A_315] : memref<5120xf32, #tpu.memory_space<vmem>> -> memref<128xf32, #tpu.memory_space<vmem>>
    %dma_start3A_317 = arith.constant 0 : i32
    %dma_start3A_318 = tpu.memref_slice %arg13[%dma_start3A_314, %dma_start3A_317] : memref<256x128xi32, #tpu.memory_space<vmem>> -> memref<1x128xi32, #tpu.memory_space<vmem>>
    %dma_start3A_319 = tpu.memref_squeeze %dma_start3A_318 : memref<1x128xi32, #tpu.memory_space<vmem>> -> memref<128xi32, #tpu.memory_space<vmem>>
    %dma_start3A_320 = arith.constant 0 : i32
    %dma_start3A_321 = tpu.memref_slice %arg6[%dma_start3A_320] : memref<1000000xf32, #tpu.memory_space<hbm>> -> memref<1000000xf32, #tpu.memory_space<hbm>>
    tpu.enqueue_indirect_dma source(%dma_start3A_321 : memref<1000000xf32, #tpu.memory_space<hbm>>) target(%dma_start3A_316 : memref<128xf32, #tpu.memory_space<vmem>>) offsets(%dma_start3A_319 : memref<128xi32, #tpu.memory_space<vmem>>) semaphore(%arg16 : memref<!tpu.dma_semaphore, #tpu.memory_space<semaphore_mem>>)
    %scan3A = arith.constant 0 : i32
    %scan3A_322 = arith.constant 0 : i32
    %scan3A_323 = arith.constant 15 : i32
    %scan3A_324 = arith.addi %scan3A_322, %scan3A_323 : i32
    %scan3A_325 = arith.constant 1 : i32
    scf.for %scan3A_674 = %scan3A_322 to %scan3A_324 step %scan3A_325  : i32 {
      %mul3A_675 = arith.constant 2 : i32
      %mul3A_676 = arith.muli %mul3A_675, %scan3A_674 : i32
      %add3A_677 = arith.constant 1 : i32
      %add3A_678 = arith.addi %mul3A_676, %add3A_677 : i32
      %mul3A_679 = arith.constant 8 : i32
      %mul3A_680 = arith.muli %add3A_678, %mul3A_679 : i32
      %add3A_681 = arith.constant 0 : i32
      %add3A_682 = arith.addi %mul3A_680, %add3A_681 : i32
      %dma_start3A_683 = arith.constant 0 : i32
      %dma_start3A_684 = tpu.memref_slice %arg15[%dma_start3A_683] : memref<5120xf32, #tpu.memory_space<vmem>> -> memref<128xf32, #tpu.memory_space<vmem>>
      %dma_start3A_685 = arith.constant 0 : i32
      %dma_start3A_686 = tpu.memref_slice %arg13[%add3A_682, %dma_start3A_685] : memref<256x128xi32, #tpu.memory_space<vmem>> -> memref<1x128xi32, #tpu.memory_space<vmem>>
      %dma_start3A_687 = tpu.memref_squeeze %dma_start3A_686 : memref<1x128xi32, #tpu.memory_space<vmem>> -> memref<128xi32, #tpu.memory_space<vmem>>
      %dma_start3A_688 = arith.constant 0 : i32
      %dma_start3A_689 = tpu.memref_slice %arg2[%dma_start3A_688] : memref<1000000xf32, #tpu.memory_space<hbm>> -> memref<1000000xf32, #tpu.memory_space<hbm>>
      tpu.enqueue_indirect_dma source(%dma_start3A_689 : memref<1000000xf32, #tpu.memory_space<hbm>>) target(%dma_start3A_684 : memref<128xf32, #tpu.memory_space<vmem>>) offsets(%dma_start3A_687 : memref<128xi32, #tpu.memory_space<vmem>>) semaphore(%arg17 : memref<!tpu.dma_semaphore, #tpu.memory_space<semaphore_mem>>)
      %dma_start3A_690 = arith.constant 1024 : i32
      %dma_start3A_691 = tpu.memref_slice %arg15[%dma_start3A_690] : memref<5120xf32, #tpu.memory_space<vmem>> -> memref<128xf32, #tpu.memory_space<vmem>>
      %dma_start3A_692 = arith.constant 0 : i32
      %dma_start3A_693 = tpu.memref_slice %arg13[%add3A_682, %dma_start3A_692] : memref<256x128xi32, #tpu.memory_space<vmem>> -> memref<1x128xi32, #tpu.memory_space<vmem>>
      %dma_start3A_694 = tpu.memref_squeeze %dma_start3A_693 : memref<1x128xi32, #tpu.memory_space<vmem>> -> memref<128xi32, #tpu.memory_space<vmem>>
      %dma_start3A_695 = arith.constant 0 : i32
      %dma_start3A_696 = tpu.memref_slice %arg3[%dma_start3A_695] : memref<1000000xf32, #tpu.memory_space<hbm>> -> memref<1000000xf32, #tpu.memory_space<hbm>>
      tpu.enqueue_indirect_dma source(%dma_start3A_696 : memref<1000000xf32, #tpu.memory_space<hbm>>) target(%dma_start3A_691 : memref<128xf32, #tpu.memory_space<vmem>>) offsets(%dma_start3A_694 : memref<128xi32, #tpu.memory_space<vmem>>) semaphore(%arg17 : memref<!tpu.dma_semaphore, #tpu.memory_space<semaphore_mem>>)
      %dma_start3A_697 = arith.constant 2048 : i32
      %dma_start3A_698 = tpu.memref_slice %arg15[%dma_start3A_697] : memref<5120xf32, #tpu.memory_space<vmem>> -> memref<128xf32, #tpu.memory_space<vmem>>
      %dma_start3A_699 = arith.constant 0 : i32
      %dma_start3A_700 = tpu.memref_slice %arg13[%add3A_682, %dma_start3A_699] : memref<256x128xi32, #tpu.memory_space<vmem>> -> memref<1x128xi32, #tpu.memory_space<vmem>>
      %dma_start3A_701 = tpu.memref_squeeze %dma_start3A_700 : memref<1x128xi32, #tpu.memory_space<vmem>> -> memref<128xi32, #tpu.memory_space<vmem>>
      %dma_start3A_702 = arith.constant 0 : i32
      %dma_start3A_703 = tpu.memref_slice %arg4[%dma_start3A_702] : memref<1000000xf32, #tpu.memory_space<hbm>> -> memref<1000000xf32, #tpu.memory_space<hbm>>
      tpu.enqueue_indirect_dma source(%dma_start3A_703 : memref<1000000xf32, #tpu.memory_space<hbm>>) target(%dma_start3A_698 : memref<128xf32, #tpu.memory_space<vmem>>) offsets(%dma_start3A_701 : memref<128xi32, #tpu.memory_space<vmem>>) semaphore(%arg17 : memref<!tpu.dma_semaphore, #tpu.memory_space<semaphore_mem>>)
      %dma_start3A_704 = arith.constant 3072 : i32
      %dma_start3A_705 = tpu.memref_slice %arg15[%dma_start3A_704] : memref<5120xf32, #tpu.memory_space<vmem>> -> memref<128xf32, #tpu.memory_space<vmem>>
      %dma_start3A_706 = arith.constant 0 : i32
      %dma_start3A_707 = tpu.memref_slice %arg13[%add3A_682, %dma_start3A_706] : memref<256x128xi32, #tpu.memory_space<vmem>> -> memref<1x128xi32, #tpu.memory_space<vmem>>
      %dma_start3A_708 = tpu.memref_squeeze %dma_start3A_707 : memref<1x128xi32, #tpu.memory_space<vmem>> -> memref<128xi32, #tpu.memory_space<vmem>>
      %dma_start3A_709 = arith.constant 0 : i32
      %dma_start3A_710 = tpu.memref_slice %arg5[%dma_start3A_709] : memref<1000000xf32, #tpu.memory_space<hbm>> -> memref<1000000xf32, #tpu.memory_space<hbm>>
      tpu.enqueue_indirect_dma source(%dma_start3A_710 : memref<1000000xf32, #tpu.memory_space<hbm>>) target(%dma_start3A_705 : memref<128xf32, #tpu.memory_space<vmem>>) offsets(%dma_start3A_708 : memref<128xi32, #tpu.memory_space<vmem>>) semaphore(%arg17 : memref<!tpu.dma_semaphore, #tpu.memory_space<semaphore_mem>>)
      %dma_start3A_711 = arith.constant 4096 : i32
      %dma_start3A_712 = tpu.memref_slice %arg15[%dma_start3A_711] : memref<5120xf32, #tpu.memory_space<vmem>> -> memref<128xf32, #tpu.memory_space<vmem>>
      %dma_start3A_713 = arith.constant 0 : i32
      %dma_start3A_714 = tpu.memref_slice %arg13[%add3A_682, %dma_start3A_713] : memref<256x128xi32, #tpu.memory_space<vmem>> -> memref<1x128xi32, #tpu.memory_space<vmem>>
      %dma_start3A_715 = tpu.memref_squeeze %dma_start3A_714 : memref<1x128xi32, #tpu.memory_space<vmem>> -> memref<128xi32, #tpu.memory_space<vmem>>
      %dma_start3A_716 = arith.constant 0 : i32
      %dma_start3A_717 = tpu.memref_slice %arg6[%dma_start3A_716] : memref<1000000xf32, #tpu.memory_space<hbm>> -> memref<1000000xf32, #tpu.memory_space<hbm>>
      tpu.enqueue_indirect_dma source(%dma_start3A_717 : memref<1000000xf32, #tpu.memory_space<hbm>>) target(%dma_start3A_712 : memref<128xf32, #tpu.memory_space<vmem>>) offsets(%dma_start3A_715 : memref<128xi32, #tpu.memory_space<vmem>>) semaphore(%arg17 : memref<!tpu.dma_semaphore, #tpu.memory_space<semaphore_mem>>)
      %mul3A_718 = arith.constant 8 : i32
      %mul3A_719 = arith.muli %add3A_678, %mul3A_718 : i32
      %add3A_720 = arith.constant 1 : i32
      %add3A_721 = arith.addi %mul3A_719, %add3A_720 : i32
      %dma_start3A_722 = arith.constant 128 : i32
      %dma_start3A_723 = tpu.memref_slice %arg15[%dma_start3A_722] : memref<5120xf32, #tpu.memory_space<vmem>> -> memref<128xf32, #tpu.memory_space<vmem>>
      %dma_start3A_724 = arith.constant 0 : i32
      %dma_start3A_725 = tpu.memref_slice %arg13[%add3A_721, %dma_start3A_724] : memref<256x128xi32, #tpu.memory_space<vmem>> -> memref<1x128xi32, #tpu.memory_space<vmem>>
      %dma_start3A_726 = tpu.memref_squeeze %dma_start3A_725 : memref<1x128xi32, #tpu.memory_space<vmem>> -> memref<128xi32, #tpu.memory_space<vmem>>
      %dma_start3A_727 = arith.constant 0 : i32
      %dma_start3A_728 = tpu.memref_slice %arg2[%dma_start3A_727] : memref<1000000xf32, #tpu.memory_space<hbm>> -> memref<1000000xf32, #tpu.memory_space<hbm>>
      tpu.enqueue_indirect_dma source(%dma_start3A_728 : memref<1000000xf32, #tpu.memory_space<hbm>>) target(%dma_start3A_723 : memref<128xf32, #tpu.memory_space<vmem>>) offsets(%dma_start3A_726 : memref<128xi32, #tpu.memory_space<vmem>>) semaphore(%arg17 : memref<!tpu.dma_semaphore, #tpu.memory_space<semaphore_mem>>)
      %dma_start3A_729 = arith.constant 1152 : i32
      %dma_start3A_730 = tpu.memref_slice %arg15[%dma_start3A_729] : memref<5120xf32, #tpu.memory_space<vmem>> -> memref<128xf32, #tpu.memory_space<vmem>>
      %dma_start3A_731 = arith.constant 0 : i32
      %dma_start3A_732 = tpu.memref_slice %arg13[%add3A_721, %dma_start3A_731] : memref<256x128xi32, #tpu.memory_space<vmem>> -> memref<1x128xi32, #tpu.memory_space<vmem>>
      %dma_start3A_733 = tpu.memref_squeeze %dma_start3A_732 : memref<1x128xi32, #tpu.memory_space<vmem>> -> memref<128xi32, #tpu.memory_space<vmem>>
      %dma_start3A_734 = arith.constant 0 : i32
      %dma_start3A_735 = tpu.memref_slice %arg3[%dma_start3A_734] : memref<1000000xf32, #tpu.memory_space<hbm>> -> memref<1000000xf32, #tpu.memory_space<hbm>>
      tpu.enqueue_indirect_dma source(%dma_start3A_735 : memref<1000000xf32, #tpu.memory_space<hbm>>) target(%dma_start3A_730 : memref<128xf32, #tpu.memory_space<vmem>>) offsets(%dma_start3A_733 : memref<128xi32, #tpu.memory_space<vmem>>) semaphore(%arg17 : memref<!tpu.dma_semaphore, #tpu.memory_space<semaphore_mem>>)
      %dma_start3A_736 = arith.constant 2176 : i32
      %dma_start3A_737 = tpu.memref_slice %arg15[%dma_start3A_736] : memref<5120xf32, #tpu.memory_space<vmem>> -> memref<128xf32, #tpu.memory_space<vmem>>
      %dma_start3A_738 = arith.constant 0 : i32
      %dma_start3A_739 = tpu.memref_slice %arg13[%add3A_721, %dma_start3A_738] : memref<256x128xi32, #tpu.memory_space<vmem>> -> memref<1x128xi32, #tpu.memory_space<vmem>>
      %dma_start3A_740 = tpu.memref_squeeze %dma_start3A_739 : memref<1x128xi32, #tpu.memory_space<vmem>> -> memref<128xi32, #tpu.memory_space<vmem>>
      %dma_start3A_741 = arith.constant 0 : i32
      %dma_start3A_742 = tpu.memref_slice %arg4[%dma_start3A_741] : memref<1000000xf32, #tpu.memory_space<hbm>> -> memref<1000000xf32, #tpu.memory_space<hbm>>
      tpu.enqueue_indirect_dma source(%dma_start3A_742 : memref<1000000xf32, #tpu.memory_space<hbm>>) target(%dma_start3A_737 : memref<128xf32, #tpu.memory_space<vmem>>) offsets(%dma_start3A_740 : memref<128xi32, #tpu.memory_space<vmem>>) semaphore(%arg17 : memref<!tpu.dma_semaphore, #tpu.memory_space<semaphore_mem>>)
      %dma_start3A_743 = arith.constant 3200 : i32
      %dma_start3A_744 = tpu.memref_slice %arg15[%dma_start3A_743] : memref<5120xf32, #tpu.memory_space<vmem>> -> memref<128xf32, #tpu.memory_space<vmem>>
      %dma_start3A_745 = arith.constant 0 : i32
      %dma_start3A_746 = tpu.memref_slice %arg13[%add3A_721, %dma_start3A_745] : memref<256x128xi32, #tpu.memory_space<vmem>> -> memref<1x128xi32, #tpu.memory_space<vmem>>
      %dma_start3A_747 = tpu.memref_squeeze %dma_start3A_746 : memref<1x128xi32, #tpu.memory_space<vmem>> -> memref<128xi32, #tpu.memory_space<vmem>>
      %dma_start3A_748 = arith.constant 0 : i32
      %dma_start3A_749 = tpu.memref_slice %arg5[%dma_start3A_748] : memref<1000000xf32, #tpu.memory_space<hbm>> -> memref<1000000xf32, #tpu.memory_space<hbm>>
      tpu.enqueue_indirect_dma source(%dma_start3A_749 : memref<1000000xf32, #tpu.memory_space<hbm>>) target(%dma_start3A_744 : memref<128xf32, #tpu.memory_space<vmem>>) offsets(%dma_start3A_747 : memref<128xi32, #tpu.memory_space<vmem>>) semaphore(%arg17 : memref<!tpu.dma_semaphore, #tpu.memory_space<semaphore_mem>>)
      %dma_start3A_750 = arith.constant 4224 : i32
      %dma_start3A_751 = tpu.memref_slice %arg15[%dma_start3A_750] : memref<5120xf32, #tpu.memory_space<vmem>> -> memref<128xf32, #tpu.memory_space<vmem>>
      %dma_start3A_752 = arith.constant 0 : i32
      %dma_start3A_753 = tpu.memref_slice %arg13[%add3A_721, %dma_start3A_752] : memref<256x128xi32, #tpu.memory_space<vmem>> -> memref<1x128xi32, #tpu.memory_space<vmem>>
      %dma_start3A_754 = tpu.memref_squeeze %dma_start3A_753 : memref<1x128xi32, #tpu.memory_space<vmem>> -> memref<128xi32, #tpu.memory_space<vmem>>
      %dma_start3A_755 = arith.constant 0 : i32
      %dma_start3A_756 = tpu.memref_slice %arg6[%dma_start3A_755] : memref<1000000xf32, #tpu.memory_space<hbm>> -> memref<1000000xf32, #tpu.memory_space<hbm>>
      tpu.enqueue_indirect_dma source(%dma_start3A_756 : memref<1000000xf32, #tpu.memory_space<hbm>>) target(%dma_start3A_751 : memref<128xf32, #tpu.memory_space<vmem>>) offsets(%dma_start3A_754 : memref<128xi32, #tpu.memory_space<vmem>>) semaphore(%arg17 : memref<!tpu.dma_semaphore, #tpu.memory_space<semaphore_mem>>)
      %mul3A_757 = arith.constant 8 : i32
      %mul3A_758 = arith.muli %add3A_678, %mul3A_757 : i32
      %add3A_759 = arith.constant 2 : i32
      %add3A_760 = arith.addi %mul3A_758, %add3A_759 : i32
      %dma_start3A_761 = arith.constant 256 : i32
      %dma_start3A_762 = tpu.memref_slice %arg15[%dma_start3A_761] : memref<5120xf32, #tpu.memory_space<vmem>> -> memref<128xf32, #tpu.memory_space<vmem>>
      %dma_start3A_763 = arith.constant 0 : i32
      %dma_start3A_764 = tpu.memref_slice %arg13[%add3A_760, %dma_start3A_763] : memref<256x128xi32, #tpu.memory_space<vmem>> -> memref<1x128xi32, #tpu.memory_space<vmem>>
      %dma_start3A_765 = tpu.memref_squeeze %dma_start3A_764 : memref<1x128xi32, #tpu.memory_space<vmem>> -> memref<128xi32, #tpu.memory_space<vmem>>
      %dma_start3A_766 = arith.constant 0 : i32
      %dma_start3A_767 = tpu.memref_slice %arg2[%dma_start3A_766] : memref<1000000xf32, #tpu.memory_space<hbm>> -> memref<1000000xf32, #tpu.memory_space<hbm>>
      tpu.enqueue_indirect_dma source(%dma_start3A_767 : memref<1000000xf32, #tpu.memory_space<hbm>>) target(%dma_start3A_762 : memref<128xf32, #tpu.memory_space<vmem>>) offsets(%dma_start3A_765 : memref<128xi32, #tpu.memory_space<vmem>>) semaphore(%arg17 : memref<!tpu.dma_semaphore, #tpu.memory_space<semaphore_mem>>)
      %dma_start3A_768 = arith.constant 1280 : i32
      %dma_start3A_769 = tpu.memref_slice %arg15[%dma_start3A_768] : memref<5120xf32, #tpu.memory_space<vmem>> -> memref<128xf32, #tpu.memory_space<vmem>>
      %dma_start3A_770 = arith.constant 0 : i32
      %dma_start3A_771 = tpu.memref_slice %arg13[%add3A_760, %dma_start3A_770] : memref<256x128xi32, #tpu.memory_space<vmem>> -> memref<1x128xi32, #tpu.memory_space<vmem>>
      %dma_start3A_772 = tpu.memref_squeeze %dma_start3A_771 : memref<1x128xi32, #tpu.memory_space<vmem>> -> memref<128xi32, #tpu.memory_space<vmem>>
      %dma_start3A_773 = arith.constant 0 : i32
      %dma_start3A_774 = tpu.memref_slice %arg3[%dma_start3A_773] : memref<1000000xf32, #tpu.memory_space<hbm>> -> memref<1000000xf32, #tpu.memory_space<hbm>>
      tpu.enqueue_indirect_dma source(%dma_start3A_774 : memref<1000000xf32, #tpu.memory_space<hbm>>) target(%dma_start3A_769 : memref<128xf32, #tpu.memory_space<vmem>>) offsets(%dma_start3A_772 : memref<128xi32, #tpu.memory_space<vmem>>) semaphore(%arg17 : memref<!tpu.dma_semaphore, #tpu.memory_space<semaphore_mem>>)
      %dma_start3A_775 = arith.constant 2304 : i32
      %dma_start3A_776 = tpu.memref_slice %arg15[%dma_start3A_775] : memref<5120xf32, #tpu.memory_space<vmem>> -> memref<128xf32, #tpu.memory_space<vmem>>
      %dma_start3A_777 = arith.constant 0 : i32
      %dma_start3A_778 = tpu.memref_slice %arg13[%add3A_760, %dma_start3A_777] : memref<256x128xi32, #tpu.memory_space<vmem>> -> memref<1x128xi32, #tpu.memory_space<vmem>>
      %dma_start3A_779 = tpu.memref_squeeze %dma_start3A_778 : memref<1x128xi32, #tpu.memory_space<vmem>> -> memref<128xi32, #tpu.memory_space<vmem>>
      %dma_start3A_780 = arith.constant 0 : i32
      %dma_start3A_781 = tpu.memref_slice %arg4[%dma_start3A_780] : memref<1000000xf32, #tpu.memory_space<hbm>> -> memref<1000000xf32, #tpu.memory_space<hbm>>
      tpu.enqueue_indirect_dma source(%dma_start3A_781 : memref<1000000xf32, #tpu.memory_space<hbm>>) target(%dma_start3A_776 : memref<128xf32, #tpu.memory_space<vmem>>) offsets(%dma_start3A_779 : memref<128xi32, #tpu.memory_space<vmem>>) semaphore(%arg17 : memref<!tpu.dma_semaphore, #tpu.memory_space<semaphore_mem>>)
      %dma_start3A_782 = arith.constant 3328 : i32
      %dma_start3A_783 = tpu.memref_slice %arg15[%dma_start3A_782] : memref<5120xf32, #tpu.memory_space<vmem>> -> memref<128xf32, #tpu.memory_space<vmem>>
      %dma_start3A_784 = arith.constant 0 : i32
      %dma_start3A_785 = tpu.memref_slice %arg13[%add3A_760, %dma_start3A_784] : memref<256x128xi32, #tpu.memory_space<vmem>> -> memref<1x128xi32, #tpu.memory_space<vmem>>
      %dma_start3A_786 = tpu.memref_squeeze %dma_start3A_785 : memref<1x128xi32, #tpu.memory_space<vmem>> -> memref<128xi32, #tpu.memory_space<vmem>>
      %dma_start3A_787 = arith.constant 0 : i32
      %dma_start3A_788 = tpu.memref_slice %arg5[%dma_start3A_787] : memref<1000000xf32, #tpu.memory_space<hbm>> -> memref<1000000xf32, #tpu.memory_space<hbm>>
      tpu.enqueue_indirect_dma source(%dma_start3A_788 : memref<1000000xf32, #tpu.memory_space<hbm>>) target(%dma_start3A_783 : memref<128xf32, #tpu.memory_space<vmem>>) offsets(%dma_start3A_786 : memref<128xi32, #tpu.memory_space<vmem>>) semaphore(%arg17 : memref<!tpu.dma_semaphore, #tpu.memory_space<semaphore_mem>>)
      %dma_start3A_789 = arith.constant 4352 : i32
      %dma_start3A_790 = tpu.memref_slice %arg15[%dma_start3A_789] : memref<5120xf32, #tpu.memory_space<vmem>> -> memref<128xf32, #tpu.memory_space<vmem>>
      %dma_start3A_791 = arith.constant 0 : i32
      %dma_start3A_792 = tpu.memref_slice %arg13[%add3A_760, %dma_start3A_791] : memref<256x128xi32, #tpu.memory_space<vmem>> -> memref<1x128xi32, #tpu.memory_space<vmem>>
      %dma_start3A_793 = tpu.memref_squeeze %dma_start3A_792 : memref<1x128xi32, #tpu.memory_space<vmem>> -> memref<128xi32, #tpu.memory_space<vmem>>
      %dma_start3A_794 = arith.constant 0 : i32
      %dma_start3A_795 = tpu.memref_slice %arg6[%dma_start3A_794] : memref<1000000xf32, #tpu.memory_space<hbm>> -> memref<1000000xf32, #tpu.memory_space<hbm>>
      tpu.enqueue_indirect_dma source(%dma_start3A_795 : memref<1000000xf32, #tpu.memory_space<hbm>>) target(%dma_start3A_790 : memref<128xf32, #tpu.memory_space<vmem>>) offsets(%dma_start3A_793 : memref<128xi32, #tpu.memory_space<vmem>>) semaphore(%arg17 : memref<!tpu.dma_semaphore, #tpu.memory_space<semaphore_mem>>)
      %mul3A_796 = arith.constant 8 : i32
      %mul3A_797 = arith.muli %add3A_678, %mul3A_796 : i32
      %add3A_798 = arith.constant 3 : i32
      %add3A_799 = arith.addi %mul3A_797, %add3A_798 : i32
      %dma_start3A_800 = arith.constant 384 : i32
      %dma_start3A_801 = tpu.memref_slice %arg15[%dma_start3A_800] : memref<5120xf32, #tpu.memory_space<vmem>> -> memref<128xf32, #tpu.memory_space<vmem>>
      %dma_start3A_802 = arith.constant 0 : i32
      %dma_start3A_803 = tpu.memref_slice %arg13[%add3A_799, %dma_start3A_802] : memref<256x128xi32, #tpu.memory_space<vmem>> -> memref<1x128xi32, #tpu.memory_space<vmem>>
      %dma_start3A_804 = tpu.memref_squeeze %dma_start3A_803 : memref<1x128xi32, #tpu.memory_space<vmem>> -> memref<128xi32, #tpu.memory_space<vmem>>
      %dma_start3A_805 = arith.constant 0 : i32
      %dma_start3A_806 = tpu.memref_slice %arg2[%dma_start3A_805] : memref<1000000xf32, #tpu.memory_space<hbm>> -> memref<1000000xf32, #tpu.memory_space<hbm>>
      tpu.enqueue_indirect_dma source(%dma_start3A_806 : memref<1000000xf32, #tpu.memory_space<hbm>>) target(%dma_start3A_801 : memref<128xf32, #tpu.memory_space<vmem>>) offsets(%dma_start3A_804 : memref<128xi32, #tpu.memory_space<vmem>>) semaphore(%arg17 : memref<!tpu.dma_semaphore, #tpu.memory_space<semaphore_mem>>)
      %dma_start3A_807 = arith.constant 1408 : i32
      %dma_start3A_808 = tpu.memref_slice %arg15[%dma_start3A_807] : memref<5120xf32, #tpu.memory_space<vmem>> -> memref<128xf32, #tpu.memory_space<vmem>>
      %dma_start3A_809 = arith.constant 0 : i32
      %dma_start3A_810 = tpu.memref_slice %arg13[%add3A_799, %dma_start3A_809] : memref<256x128xi32, #tpu.memory_space<vmem>> -> memref<1x128xi32, #tpu.memory_space<vmem>>
      %dma_start3A_811 = tpu.memref_squeeze %dma_start3A_810 : memref<1x128xi32, #tpu.memory_space<vmem>> -> memref<128xi32, #tpu.memory_space<vmem>>
      %dma_start3A_812 = arith.constant 0 : i32
      %dma_start3A_813 = tpu.memref_slice %arg3[%dma_start3A_812] : memref<1000000xf32, #tpu.memory_space<hbm>> -> memref<1000000xf32, #tpu.memory_space<hbm>>
      tpu.enqueue_indirect_dma source(%dma_start3A_813 : memref<1000000xf32, #tpu.memory_space<hbm>>) target(%dma_start3A_808 : memref<128xf32, #tpu.memory_space<vmem>>) offsets(%dma_start3A_811 : memref<128xi32, #tpu.memory_space<vmem>>) semaphore(%arg17 : memref<!tpu.dma_semaphore, #tpu.memory_space<semaphore_mem>>)
      %dma_start3A_814 = arith.constant 2432 : i32
      %dma_start3A_815 = tpu.memref_slice %arg15[%dma_start3A_814] : memref<5120xf32, #tpu.memory_space<vmem>> -> memref<128xf32, #tpu.memory_space<vmem>>
      %dma_start3A_816 = arith.constant 0 : i32
      %dma_start3A_817 = tpu.memref_slice %arg13[%add3A_799, %dma_start3A_816] : memref<256x128xi32, #tpu.memory_space<vmem>> -> memref<1x128xi32, #tpu.memory_space<vmem>>
      %dma_start3A_818 = tpu.memref_squeeze %dma_start3A_817 : memref<1x128xi32, #tpu.memory_space<vmem>> -> memref<128xi32, #tpu.memory_space<vmem>>
      %dma_start3A_819 = arith.constant 0 : i32
      %dma_start3A_820 = tpu.memref_slice %arg4[%dma_start3A_819] : memref<1000000xf32, #tpu.memory_space<hbm>> -> memref<1000000xf32, #tpu.memory_space<hbm>>
      tpu.enqueue_indirect_dma source(%dma_start3A_820 : memref<1000000xf32, #tpu.memory_space<hbm>>) target(%dma_start3A_815 : memref<128xf32, #tpu.memory_space<vmem>>) offsets(%dma_start3A_818 : memref<128xi32, #tpu.memory_space<vmem>>) semaphore(%arg17 : memref<!tpu.dma_semaphore, #tpu.memory_space<semaphore_mem>>)
      %dma_start3A_821 = arith.constant 3456 : i32
      %dma_start3A_822 = tpu.memref_slice %arg15[%dma_start3A_821] : memref<5120xf32, #tpu.memory_space<vmem>> -> memref<128xf32, #tpu.memory_space<vmem>>
      %dma_start3A_823 = arith.constant 0 : i32
      %dma_start3A_824 = tpu.memref_slice %arg13[%add3A_799, %dma_start3A_823] : memref<256x128xi32, #tpu.memory_space<vmem>> -> memref<1x128xi32, #tpu.memory_space<vmem>>
      %dma_start3A_825 = tpu.memref_squeeze %dma_start3A_824 : memref<1x128xi32, #tpu.memory_space<vmem>> -> memref<128xi32, #tpu.memory_space<vmem>>
      %dma_start3A_826 = arith.constant 0 : i32
      %dma_start3A_827 = tpu.memref_slice %arg5[%dma_start3A_826] : memref<1000000xf32, #tpu.memory_space<hbm>> -> memref<1000000xf32, #tpu.memory_space<hbm>>
      tpu.enqueue_indirect_dma source(%dma_start3A_827 : memref<1000000xf32, #tpu.memory_space<hbm>>) target(%dma_start3A_822 : memref<128xf32, #tpu.memory_space<vmem>>) offsets(%dma_start3A_825 : memref<128xi32, #tpu.memory_space<vmem>>) semaphore(%arg17 : memref<!tpu.dma_semaphore, #tpu.memory_space<semaphore_mem>>)
      %dma_start3A_828 = arith.constant 4480 : i32
      %dma_start3A_829 = tpu.memref_slice %arg15[%dma_start3A_828] : memref<5120xf32, #tpu.memory_space<vmem>> -> memref<128xf32, #tpu.memory_space<vmem>>
      %dma_start3A_830 = arith.constant 0 : i32
      %dma_start3A_831 = tpu.memref_slice %arg13[%add3A_799, %dma_start3A_830] : memref<256x128xi32, #tpu.memory_space<vmem>> -> memref<1x128xi32, #tpu.memory_space<vmem>>
      %dma_start3A_832 = tpu.memref_squeeze %dma_start3A_831 : memref<1x128xi32, #tpu.memory_space<vmem>> -> memref<128xi32, #tpu.memory_space<vmem>>
      %dma_start3A_833 = arith.constant 0 : i32
      %dma_start3A_834 = tpu.memref_slice %arg6[%dma_start3A_833] : memref<1000000xf32, #tpu.memory_space<hbm>> -> memref<1000000xf32, #tpu.memory_space<hbm>>
      tpu.enqueue_indirect_dma source(%dma_start3A_834 : memref<1000000xf32, #tpu.memory_space<hbm>>) target(%dma_start3A_829 : memref<128xf32, #tpu.memory_space<vmem>>) offsets(%dma_start3A_832 : memref<128xi32, #tpu.memory_space<vmem>>) semaphore(%arg17 : memref<!tpu.dma_semaphore, #tpu.memory_space<semaphore_mem>>)
      %mul3A_835 = arith.constant 8 : i32
      %mul3A_836 = arith.muli %add3A_678, %mul3A_835 : i32
      %add3A_837 = arith.constant 4 : i32
      %add3A_838 = arith.addi %mul3A_836, %add3A_837 : i32
      %dma_start3A_839 = arith.constant 512 : i32
      %dma_start3A_840 = tpu.memref_slice %arg15[%dma_start3A_839] : memref<5120xf32, #tpu.memory_space<vmem>> -> memref<128xf32, #tpu.memory_space<vmem>>
      %dma_start3A_841 = arith.constant 0 : i32
      %dma_start3A_842 = tpu.memref_slice %arg13[%add3A_838, %dma_start3A_841] : memref<256x128xi32, #tpu.memory_space<vmem>> -> memref<1x128xi32, #tpu.memory_space<vmem>>
      %dma_start3A_843 = tpu.memref_squeeze %dma_start3A_842 : memref<1x128xi32, #tpu.memory_space<vmem>> -> memref<128xi32, #tpu.memory_space<vmem>>
      %dma_start3A_844 = arith.constant 0 : i32
      %dma_start3A_845 = tpu.memref_slice %arg2[%dma_start3A_844] : memref<1000000xf32, #tpu.memory_space<hbm>> -> memref<1000000xf32, #tpu.memory_space<hbm>>
      tpu.enqueue_indirect_dma source(%dma_start3A_845 : memref<1000000xf32, #tpu.memory_space<hbm>>) target(%dma_start3A_840 : memref<128xf32, #tpu.memory_space<vmem>>) offsets(%dma_start3A_843 : memref<128xi32, #tpu.memory_space<vmem>>) semaphore(%arg17 : memref<!tpu.dma_semaphore, #tpu.memory_space<semaphore_mem>>)
      %dma_start3A_846 = arith.constant 1536 : i32
      %dma_start3A_847 = tpu.memref_slice %arg15[%dma_start3A_846] : memref<5120xf32, #tpu.memory_space<vmem>> -> memref<128xf32, #tpu.memory_space<vmem>>
      %dma_start3A_848 = arith.constant 0 : i32
      %dma_start3A_849 = tpu.memref_slice %arg13[%add3A_838, %dma_start3A_848] : memref<256x128xi32, #tpu.memory_space<vmem>> -> memref<1x128xi32, #tpu.memory_space<vmem>>
      %dma_start3A_850 = tpu.memref_squeeze %dma_start3A_849 : memref<1x128xi32, #tpu.memory_space<vmem>> -> memref<128xi32, #tpu.memory_space<vmem>>
      %dma_start3A_851 = arith.constant 0 : i32
      %dma_start3A_852 = tpu.memref_slice %arg3[%dma_start3A_851] : memref<1000000xf32, #tpu.memory_space<hbm>> -> memref<1000000xf32, #tpu.memory_space<hbm>>
      tpu.enqueue_indirect_dma source(%dma_start3A_852 : memref<1000000xf32, #tpu.memory_space<hbm>>) target(%dma_start3A_847 : memref<128xf32, #tpu.memory_space<vmem>>) offsets(%dma_start3A_850 : memref<128xi32, #tpu.memory_space<vmem>>) semaphore(%arg17 : memref<!tpu.dma_semaphore, #tpu.memory_space<semaphore_mem>>)
      %dma_start3A_853 = arith.constant 2560 : i32
      %dma_start3A_854 = tpu.memref_slice %arg15[%dma_start3A_853] : memref<5120xf32, #tpu.memory_space<vmem>> -> memref<128xf32, #tpu.memory_space<vmem>>
      %dma_start3A_855 = arith.constant 0 : i32
      %dma_start3A_856 = tpu.memref_slice %arg13[%add3A_838, %dma_start3A_855] : memref<256x128xi32, #tpu.memory_space<vmem>> -> memref<1x128xi32, #tpu.memory_space<vmem>>
      %dma_start3A_857 = tpu.memref_squeeze %dma_start3A_856 : memref<1x128xi32, #tpu.memory_space<vmem>> -> memref<128xi32, #tpu.memory_space<vmem>>
      %dma_start3A_858 = arith.constant 0 : i32
      %dma_start3A_859 = tpu.memref_slice %arg4[%dma_start3A_858] : memref<1000000xf32, #tpu.memory_space<hbm>> -> memref<1000000xf32, #tpu.memory_space<hbm>>
      tpu.enqueue_indirect_dma source(%dma_start3A_859 : memref<1000000xf32, #tpu.memory_space<hbm>>) target(%dma_start3A_854 : memref<128xf32, #tpu.memory_space<vmem>>) offsets(%dma_start3A_857 : memref<128xi32, #tpu.memory_space<vmem>>) semaphore(%arg17 : memref<!tpu.dma_semaphore, #tpu.memory_space<semaphore_mem>>)
      %dma_start3A_860 = arith.constant 3584 : i32
      %dma_start3A_861 = tpu.memref_slice %arg15[%dma_start3A_860] : memref<5120xf32, #tpu.memory_space<vmem>> -> memref<128xf32, #tpu.memory_space<vmem>>
      %dma_start3A_862 = arith.constant 0 : i32
      %dma_start3A_863 = tpu.memref_slice %arg13[%add3A_838, %dma_start3A_862] : memref<256x128xi32, #tpu.memory_space<vmem>> -> memref<1x128xi32, #tpu.memory_space<vmem>>
      %dma_start3A_864 = tpu.memref_squeeze %dma_start3A_863 : memref<1x128xi32, #tpu.memory_space<vmem>> -> memref<128xi32, #tpu.memory_space<vmem>>
      %dma_start3A_865 = arith.constant 0 : i32
      %dma_start3A_866 = tpu.memref_slice %arg5[%dma_start3A_865] : memref<1000000xf32, #tpu.memory_space<hbm>> -> memref<1000000xf32, #tpu.memory_space<hbm>>
      tpu.enqueue_indirect_dma source(%dma_start3A_866 : memref<1000000xf32, #tpu.memory_space<hbm>>) target(%dma_start3A_861 : memref<128xf32, #tpu.memory_space<vmem>>) offsets(%dma_start3A_864 : memref<128xi32, #tpu.memory_space<vmem>>) semaphore(%arg17 : memref<!tpu.dma_semaphore, #tpu.memory_space<semaphore_mem>>)
      %dma_start3A_867 = arith.constant 4608 : i32
      %dma_start3A_868 = tpu.memref_slice %arg15[%dma_start3A_867] : memref<5120xf32, #tpu.memory_space<vmem>> -> memref<128xf32, #tpu.memory_space<vmem>>
      %dma_start3A_869 = arith.constant 0 : i32
      %dma_start3A_870 = tpu.memref_slice %arg13[%add3A_838, %dma_start3A_869] : memref<256x128xi32, #tpu.memory_space<vmem>> -> memref<1x128xi32, #tpu.memory_space<vmem>>
      %dma_start3A_871 = tpu.memref_squeeze %dma_start3A_870 : memref<1x128xi32, #tpu.memory_space<vmem>> -> memref<128xi32, #tpu.memory_space<vmem>>
      %dma_start3A_872 = arith.constant 0 : i32
      %dma_start3A_873 = tpu.memref_slice %arg6[%dma_start3A_872] : memref<1000000xf32, #tpu.memory_space<hbm>> -> memref<1000000xf32, #tpu.memory_space<hbm>>
      tpu.enqueue_indirect_dma source(%dma_start3A_873 : memref<1000000xf32, #tpu.memory_space<hbm>>) target(%dma_start3A_868 : memref<128xf32, #tpu.memory_space<vmem>>) offsets(%dma_start3A_871 : memref<128xi32, #tpu.memory_space<vmem>>) semaphore(%arg17 : memref<!tpu.dma_semaphore, #tpu.memory_space<semaphore_mem>>)
      %mul3A_874 = arith.constant 8 : i32
      %mul3A_875 = arith.muli %add3A_678, %mul3A_874 : i32
      %add3A_876 = arith.constant 5 : i32
      %add3A_877 = arith.addi %mul3A_875, %add3A_876 : i32
      %dma_start3A_878 = arith.constant 640 : i32
      %dma_start3A_879 = tpu.memref_slice %arg15[%dma_start3A_878] : memref<5120xf32, #tpu.memory_space<vmem>> -> memref<128xf32, #tpu.memory_space<vmem>>
      %dma_start3A_880 = arith.constant 0 : i32
      %dma_start3A_881 = tpu.memref_slice %arg13[%add3A_877, %dma_start3A_880] : memref<256x128xi32, #tpu.memory_space<vmem>> -> memref<1x128xi32, #tpu.memory_space<vmem>>
      %dma_start3A_882 = tpu.memref_squeeze %dma_start3A_881 : memref<1x128xi32, #tpu.memory_space<vmem>> -> memref<128xi32, #tpu.memory_space<vmem>>
      %dma_start3A_883 = arith.constant 0 : i32
      %dma_start3A_884 = tpu.memref_slice %arg2[%dma_start3A_883] : memref<1000000xf32, #tpu.memory_space<hbm>> -> memref<1000000xf32, #tpu.memory_space<hbm>>
      tpu.enqueue_indirect_dma source(%dma_start3A_884 : memref<1000000xf32, #tpu.memory_space<hbm>>) target(%dma_start3A_879 : memref<128xf32, #tpu.memory_space<vmem>>) offsets(%dma_start3A_882 : memref<128xi32, #tpu.memory_space<vmem>>) semaphore(%arg17 : memref<!tpu.dma_semaphore, #tpu.memory_space<semaphore_mem>>)
      %dma_start3A_885 = arith.constant 1664 : i32
      %dma_start3A_886 = tpu.memref_slice %arg15[%dma_start3A_885] : memref<5120xf32, #tpu.memory_space<vmem>> -> memref<128xf32, #tpu.memory_space<vmem>>
      %dma_start3A_887 = arith.constant 0 : i32
      %dma_start3A_888 = tpu.memref_slice %arg13[%add3A_877, %dma_start3A_887] : memref<256x128xi32, #tpu.memory_space<vmem>> -> memref<1x128xi32, #tpu.memory_space<vmem>>
      %dma_start3A_889 = tpu.memref_squeeze %dma_start3A_888 : memref<1x128xi32, #tpu.memory_space<vmem>> -> memref<128xi32, #tpu.memory_space<vmem>>
      %dma_start3A_890 = arith.constant 0 : i32
      %dma_start3A_891 = tpu.memref_slice %arg3[%dma_start3A_890] : memref<1000000xf32, #tpu.memory_space<hbm>> -> memref<1000000xf32, #tpu.memory_space<hbm>>
      tpu.enqueue_indirect_dma source(%dma_start3A_891 : memref<1000000xf32, #tpu.memory_space<hbm>>) target(%dma_start3A_886 : memref<128xf32, #tpu.memory_space<vmem>>) offsets(%dma_start3A_889 : memref<128xi32, #tpu.memory_space<vmem>>) semaphore(%arg17 : memref<!tpu.dma_semaphore, #tpu.memory_space<semaphore_mem>>)
      %dma_start3A_892 = arith.constant 2688 : i32
      %dma_start3A_893 = tpu.memref_slice %arg15[%dma_start3A_892] : memref<5120xf32, #tpu.memory_space<vmem>> -> memref<128xf32, #tpu.memory_space<vmem>>
      %dma_start3A_894 = arith.constant 0 : i32
      %dma_start3A_895 = tpu.memref_slice %arg13[%add3A_877, %dma_start3A_894] : memref<256x128xi32, #tpu.memory_space<vmem>> -> memref<1x128xi32, #tpu.memory_space<vmem>>
      %dma_start3A_896 = tpu.memref_squeeze %dma_start3A_895 : memref<1x128xi32, #tpu.memory_space<vmem>> -> memref<128xi32, #tpu.memory_space<vmem>>
      %dma_start3A_897 = arith.constant 0 : i32
      %dma_start3A_898 = tpu.memref_slice %arg4[%dma_start3A_897] : memref<1000000xf32, #tpu.memory_space<hbm>> -> memref<1000000xf32, #tpu.memory_space<hbm>>
      tpu.enqueue_indirect_dma source(%dma_start3A_898 : memref<1000000xf32, #tpu.memory_space<hbm>>) target(%dma_start3A_893 : memref<128xf32, #tpu.memory_space<vmem>>) offsets(%dma_start3A_896 : memref<128xi32, #tpu.memory_space<vmem>>) semaphore(%arg17 : memref<!tpu.dma_semaphore, #tpu.memory_space<semaphore_mem>>)
      %dma_start3A_899 = arith.constant 3712 : i32
      %dma_start3A_900 = tpu.memref_slice %arg15[%dma_start3A_899] : memref<5120xf32, #tpu.memory_space<vmem>> -> memref<128xf32, #tpu.memory_space<vmem>>
      %dma_start3A_901 = arith.constant 0 : i32
      %dma_start3A_902 = tpu.memref_slice %arg13[%add3A_877, %dma_start3A_901] : memref<256x128xi32, #tpu.memory_space<vmem>> -> memref<1x128xi32, #tpu.memory_space<vmem>>
      %dma_start3A_903 = tpu.memref_squeeze %dma_start3A_902 : memref<1x128xi32, #tpu.memory_space<vmem>> -> memref<128xi32, #tpu.memory_space<vmem>>
      %dma_start3A_904 = arith.constant 0 : i32
      %dma_start3A_905 = tpu.memref_slice %arg5[%dma_start3A_904] : memref<1000000xf32, #tpu.memory_space<hbm>> -> memref<1000000xf32, #tpu.memory_space<hbm>>
      tpu.enqueue_indirect_dma source(%dma_start3A_905 : memref<1000000xf32, #tpu.memory_space<hbm>>) target(%dma_start3A_900 : memref<128xf32, #tpu.memory_space<vmem>>) offsets(%dma_start3A_903 : memref<128xi32, #tpu.memory_space<vmem>>) semaphore(%arg17 : memref<!tpu.dma_semaphore, #tpu.memory_space<semaphore_mem>>)
      %dma_start3A_906 = arith.constant 4736 : i32
      %dma_start3A_907 = tpu.memref_slice %arg15[%dma_start3A_906] : memref<5120xf32, #tpu.memory_space<vmem>> -> memref<128xf32, #tpu.memory_space<vmem>>
      %dma_start3A_908 = arith.constant 0 : i32
      %dma_start3A_909 = tpu.memref_slice %arg13[%add3A_877, %dma_start3A_908] : memref<256x128xi32, #tpu.memory_space<vmem>> -> memref<1x128xi32, #tpu.memory_space<vmem>>
      %dma_start3A_910 = tpu.memref_squeeze %dma_start3A_909 : memref<1x128xi32, #tpu.memory_space<vmem>> -> memref<128xi32, #tpu.memory_space<vmem>>
      %dma_start3A_911 = arith.constant 0 : i32
      %dma_start3A_912 = tpu.memref_slice %arg6[%dma_start3A_911] : memref<1000000xf32, #tpu.memory_space<hbm>> -> memref<1000000xf32, #tpu.memory_space<hbm>>
      tpu.enqueue_indirect_dma source(%dma_start3A_912 : memref<1000000xf32, #tpu.memory_space<hbm>>) target(%dma_start3A_907 : memref<128xf32, #tpu.memory_space<vmem>>) offsets(%dma_start3A_910 : memref<128xi32, #tpu.memory_space<vmem>>) semaphore(%arg17 : memref<!tpu.dma_semaphore, #tpu.memory_space<semaphore_mem>>)
      %mul3A_913 = arith.constant 8 : i32
      %mul3A_914 = arith.muli %add3A_678, %mul3A_913 : i32
      %add3A_915 = arith.constant 6 : i32
      %add3A_916 = arith.addi %mul3A_914, %add3A_915 : i32
      %dma_start3A_917 = arith.constant 768 : i32
      %dma_start3A_918 = tpu.memref_slice %arg15[%dma_start3A_917] : memref<5120xf32, #tpu.memory_space<vmem>> -> memref<128xf32, #tpu.memory_space<vmem>>
      %dma_start3A_919 = arith.constant 0 : i32
      %dma_start3A_920 = tpu.memref_slice %arg13[%add3A_916, %dma_start3A_919] : memref<256x128xi32, #tpu.memory_space<vmem>> -> memref<1x128xi32, #tpu.memory_space<vmem>>
      %dma_start3A_921 = tpu.memref_squeeze %dma_start3A_920 : memref<1x128xi32, #tpu.memory_space<vmem>> -> memref<128xi32, #tpu.memory_space<vmem>>
      %dma_start3A_922 = arith.constant 0 : i32
      %dma_start3A_923 = tpu.memref_slice %arg2[%dma_start3A_922] : memref<1000000xf32, #tpu.memory_space<hbm>> -> memref<1000000xf32, #tpu.memory_space<hbm>>
      tpu.enqueue_indirect_dma source(%dma_start3A_923 : memref<1000000xf32, #tpu.memory_space<hbm>>) target(%dma_start3A_918 : memref<128xf32, #tpu.memory_space<vmem>>) offsets(%dma_start3A_921 : memref<128xi32, #tpu.memory_space<vmem>>) semaphore(%arg17 : memref<!tpu.dma_semaphore, #tpu.memory_space<semaphore_mem>>)
      %dma_start3A_924 = arith.constant 1792 : i32
      %dma_start3A_925 = tpu.memref_slice %arg15[%dma_start3A_924] : memref<5120xf32, #tpu.memory_space<vmem>> -> memref<128xf32, #tpu.memory_space<vmem>>
      %dma_start3A_926 = arith.constant 0 : i32
      %dma_start3A_927 = tpu.memref_slice %arg13[%add3A_916, %dma_start3A_926] : memref<256x128xi32, #tpu.memory_space<vmem>> -> memref<1x128xi32, #tpu.memory_space<vmem>>
      %dma_start3A_928 = tpu.memref_squeeze %dma_start3A_927 : memref<1x128xi32, #tpu.memory_space<vmem>> -> memref<128xi32, #tpu.memory_space<vmem>>
      %dma_start3A_929 = arith.constant 0 : i32
      %dma_start3A_930 = tpu.memref_slice %arg3[%dma_start3A_929] : memref<1000000xf32, #tpu.memory_space<hbm>> -> memref<1000000xf32, #tpu.memory_space<hbm>>
      tpu.enqueue_indirect_dma source(%dma_start3A_930 : memref<1000000xf32, #tpu.memory_space<hbm>>) target(%dma_start3A_925 : memref<128xf32, #tpu.memory_space<vmem>>) offsets(%dma_start3A_928 : memref<128xi32, #tpu.memory_space<vmem>>) semaphore(%arg17 : memref<!tpu.dma_semaphore, #tpu.memory_space<semaphore_mem>>)
      %dma_start3A_931 = arith.constant 2816 : i32
      %dma_start3A_932 = tpu.memref_slice %arg15[%dma_start3A_931] : memref<5120xf32, #tpu.memory_space<vmem>> -> memref<128xf32, #tpu.memory_space<vmem>>
      %dma_start3A_933 = arith.constant 0 : i32
      %dma_start3A_934 = tpu.memref_slice %arg13[%add3A_916, %dma_start3A_933] : memref<256x128xi32, #tpu.memory_space<vmem>> -> memref<1x128xi32, #tpu.memory_space<vmem>>
      %dma_start3A_935 = tpu.memref_squeeze %dma_start3A_934 : memref<1x128xi32, #tpu.memory_space<vmem>> -> memref<128xi32, #tpu.memory_space<vmem>>
      %dma_start3A_936 = arith.constant 0 : i32
      %dma_start3A_937 = tpu.memref_slice %arg4[%dma_start3A_936] : memref<1000000xf32, #tpu.memory_space<hbm>> -> memref<1000000xf32, #tpu.memory_space<hbm>>
      tpu.enqueue_indirect_dma source(%dma_start3A_937 : memref<1000000xf32, #tpu.memory_space<hbm>>) target(%dma_start3A_932 : memref<128xf32, #tpu.memory_space<vmem>>) offsets(%dma_start3A_935 : memref<128xi32, #tpu.memory_space<vmem>>) semaphore(%arg17 : memref<!tpu.dma_semaphore, #tpu.memory_space<semaphore_mem>>)
      %dma_start3A_938 = arith.constant 3840 : i32
      %dma_start3A_939 = tpu.memref_slice %arg15[%dma_start3A_938] : memref<5120xf32, #tpu.memory_space<vmem>> -> memref<128xf32, #tpu.memory_space<vmem>>
      %dma_start3A_940 = arith.constant 0 : i32
      %dma_start3A_941 = tpu.memref_slice %arg13[%add3A_916, %dma_start3A_940] : memref<256x128xi32, #tpu.memory_space<vmem>> -> memref<1x128xi32, #tpu.memory_space<vmem>>
      %dma_start3A_942 = tpu.memref_squeeze %dma_start3A_941 : memref<1x128xi32, #tpu.memory_space<vmem>> -> memref<128xi32, #tpu.memory_space<vmem>>
      %dma_start3A_943 = arith.constant 0 : i32
      %dma_start3A_944 = tpu.memref_slice %arg5[%dma_start3A_943] : memref<1000000xf32, #tpu.memory_space<hbm>> -> memref<1000000xf32, #tpu.memory_space<hbm>>
      tpu.enqueue_indirect_dma source(%dma_start3A_944 : memref<1000000xf32, #tpu.memory_space<hbm>>) target(%dma_start3A_939 : memref<128xf32, #tpu.memory_space<vmem>>) offsets(%dma_start3A_942 : memref<128xi32, #tpu.memory_space<vmem>>) semaphore(%arg17 : memref<!tpu.dma_semaphore, #tpu.memory_space<semaphore_mem>>)
      %dma_start3A_945 = arith.constant 4864 : i32
      %dma_start3A_946 = tpu.memref_slice %arg15[%dma_start3A_945] : memref<5120xf32, #tpu.memory_space<vmem>> -> memref<128xf32, #tpu.memory_space<vmem>>
      %dma_start3A_947 = arith.constant 0 : i32
      %dma_start3A_948 = tpu.memref_slice %arg13[%add3A_916, %dma_start3A_947] : memref<256x128xi32, #tpu.memory_space<vmem>> -> memref<1x128xi32, #tpu.memory_space<vmem>>
      %dma_start3A_949 = tpu.memref_squeeze %dma_start3A_948 : memref<1x128xi32, #tpu.memory_space<vmem>> -> memref<128xi32, #tpu.memory_space<vmem>>
      %dma_start3A_950 = arith.constant 0 : i32
      %dma_start3A_951 = tpu.memref_slice %arg6[%dma_start3A_950] : memref<1000000xf32, #tpu.memory_space<hbm>> -> memref<1000000xf32, #tpu.memory_space<hbm>>
      tpu.enqueue_indirect_dma source(%dma_start3A_951 : memref<1000000xf32, #tpu.memory_space<hbm>>) target(%dma_start3A_946 : memref<128xf32, #tpu.memory_space<vmem>>) offsets(%dma_start3A_949 : memref<128xi32, #tpu.memory_space<vmem>>) semaphore(%arg17 : memref<!tpu.dma_semaphore, #tpu.memory_space<semaphore_mem>>)
      %mul3A_952 = arith.constant 8 : i32
      %mul3A_953 = arith.muli %add3A_678, %mul3A_952 : i32
      %add3A_954 = arith.constant 7 : i32
      %add3A_955 = arith.addi %mul3A_953, %add3A_954 : i32
      %dma_start3A_956 = arith.constant 896 : i32
      %dma_start3A_957 = tpu.memref_slice %arg15[%dma_start3A_956] : memref<5120xf32, #tpu.memory_space<vmem>> -> memref<128xf32, #tpu.memory_space<vmem>>
      %dma_start3A_958 = arith.constant 0 : i32
      %dma_start3A_959 = tpu.memref_slice %arg13[%add3A_955, %dma_start3A_958] : memref<256x128xi32, #tpu.memory_space<vmem>> -> memref<1x128xi32, #tpu.memory_space<vmem>>
      %dma_start3A_960 = tpu.memref_squeeze %dma_start3A_959 : memref<1x128xi32, #tpu.memory_space<vmem>> -> memref<128xi32, #tpu.memory_space<vmem>>
      %dma_start3A_961 = arith.constant 0 : i32
      %dma_start3A_962 = tpu.memref_slice %arg2[%dma_start3A_961] : memref<1000000xf32, #tpu.memory_space<hbm>> -> memref<1000000xf32, #tpu.memory_space<hbm>>
      tpu.enqueue_indirect_dma source(%dma_start3A_962 : memref<1000000xf32, #tpu.memory_space<hbm>>) target(%dma_start3A_957 : memref<128xf32, #tpu.memory_space<vmem>>) offsets(%dma_start3A_960 : memref<128xi32, #tpu.memory_space<vmem>>) semaphore(%arg17 : memref<!tpu.dma_semaphore, #tpu.memory_space<semaphore_mem>>)
      %dma_start3A_963 = arith.constant 1920 : i32
      %dma_start3A_964 = tpu.memref_slice %arg15[%dma_start3A_963] : memref<5120xf32, #tpu.memory_space<vmem>> -> memref<128xf32, #tpu.memory_space<vmem>>
      %dma_start3A_965 = arith.constant 0 : i32
      %dma_start3A_966 = tpu.memref_slice %arg13[%add3A_955, %dma_start3A_965] : memref<256x128xi32, #tpu.memory_space<vmem>> -> memref<1x128xi32, #tpu.memory_space<vmem>>
      %dma_start3A_967 = tpu.memref_squeeze %dma_start3A_966 : memref<1x128xi32, #tpu.memory_space<vmem>> -> memref<128xi32, #tpu.memory_space<vmem>>
      %dma_start3A_968 = arith.constant 0 : i32
      %dma_start3A_969 = tpu.memref_slice %arg3[%dma_start3A_968] : memref<1000000xf32, #tpu.memory_space<hbm>> -> memref<1000000xf32, #tpu.memory_space<hbm>>
      tpu.enqueue_indirect_dma source(%dma_start3A_969 : memref<1000000xf32, #tpu.memory_space<hbm>>) target(%dma_start3A_964 : memref<128xf32, #tpu.memory_space<vmem>>) offsets(%dma_start3A_967 : memref<128xi32, #tpu.memory_space<vmem>>) semaphore(%arg17 : memref<!tpu.dma_semaphore, #tpu.memory_space<semaphore_mem>>)
      %dma_start3A_970 = arith.constant 2944 : i32
      %dma_start3A_971 = tpu.memref_slice %arg15[%dma_start3A_970] : memref<5120xf32, #tpu.memory_space<vmem>> -> memref<128xf32, #tpu.memory_space<vmem>>
      %dma_start3A_972 = arith.constant 0 : i32
      %dma_start3A_973 = tpu.memref_slice %arg13[%add3A_955, %dma_start3A_972] : memref<256x128xi32, #tpu.memory_space<vmem>> -> memref<1x128xi32, #tpu.memory_space<vmem>>
      %dma_start3A_974 = tpu.memref_squeeze %dma_start3A_973 : memref<1x128xi32, #tpu.memory_space<vmem>> -> memref<128xi32, #tpu.memory_space<vmem>>
      %dma_start3A_975 = arith.constant 0 : i32
      %dma_start3A_976 = tpu.memref_slice %arg4[%dma_start3A_975] : memref<1000000xf32, #tpu.memory_space<hbm>> -> memref<1000000xf32, #tpu.memory_space<hbm>>
      tpu.enqueue_indirect_dma source(%dma_start3A_976 : memref<1000000xf32, #tpu.memory_space<hbm>>) target(%dma_start3A_971 : memref<128xf32, #tpu.memory_space<vmem>>) offsets(%dma_start3A_974 : memref<128xi32, #tpu.memory_space<vmem>>) semaphore(%arg17 : memref<!tpu.dma_semaphore, #tpu.memory_space<semaphore_mem>>)
      %dma_start3A_977 = arith.constant 3968 : i32
      %dma_start3A_978 = tpu.memref_slice %arg15[%dma_start3A_977] : memref<5120xf32, #tpu.memory_space<vmem>> -> memref<128xf32, #tpu.memory_space<vmem>>
      %dma_start3A_979 = arith.constant 0 : i32
      %dma_start3A_980 = tpu.memref_slice %arg13[%add3A_955, %dma_start3A_979] : memref<256x128xi32, #tpu.memory_space<vmem>> -> memref<1x128xi32, #tpu.memory_space<vmem>>
      %dma_start3A_981 = tpu.memref_squeeze %dma_start3A_980 : memref<1x128xi32, #tpu.memory_space<vmem>> -> memref<128xi32, #tpu.memory_space<vmem>>
      %dma_start3A_982 = arith.constant 0 : i32
      %dma_start3A_983 = tpu.memref_slice %arg5[%dma_start3A_982] : memref<1000000xf32, #tpu.memory_space<hbm>> -> memref<1000000xf32, #tpu.memory_space<hbm>>
      tpu.enqueue_indirect_dma source(%dma_start3A_983 : memref<1000000xf32, #tpu.memory_space<hbm>>) target(%dma_start3A_978 : memref<128xf32, #tpu.memory_space<vmem>>) offsets(%dma_start3A_981 : memref<128xi32, #tpu.memory_space<vmem>>) semaphore(%arg17 : memref<!tpu.dma_semaphore, #tpu.memory_space<semaphore_mem>>)
      %dma_start3A_984 = arith.constant 4992 : i32
      %dma_start3A_985 = tpu.memref_slice %arg15[%dma_start3A_984] : memref<5120xf32, #tpu.memory_space<vmem>> -> memref<128xf32, #tpu.memory_space<vmem>>
      %dma_start3A_986 = arith.constant 0 : i32
      %dma_start3A_987 = tpu.memref_slice %arg13[%add3A_955, %dma_start3A_986] : memref<256x128xi32, #tpu.memory_space<vmem>> -> memref<1x128xi32, #tpu.memory_space<vmem>>
      %dma_start3A_988 = tpu.memref_squeeze %dma_start3A_987 : memref<1x128xi32, #tpu.memory_space<vmem>> -> memref<128xi32, #tpu.memory_space<vmem>>
      %dma_start3A_989 = arith.constant 0 : i32
      %dma_start3A_990 = tpu.memref_slice %arg6[%dma_start3A_989] : memref<1000000xf32, #tpu.memory_space<hbm>> -> memref<1000000xf32, #tpu.memory_space<hbm>>
      tpu.enqueue_indirect_dma source(%dma_start3A_990 : memref<1000000xf32, #tpu.memory_space<hbm>>) target(%dma_start3A_985 : memref<128xf32, #tpu.memory_space<vmem>>) offsets(%dma_start3A_988 : memref<128xi32, #tpu.memory_space<vmem>>) semaphore(%arg17 : memref<!tpu.dma_semaphore, #tpu.memory_space<semaphore_mem>>)
      %dma_wait3A_991 = arith.constant 0 : i32
      %dma_wait3A_992 = tpu.memref_slice %arg2[%dma_wait3A_991] : memref<1000000xf32, #tpu.memory_space<hbm>> -> memref<5120xf32, #tpu.memory_space<hbm>>
      %dma_wait3A_993 = arith.constant 0 : i32
      %dma_wait3A_994 = tpu.memref_slice %arg2[%dma_wait3A_993] : memref<1000000xf32, #tpu.memory_space<hbm>> -> memref<5120xf32, #tpu.memory_space<hbm>>
      tpu.wait_dma2 semaphore(%arg16 : memref<!tpu.dma_semaphore, #tpu.memory_space<semaphore_mem>>) src(%dma_wait3A_994 : memref<5120xf32, #tpu.memory_space<hbm>>) dst(%arg14 : memref<5120xf32, #tpu.memory_space<vmem>>)
      %scan3A_995 = arith.constant 0 : i32
      %scan3A_996 = arith.constant 0 : i32
      %scan3A_997 = arith.constant 64 : i32
      %scan3A_998 = arith.addi %scan3A_996, %scan3A_997 : i32
      %scan3A_999 = arith.constant 1 : i32
      scf.for %scan3A_1337 = %scan3A_996 to %scan3A_998 step %scan3A_999  : i32 {
        %mul3A_1338 = arith.constant 16 : i32
        %mul3A_1339 = arith.muli %scan3A_1337, %mul3A_1338 : i32
        %add3A_1340 = arith.constant 2048 : i32
        %add3A_1341 = arith.addi %add3A_1340, %mul3A_1339 : i32
        %get3A = arith.index_cast %add3A_1341 : i32 to index
        %get3A_1342 = tpu.vector_load %arg14[%get3A] {strides = array<i32>} : memref<5120xf32, #tpu.memory_space<vmem>>, vector<16xf32>,
        %mul3A_1343 = arith.constant 16 : i32
        %mul3A_1344 = arith.muli %scan3A_1337, %mul3A_1343 : i32
        %add3A_1345 = arith.constant 3072 : i32
        %add3A_1346 = arith.addi %add3A_1345, %mul3A_1344 : i32
        %get3A_1347 = arith.index_cast %add3A_1346 : i32 to index
        %get3A_1348 = tpu.vector_load %arg14[%get3A_1347] {strides = array<i32>} : memref<5120xf32, #tpu.memory_space<vmem>>, vector<16xf32>,
        %mul3A_1349 = arith.constant 16 : i32
        %mul3A_1350 = arith.muli %scan3A_1337, %mul3A_1349 : i32
        %add3A_1351 = arith.constant 4096 : i32
        %add3A_1352 = arith.addi %add3A_1351, %mul3A_1350 : i32
        %get3A_1353 = arith.index_cast %add3A_1352 : i32 to index
        %get3A_1354 = tpu.vector_load %arg14[%get3A_1353] {strides = array<i32>} : memref<5120xf32, #tpu.memory_space<vmem>>, vector<16xf32>,
        %mul3A_1355 = arith.mulf %get3A_1342, %get3A_1342 : vector<16xf32>
        %mul3A_1356 = arith.mulf %get3A_1348, %get3A_1348 : vector<16xf32>
        %add3A_1357 = arith.addf %mul3A_1355, %mul3A_1356 : vector<16xf32>
        %mul3A_1358 = arith.mulf %get3A_1354, %get3A_1354 : vector<16xf32>
        %add3A_1359 = arith.addf %add3A_1357, %mul3A_1358 : vector<16xf32>
        %bitcast3A = vector.bitcast %add3A_1359 : vector<16xf32> to vector<16xi32>
        %shift_right_logical3A = arith.constant 1 : i32
        %shift_right_logical3A_1360 = vector.broadcast %shift_right_logical3A : i32 to vector<16xi32>
        %shift_right_logical3A_1361 = arith.shrui %bitcast3A, %shift_right_logical3A_1360 : vector<16xi32>
        %sub3A = arith.constant 1597463007 : i32
        %sub3A_1362 = vector.broadcast %sub3A : i32 to vector<16xi32>
        %sub3A_1363 = arith.subi %sub3A_1362, %shift_right_logical3A_1361 : vector<16xi32>
        %bitcast3A_1364 = vector.bitcast %sub3A_1363 : vector<16xi32> to vector<16xf32>
        %mul3A_1365 = arith.constant 5.000000e-01 : f32
        %mul3A_1366 = vector.broadcast %mul3A_1365 : f32 to vector<16xf32>
        %mul3A_1367 = arith.mulf %mul3A_1366, %add3A_1359 : vector<16xf32>
        %mul3A_1368 = arith.mulf %mul3A_1367, %bitcast3A_1364 : vector<16xf32>
        %mul3A_1369 = arith.mulf %mul3A_1368, %bitcast3A_1364 : vector<16xf32>
        %sub3A_1370 = arith.constant 1.500000e+00 : f32
        %sub3A_1371 = vector.broadcast %sub3A_1370 : f32 to vector<16xf32>
        %sub3A_1372 = arith.subf %sub3A_1371, %mul3A_1369 : vector<16xf32>
        %mul3A_1373 = arith.mulf %bitcast3A_1364, %sub3A_1372 : vector<16xf32>
        %mul3A_1374 = arith.mulf %mul3A_1367, %mul3A_1373 : vector<16xf32>
        %mul3A_1375 = arith.mulf %mul3A_1374, %mul3A_1373 : vector<16xf32>
        %sub3A_1376 = arith.constant 1.500000e+00 : f32
        %sub3A_1377 = vector.broadcast %sub3A_1376 : f32 to vector<16xf32>
        %sub3A_1378 = arith.subf %sub3A_1377, %mul3A_1375 : vector<16xf32>
        %mul3A_1379 = arith.mulf %mul3A_1373, %sub3A_1378 : vector<16xf32>
        %mul3A_1380 = arith.mulf %mul3A_1367, %mul3A_1379 : vector<16xf32>
        %mul3A_1381 = arith.mulf %mul3A_1380, %mul3A_1379 : vector<16xf32>
        %sub3A_1382 = arith.constant 1.500000e+00 : f32
        %sub3A_1383 = vector.broadcast %sub3A_1382 : f32 to vector<16xf32>
        %sub3A_1384 = arith.subf %sub3A_1383, %mul3A_1381 : vector<16xf32>
        %mul3A_1385 = arith.mulf %mul3A_1379, %sub3A_1384 : vector<16xf32>
        %mul3A_1386 = arith.mulf %get3A_1342, %mul3A_1385 : vector<16xf32>
        %mul3A_1387 = arith.constant 16 : i32
        %mul3A_1388 = arith.muli %scan3A_1337, %mul3A_1387 : i32
        %add3A_1389 = arith.constant 2048 : i32
        %add3A_1390 = arith.addi %add3A_1389, %mul3A_1388 : i32
        %swap3A = arith.index_cast %add3A_1390 : i32 to index
        %swap3A_1391 = tpu.vector_load %arg14[%swap3A] {strides = array<i32>} : memref<5120xf32, #tpu.memory_space<vmem>>, vector<16xf32>,
        tpu.vector_store %arg14[%swap3A], %mul3A_1386 {strides = array<i32>} : memref<5120xf32, #tpu.memory_space<vmem>>, vector<16xf32>,
        %mul3A_1392 = arith.mulf %get3A_1348, %mul3A_1385 : vector<16xf32>
        %mul3A_1393 = arith.constant 16 : i32
        %mul3A_1394 = arith.muli %scan3A_1337, %mul3A_1393 : i32
        %add3A_1395 = arith.constant 3072 : i32
        %add3A_1396 = arith.addi %add3A_1395, %mul3A_1394 : i32
        %swap3A_1397 = arith.index_cast %add3A_1396 : i32 to index
        %swap3A_1398 = tpu.vector_load %arg14[%swap3A_1397] {strides = array<i32>} : memref<5120xf32, #tpu.memory_space<vmem>>, vector<16xf32>,
        tpu.vector_store %arg14[%swap3A_1397], %mul3A_1392 {strides = array<i32>} : memref<5120xf32, #tpu.memory_space<vmem>>, vector<16xf32>,
        %mul3A_1399 = arith.mulf %get3A_1354, %mul3A_1385 : vector<16xf32>
        %mul3A_1400 = arith.constant 16 : i32
        %mul3A_1401 = arith.muli %scan3A_1337, %mul3A_1400 : i32
        %add3A_1402 = arith.constant 4096 : i32
        %add3A_1403 = arith.addi %add3A_1402, %mul3A_1401 : i32
        %swap3A_1404 = arith.index_cast %add3A_1403 : i32 to index
        %swap3A_1405 = tpu.vector_load %arg14[%swap3A_1404] {strides = array<i32>} : memref<5120xf32, #tpu.memory_space<vmem>>, vector<16xf32>,
        tpu.vector_store %arg14[%swap3A_1404], %mul3A_1399 {strides = array<i32>} : memref<5120xf32, #tpu.memory_space<vmem>>, vector<16xf32>,
      }
      %scan3A_1000 = arith.constant 64 : i32
      %mul3A_1001 = arith.constant 32768 : i32
      %mul3A_1002 = arith.muli %add3A, %mul3A_1001 : i32
      %mul3A_1003 = arith.constant 1024 : i32
      %mul3A_1004 = arith.muli %mul3A_676, %mul3A_1003 : i32
      %add3A_1005 = arith.addi %mul3A_1002, %mul3A_1004 : i32
      "tpu.region"() ({
        %run_scoped3A = tpu.sem_alloc : memref<!tpu.dma_semaphore, #tpu.memory_space<semaphore_mem>>
        %dma_start3A_1337 = arith.constant 0 : i32
        %dma_start3A_1338 = tpu.memref_slice %arg14[%dma_start3A_1337] : memref<5120xf32, #tpu.memory_space<vmem>> -> memref<1024xf32, #tpu.memory_space<vmem>>
        %dma_start3A_1339 = tpu.memref_slice %arg8[%add3A_1005] : memref<1048576xf32, #tpu.memory_space<hbm>> -> memref<1024xf32, #tpu.memory_space<hbm>>
        %dma_start3A_1340 = tpu.memref_slice %arg8[%add3A_1005] : memref<1048576xf32, #tpu.memory_space<hbm>> -> memref<1024xf32, #tpu.memory_space<hbm>>
        %dma_start3A_1341 = arith.constant 0 : i32
        %dma_start3A_1342 = tpu.memref_slice %arg14[%dma_start3A_1341] : memref<5120xf32, #tpu.memory_space<vmem>> -> memref<1024xf32, #tpu.memory_space<vmem>>
        tpu.enqueue_dma source(%dma_start3A_1342 : memref<1024xf32, #tpu.memory_space<vmem>>) target(%dma_start3A_1340 : memref<1024xf32, #tpu.memory_space<hbm>>) target_semaphore(%run_scoped3A : memref<!tpu.dma_semaphore, #tpu.memory_space<semaphore_mem>>)
        %dma_wait3A_1343 = arith.constant 0 : i32
        %dma_wait3A_1344 = tpu.memref_slice %arg14[%dma_wait3A_1343] : memref<5120xf32, #tpu.memory_space<vmem>> -> memref<1024xf32, #tpu.memory_space<vmem>>
        %dma_wait3A_1345 = tpu.memref_slice %arg8[%add3A_1005] : memref<1048576xf32, #tpu.memory_space<hbm>> -> memref<1024xf32, #tpu.memory_space<hbm>>
        %dma_wait3A_1346 = tpu.memref_slice %arg8[%add3A_1005] : memref<1048576xf32, #tpu.memory_space<hbm>> -> memref<1024xf32, #tpu.memory_space<hbm>>
        %dma_wait3A_1347 = arith.constant 0 : i32
        %dma_wait3A_1348 = tpu.memref_slice %arg14[%dma_wait3A_1347] : memref<5120xf32, #tpu.memory_space<vmem>> -> memref<1024xf32, #tpu.memory_space<vmem>>
        tpu.wait_dma2 semaphore(%run_scoped3A : memref<!tpu.dma_semaphore, #tpu.memory_space<semaphore_mem>>) src(%dma_wait3A_1348 : memref<1024xf32, #tpu.memory_space<vmem>>) dst(%dma_wait3A_1346 : memref<1024xf32, #tpu.memory_space<hbm>>)
        tpu.yield
      }) : () -> ()
      "tpu.region"() ({
        %run_scoped3A = tpu.sem_alloc : memref<!tpu.dma_semaphore, #tpu.memory_space<semaphore_mem>>
        %dma_start3A_1337 = arith.constant 1024 : i32
        %dma_start3A_1338 = tpu.memref_slice %arg14[%dma_start3A_1337] : memref<5120xf32, #tpu.memory_space<vmem>> -> memref<1024xf32, #tpu.memory_space<vmem>>
        %dma_start3A_1339 = tpu.memref_slice %arg9[%add3A_1005] : memref<1048576xf32, #tpu.memory_space<hbm>> -> memref<1024xf32, #tpu.memory_space<hbm>>
        %dma_start3A_1340 = tpu.memref_slice %arg9[%add3A_1005] : memref<1048576xf32, #tpu.memory_space<hbm>> -> memref<1024xf32, #tpu.memory_space<hbm>>
        %dma_start3A_1341 = arith.constant 1024 : i32
        %dma_start3A_1342 = tpu.memref_slice %arg14[%dma_start3A_1341] : memref<5120xf32, #tpu.memory_space<vmem>> -> memref<1024xf32, #tpu.memory_space<vmem>>
        tpu.enqueue_dma source(%dma_start3A_1342 : memref<1024xf32, #tpu.memory_space<vmem>>) target(%dma_start3A_1340 : memref<1024xf32, #tpu.memory_space<hbm>>) target_semaphore(%run_scoped3A : memref<!tpu.dma_semaphore, #tpu.memory_space<semaphore_mem>>)
        %dma_wait3A_1343 = arith.constant 1024 : i32
        %dma_wait3A_1344 = tpu.memref_slice %arg14[%dma_wait3A_1343] : memref<5120xf32, #tpu.memory_space<vmem>> -> memref<1024xf32, #tpu.memory_space<vmem>>
        %dma_wait3A_1345 = tpu.memref_slice %arg9[%add3A_1005] : memref<1048576xf32, #tpu.memory_space<hbm>> -> memref<1024xf32, #tpu.memory_space<hbm>>
        %dma_wait3A_1346 = tpu.memref_slice %arg9[%add3A_1005] : memref<1048576xf32, #tpu.memory_space<hbm>> -> memref<1024xf32, #tpu.memory_space<hbm>>
        %dma_wait3A_1347 = arith.constant 1024 : i32
        %dma_wait3A_1348 = tpu.memref_slice %arg14[%dma_wait3A_1347] : memref<5120xf32, #tpu.memory_space<vmem>> -> memref<1024xf32, #tpu.memory_space<vmem>>
        tpu.wait_dma2 semaphore(%run_scoped3A : memref<!tpu.dma_semaphore, #tpu.memory_space<semaphore_mem>>) src(%dma_wait3A_1348 : memref<1024xf32, #tpu.memory_space<vmem>>) dst(%dma_wait3A_1346 : memref<1024xf32, #tpu.memory_space<hbm>>)
        tpu.yield
      }) : () -> ()
      "tpu.region"() ({
        %run_scoped3A = tpu.sem_alloc : memref<!tpu.dma_semaphore, #tpu.memory_space<semaphore_mem>>
        %dma_start3A_1337 = arith.constant 2048 : i32
        %dma_start3A_1338 = tpu.memref_slice %arg14[%dma_start3A_1337] : memref<5120xf32, #tpu.memory_space<vmem>> -> memref<1024xf32, #tpu.memory_space<vmem>>
        %dma_start3A_1339 = tpu.memref_slice %arg10[%add3A_1005] : memref<1048576xf32, #tpu.memory_space<hbm>> -> memref<1024xf32, #tpu.memory_space<hbm>>
        %dma_start3A_1340 = tpu.memref_slice %arg10[%add3A_1005] : memref<1048576xf32, #tpu.memory_space<hbm>> -> memref<1024xf32, #tpu.memory_space<hbm>>
        %dma_start3A_1341 = arith.constant 2048 : i32
        %dma_start3A_1342 = tpu.memref_slice %arg14[%dma_start3A_1341] : memref<5120xf32, #tpu.memory_space<vmem>> -> memref<1024xf32, #tpu.memory_space<vmem>>
        tpu.enqueue_dma source(%dma_start3A_1342 : memref<1024xf32, #tpu.memory_space<vmem>>) target(%dma_start3A_1340 : memref<1024xf32, #tpu.memory_space<hbm>>) target_semaphore(%run_scoped3A : memref<!tpu.dma_semaphore, #tpu.memory_space<semaphore_mem>>)
        %dma_wait3A_1343 = arith.constant 2048 : i32
        %dma_wait3A_1344 = tpu.memref_slice %arg14[%dma_wait3A_1343] : memref<5120xf32, #tpu.memory_space<vmem>> -> memref<1024xf32, #tpu.memory_space<vmem>>
        %dma_wait3A_1345 = tpu.memref_slice %arg10[%add3A_1005] : memref<1048576xf32, #tpu.memory_space<hbm>> -> memref<1024xf32, #tpu.memory_space<hbm>>
        %dma_wait3A_1346 = tpu.memref_slice %arg10[%add3A_1005] : memref<1048576xf32, #tpu.memory_space<hbm>> -> memref<1024xf32, #tpu.memory_space<hbm>>
        %dma_wait3A_1347 = arith.constant 2048 : i32
        %dma_wait3A_1348 = tpu.memref_slice %arg14[%dma_wait3A_1347] : memref<5120xf32, #tpu.memory_space<vmem>> -> memref<1024xf32, #tpu.memory_space<vmem>>
        tpu.wait_dma2 semaphore(%run_scoped3A : memref<!tpu.dma_semaphore, #tpu.memory_space<semaphore_mem>>) src(%dma_wait3A_1348 : memref<1024xf32, #tpu.memory_space<vmem>>) dst(%dma_wait3A_1346 : memref<1024xf32, #tpu.memory_space<hbm>>)
        tpu.yield
      }) : () -> ()
      "tpu.region"() ({
        %run_scoped3A = tpu.sem_alloc : memref<!tpu.dma_semaphore, #tpu.memory_space<semaphore_mem>>
        %dma_start3A_1337 = arith.constant 3072 : i32
        %dma_start3A_1338 = tpu.memref_slice %arg14[%dma_start3A_1337] : memref<5120xf32, #tpu.memory_space<vmem>> -> memref<1024xf32, #tpu.memory_space<vmem>>
        %dma_start3A_1339 = tpu.memref_slice %arg11[%add3A_1005] : memref<1048576xf32, #tpu.memory_space<hbm>> -> memref<1024xf32, #tpu.memory_space<hbm>>
        %dma_start3A_1340 = tpu.memref_slice %arg11[%add3A_1005] : memref<1048576xf32, #tpu.memory_space<hbm>> -> memref<1024xf32, #tpu.memory_space<hbm>>
        %dma_start3A_1341 = arith.constant 3072 : i32
        %dma_start3A_1342 = tpu.memref_slice %arg14[%dma_start3A_1341] : memref<5120xf32, #tpu.memory_space<vmem>> -> memref<1024xf32, #tpu.memory_space<vmem>>
        tpu.enqueue_dma source(%dma_start3A_1342 : memref<1024xf32, #tpu.memory_space<vmem>>) target(%dma_start3A_1340 : memref<1024xf32, #tpu.memory_space<hbm>>) target_semaphore(%run_scoped3A : memref<!tpu.dma_semaphore, #tpu.memory_space<semaphore_mem>>)
        %dma_wait3A_1343 = arith.constant 3072 : i32
        %dma_wait3A_1344 = tpu.memref_slice %arg14[%dma_wait3A_1343] : memref<5120xf32, #tpu.memory_space<vmem>> -> memref<1024xf32, #tpu.memory_space<vmem>>
        %dma_wait3A_1345 = tpu.memref_slice %arg11[%add3A_1005] : memref<1048576xf32, #tpu.memory_space<hbm>> -> memref<1024xf32, #tpu.memory_space<hbm>>
        %dma_wait3A_1346 = tpu.memref_slice %arg11[%add3A_1005] : memref<1048576xf32, #tpu.memory_space<hbm>> -> memref<1024xf32, #tpu.memory_space<hbm>>
        %dma_wait3A_1347 = arith.constant 3072 : i32
        %dma_wait3A_1348 = tpu.memref_slice %arg14[%dma_wait3A_1347] : memref<5120xf32, #tpu.memory_space<vmem>> -> memref<1024xf32, #tpu.memory_space<vmem>>
        tpu.wait_dma2 semaphore(%run_scoped3A : memref<!tpu.dma_semaphore, #tpu.memory_space<semaphore_mem>>) src(%dma_wait3A_1348 : memref<1024xf32, #tpu.memory_space<vmem>>) dst(%dma_wait3A_1346 : memref<1024xf32, #tpu.memory_space<hbm>>)
        tpu.yield
      }) : () -> ()
      "tpu.region"() ({
        %run_scoped3A = tpu.sem_alloc : memref<!tpu.dma_semaphore, #tpu.memory_space<semaphore_mem>>
        %dma_start3A_1337 = arith.constant 4096 : i32
        %dma_start3A_1338 = tpu.memref_slice %arg14[%dma_start3A_1337] : memref<5120xf32, #tpu.memory_space<vmem>> -> memref<1024xf32, #tpu.memory_space<vmem>>
        %dma_start3A_1339 = tpu.memref_slice %arg12[%add3A_1005] : memref<1048576xf32, #tpu.memory_space<hbm>> -> memref<1024xf32, #tpu.memory_space<hbm>>
        %dma_start3A_1340 = tpu.memref_slice %arg12[%add3A_1005] : memref<1048576xf32, #tpu.memory_space<hbm>> -> memref<1024xf32, #tpu.memory_space<hbm>>
        %dma_start3A_1341 = arith.constant 4096 : i32
        %dma_start3A_1342 = tpu.memref_slice %arg14[%dma_start3A_1341] : memref<5120xf32, #tpu.memory_space<vmem>> -> memref<1024xf32, #tpu.memory_space<vmem>>
        tpu.enqueue_dma source(%dma_start3A_1342 : memref<1024xf32, #tpu.memory_space<vmem>>) target(%dma_start3A_1340 : memref<1024xf32, #tpu.memory_space<hbm>>) target_semaphore(%run_scoped3A : memref<!tpu.dma_semaphore, #tpu.memory_space<semaphore_mem>>)
        %dma_wait3A_1343 = arith.constant 4096 : i32
        %dma_wait3A_1344 = tpu.memref_slice %arg14[%dma_wait3A_1343] : memref<5120xf32, #tpu.memory_space<vmem>> -> memref<1024xf32, #tpu.memory_space<vmem>>
        %dma_wait3A_1345 = tpu.memref_slice %arg12[%add3A_1005] : memref<1048576xf32, #tpu.memory_space<hbm>> -> memref<1024xf32, #tpu.memory_space<hbm>>
        %dma_wait3A_1346 = tpu.memref_slice %arg12[%add3A_1005] : memref<1048576xf32, #tpu.memory_space<hbm>> -> memref<1024xf32, #tpu.memory_space<hbm>>
        %dma_wait3A_1347 = arith.constant 4096 : i32
        %dma_wait3A_1348 = tpu.memref_slice %arg14[%dma_wait3A_1347] : memref<5120xf32, #tpu.memory_space<vmem>> -> memref<1024xf32, #tpu.memory_space<vmem>>
        tpu.wait_dma2 semaphore(%run_scoped3A : memref<!tpu.dma_semaphore, #tpu.memory_space<semaphore_mem>>) src(%dma_wait3A_1348 : memref<1024xf32, #tpu.memory_space<vmem>>) dst(%dma_wait3A_1346 : memref<1024xf32, #tpu.memory_space<hbm>>)
        tpu.yield
      }) : () -> ()
      %add3A_1006 = arith.constant 2 : i32
      %add3A_1007 = arith.addi %mul3A_676, %add3A_1006 : i32
      %mul3A_1008 = arith.constant 8 : i32
      %mul3A_1009 = arith.muli %add3A_1007, %mul3A_1008 : i32
      %add3A_1010 = arith.constant 0 : i32
      %add3A_1011 = arith.addi %mul3A_1009, %add3A_1010 : i32
      %dma_start3A_1012 = arith.constant 0 : i32
      %dma_start3A_1013 = tpu.memref_slice %arg14[%dma_start3A_1012] : memref<5120xf32, #tpu.memory_space<vmem>> -> memref<128xf32, #tpu.memory_space<vmem>>
      %dma_start3A_1014 = arith.constant 0 : i32
      %dma_start3A_1015 = tpu.memref_slice %arg13[%add3A_1011, %dma_start3A_1014] : memref<256x128xi32, #tpu.memory_space<vmem>> -> memref<1x128xi32, #tpu.memory_space<vmem>>
      %dma_start3A_1016 = tpu.memref_squeeze %dma_start3A_1015 : memref<1x128xi32, #tpu.memory_space<vmem>> -> memref<128xi32, #tpu.memory_space<vmem>>
      %dma_start3A_1017 = arith.constant 0 : i32
      %dma_start3A_1018 = tpu.memref_slice %arg2[%dma_start3A_1017] : memref<1000000xf32, #tpu.memory_space<hbm>> -> memref<1000000xf32, #tpu.memory_space<hbm>>
      tpu.enqueue_indirect_dma source(%dma_start3A_1018 : memref<1000000xf32, #tpu.memory_space<hbm>>) target(%dma_start3A_1013 : memref<128xf32, #tpu.memory_space<vmem>>) offsets(%dma_start3A_1016 : memref<128xi32, #tpu.memory_space<vmem>>) semaphore(%arg16 : memref<!tpu.dma_semaphore, #tpu.memory_space<semaphore_mem>>)
      %dma_start3A_1019 = arith.constant 1024 : i32
      %dma_start3A_1020 = tpu.memref_slice %arg14[%dma_start3A_1019] : memref<5120xf32, #tpu.memory_space<vmem>> -> memref<128xf32, #tpu.memory_space<vmem>>
      %dma_start3A_1021 = arith.constant 0 : i32
      %dma_start3A_1022 = tpu.memref_slice %arg13[%add3A_1011, %dma_start3A_1021] : memref<256x128xi32, #tpu.memory_space<vmem>> -> memref<1x128xi32, #tpu.memory_space<vmem>>
      %dma_start3A_1023 = tpu.memref_squeeze %dma_start3A_1022 : memref<1x128xi32, #tpu.memory_space<vmem>> -> memref<128xi32, #tpu.memory_space<vmem>>
      %dma_start3A_1024 = arith.constant 0 : i32
      %dma_start3A_1025 = tpu.memref_slice %arg3[%dma_start3A_1024] : memref<1000000xf32, #tpu.memory_space<hbm>> -> memref<1000000xf32, #tpu.memory_space<hbm>>
      tpu.enqueue_indirect_dma source(%dma_start3A_1025 : memref<1000000xf32, #tpu.memory_space<hbm>>) target(%dma_start3A_1020 : memref<128xf32, #tpu.memory_space<vmem>>) offsets(%dma_start3A_1023 : memref<128xi32, #tpu.memory_space<vmem>>) semaphore(%arg16 : memref<!tpu.dma_semaphore, #tpu.memory_space<semaphore_mem>>)
      %dma_start3A_1026 = arith.constant 2048 : i32
      %dma_start3A_1027 = tpu.memref_slice %arg14[%dma_start3A_1026] : memref<5120xf32, #tpu.memory_space<vmem>> -> memref<128xf32, #tpu.memory_space<vmem>>
      %dma_start3A_1028 = arith.constant 0 : i32
      %dma_start3A_1029 = tpu.memref_slice %arg13[%add3A_1011, %dma_start3A_1028] : memref<256x128xi32, #tpu.memory_space<vmem>> -> memref<1x128xi32, #tpu.memory_space<vmem>>
      %dma_start3A_1030 = tpu.memref_squeeze %dma_start3A_1029 : memref<1x128xi32, #tpu.memory_space<vmem>> -> memref<128xi32, #tpu.memory_space<vmem>>
      %dma_start3A_1031 = arith.constant 0 : i32
      %dma_start3A_1032 = tpu.memref_slice %arg4[%dma_start3A_1031] : memref<1000000xf32, #tpu.memory_space<hbm>> -> memref<1000000xf32, #tpu.memory_space<hbm>>
      tpu.enqueue_indirect_dma source(%dma_start3A_1032 : memref<1000000xf32, #tpu.memory_space<hbm>>) target(%dma_start3A_1027 : memref<128xf32, #tpu.memory_space<vmem>>) offsets(%dma_start3A_1030 : memref<128xi32, #tpu.memory_space<vmem>>) semaphore(%arg16 : memref<!tpu.dma_semaphore, #tpu.memory_space<semaphore_mem>>)
      %dma_start3A_1033 = arith.constant 3072 : i32
      %dma_start3A_1034 = tpu.memref_slice %arg14[%dma_start3A_1033] : memref<5120xf32, #tpu.memory_space<vmem>> -> memref<128xf32, #tpu.memory_space<vmem>>
      %dma_start3A_1035 = arith.constant 0 : i32
      %dma_start3A_1036 = tpu.memref_slice %arg13[%add3A_1011, %dma_start3A_1035] : memref<256x128xi32, #tpu.memory_space<vmem>> -> memref<1x128xi32, #tpu.memory_space<vmem>>
      %dma_start3A_1037 = tpu.memref_squeeze %dma_start3A_1036 : memref<1x128xi32, #tpu.memory_space<vmem>> -> memref<128xi32, #tpu.memory_space<vmem>>
      %dma_start3A_1038 = arith.constant 0 : i32
      %dma_start3A_1039 = tpu.memref_slice %arg5[%dma_start3A_1038] : memref<1000000xf32, #tpu.memory_space<hbm>> -> memref<1000000xf32, #tpu.memory_space<hbm>>
      tpu.enqueue_indirect_dma source(%dma_start3A_1039 : memref<1000000xf32, #tpu.memory_space<hbm>>) target(%dma_start3A_1034 : memref<128xf32, #tpu.memory_space<vmem>>) offsets(%dma_start3A_1037 : memref<128xi32, #tpu.memory_space<vmem>>) semaphore(%arg16 : memref<!tpu.dma_semaphore, #tpu.memory_space<semaphore_mem>>)
      %dma_start3A_1040 = arith.constant 4096 : i32
      %dma_start3A_1041 = tpu.memref_slice %arg14[%dma_start3A_1040] : memref<5120xf32, #tpu.memory_space<vmem>> -> memref<128xf32, #tpu.memory_space<vmem>>
      %dma_start3A_1042 = arith.constant 0 : i32
      %dma_start3A_1043 = tpu.memref_slice %arg13[%add3A_1011, %dma_start3A_1042] : memref<256x128xi32, #tpu.memory_space<vmem>> -> memref<1x128xi32, #tpu.memory_space<vmem>>
      %dma_start3A_1044 = tpu.memref_squeeze %dma_start3A_1043 : memref<1x128xi32, #tpu.memory_space<vmem>> -> memref<128xi32, #tpu.memory_space<vmem>>
      %dma_start3A_1045 = arith.constant 0 : i32
      %dma_start3A_1046 = tpu.memref_slice %arg6[%dma_start3A_1045] : memref<1000000xf32, #tpu.memory_space<hbm>> -> memref<1000000xf32, #tpu.memory_space<hbm>>
      tpu.enqueue_indirect_dma source(%dma_start3A_1046 : memref<1000000xf32, #tpu.memory_space<hbm>>) target(%dma_start3A_1041 : memref<128xf32, #tpu.memory_space<vmem>>) offsets(%dma_start3A_1044 : memref<128xi32, #tpu.memory_space<vmem>>) semaphore(%arg16 : memref<!tpu.dma_semaphore, #tpu.memory_space<semaphore_mem>>)
      %mul3A_1047 = arith.constant 8 : i32
      %mul3A_1048 = arith.muli %add3A_1007, %mul3A_1047 : i32
      %add3A_1049 = arith.constant 1 : i32
      %add3A_1050 = arith.addi %mul3A_1048, %add3A_1049 : i32
      %dma_start3A_1051 = arith.constant 128 : i32
      %dma_start3A_1052 = tpu.memref_slice %arg14[%dma_start3A_1051] : memref<5120xf32, #tpu.memory_space<vmem>> -> memref<128xf32, #tpu.memory_space<vmem>>
      %dma_start3A_1053 = arith.constant 0 : i32
      %dma_start3A_1054 = tpu.memref_slice %arg13[%add3A_1050, %dma_start3A_1053] : memref<256x128xi32, #tpu.memory_space<vmem>> -> memref<1x128xi32, #tpu.memory_space<vmem>>
      %dma_start3A_1055 = tpu.memref_squeeze %dma_start3A_1054 : memref<1x128xi32, #tpu.memory_space<vmem>> -> memref<128xi32, #tpu.memory_space<vmem>>
      %dma_start3A_1056 = arith.constant 0 : i32
      %dma_start3A_1057 = tpu.memref_slice %arg2[%dma_start3A_1056] : memref<1000000xf32, #tpu.memory_space<hbm>> -> memref<1000000xf32, #tpu.memory_space<hbm>>
      tpu.enqueue_indirect_dma source(%dma_start3A_1057 : memref<1000000xf32, #tpu.memory_space<hbm>>) target(%dma_start3A_1052 : memref<128xf32, #tpu.memory_space<vmem>>) offsets(%dma_start3A_1055 : memref<128xi32, #tpu.memory_space<vmem>>) semaphore(%arg16 : memref<!tpu.dma_semaphore, #tpu.memory_space<semaphore_mem>>)
      %dma_start3A_1058 = arith.constant 1152 : i32
      %dma_start3A_1059 = tpu.memref_slice %arg14[%dma_start3A_1058] : memref<5120xf32, #tpu.memory_space<vmem>> -> memref<128xf32, #tpu.memory_space<vmem>>
      %dma_start3A_1060 = arith.constant 0 : i32
      %dma_start3A_1061 = tpu.memref_slice %arg13[%add3A_1050, %dma_start3A_1060] : memref<256x128xi32, #tpu.memory_space<vmem>> -> memref<1x128xi32, #tpu.memory_space<vmem>>
      %dma_start3A_1062 = tpu.memref_squeeze %dma_start3A_1061 : memref<1x128xi32, #tpu.memory_space<vmem>> -> memref<128xi32, #tpu.memory_space<vmem>>
      %dma_start3A_1063 = arith.constant 0 : i32
      %dma_start3A_1064 = tpu.memref_slice %arg3[%dma_start3A_1063] : memref<1000000xf32, #tpu.memory_space<hbm>> -> memref<1000000xf32, #tpu.memory_space<hbm>>
      tpu.enqueue_indirect_dma source(%dma_start3A_1064 : memref<1000000xf32, #tpu.memory_space<hbm>>) target(%dma_start3A_1059 : memref<128xf32, #tpu.memory_space<vmem>>) offsets(%dma_start3A_1062 : memref<128xi32, #tpu.memory_space<vmem>>) semaphore(%arg16 : memref<!tpu.dma_semaphore, #tpu.memory_space<semaphore_mem>>)
      %dma_start3A_1065 = arith.constant 2176 : i32
      %dma_start3A_1066 = tpu.memref_slice %arg14[%dma_start3A_1065] : memref<5120xf32, #tpu.memory_space<vmem>> -> memref<128xf32, #tpu.memory_space<vmem>>
      %dma_start3A_1067 = arith.constant 0 : i32
      %dma_start3A_1068 = tpu.memref_slice %arg13[%add3A_1050, %dma_start3A_1067] : memref<256x128xi32, #tpu.memory_space<vmem>> -> memref<1x128xi32, #tpu.memory_space<vmem>>
      %dma_start3A_1069 = tpu.memref_squeeze %dma_start3A_1068 : memref<1x128xi32, #tpu.memory_space<vmem>> -> memref<128xi32, #tpu.memory_space<vmem>>
      %dma_start3A_1070 = arith.constant 0 : i32
      %dma_start3A_1071 = tpu.memref_slice %arg4[%dma_start3A_1070] : memref<1000000xf32, #tpu.memory_space<hbm>> -> memref<1000000xf32, #tpu.memory_space<hbm>>
      tpu.enqueue_indirect_dma source(%dma_start3A_1071 : memref<1000000xf32, #tpu.memory_space<hbm>>) target(%dma_start3A_1066 : memref<128xf32, #tpu.memory_space<vmem>>) offsets(%dma_start3A_1069 : memref<128xi32, #tpu.memory_space<vmem>>) semaphore(%arg16 : memref<!tpu.dma_semaphore, #tpu.memory_space<semaphore_mem>>)
      %dma_start3A_1072 = arith.constant 3200 : i32
      %dma_start3A_1073 = tpu.memref_slice %arg14[%dma_start3A_1072] : memref<5120xf32, #tpu.memory_space<vmem>> -> memref<128xf32, #tpu.memory_space<vmem>>
      %dma_start3A_1074 = arith.constant 0 : i32
      %dma_start3A_1075 = tpu.memref_slice %arg13[%add3A_1050, %dma_start3A_1074] : memref<256x128xi32, #tpu.memory_space<vmem>> -> memref<1x128xi32, #tpu.memory_space<vmem>>
      %dma_start3A_1076 = tpu.memref_squeeze %dma_start3A_1075 : memref<1x128xi32, #tpu.memory_space<vmem>> -> memref<128xi32, #tpu.memory_space<vmem>>
      %dma_start3A_1077 = arith.constant 0 : i32
      %dma_start3A_1078 = tpu.memref_slice %arg5[%dma_start3A_1077] : memref<1000000xf32, #tpu.memory_space<hbm>> -> memref<1000000xf32, #tpu.memory_space<hbm>>
      tpu.enqueue_indirect_dma source(%dma_start3A_1078 : memref<1000000xf32, #tpu.memory_space<hbm>>) target(%dma_start3A_1073 : memref<128xf32, #tpu.memory_space<vmem>>) offsets(%dma_start3A_1076 : memref<128xi32, #tpu.memory_space<vmem>>) semaphore(%arg16 : memref<!tpu.dma_semaphore, #tpu.memory_space<semaphore_mem>>)
      %dma_start3A_1079 = arith.constant 4224 : i32
      %dma_start3A_1080 = tpu.memref_slice %arg14[%dma_start3A_1079] : memref<5120xf32, #tpu.memory_space<vmem>> -> memref<128xf32, #tpu.memory_space<vmem>>
      %dma_start3A_1081 = arith.constant 0 : i32
      %dma_start3A_1082 = tpu.memref_slice %arg13[%add3A_1050, %dma_start3A_1081] : memref<256x128xi32, #tpu.memory_space<vmem>> -> memref<1x128xi32, #tpu.memory_space<vmem>>
      %dma_start3A_1083 = tpu.memref_squeeze %dma_start3A_1082 : memref<1x128xi32, #tpu.memory_space<vmem>> -> memref<128xi32, #tpu.memory_space<vmem>>
      %dma_start3A_1084 = arith.constant 0 : i32
      %dma_start3A_1085 = tpu.memref_slice %arg6[%dma_start3A_1084] : memref<1000000xf32, #tpu.memory_space<hbm>> -> memref<1000000xf32, #tpu.memory_space<hbm>>
      tpu.enqueue_indirect_dma source(%dma_start3A_1085 : memref<1000000xf32, #tpu.memory_space<hbm>>) target(%dma_start3A_1080 : memref<128xf32, #tpu.memory_space<vmem>>) offsets(%dma_start3A_1083 : memref<128xi32, #tpu.memory_space<vmem>>) semaphore(%arg16 : memref<!tpu.dma_semaphore, #tpu.memory_space<semaphore_mem>>)
      %mul3A_1086 = arith.constant 8 : i32
      %mul3A_1087 = arith.muli %add3A_1007, %mul3A_1086 : i32
      %add3A_1088 = arith.constant 2 : i32
      %add3A_1089 = arith.addi %mul3A_1087, %add3A_1088 : i32
      %dma_start3A_1090 = arith.constant 256 : i32
      %dma_start3A_1091 = tpu.memref_slice %arg14[%dma_start3A_1090] : memref<5120xf32, #tpu.memory_space<vmem>> -> memref<128xf32, #tpu.memory_space<vmem>>
      %dma_start3A_1092 = arith.constant 0 : i32
      %dma_start3A_1093 = tpu.memref_slice %arg13[%add3A_1089, %dma_start3A_1092] : memref<256x128xi32, #tpu.memory_space<vmem>> -> memref<1x128xi32, #tpu.memory_space<vmem>>
      %dma_start3A_1094 = tpu.memref_squeeze %dma_start3A_1093 : memref<1x128xi32, #tpu.memory_space<vmem>> -> memref<128xi32, #tpu.memory_space<vmem>>
      %dma_start3A_1095 = arith.constant 0 : i32
      %dma_start3A_1096 = tpu.memref_slice %arg2[%dma_start3A_1095] : memref<1000000xf32, #tpu.memory_space<hbm>> -> memref<1000000xf32, #tpu.memory_space<hbm>>
      tpu.enqueue_indirect_dma source(%dma_start3A_1096 : memref<1000000xf32, #tpu.memory_space<hbm>>) target(%dma_start3A_1091 : memref<128xf32, #tpu.memory_space<vmem>>) offsets(%dma_start3A_1094 : memref<128xi32, #tpu.memory_space<vmem>>) semaphore(%arg16 : memref<!tpu.dma_semaphore, #tpu.memory_space<semaphore_mem>>)
      %dma_start3A_1097 = arith.constant 1280 : i32
      %dma_start3A_1098 = tpu.memref_slice %arg14[%dma_start3A_1097] : memref<5120xf32, #tpu.memory_space<vmem>> -> memref<128xf32, #tpu.memory_space<vmem>>
      %dma_start3A_1099 = arith.constant 0 : i32
      %dma_start3A_1100 = tpu.memref_slice %arg13[%add3A_1089, %dma_start3A_1099] : memref<256x128xi32, #tpu.memory_space<vmem>> -> memref<1x128xi32, #tpu.memory_space<vmem>>
      %dma_start3A_1101 = tpu.memref_squeeze %dma_start3A_1100 : memref<1x128xi32, #tpu.memory_space<vmem>> -> memref<128xi32, #tpu.memory_space<vmem>>
      %dma_start3A_1102 = arith.constant 0 : i32
      %dma_start3A_1103 = tpu.memref_slice %arg3[%dma_start3A_1102] : memref<1000000xf32, #tpu.memory_space<hbm>> -> memref<1000000xf32, #tpu.memory_space<hbm>>
      tpu.enqueue_indirect_dma source(%dma_start3A_1103 : memref<1000000xf32, #tpu.memory_space<hbm>>) target(%dma_start3A_1098 : memref<128xf32, #tpu.memory_space<vmem>>) offsets(%dma_start3A_1101 : memref<128xi32, #tpu.memory_space<vmem>>) semaphore(%arg16 : memref<!tpu.dma_semaphore, #tpu.memory_space<semaphore_mem>>)
      %dma_start3A_1104 = arith.constant 2304 : i32
      %dma_start3A_1105 = tpu.memref_slice %arg14[%dma_start3A_1104] : memref<5120xf32, #tpu.memory_space<vmem>> -> memref<128xf32, #tpu.memory_space<vmem>>
      %dma_start3A_1106 = arith.constant 0 : i32
      %dma_start3A_1107 = tpu.memref_slice %arg13[%add3A_1089, %dma_start3A_1106] : memref<256x128xi32, #tpu.memory_space<vmem>> -> memref<1x128xi32, #tpu.memory_space<vmem>>
      %dma_start3A_1108 = tpu.memref_squeeze %dma_start3A_1107 : memref<1x128xi32, #tpu.memory_space<vmem>> -> memref<128xi32, #tpu.memory_space<vmem>>
      %dma_start3A_1109 = arith.constant 0 : i32
      %dma_start3A_1110 = tpu.memref_slice %arg4[%dma_start3A_1109] : memref<1000000xf32, #tpu.memory_space<hbm>> -> memref<1000000xf32, #tpu.memory_space<hbm>>
      tpu.enqueue_indirect_dma source(%dma_start3A_1110 : memref<1000000xf32, #tpu.memory_space<hbm>>) target(%dma_start3A_1105 : memref<128xf32, #tpu.memory_space<vmem>>) offsets(%dma_start3A_1108 : memref<128xi32, #tpu.memory_space<vmem>>) semaphore(%arg16 : memref<!tpu.dma_semaphore, #tpu.memory_space<semaphore_mem>>)
      %dma_start3A_1111 = arith.constant 3328 : i32
      %dma_start3A_1112 = tpu.memref_slice %arg14[%dma_start3A_1111] : memref<5120xf32, #tpu.memory_space<vmem>> -> memref<128xf32, #tpu.memory_space<vmem>>
      %dma_start3A_1113 = arith.constant 0 : i32
      %dma_start3A_1114 = tpu.memref_slice %arg13[%add3A_1089, %dma_start3A_1113] : memref<256x128xi32, #tpu.memory_space<vmem>> -> memref<1x128xi32, #tpu.memory_space<vmem>>
      %dma_start3A_1115 = tpu.memref_squeeze %dma_start3A_1114 : memref<1x128xi32, #tpu.memory_space<vmem>> -> memref<128xi32, #tpu.memory_space<vmem>>
      %dma_start3A_1116 = arith.constant 0 : i32
      %dma_start3A_1117 = tpu.memref_slice %arg5[%dma_start3A_1116] : memref<1000000xf32, #tpu.memory_space<hbm>> -> memref<1000000xf32, #tpu.memory_space<hbm>>
      tpu.enqueue_indirect_dma source(%dma_start3A_1117 : memref<1000000xf32, #tpu.memory_space<hbm>>) target(%dma_start3A_1112 : memref<128xf32, #tpu.memory_space<vmem>>) offsets(%dma_start3A_1115 : memref<128xi32, #tpu.memory_space<vmem>>) semaphore(%arg16 : memref<!tpu.dma_semaphore, #tpu.memory_space<semaphore_mem>>)
      %dma_start3A_1118 = arith.constant 4352 : i32
      %dma_start3A_1119 = tpu.memref_slice %arg14[%dma_start3A_1118] : memref<5120xf32, #tpu.memory_space<vmem>> -> memref<128xf32, #tpu.memory_space<vmem>>
      %dma_start3A_1120 = arith.constant 0 : i32
      %dma_start3A_1121 = tpu.memref_slice %arg13[%add3A_1089, %dma_start3A_1120] : memref<256x128xi32, #tpu.memory_space<vmem>> -> memref<1x128xi32, #tpu.memory_space<vmem>>
      %dma_start3A_1122 = tpu.memref_squeeze %dma_start3A_1121 : memref<1x128xi32, #tpu.memory_space<vmem>> -> memref<128xi32, #tpu.memory_space<vmem>>
      %dma_start3A_1123 = arith.constant 0 : i32
      %dma_start3A_1124 = tpu.memref_slice %arg6[%dma_start3A_1123] : memref<1000000xf32, #tpu.memory_space<hbm>> -> memref<1000000xf32, #tpu.memory_space<hbm>>
      tpu.enqueue_indirect_dma source(%dma_start3A_1124 : memref<1000000xf32, #tpu.memory_space<hbm>>) target(%dma_start3A_1119 : memref<128xf32, #tpu.memory_space<vmem>>) offsets(%dma_start3A_1122 : memref<128xi32, #tpu.memory_space<vmem>>) semaphore(%arg16 : memref<!tpu.dma_semaphore, #tpu.memory_space<semaphore_mem>>)
      %mul3A_1125 = arith.constant 8 : i32
      %mul3A_1126 = arith.muli %add3A_1007, %mul3A_1125 : i32
      %add3A_1127 = arith.constant 3 : i32
      %add3A_1128 = arith.addi %mul3A_1126, %add3A_1127 : i32
      %dma_start3A_1129 = arith.constant 384 : i32
      %dma_start3A_1130 = tpu.memref_slice %arg14[%dma_start3A_1129] : memref<5120xf32, #tpu.memory_space<vmem>> -> memref<128xf32, #tpu.memory_space<vmem>>
      %dma_start3A_1131 = arith.constant 0 : i32
      %dma_start3A_1132 = tpu.memref_slice %arg13[%add3A_1128, %dma_start3A_1131] : memref<256x128xi32, #tpu.memory_space<vmem>> -> memref<1x128xi32, #tpu.memory_space<vmem>>
      %dma_start3A_1133 = tpu.memref_squeeze %dma_start3A_1132 : memref<1x128xi32, #tpu.memory_space<vmem>> -> memref<128xi32, #tpu.memory_space<vmem>>
      %dma_start3A_1134 = arith.constant 0 : i32
      %dma_start3A_1135 = tpu.memref_slice %arg2[%dma_start3A_1134] : memref<1000000xf32, #tpu.memory_space<hbm>> -> memref<1000000xf32, #tpu.memory_space<hbm>>
      tpu.enqueue_indirect_dma source(%dma_start3A_1135 : memref<1000000xf32, #tpu.memory_space<hbm>>) target(%dma_start3A_1130 : memref<128xf32, #tpu.memory_space<vmem>>) offsets(%dma_start3A_1133 : memref<128xi32, #tpu.memory_space<vmem>>) semaphore(%arg16 : memref<!tpu.dma_semaphore, #tpu.memory_space<semaphore_mem>>)
      %dma_start3A_1136 = arith.constant 1408 : i32
      %dma_start3A_1137 = tpu.memref_slice %arg14[%dma_start3A_1136] : memref<5120xf32, #tpu.memory_space<vmem>> -> memref<128xf32, #tpu.memory_space<vmem>>
      %dma_start3A_1138 = arith.constant 0 : i32
      %dma_start3A_1139 = tpu.memref_slice %arg13[%add3A_1128, %dma_start3A_1138] : memref<256x128xi32, #tpu.memory_space<vmem>> -> memref<1x128xi32, #tpu.memory_space<vmem>>
      %dma_start3A_1140 = tpu.memref_squeeze %dma_start3A_1139 : memref<1x128xi32, #tpu.memory_space<vmem>> -> memref<128xi32, #tpu.memory_space<vmem>>
      %dma_start3A_1141 = arith.constant 0 : i32
      %dma_start3A_1142 = tpu.memref_slice %arg3[%dma_start3A_1141] : memref<1000000xf32, #tpu.memory_space<hbm>> -> memref<1000000xf32, #tpu.memory_space<hbm>>
      tpu.enqueue_indirect_dma source(%dma_start3A_1142 : memref<1000000xf32, #tpu.memory_space<hbm>>) target(%dma_start3A_1137 : memref<128xf32, #tpu.memory_space<vmem>>) offsets(%dma_start3A_1140 : memref<128xi32, #tpu.memory_space<vmem>>) semaphore(%arg16 : memref<!tpu.dma_semaphore, #tpu.memory_space<semaphore_mem>>)
      %dma_start3A_1143 = arith.constant 2432 : i32
      %dma_start3A_1144 = tpu.memref_slice %arg14[%dma_start3A_1143] : memref<5120xf32, #tpu.memory_space<vmem>> -> memref<128xf32, #tpu.memory_space<vmem>>
      %dma_start3A_1145 = arith.constant 0 : i32
      %dma_start3A_1146 = tpu.memref_slice %arg13[%add3A_1128, %dma_start3A_1145] : memref<256x128xi32, #tpu.memory_space<vmem>> -> memref<1x128xi32, #tpu.memory_space<vmem>>
      %dma_start3A_1147 = tpu.memref_squeeze %dma_start3A_1146 : memref<1x128xi32, #tpu.memory_space<vmem>> -> memref<128xi32, #tpu.memory_space<vmem>>
      %dma_start3A_1148 = arith.constant 0 : i32
      %dma_start3A_1149 = tpu.memref_slice %arg4[%dma_start3A_1148] : memref<1000000xf32, #tpu.memory_space<hbm>> -> memref<1000000xf32, #tpu.memory_space<hbm>>
      tpu.enqueue_indirect_dma source(%dma_start3A_1149 : memref<1000000xf32, #tpu.memory_space<hbm>>) target(%dma_start3A_1144 : memref<128xf32, #tpu.memory_space<vmem>>) offsets(%dma_start3A_1147 : memref<128xi32, #tpu.memory_space<vmem>>) semaphore(%arg16 : memref<!tpu.dma_semaphore, #tpu.memory_space<semaphore_mem>>)
      %dma_start3A_1150 = arith.constant 3456 : i32
      %dma_start3A_1151 = tpu.memref_slice %arg14[%dma_start3A_1150] : memref<5120xf32, #tpu.memory_space<vmem>> -> memref<128xf32, #tpu.memory_space<vmem>>
      %dma_start3A_1152 = arith.constant 0 : i32
      %dma_start3A_1153 = tpu.memref_slice %arg13[%add3A_1128, %dma_start3A_1152] : memref<256x128xi32, #tpu.memory_space<vmem>> -> memref<1x128xi32, #tpu.memory_space<vmem>>
      %dma_start3A_1154 = tpu.memref_squeeze %dma_start3A_1153 : memref<1x128xi32, #tpu.memory_space<vmem>> -> memref<128xi32, #tpu.memory_space<vmem>>
      %dma_start3A_1155 = arith.constant 0 : i32
      %dma_start3A_1156 = tpu.memref_slice %arg5[%dma_start3A_1155] : memref<1000000xf32, #tpu.memory_space<hbm>> -> memref<1000000xf32, #tpu.memory_space<hbm>>
      tpu.enqueue_indirect_dma source(%dma_start3A_1156 : memref<1000000xf32, #tpu.memory_space<hbm>>) target(%dma_start3A_1151 : memref<128xf32, #tpu.memory_space<vmem>>) offsets(%dma_start3A_1154 : memref<128xi32, #tpu.memory_space<vmem>>) semaphore(%arg16 : memref<!tpu.dma_semaphore, #tpu.memory_space<semaphore_mem>>)
      %dma_start3A_1157 = arith.constant 4480 : i32
      %dma_start3A_1158 = tpu.memref_slice %arg14[%dma_start3A_1157] : memref<5120xf32, #tpu.memory_space<vmem>> -> memref<128xf32, #tpu.memory_space<vmem>>
      %dma_start3A_1159 = arith.constant 0 : i32
      %dma_start3A_1160 = tpu.memref_slice %arg13[%add3A_1128, %dma_start3A_1159] : memref<256x128xi32, #tpu.memory_space<vmem>> -> memref<1x128xi32, #tpu.memory_space<vmem>>
      %dma_start3A_1161 = tpu.memref_squeeze %dma_start3A_1160 : memref<1x128xi32, #tpu.memory_space<vmem>> -> memref<128xi32, #tpu.memory_space<vmem>>
      %dma_start3A_1162 = arith.constant 0 : i32
      %dma_start3A_1163 = tpu.memref_slice %arg6[%dma_start3A_1162] : memref<1000000xf32, #tpu.memory_space<hbm>> -> memref<1000000xf32, #tpu.memory_space<hbm>>
      tpu.enqueue_indirect_dma source(%dma_start3A_1163 : memref<1000000xf32, #tpu.memory_space<hbm>>) target(%dma_start3A_1158 : memref<128xf32, #tpu.memory_space<vmem>>) offsets(%dma_start3A_1161 : memref<128xi32, #tpu.memory_space<vmem>>) semaphore(%arg16 : memref<!tpu.dma_semaphore, #tpu.memory_space<semaphore_mem>>)
      %mul3A_1164 = arith.constant 8 : i32
      %mul3A_1165 = arith.muli %add3A_1007, %mul3A_1164 : i32
      %add3A_1166 = arith.constant 4 : i32
      %add3A_1167 = arith.addi %mul3A_1165, %add3A_1166 : i32
      %dma_start3A_1168 = arith.constant 512 : i32
      %dma_start3A_1169 = tpu.memref_slice %arg14[%dma_start3A_1168] : memref<5120xf32, #tpu.memory_space<vmem>> -> memref<128xf32, #tpu.memory_space<vmem>>
      %dma_start3A_1170 = arith.constant 0 : i32
      %dma_start3A_1171 = tpu.memref_slice %arg13[%add3A_1167, %dma_start3A_1170] : memref<256x128xi32, #tpu.memory_space<vmem>> -> memref<1x128xi32, #tpu.memory_space<vmem>>
      %dma_start3A_1172 = tpu.memref_squeeze %dma_start3A_1171 : memref<1x128xi32, #tpu.memory_space<vmem>> -> memref<128xi32, #tpu.memory_space<vmem>>
      %dma_start3A_1173 = arith.constant 0 : i32
      %dma_start3A_1174 = tpu.memref_slice %arg2[%dma_start3A_1173] : memref<1000000xf32, #tpu.memory_space<hbm>> -> memref<1000000xf32, #tpu.memory_space<hbm>>
      tpu.enqueue_indirect_dma source(%dma_start3A_1174 : memref<1000000xf32, #tpu.memory_space<hbm>>) target(%dma_start3A_1169 : memref<128xf32, #tpu.memory_space<vmem>>) offsets(%dma_start3A_1172 : memref<128xi32, #tpu.memory_space<vmem>>) semaphore(%arg16 : memref<!tpu.dma_semaphore, #tpu.memory_space<semaphore_mem>>)
      %dma_start3A_1175 = arith.constant 1536 : i32
      %dma_start3A_1176 = tpu.memref_slice %arg14[%dma_start3A_1175] : memref<5120xf32, #tpu.memory_space<vmem>> -> memref<128xf32, #tpu.memory_space<vmem>>
      %dma_start3A_1177 = arith.constant 0 : i32
      %dma_start3A_1178 = tpu.memref_slice %arg13[%add3A_1167, %dma_start3A_1177] : memref<256x128xi32, #tpu.memory_space<vmem>> -> memref<1x128xi32, #tpu.memory_space<vmem>>
      %dma_start3A_1179 = tpu.memref_squeeze %dma_start3A_1178 : memref<1x128xi32, #tpu.memory_space<vmem>> -> memref<128xi32, #tpu.memory_space<vmem>>
      %dma_start3A_1180 = arith.constant 0 : i32
      %dma_start3A_1181 = tpu.memref_slice %arg3[%dma_start3A_1180] : memref<1000000xf32, #tpu.memory_space<hbm>> -> memref<1000000xf32, #tpu.memory_space<hbm>>
      tpu.enqueue_indirect_dma source(%dma_start3A_1181 : memref<1000000xf32, #tpu.memory_space<hbm>>) target(%dma_start3A_1176 : memref<128xf32, #tpu.memory_space<vmem>>) offsets(%dma_start3A_1179 : memref<128xi32, #tpu.memory_space<vmem>>) semaphore(%arg16 : memref<!tpu.dma_semaphore, #tpu.memory_space<semaphore_mem>>)
      %dma_start3A_1182 = arith.constant 2560 : i32
      %dma_start3A_1183 = tpu.memref_slice %arg14[%dma_start3A_1182] : memref<5120xf32, #tpu.memory_space<vmem>> -> memref<128xf32, #tpu.memory_space<vmem>>
      %dma_start3A_1184 = arith.constant 0 : i32
      %dma_start3A_1185 = tpu.memref_slice %arg13[%add3A_1167, %dma_start3A_1184] : memref<256x128xi32, #tpu.memory_space<vmem>> -> memref<1x128xi32, #tpu.memory_space<vmem>>
      %dma_start3A_1186 = tpu.memref_squeeze %dma_start3A_1185 : memref<1x128xi32, #tpu.memory_space<vmem>> -> memref<128xi32, #tpu.memory_space<vmem>>
      %dma_start3A_1187 = arith.constant 0 : i32
      %dma_start3A_1188 = tpu.memref_slice %arg4[%dma_start3A_1187] : memref<1000000xf32, #tpu.memory_space<hbm>> -> memref<1000000xf32, #tpu.memory_space<hbm>>
      tpu.enqueue_indirect_dma source(%dma_start3A_1188 : memref<1000000xf32, #tpu.memory_space<hbm>>) target(%dma_start3A_1183 : memref<128xf32, #tpu.memory_space<vmem>>) offsets(%dma_start3A_1186 : memref<128xi32, #tpu.memory_space<vmem>>) semaphore(%arg16 : memref<!tpu.dma_semaphore, #tpu.memory_space<semaphore_mem>>)
      %dma_start3A_1189 = arith.constant 3584 : i32
      %dma_start3A_1190 = tpu.memref_slice %arg14[%dma_start3A_1189] : memref<5120xf32, #tpu.memory_space<vmem>> -> memref<128xf32, #tpu.memory_space<vmem>>
      %dma_start3A_1191 = arith.constant 0 : i32
      %dma_start3A_1192 = tpu.memref_slice %arg13[%add3A_1167, %dma_start3A_1191] : memref<256x128xi32, #tpu.memory_space<vmem>> -> memref<1x128xi32, #tpu.memory_space<vmem>>
      %dma_start3A_1193 = tpu.memref_squeeze %dma_start3A_1192 : memref<1x128xi32, #tpu.memory_space<vmem>> -> memref<128xi32, #tpu.memory_space<vmem>>
      %dma_start3A_1194 = arith.constant 0 : i32
      %dma_start3A_1195 = tpu.memref_slice %arg5[%dma_start3A_1194] : memref<1000000xf32, #tpu.memory_space<hbm>> -> memref<1000000xf32, #tpu.memory_space<hbm>>
      tpu.enqueue_indirect_dma source(%dma_start3A_1195 : memref<1000000xf32, #tpu.memory_space<hbm>>) target(%dma_start3A_1190 : memref<128xf32, #tpu.memory_space<vmem>>) offsets(%dma_start3A_1193 : memref<128xi32, #tpu.memory_space<vmem>>) semaphore(%arg16 : memref<!tpu.dma_semaphore, #tpu.memory_space<semaphore_mem>>)
      %dma_start3A_1196 = arith.constant 4608 : i32
      %dma_start3A_1197 = tpu.memref_slice %arg14[%dma_start3A_1196] : memref<5120xf32, #tpu.memory_space<vmem>> -> memref<128xf32, #tpu.memory_space<vmem>>
      %dma_start3A_1198 = arith.constant 0 : i32
      %dma_start3A_1199 = tpu.memref_slice %arg13[%add3A_1167, %dma_start3A_1198] : memref<256x128xi32, #tpu.memory_space<vmem>> -> memref<1x128xi32, #tpu.memory_space<vmem>>
      %dma_start3A_1200 = tpu.memref_squeeze %dma_start3A_1199 : memref<1x128xi32, #tpu.memory_space<vmem>> -> memref<128xi32, #tpu.memory_space<vmem>>
      %dma_start3A_1201 = arith.constant 0 : i32
      %dma_start3A_1202 = tpu.memref_slice %arg6[%dma_start3A_1201] : memref<1000000xf32, #tpu.memory_space<hbm>> -> memref<1000000xf32, #tpu.memory_space<hbm>>
      tpu.enqueue_indirect_dma source(%dma_start3A_1202 : memref<1000000xf32, #tpu.memory_space<hbm>>) target(%dma_start3A_1197 : memref<128xf32, #tpu.memory_space<vmem>>) offsets(%dma_start3A_1200 : memref<128xi32, #tpu.memory_space<vmem>>) semaphore(%arg16 : memref<!tpu.dma_semaphore, #tpu.memory_space<semaphore_mem>>)
      %mul3A_1203 = arith.constant 8 : i32
      %mul3A_1204 = arith.muli %add3A_1007, %mul3A_1203 : i32
      %add3A_1205 = arith.constant 5 : i32
      %add3A_1206 = arith.addi %mul3A_1204, %add3A_1205 : i32
      %dma_start3A_1207 = arith.constant 640 : i32
      %dma_start3A_1208 = tpu.memref_slice %arg14[%dma_start3A_1207] : memref<5120xf32, #tpu.memory_space<vmem>> -> memref<128xf32, #tpu.memory_space<vmem>>
      %dma_start3A_1209 = arith.constant 0 : i32
      %dma_start3A_1210 = tpu.memref_slice %arg13[%add3A_1206, %dma_start3A_1209] : memref<256x128xi32, #tpu.memory_space<vmem>> -> memref<1x128xi32, #tpu.memory_space<vmem>>
      %dma_start3A_1211 = tpu.memref_squeeze %dma_start3A_1210 : memref<1x128xi32, #tpu.memory_space<vmem>> -> memref<128xi32, #tpu.memory_space<vmem>>
      %dma_start3A_1212 = arith.constant 0 : i32
      %dma_start3A_1213 = tpu.memref_slice %arg2[%dma_start3A_1212] : memref<1000000xf32, #tpu.memory_space<hbm>> -> memref<1000000xf32, #tpu.memory_space<hbm>>
      tpu.enqueue_indirect_dma source(%dma_start3A_1213 : memref<1000000xf32, #tpu.memory_space<hbm>>) target(%dma_start3A_1208 : memref<128xf32, #tpu.memory_space<vmem>>) offsets(%dma_start3A_1211 : memref<128xi32, #tpu.memory_space<vmem>>) semaphore(%arg16 : memref<!tpu.dma_semaphore, #tpu.memory_space<semaphore_mem>>)
      %dma_start3A_1214 = arith.constant 1664 : i32
      %dma_start3A_1215 = tpu.memref_slice %arg14[%dma_start3A_1214] : memref<5120xf32, #tpu.memory_space<vmem>> -> memref<128xf32, #tpu.memory_space<vmem>>
      %dma_start3A_1216 = arith.constant 0 : i32
      %dma_start3A_1217 = tpu.memref_slice %arg13[%add3A_1206, %dma_start3A_1216] : memref<256x128xi32, #tpu.memory_space<vmem>> -> memref<1x128xi32, #tpu.memory_space<vmem>>
      %dma_start3A_1218 = tpu.memref_squeeze %dma_start3A_1217 : memref<1x128xi32, #tpu.memory_space<vmem>> -> memref<128xi32, #tpu.memory_space<vmem>>
      %dma_start3A_1219 = arith.constant 0 : i32
      %dma_start3A_1220 = tpu.memref_slice %arg3[%dma_start3A_1219] : memref<1000000xf32, #tpu.memory_space<hbm>> -> memref<1000000xf32, #tpu.memory_space<hbm>>
      tpu.enqueue_indirect_dma source(%dma_start3A_1220 : memref<1000000xf32, #tpu.memory_space<hbm>>) target(%dma_start3A_1215 : memref<128xf32, #tpu.memory_space<vmem>>) offsets(%dma_start3A_1218 : memref<128xi32, #tpu.memory_space<vmem>>) semaphore(%arg16 : memref<!tpu.dma_semaphore, #tpu.memory_space<semaphore_mem>>)
      %dma_start3A_1221 = arith.constant 2688 : i32
      %dma_start3A_1222 = tpu.memref_slice %arg14[%dma_start3A_1221] : memref<5120xf32, #tpu.memory_space<vmem>> -> memref<128xf32, #tpu.memory_space<vmem>>
      %dma_start3A_1223 = arith.constant 0 : i32
      %dma_start3A_1224 = tpu.memref_slice %arg13[%add3A_1206, %dma_start3A_1223] : memref<256x128xi32, #tpu.memory_space<vmem>> -> memref<1x128xi32, #tpu.memory_space<vmem>>
      %dma_start3A_1225 = tpu.memref_squeeze %dma_start3A_1224 : memref<1x128xi32, #tpu.memory_space<vmem>> -> memref<128xi32, #tpu.memory_space<vmem>>
      %dma_start3A_1226 = arith.constant 0 : i32
      %dma_start3A_1227 = tpu.memref_slice %arg4[%dma_start3A_1226] : memref<1000000xf32, #tpu.memory_space<hbm>> -> memref<1000000xf32, #tpu.memory_space<hbm>>
      tpu.enqueue_indirect_dma source(%dma_start3A_1227 : memref<1000000xf32, #tpu.memory_space<hbm>>) target(%dma_start3A_1222 : memref<128xf32, #tpu.memory_space<vmem>>) offsets(%dma_start3A_1225 : memref<128xi32, #tpu.memory_space<vmem>>) semaphore(%arg16 : memref<!tpu.dma_semaphore, #tpu.memory_space<semaphore_mem>>)
      %dma_start3A_1228 = arith.constant 3712 : i32
      %dma_start3A_1229 = tpu.memref_slice %arg14[%dma_start3A_1228] : memref<5120xf32, #tpu.memory_space<vmem>> -> memref<128xf32, #tpu.memory_space<vmem>>
      %dma_start3A_1230 = arith.constant 0 : i32
      %dma_start3A_1231 = tpu.memref_slice %arg13[%add3A_1206, %dma_start3A_1230] : memref<256x128xi32, #tpu.memory_space<vmem>> -> memref<1x128xi32, #tpu.memory_space<vmem>>
      %dma_start3A_1232 = tpu.memref_squeeze %dma_start3A_1231 : memref<1x128xi32, #tpu.memory_space<vmem>> -> memref<128xi32, #tpu.memory_space<vmem>>
      %dma_start3A_1233 = arith.constant 0 : i32
      %dma_start3A_1234 = tpu.memref_slice %arg5[%dma_start3A_1233] : memref<1000000xf32, #tpu.memory_space<hbm>> -> memref<1000000xf32, #tpu.memory_space<hbm>>
      tpu.enqueue_indirect_dma source(%dma_start3A_1234 : memref<1000000xf32, #tpu.memory_space<hbm>>) target(%dma_start3A_1229 : memref<128xf32, #tpu.memory_space<vmem>>) offsets(%dma_start3A_1232 : memref<128xi32, #tpu.memory_space<vmem>>) semaphore(%arg16 : memref<!tpu.dma_semaphore, #tpu.memory_space<semaphore_mem>>)
      %dma_start3A_1235 = arith.constant 4736 : i32
      %dma_start3A_1236 = tpu.memref_slice %arg14[%dma_start3A_1235] : memref<5120xf32, #tpu.memory_space<vmem>> -> memref<128xf32, #tpu.memory_space<vmem>>
      %dma_start3A_1237 = arith.constant 0 : i32
      %dma_start3A_1238 = tpu.memref_slice %arg13[%add3A_1206, %dma_start3A_1237] : memref<256x128xi32, #tpu.memory_space<vmem>> -> memref<1x128xi32, #tpu.memory_space<vmem>>
      %dma_start3A_1239 = tpu.memref_squeeze %dma_start3A_1238 : memref<1x128xi32, #tpu.memory_space<vmem>> -> memref<128xi32, #tpu.memory_space<vmem>>
      %dma_start3A_1240 = arith.constant 0 : i32
      %dma_start3A_1241 = tpu.memref_slice %arg6[%dma_start3A_1240] : memref<1000000xf32, #tpu.memory_space<hbm>> -> memref<1000000xf32, #tpu.memory_space<hbm>>
      tpu.enqueue_indirect_dma source(%dma_start3A_1241 : memref<1000000xf32, #tpu.memory_space<hbm>>) target(%dma_start3A_1236 : memref<128xf32, #tpu.memory_space<vmem>>) offsets(%dma_start3A_1239 : memref<128xi32, #tpu.memory_space<vmem>>) semaphore(%arg16 : memref<!tpu.dma_semaphore, #tpu.memory_space<semaphore_mem>>)
      %mul3A_1242 = arith.constant 8 : i32
      %mul3A_1243 = arith.muli %add3A_1007, %mul3A_1242 : i32
      %add3A_1244 = arith.constant 6 : i32
      %add3A_1245 = arith.addi %mul3A_1243, %add3A_1244 : i32
      %dma_start3A_1246 = arith.constant 768 : i32
      %dma_start3A_1247 = tpu.memref_slice %arg14[%dma_start3A_1246] : memref<5120xf32, #tpu.memory_space<vmem>> -> memref<128xf32, #tpu.memory_space<vmem>>
      %dma_start3A_1248 = arith.constant 0 : i32
      %dma_start3A_1249 = tpu.memref_slice %arg13[%add3A_1245, %dma_start3A_1248] : memref<256x128xi32, #tpu.memory_space<vmem>> -> memref<1x128xi32, #tpu.memory_space<vmem>>
      %dma_start3A_1250 = tpu.memref_squeeze %dma_start3A_1249 : memref<1x128xi32, #tpu.memory_space<vmem>> -> memref<128xi32, #tpu.memory_space<vmem>>
      %dma_start3A_1251 = arith.constant 0 : i32
      %dma_start3A_1252 = tpu.memref_slice %arg2[%dma_start3A_1251] : memref<1000000xf32, #tpu.memory_space<hbm>> -> memref<1000000xf32, #tpu.memory_space<hbm>>
      tpu.enqueue_indirect_dma source(%dma_start3A_1252 : memref<1000000xf32, #tpu.memory_space<hbm>>) target(%dma_start3A_1247 : memref<128xf32, #tpu.memory_space<vmem>>) offsets(%dma_start3A_1250 : memref<128xi32, #tpu.memory_space<vmem>>) semaphore(%arg16 : memref<!tpu.dma_semaphore, #tpu.memory_space<semaphore_mem>>)
      %dma_start3A_1253 = arith.constant 1792 : i32
      %dma_start3A_1254 = tpu.memref_slice %arg14[%dma_start3A_1253] : memref<5120xf32, #tpu.memory_space<vmem>> -> memref<128xf32, #tpu.memory_space<vmem>>
      %dma_start3A_1255 = arith.constant 0 : i32
      %dma_start3A_1256 = tpu.memref_slice %arg13[%add3A_1245, %dma_start3A_1255] : memref<256x128xi32, #tpu.memory_space<vmem>> -> memref<1x128xi32, #tpu.memory_space<vmem>>
      %dma_start3A_1257 = tpu.memref_squeeze %dma_start3A_1256 : memref<1x128xi32, #tpu.memory_space<vmem>> -> memref<128xi32, #tpu.memory_space<vmem>>
      %dma_start3A_1258 = arith.constant 0 : i32
      %dma_start3A_1259 = tpu.memref_slice %arg3[%dma_start3A_1258] : memref<1000000xf32, #tpu.memory_space<hbm>> -> memref<1000000xf32, #tpu.memory_space<hbm>>
      tpu.enqueue_indirect_dma source(%dma_start3A_1259 : memref<1000000xf32, #tpu.memory_space<hbm>>) target(%dma_start3A_1254 : memref<128xf32, #tpu.memory_space<vmem>>) offsets(%dma_start3A_1257 : memref<128xi32, #tpu.memory_space<vmem>>) semaphore(%arg16 : memref<!tpu.dma_semaphore, #tpu.memory_space<semaphore_mem>>)
      %dma_start3A_1260 = arith.constant 2816 : i32
      %dma_start3A_1261 = tpu.memref_slice %arg14[%dma_start3A_1260] : memref<5120xf32, #tpu.memory_space<vmem>> -> memref<128xf32, #tpu.memory_space<vmem>>
      %dma_start3A_1262 = arith.constant 0 : i32
      %dma_start3A_1263 = tpu.memref_slice %arg13[%add3A_1245, %dma_start3A_1262] : memref<256x128xi32, #tpu.memory_space<vmem>> -> memref<1x128xi32, #tpu.memory_space<vmem>>
      %dma_start3A_1264 = tpu.memref_squeeze %dma_start3A_1263 : memref<1x128xi32, #tpu.memory_space<vmem>> -> memref<128xi32, #tpu.memory_space<vmem>>
      %dma_start3A_1265 = arith.constant 0 : i32
      %dma_start3A_1266 = tpu.memref_slice %arg4[%dma_start3A_1265] : memref<1000000xf32, #tpu.memory_space<hbm>> -> memref<1000000xf32, #tpu.memory_space<hbm>>
      tpu.enqueue_indirect_dma source(%dma_start3A_1266 : memref<1000000xf32, #tpu.memory_space<hbm>>) target(%dma_start3A_1261 : memref<128xf32, #tpu.memory_space<vmem>>) offsets(%dma_start3A_1264 : memref<128xi32, #tpu.memory_space<vmem>>) semaphore(%arg16 : memref<!tpu.dma_semaphore, #tpu.memory_space<semaphore_mem>>)
      %dma_start3A_1267 = arith.constant 3840 : i32
      %dma_start3A_1268 = tpu.memref_slice %arg14[%dma_start3A_1267] : memref<5120xf32, #tpu.memory_space<vmem>> -> memref<128xf32, #tpu.memory_space<vmem>>
      %dma_start3A_1269 = arith.constant 0 : i32
      %dma_start3A_1270 = tpu.memref_slice %arg13[%add3A_1245, %dma_start3A_1269] : memref<256x128xi32, #tpu.memory_space<vmem>> -> memref<1x128xi32, #tpu.memory_space<vmem>>
      %dma_start3A_1271 = tpu.memref_squeeze %dma_start3A_1270 : memref<1x128xi32, #tpu.memory_space<vmem>> -> memref<128xi32, #tpu.memory_space<vmem>>
      %dma_start3A_1272 = arith.constant 0 : i32
      %dma_start3A_1273 = tpu.memref_slice %arg5[%dma_start3A_1272] : memref<1000000xf32, #tpu.memory_space<hbm>> -> memref<1000000xf32, #tpu.memory_space<hbm>>
      tpu.enqueue_indirect_dma source(%dma_start3A_1273 : memref<1000000xf32, #tpu.memory_space<hbm>>) target(%dma_start3A_1268 : memref<128xf32, #tpu.memory_space<vmem>>) offsets(%dma_start3A_1271 : memref<128xi32, #tpu.memory_space<vmem>>) semaphore(%arg16 : memref<!tpu.dma_semaphore, #tpu.memory_space<semaphore_mem>>)
      %dma_start3A_1274 = arith.constant 4864 : i32
      %dma_start3A_1275 = tpu.memref_slice %arg14[%dma_start3A_1274] : memref<5120xf32, #tpu.memory_space<vmem>> -> memref<128xf32, #tpu.memory_space<vmem>>
      %dma_start3A_1276 = arith.constant 0 : i32
      %dma_start3A_1277 = tpu.memref_slice %arg13[%add3A_1245, %dma_start3A_1276] : memref<256x128xi32, #tpu.memory_space<vmem>> -> memref<1x128xi32, #tpu.memory_space<vmem>>
      %dma_start3A_1278 = tpu.memref_squeeze %dma_start3A_1277 : memref<1x128xi32, #tpu.memory_space<vmem>> -> memref<128xi32, #tpu.memory_space<vmem>>
      %dma_start3A_1279 = arith.constant 0 : i32
      %dma_start3A_1280 = tpu.memref_slice %arg6[%dma_start3A_1279] : memref<1000000xf32, #tpu.memory_space<hbm>> -> memref<1000000xf32, #tpu.memory_space<hbm>>
      tpu.enqueue_indirect_dma source(%dma_start3A_1280 : memref<1000000xf32, #tpu.memory_space<hbm>>) target(%dma_start3A_1275 : memref<128xf32, #tpu.memory_space<vmem>>) offsets(%dma_start3A_1278 : memref<128xi32, #tpu.memory_space<vmem>>) semaphore(%arg16 : memref<!tpu.dma_semaphore, #tpu.memory_space<semaphore_mem>>)
      %mul3A_1281 = arith.constant 8 : i32
      %mul3A_1282 = arith.muli %add3A_1007, %mul3A_1281 : i32
      %add3A_1283 = arith.constant 7 : i32
      %add3A_1284 = arith.addi %mul3A_1282, %add3A_1283 : i32
      %dma_start3A_1285 = arith.constant 896 : i32
      %dma_start3A_1286 = tpu.memref_slice %arg14[%dma_start3A_1285] : memref<5120xf32, #tpu.memory_space<vmem>> -> memref<128xf32, #tpu.memory_space<vmem>>
      %dma_start3A_1287 = arith.constant 0 : i32
      %dma_start3A_1288 = tpu.memref_slice %arg13[%add3A_1284, %dma_start3A_1287] : memref<256x128xi32, #tpu.memory_space<vmem>> -> memref<1x128xi32, #tpu.memory_space<vmem>>
      %dma_start3A_1289 = tpu.memref_squeeze %dma_start3A_1288 : memref<1x128xi32, #tpu.memory_space<vmem>> -> memref<128xi32, #tpu.memory_space<vmem>>
      %dma_start3A_1290 = arith.constant 0 : i32
      %dma_start3A_1291 = tpu.memref_slice %arg2[%dma_start3A_1290] : memref<1000000xf32, #tpu.memory_space<hbm>> -> memref<1000000xf32, #tpu.memory_space<hbm>>
      tpu.enqueue_indirect_dma source(%dma_start3A_1291 : memref<1000000xf32, #tpu.memory_space<hbm>>) target(%dma_start3A_1286 : memref<128xf32, #tpu.memory_space<vmem>>) offsets(%dma_start3A_1289 : memref<128xi32, #tpu.memory_space<vmem>>) semaphore(%arg16 : memref<!tpu.dma_semaphore, #tpu.memory_space<semaphore_mem>>)
      %dma_start3A_1292 = arith.constant 1920 : i32
      %dma_start3A_1293 = tpu.memref_slice %arg14[%dma_start3A_1292] : memref<5120xf32, #tpu.memory_space<vmem>> -> memref<128xf32, #tpu.memory_space<vmem>>
      %dma_start3A_1294 = arith.constant 0 : i32
      %dma_start3A_1295 = tpu.memref_slice %arg13[%add3A_1284, %dma_start3A_1294] : memref<256x128xi32, #tpu.memory_space<vmem>> -> memref<1x128xi32, #tpu.memory_space<vmem>>
      %dma_start3A_1296 = tpu.memref_squeeze %dma_start3A_1295 : memref<1x128xi32, #tpu.memory_space<vmem>> -> memref<128xi32, #tpu.memory_space<vmem>>
      %dma_start3A_1297 = arith.constant 0 : i32
      %dma_start3A_1298 = tpu.memref_slice %arg3[%dma_start3A_1297] : memref<1000000xf32, #tpu.memory_space<hbm>> -> memref<1000000xf32, #tpu.memory_space<hbm>>
      tpu.enqueue_indirect_dma source(%dma_start3A_1298 : memref<1000000xf32, #tpu.memory_space<hbm>>) target(%dma_start3A_1293 : memref<128xf32, #tpu.memory_space<vmem>>) offsets(%dma_start3A_1296 : memref<128xi32, #tpu.memory_space<vmem>>) semaphore(%arg16 : memref<!tpu.dma_semaphore, #tpu.memory_space<semaphore_mem>>)
      %dma_start3A_1299 = arith.constant 2944 : i32
      %dma_start3A_1300 = tpu.memref_slice %arg14[%dma_start3A_1299] : memref<5120xf32, #tpu.memory_space<vmem>> -> memref<128xf32, #tpu.memory_space<vmem>>
      %dma_start3A_1301 = arith.constant 0 : i32
      %dma_start3A_1302 = tpu.memref_slice %arg13[%add3A_1284, %dma_start3A_1301] : memref<256x128xi32, #tpu.memory_space<vmem>> -> memref<1x128xi32, #tpu.memory_space<vmem>>
      %dma_start3A_1303 = tpu.memref_squeeze %dma_start3A_1302 : memref<1x128xi32, #tpu.memory_space<vmem>> -> memref<128xi32, #tpu.memory_space<vmem>>
      %dma_start3A_1304 = arith.constant 0 : i32
      %dma_start3A_1305 = tpu.memref_slice %arg4[%dma_start3A_1304] : memref<1000000xf32, #tpu.memory_space<hbm>> -> memref<1000000xf32, #tpu.memory_space<hbm>>
      tpu.enqueue_indirect_dma source(%dma_start3A_1305 : memref<1000000xf32, #tpu.memory_space<hbm>>) target(%dma_start3A_1300 : memref<128xf32, #tpu.memory_space<vmem>>) offsets(%dma_start3A_1303 : memref<128xi32, #tpu.memory_space<vmem>>) semaphore(%arg16 : memref<!tpu.dma_semaphore, #tpu.memory_space<semaphore_mem>>)
      %dma_start3A_1306 = arith.constant 3968 : i32
      %dma_start3A_1307 = tpu.memref_slice %arg14[%dma_start3A_1306] : memref<5120xf32, #tpu.memory_space<vmem>> -> memref<128xf32, #tpu.memory_space<vmem>>
      %dma_start3A_1308 = arith.constant 0 : i32
      %dma_start3A_1309 = tpu.memref_slice %arg13[%add3A_1284, %dma_start3A_1308] : memref<256x128xi32, #tpu.memory_space<vmem>> -> memref<1x128xi32, #tpu.memory_space<vmem>>
      %dma_start3A_1310 = tpu.memref_squeeze %dma_start3A_1309 : memref<1x128xi32, #tpu.memory_space<vmem>> -> memref<128xi32, #tpu.memory_space<vmem>>
      %dma_start3A_1311 = arith.constant 0 : i32
      %dma_start3A_1312 = tpu.memref_slice %arg5[%dma_start3A_1311] : memref<1000000xf32, #tpu.memory_space<hbm>> -> memref<1000000xf32, #tpu.memory_space<hbm>>
      tpu.enqueue_indirect_dma source(%dma_start3A_1312 : memref<1000000xf32, #tpu.memory_space<hbm>>) target(%dma_start3A_1307 : memref<128xf32, #tpu.memory_space<vmem>>) offsets(%dma_start3A_1310 : memref<128xi32, #tpu.memory_space<vmem>>) semaphore(%arg16 : memref<!tpu.dma_semaphore, #tpu.memory_space<semaphore_mem>>)
      %dma_start3A_1313 = arith.constant 4992 : i32
      %dma_start3A_1314 = tpu.memref_slice %arg14[%dma_start3A_1313] : memref<5120xf32, #tpu.memory_space<vmem>> -> memref<128xf32, #tpu.memory_space<vmem>>
      %dma_start3A_1315 = arith.constant 0 : i32
      %dma_start3A_1316 = tpu.memref_slice %arg13[%add3A_1284, %dma_start3A_1315] : memref<256x128xi32, #tpu.memory_space<vmem>> -> memref<1x128xi32, #tpu.memory_space<vmem>>
      %dma_start3A_1317 = tpu.memref_squeeze %dma_start3A_1316 : memref<1x128xi32, #tpu.memory_space<vmem>> -> memref<128xi32, #tpu.memory_space<vmem>>
      %dma_start3A_1318 = arith.constant 0 : i32
      %dma_start3A_1319 = tpu.memref_slice %arg6[%dma_start3A_1318] : memref<1000000xf32, #tpu.memory_space<hbm>> -> memref<1000000xf32, #tpu.memory_space<hbm>>
      tpu.enqueue_indirect_dma source(%dma_start3A_1319 : memref<1000000xf32, #tpu.memory_space<hbm>>) target(%dma_start3A_1314 : memref<128xf32, #tpu.memory_space<vmem>>) offsets(%dma_start3A_1317 : memref<128xi32, #tpu.memory_space<vmem>>) semaphore(%arg16 : memref<!tpu.dma_semaphore, #tpu.memory_space<semaphore_mem>>)
      %dma_wait3A_1320 = arith.constant 0 : i32
      %dma_wait3A_1321 = tpu.memref_slice %arg2[%dma_wait3A_1320] : memref<1000000xf32, #tpu.memory_space<hbm>> -> memref<5120xf32, #tpu.memory_space<hbm>>
      %dma_wait3A_1322 = arith.constant 0 : i32
      %dma_wait3A_1323 = tpu.memref_slice %arg2[%dma_wait3A_1322] : memref<1000000xf32, #tpu.memory_space<hbm>> -> memref<5120xf32, #tpu.memory_space<hbm>>
      tpu.wait_dma2 semaphore(%arg17 : memref<!tpu.dma_semaphore, #tpu.memory_space<semaphore_mem>>) src(%dma_wait3A_1323 : memref<5120xf32, #tpu.memory_space<hbm>>) dst(%arg15 : memref<5120xf32, #tpu.memory_space<vmem>>)
      %add3A_1324 = arith.constant 1 : i32
      %add3A_1325 = arith.addi %mul3A_676, %add3A_1324 : i32
      %scan3A_1326 = arith.constant 0 : i32
      %scan3A_1327 = arith.constant 0 : i32
      %scan3A_1328 = arith.constant 64 : i32
      %scan3A_1329 = arith.addi %scan3A_1327, %scan3A_1328 : i32
      %scan3A_1330 = arith.constant 1 : i32
      scf.for %scan3A_1337 = %scan3A_1327 to %scan3A_1329 step %scan3A_1330  : i32 {
        %mul3A_1338 = arith.constant 16 : i32
        %mul3A_1339 = arith.muli %scan3A_1337, %mul3A_1338 : i32
        %add3A_1340 = arith.constant 2048 : i32
        %add3A_1341 = arith.addi %add3A_1340, %mul3A_1339 : i32
        %get3A = arith.index_cast %add3A_1341 : i32 to index
        %get3A_1342 = tpu.vector_load %arg15[%get3A] {strides = array<i32>} : memref<5120xf32, #tpu.memory_space<vmem>>, vector<16xf32>,
        %mul3A_1343 = arith.constant 16 : i32
        %mul3A_1344 = arith.muli %scan3A_1337, %mul3A_1343 : i32
        %add3A_1345 = arith.constant 3072 : i32
        %add3A_1346 = arith.addi %add3A_1345, %mul3A_1344 : i32
        %get3A_1347 = arith.index_cast %add3A_1346 : i32 to index
        %get3A_1348 = tpu.vector_load %arg15[%get3A_1347] {strides = array<i32>} : memref<5120xf32, #tpu.memory_space<vmem>>, vector<16xf32>,
        %mul3A_1349 = arith.constant 16 : i32
        %mul3A_1350 = arith.muli %scan3A_1337, %mul3A_1349 : i32
        %add3A_1351 = arith.constant 4096 : i32
        %add3A_1352 = arith.addi %add3A_1351, %mul3A_1350 : i32
        %get3A_1353 = arith.index_cast %add3A_1352 : i32 to index
        %get3A_1354 = tpu.vector_load %arg15[%get3A_1353] {strides = array<i32>} : memref<5120xf32, #tpu.memory_space<vmem>>, vector<16xf32>,
        %mul3A_1355 = arith.mulf %get3A_1342, %get3A_1342 : vector<16xf32>
        %mul3A_1356 = arith.mulf %get3A_1348, %get3A_1348 : vector<16xf32>
        %add3A_1357 = arith.addf %mul3A_1355, %mul3A_1356 : vector<16xf32>
        %mul3A_1358 = arith.mulf %get3A_1354, %get3A_1354 : vector<16xf32>
        %add3A_1359 = arith.addf %add3A_1357, %mul3A_1358 : vector<16xf32>
        %bitcast3A = vector.bitcast %add3A_1359 : vector<16xf32> to vector<16xi32>
        %shift_right_logical3A = arith.constant 1 : i32
        %shift_right_logical3A_1360 = vector.broadcast %shift_right_logical3A : i32 to vector<16xi32>
        %shift_right_logical3A_1361 = arith.shrui %bitcast3A, %shift_right_logical3A_1360 : vector<16xi32>
        %sub3A = arith.constant 1597463007 : i32
        %sub3A_1362 = vector.broadcast %sub3A : i32 to vector<16xi32>
        %sub3A_1363 = arith.subi %sub3A_1362, %shift_right_logical3A_1361 : vector<16xi32>
        %bitcast3A_1364 = vector.bitcast %sub3A_1363 : vector<16xi32> to vector<16xf32>
        %mul3A_1365 = arith.constant 5.000000e-01 : f32
        %mul3A_1366 = vector.broadcast %mul3A_1365 : f32 to vector<16xf32>
        %mul3A_1367 = arith.mulf %mul3A_1366, %add3A_1359 : vector<16xf32>
        %mul3A_1368 = arith.mulf %mul3A_1367, %bitcast3A_1364 : vector<16xf32>
        %mul3A_1369 = arith.mulf %mul3A_1368, %bitcast3A_1364 : vector<16xf32>
        %sub3A_1370 = arith.constant 1.500000e+00 : f32
        %sub3A_1371 = vector.broadcast %sub3A_1370 : f32 to vector<16xf32>
        %sub3A_1372 = arith.subf %sub3A_1371, %mul3A_1369 : vector<16xf32>
        %mul3A_1373 = arith.mulf %bitcast3A_1364, %sub3A_1372 : vector<16xf32>
        %mul3A_1374 = arith.mulf %mul3A_1367, %mul3A_1373 : vector<16xf32>
        %mul3A_1375 = arith.mulf %mul3A_1374, %mul3A_1373 : vector<16xf32>
        %sub3A_1376 = arith.constant 1.500000e+00 : f32
        %sub3A_1377 = vector.broadcast %sub3A_1376 : f32 to vector<16xf32>
        %sub3A_1378 = arith.subf %sub3A_1377, %mul3A_1375 : vector<16xf32>
        %mul3A_1379 = arith.mulf %mul3A_1373, %sub3A_1378 : vector<16xf32>
        %mul3A_1380 = arith.mulf %mul3A_1367, %mul3A_1379 : vector<16xf32>
        %mul3A_1381 = arith.mulf %mul3A_1380, %mul3A_1379 : vector<16xf32>
        %sub3A_1382 = arith.constant 1.500000e+00 : f32
        %sub3A_1383 = vector.broadcast %sub3A_1382 : f32 to vector<16xf32>
        %sub3A_1384 = arith.subf %sub3A_1383, %mul3A_1381 : vector<16xf32>
        %mul3A_1385 = arith.mulf %mul3A_1379, %sub3A_1384 : vector<16xf32>
        %mul3A_1386 = arith.mulf %get3A_1342, %mul3A_1385 : vector<16xf32>
        %mul3A_1387 = arith.constant 16 : i32
        %mul3A_1388 = arith.muli %scan3A_1337, %mul3A_1387 : i32
        %add3A_1389 = arith.constant 2048 : i32
        %add3A_1390 = arith.addi %add3A_1389, %mul3A_1388 : i32
        %swap3A = arith.index_cast %add3A_1390 : i32 to index
        %swap3A_1391 = tpu.vector_load %arg15[%swap3A] {strides = array<i32>} : memref<5120xf32, #tpu.memory_space<vmem>>, vector<16xf32>,
        tpu.vector_store %arg15[%swap3A], %mul3A_1386 {strides = array<i32>} : memref<5120xf32, #tpu.memory_space<vmem>>, vector<16xf32>,
        %mul3A_1392 = arith.mulf %get3A_1348, %mul3A_1385 : vector<16xf32>
        %mul3A_1393 = arith.constant 16 : i32
        %mul3A_1394 = arith.muli %scan3A_1337, %mul3A_1393 : i32
        %add3A_1395 = arith.constant 3072 : i32
        %add3A_1396 = arith.addi %add3A_1395, %mul3A_1394 : i32
        %swap3A_1397 = arith.index_cast %add3A_1396 : i32 to index
        %swap3A_1398 = tpu.vector_load %arg15[%swap3A_1397] {strides = array<i32>} : memref<5120xf32, #tpu.memory_space<vmem>>, vector<16xf32>,
        tpu.vector_store %arg15[%swap3A_1397], %mul3A_1392 {strides = array<i32>} : memref<5120xf32, #tpu.memory_space<vmem>>, vector<16xf32>,
        %mul3A_1399 = arith.mulf %get3A_1354, %mul3A_1385 : vector<16xf32>
        %mul3A_1400 = arith.constant 16 : i32
        %mul3A_1401 = arith.muli %scan3A_1337, %mul3A_1400 : i32
        %add3A_1402 = arith.constant 4096 : i32
        %add3A_1403 = arith.addi %add3A_1402, %mul3A_1401 : i32
        %swap3A_1404 = arith.index_cast %add3A_1403 : i32 to index
        %swap3A_1405 = tpu.vector_load %arg15[%swap3A_1404] {strides = array<i32>} : memref<5120xf32, #tpu.memory_space<vmem>>, vector<16xf32>,
        tpu.vector_store %arg15[%swap3A_1404], %mul3A_1399 {strides = array<i32>} : memref<5120xf32, #tpu.memory_space<vmem>>, vector<16xf32>,
      }
      %scan3A_1331 = arith.constant 64 : i32
      %mul3A_1332 = arith.constant 32768 : i32
      %mul3A_1333 = arith.muli %add3A, %mul3A_1332 : i32
      %mul3A_1334 = arith.constant 1024 : i32
      %mul3A_1335 = arith.muli %add3A_1325, %mul3A_1334 : i32
      %add3A_1336 = arith.addi %mul3A_1333, %mul3A_1335 : i32
      "tpu.region"() ({
        %run_scoped3A = tpu.sem_alloc : memref<!tpu.dma_semaphore, #tpu.memory_space<semaphore_mem>>
        %dma_start3A_1337 = arith.constant 0 : i32
        %dma_start3A_1338 = tpu.memref_slice %arg15[%dma_start3A_1337] : memref<5120xf32, #tpu.memory_space<vmem>> -> memref<1024xf32, #tpu.memory_space<vmem>>
        %dma_start3A_1339 = tpu.memref_slice %arg8[%add3A_1336] : memref<1048576xf32, #tpu.memory_space<hbm>> -> memref<1024xf32, #tpu.memory_space<hbm>>
        %dma_start3A_1340 = tpu.memref_slice %arg8[%add3A_1336] : memref<1048576xf32, #tpu.memory_space<hbm>> -> memref<1024xf32, #tpu.memory_space<hbm>>
        %dma_start3A_1341 = arith.constant 0 : i32
        %dma_start3A_1342 = tpu.memref_slice %arg15[%dma_start3A_1341] : memref<5120xf32, #tpu.memory_space<vmem>> -> memref<1024xf32, #tpu.memory_space<vmem>>
        tpu.enqueue_dma source(%dma_start3A_1342 : memref<1024xf32, #tpu.memory_space<vmem>>) target(%dma_start3A_1340 : memref<1024xf32, #tpu.memory_space<hbm>>) target_semaphore(%run_scoped3A : memref<!tpu.dma_semaphore, #tpu.memory_space<semaphore_mem>>)
        %dma_wait3A_1343 = arith.constant 0 : i32
        %dma_wait3A_1344 = tpu.memref_slice %arg15[%dma_wait3A_1343] : memref<5120xf32, #tpu.memory_space<vmem>> -> memref<1024xf32, #tpu.memory_space<vmem>>
        %dma_wait3A_1345 = tpu.memref_slice %arg8[%add3A_1336] : memref<1048576xf32, #tpu.memory_space<hbm>> -> memref<1024xf32, #tpu.memory_space<hbm>>
        %dma_wait3A_1346 = tpu.memref_slice %arg8[%add3A_1336] : memref<1048576xf32, #tpu.memory_space<hbm>> -> memref<1024xf32, #tpu.memory_space<hbm>>
        %dma_wait3A_1347 = arith.constant 0 : i32
        %dma_wait3A_1348 = tpu.memref_slice %arg15[%dma_wait3A_1347] : memref<5120xf32, #tpu.memory_space<vmem>> -> memref<1024xf32, #tpu.memory_space<vmem>>
        tpu.wait_dma2 semaphore(%run_scoped3A : memref<!tpu.dma_semaphore, #tpu.memory_space<semaphore_mem>>) src(%dma_wait3A_1348 : memref<1024xf32, #tpu.memory_space<vmem>>) dst(%dma_wait3A_1346 : memref<1024xf32, #tpu.memory_space<hbm>>)
        tpu.yield
      }) : () -> ()
      "tpu.region"() ({
        %run_scoped3A = tpu.sem_alloc : memref<!tpu.dma_semaphore, #tpu.memory_space<semaphore_mem>>
        %dma_start3A_1337 = arith.constant 1024 : i32
        %dma_start3A_1338 = tpu.memref_slice %arg15[%dma_start3A_1337] : memref<5120xf32, #tpu.memory_space<vmem>> -> memref<1024xf32, #tpu.memory_space<vmem>>
        %dma_start3A_1339 = tpu.memref_slice %arg9[%add3A_1336] : memref<1048576xf32, #tpu.memory_space<hbm>> -> memref<1024xf32, #tpu.memory_space<hbm>>
        %dma_start3A_1340 = tpu.memref_slice %arg9[%add3A_1336] : memref<1048576xf32, #tpu.memory_space<hbm>> -> memref<1024xf32, #tpu.memory_space<hbm>>
        %dma_start3A_1341 = arith.constant 1024 : i32
        %dma_start3A_1342 = tpu.memref_slice %arg15[%dma_start3A_1341] : memref<5120xf32, #tpu.memory_space<vmem>> -> memref<1024xf32, #tpu.memory_space<vmem>>
        tpu.enqueue_dma source(%dma_start3A_1342 : memref<1024xf32, #tpu.memory_space<vmem>>) target(%dma_start3A_1340 : memref<1024xf32, #tpu.memory_space<hbm>>) target_semaphore(%run_scoped3A : memref<!tpu.dma_semaphore, #tpu.memory_space<semaphore_mem>>)
        %dma_wait3A_1343 = arith.constant 1024 : i32
        %dma_wait3A_1344 = tpu.memref_slice %arg15[%dma_wait3A_1343] : memref<5120xf32, #tpu.memory_space<vmem>> -> memref<1024xf32, #tpu.memory_space<vmem>>
        %dma_wait3A_1345 = tpu.memref_slice %arg9[%add3A_1336] : memref<1048576xf32, #tpu.memory_space<hbm>> -> memref<1024xf32, #tpu.memory_space<hbm>>
        %dma_wait3A_1346 = tpu.memref_slice %arg9[%add3A_1336] : memref<1048576xf32, #tpu.memory_space<hbm>> -> memref<1024xf32, #tpu.memory_space<hbm>>
        %dma_wait3A_1347 = arith.constant 1024 : i32
        %dma_wait3A_1348 = tpu.memref_slice %arg15[%dma_wait3A_1347] : memref<5120xf32, #tpu.memory_space<vmem>> -> memref<1024xf32, #tpu.memory_space<vmem>>
        tpu.wait_dma2 semaphore(%run_scoped3A : memref<!tpu.dma_semaphore, #tpu.memory_space<semaphore_mem>>) src(%dma_wait3A_1348 : memref<1024xf32, #tpu.memory_space<vmem>>) dst(%dma_wait3A_1346 : memref<1024xf32, #tpu.memory_space<hbm>>)
        tpu.yield
      }) : () -> ()
      "tpu.region"() ({
        %run_scoped3A = tpu.sem_alloc : memref<!tpu.dma_semaphore, #tpu.memory_space<semaphore_mem>>
        %dma_start3A_1337 = arith.constant 2048 : i32
        %dma_start3A_1338 = tpu.memref_slice %arg15[%dma_start3A_1337] : memref<5120xf32, #tpu.memory_space<vmem>> -> memref<1024xf32, #tpu.memory_space<vmem>>
        %dma_start3A_1339 = tpu.memref_slice %arg10[%add3A_1336] : memref<1048576xf32, #tpu.memory_space<hbm>> -> memref<1024xf32, #tpu.memory_space<hbm>>
        %dma_start3A_1340 = tpu.memref_slice %arg10[%add3A_1336] : memref<1048576xf32, #tpu.memory_space<hbm>> -> memref<1024xf32, #tpu.memory_space<hbm>>
        %dma_start3A_1341 = arith.constant 2048 : i32
        %dma_start3A_1342 = tpu.memref_slice %arg15[%dma_start3A_1341] : memref<5120xf32, #tpu.memory_space<vmem>> -> memref<1024xf32, #tpu.memory_space<vmem>>
        tpu.enqueue_dma source(%dma_start3A_1342 : memref<1024xf32, #tpu.memory_space<vmem>>) target(%dma_start3A_1340 : memref<1024xf32, #tpu.memory_space<hbm>>) target_semaphore(%run_scoped3A : memref<!tpu.dma_semaphore, #tpu.memory_space<semaphore_mem>>)
        %dma_wait3A_1343 = arith.constant 2048 : i32
        %dma_wait3A_1344 = tpu.memref_slice %arg15[%dma_wait3A_1343] : memref<5120xf32, #tpu.memory_space<vmem>> -> memref<1024xf32, #tpu.memory_space<vmem>>
        %dma_wait3A_1345 = tpu.memref_slice %arg10[%add3A_1336] : memref<1048576xf32, #tpu.memory_space<hbm>> -> memref<1024xf32, #tpu.memory_space<hbm>>
        %dma_wait3A_1346 = tpu.memref_slice %arg10[%add3A_1336] : memref<1048576xf32, #tpu.memory_space<hbm>> -> memref<1024xf32, #tpu.memory_space<hbm>>
        %dma_wait3A_1347 = arith.constant 2048 : i32
        %dma_wait3A_1348 = tpu.memref_slice %arg15[%dma_wait3A_1347] : memref<5120xf32, #tpu.memory_space<vmem>> -> memref<1024xf32, #tpu.memory_space<vmem>>
        tpu.wait_dma2 semaphore(%run_scoped3A : memref<!tpu.dma_semaphore, #tpu.memory_space<semaphore_mem>>) src(%dma_wait3A_1348 : memref<1024xf32, #tpu.memory_space<vmem>>) dst(%dma_wait3A_1346 : memref<1024xf32, #tpu.memory_space<hbm>>)
        tpu.yield
      }) : () -> ()
      "tpu.region"() ({
        %run_scoped3A = tpu.sem_alloc : memref<!tpu.dma_semaphore, #tpu.memory_space<semaphore_mem>>
        %dma_start3A_1337 = arith.constant 3072 : i32
        %dma_start3A_1338 = tpu.memref_slice %arg15[%dma_start3A_1337] : memref<5120xf32, #tpu.memory_space<vmem>> -> memref<1024xf32, #tpu.memory_space<vmem>>
        %dma_start3A_1339 = tpu.memref_slice %arg11[%add3A_1336] : memref<1048576xf32, #tpu.memory_space<hbm>> -> memref<1024xf32, #tpu.memory_space<hbm>>
        %dma_start3A_1340 = tpu.memref_slice %arg11[%add3A_1336] : memref<1048576xf32, #tpu.memory_space<hbm>> -> memref<1024xf32, #tpu.memory_space<hbm>>
        %dma_start3A_1341 = arith.constant 3072 : i32
        %dma_start3A_1342 = tpu.memref_slice %arg15[%dma_start3A_1341] : memref<5120xf32, #tpu.memory_space<vmem>> -> memref<1024xf32, #tpu.memory_space<vmem>>
        tpu.enqueue_dma source(%dma_start3A_1342 : memref<1024xf32, #tpu.memory_space<vmem>>) target(%dma_start3A_1340 : memref<1024xf32, #tpu.memory_space<hbm>>) target_semaphore(%run_scoped3A : memref<!tpu.dma_semaphore, #tpu.memory_space<semaphore_mem>>)
        %dma_wait3A_1343 = arith.constant 3072 : i32
        %dma_wait3A_1344 = tpu.memref_slice %arg15[%dma_wait3A_1343] : memref<5120xf32, #tpu.memory_space<vmem>> -> memref<1024xf32, #tpu.memory_space<vmem>>
        %dma_wait3A_1345 = tpu.memref_slice %arg11[%add3A_1336] : memref<1048576xf32, #tpu.memory_space<hbm>> -> memref<1024xf32, #tpu.memory_space<hbm>>
        %dma_wait3A_1346 = tpu.memref_slice %arg11[%add3A_1336] : memref<1048576xf32, #tpu.memory_space<hbm>> -> memref<1024xf32, #tpu.memory_space<hbm>>
        %dma_wait3A_1347 = arith.constant 3072 : i32
        %dma_wait3A_1348 = tpu.memref_slice %arg15[%dma_wait3A_1347] : memref<5120xf32, #tpu.memory_space<vmem>> -> memref<1024xf32, #tpu.memory_space<vmem>>
        tpu.wait_dma2 semaphore(%run_scoped3A : memref<!tpu.dma_semaphore, #tpu.memory_space<semaphore_mem>>) src(%dma_wait3A_1348 : memref<1024xf32, #tpu.memory_space<vmem>>) dst(%dma_wait3A_1346 : memref<1024xf32, #tpu.memory_space<hbm>>)
        tpu.yield
      }) : () -> ()
      "tpu.region"() ({
        %run_scoped3A = tpu.sem_alloc : memref<!tpu.dma_semaphore, #tpu.memory_space<semaphore_mem>>
        %dma_start3A_1337 = arith.constant 4096 : i32
        %dma_start3A_1338 = tpu.memref_slice %arg15[%dma_start3A_1337] : memref<5120xf32, #tpu.memory_space<vmem>> -> memref<1024xf32, #tpu.memory_space<vmem>>
        %dma_start3A_1339 = tpu.memref_slice %arg12[%add3A_1336] : memref<1048576xf32, #tpu.memory_space<hbm>> -> memref<1024xf32, #tpu.memory_space<hbm>>
        %dma_start3A_1340 = tpu.memref_slice %arg12[%add3A_1336] : memref<1048576xf32, #tpu.memory_space<hbm>> -> memref<1024xf32, #tpu.memory_space<hbm>>
        %dma_start3A_1341 = arith.constant 4096 : i32
        %dma_start3A_1342 = tpu.memref_slice %arg15[%dma_start3A_1341] : memref<5120xf32, #tpu.memory_space<vmem>> -> memref<1024xf32, #tpu.memory_space<vmem>>
        tpu.enqueue_dma source(%dma_start3A_1342 : memref<1024xf32, #tpu.memory_space<vmem>>) target(%dma_start3A_1340 : memref<1024xf32, #tpu.memory_space<hbm>>) target_semaphore(%run_scoped3A : memref<!tpu.dma_semaphore, #tpu.memory_space<semaphore_mem>>)
        %dma_wait3A_1343 = arith.constant 4096 : i32
        %dma_wait3A_1344 = tpu.memref_slice %arg15[%dma_wait3A_1343] : memref<5120xf32, #tpu.memory_space<vmem>> -> memref<1024xf32, #tpu.memory_space<vmem>>
        %dma_wait3A_1345 = tpu.memref_slice %arg12[%add3A_1336] : memref<1048576xf32, #tpu.memory_space<hbm>> -> memref<1024xf32, #tpu.memory_space<hbm>>
        %dma_wait3A_1346 = tpu.memref_slice %arg12[%add3A_1336] : memref<1048576xf32, #tpu.memory_space<hbm>> -> memref<1024xf32, #tpu.memory_space<hbm>>
        %dma_wait3A_1347 = arith.constant 4096 : i32
        %dma_wait3A_1348 = tpu.memref_slice %arg15[%dma_wait3A_1347] : memref<5120xf32, #tpu.memory_space<vmem>> -> memref<1024xf32, #tpu.memory_space<vmem>>
        tpu.wait_dma2 semaphore(%run_scoped3A : memref<!tpu.dma_semaphore, #tpu.memory_space<semaphore_mem>>) src(%dma_wait3A_1348 : memref<1024xf32, #tpu.memory_space<vmem>>) dst(%dma_wait3A_1346 : memref<1024xf32, #tpu.memory_space<hbm>>)
        tpu.yield
      }) : () -> ()
    }
    %scan3A_326 = arith.constant 15 : i32
    %dma_start3A_327 = arith.constant 248 : i32
    %dma_start3A_328 = arith.constant 0 : i32
    %dma_start3A_329 = tpu.memref_slice %arg15[%dma_start3A_328] : memref<5120xf32, #tpu.memory_space<vmem>> -> memref<128xf32, #tpu.memory_space<vmem>>
    %dma_start3A_330 = arith.constant 0 : i32
    %dma_start3A_331 = tpu.memref_slice %arg13[%dma_start3A_327, %dma_start3A_330] : memref<256x128xi32, #tpu.memory_space<vmem>> -> memref<1x128xi32, #tpu.memory_space<vmem>>
    %dma_start3A_332 = tpu.memref_squeeze %dma_start3A_331 : memref<1x128xi32, #tpu.memory_space<vmem>> -> memref<128xi32, #tpu.memory_space<vmem>>
    %dma_start3A_333 = arith.constant 0 : i32
    %dma_start3A_334 = tpu.memref_slice %arg2[%dma_start3A_333] : memref<1000000xf32, #tpu.memory_space<hbm>> -> memref<1000000xf32, #tpu.memory_space<hbm>>
    tpu.enqueue_indirect_dma source(%dma_start3A_334 : memref<1000000xf32, #tpu.memory_space<hbm>>) target(%dma_start3A_329 : memref<128xf32, #tpu.memory_space<vmem>>) offsets(%dma_start3A_332 : memref<128xi32, #tpu.memory_space<vmem>>) semaphore(%arg17 : memref<!tpu.dma_semaphore, #tpu.memory_space<semaphore_mem>>)
    %dma_start3A_335 = arith.constant 248 : i32
    %dma_start3A_336 = arith.constant 1024 : i32
    %dma_start3A_337 = tpu.memref_slice %arg15[%dma_start3A_336] : memref<5120xf32, #tpu.memory_space<vmem>> -> memref<128xf32, #tpu.memory_space<vmem>>
    %dma_start3A_338 = arith.constant 0 : i32
    %dma_start3A_339 = tpu.memref_slice %arg13[%dma_start3A_335, %dma_start3A_338] : memref<256x128xi32, #tpu.memory_space<vmem>> -> memref<1x128xi32, #tpu.memory_space<vmem>>
    %dma_start3A_340 = tpu.memref_squeeze %dma_start3A_339 : memref<1x128xi32, #tpu.memory_space<vmem>> -> memref<128xi32, #tpu.memory_space<vmem>>
    %dma_start3A_341 = arith.constant 0 : i32
    %dma_start3A_342 = tpu.memref_slice %arg3[%dma_start3A_341] : memref<1000000xf32, #tpu.memory_space<hbm>> -> memref<1000000xf32, #tpu.memory_space<hbm>>
    tpu.enqueue_indirect_dma source(%dma_start3A_342 : memref<1000000xf32, #tpu.memory_space<hbm>>) target(%dma_start3A_337 : memref<128xf32, #tpu.memory_space<vmem>>) offsets(%dma_start3A_340 : memref<128xi32, #tpu.memory_space<vmem>>) semaphore(%arg17 : memref<!tpu.dma_semaphore, #tpu.memory_space<semaphore_mem>>)
    %dma_start3A_343 = arith.constant 248 : i32
    %dma_start3A_344 = arith.constant 2048 : i32
    %dma_start3A_345 = tpu.memref_slice %arg15[%dma_start3A_344] : memref<5120xf32, #tpu.memory_space<vmem>> -> memref<128xf32, #tpu.memory_space<vmem>>
    %dma_start3A_346 = arith.constant 0 : i32
    %dma_start3A_347 = tpu.memref_slice %arg13[%dma_start3A_343, %dma_start3A_346] : memref<256x128xi32, #tpu.memory_space<vmem>> -> memref<1x128xi32, #tpu.memory_space<vmem>>
    %dma_start3A_348 = tpu.memref_squeeze %dma_start3A_347 : memref<1x128xi32, #tpu.memory_space<vmem>> -> memref<128xi32, #tpu.memory_space<vmem>>
    %dma_start3A_349 = arith.constant 0 : i32
    %dma_start3A_350 = tpu.memref_slice %arg4[%dma_start3A_349] : memref<1000000xf32, #tpu.memory_space<hbm>> -> memref<1000000xf32, #tpu.memory_space<hbm>>
    tpu.enqueue_indirect_dma source(%dma_start3A_350 : memref<1000000xf32, #tpu.memory_space<hbm>>) target(%dma_start3A_345 : memref<128xf32, #tpu.memory_space<vmem>>) offsets(%dma_start3A_348 : memref<128xi32, #tpu.memory_space<vmem>>) semaphore(%arg17 : memref<!tpu.dma_semaphore, #tpu.memory_space<semaphore_mem>>)
    %dma_start3A_351 = arith.constant 248 : i32
    %dma_start3A_352 = arith.constant 3072 : i32
    %dma_start3A_353 = tpu.memref_slice %arg15[%dma_start3A_352] : memref<5120xf32, #tpu.memory_space<vmem>> -> memref<128xf32, #tpu.memory_space<vmem>>
    %dma_start3A_354 = arith.constant 0 : i32
    %dma_start3A_355 = tpu.memref_slice %arg13[%dma_start3A_351, %dma_start3A_354] : memref<256x128xi32, #tpu.memory_space<vmem>> -> memref<1x128xi32, #tpu.memory_space<vmem>>
    %dma_start3A_356 = tpu.memref_squeeze %dma_start3A_355 : memref<1x128xi32, #tpu.memory_space<vmem>> -> memref<128xi32, #tpu.memory_space<vmem>>
    %dma_start3A_357 = arith.constant 0 : i32
    %dma_start3A_358 = tpu.memref_slice %arg5[%dma_start3A_357] : memref<1000000xf32, #tpu.memory_space<hbm>> -> memref<1000000xf32, #tpu.memory_space<hbm>>
    tpu.enqueue_indirect_dma source(%dma_start3A_358 : memref<1000000xf32, #tpu.memory_space<hbm>>) target(%dma_start3A_353 : memref<128xf32, #tpu.memory_space<vmem>>) offsets(%dma_start3A_356 : memref<128xi32, #tpu.memory_space<vmem>>) semaphore(%arg17 : memref<!tpu.dma_semaphore, #tpu.memory_space<semaphore_mem>>)
    %dma_start3A_359 = arith.constant 248 : i32
    %dma_start3A_360 = arith.constant 4096 : i32
    %dma_start3A_361 = tpu.memref_slice %arg15[%dma_start3A_360] : memref<5120xf32, #tpu.memory_space<vmem>> -> memref<128xf32, #tpu.memory_space<vmem>>
    %dma_start3A_362 = arith.constant 0 : i32
    %dma_start3A_363 = tpu.memref_slice %arg13[%dma_start3A_359, %dma_start3A_362] : memref<256x128xi32, #tpu.memory_space<vmem>> -> memref<1x128xi32, #tpu.memory_space<vmem>>
    %dma_start3A_364 = tpu.memref_squeeze %dma_start3A_363 : memref<1x128xi32, #tpu.memory_space<vmem>> -> memref<128xi32, #tpu.memory_space<vmem>>
    %dma_start3A_365 = arith.constant 0 : i32
    %dma_start3A_366 = tpu.memref_slice %arg6[%dma_start3A_365] : memref<1000000xf32, #tpu.memory_space<hbm>> -> memref<1000000xf32, #tpu.memory_space<hbm>>
    tpu.enqueue_indirect_dma source(%dma_start3A_366 : memref<1000000xf32, #tpu.memory_space<hbm>>) target(%dma_start3A_361 : memref<128xf32, #tpu.memory_space<vmem>>) offsets(%dma_start3A_364 : memref<128xi32, #tpu.memory_space<vmem>>) semaphore(%arg17 : memref<!tpu.dma_semaphore, #tpu.memory_space<semaphore_mem>>)
    %dma_start3A_367 = arith.constant 249 : i32
    %dma_start3A_368 = arith.constant 128 : i32
    %dma_start3A_369 = tpu.memref_slice %arg15[%dma_start3A_368] : memref<5120xf32, #tpu.memory_space<vmem>> -> memref<128xf32, #tpu.memory_space<vmem>>
    %dma_start3A_370 = arith.constant 0 : i32
    %dma_start3A_371 = tpu.memref_slice %arg13[%dma_start3A_367, %dma_start3A_370] : memref<256x128xi32, #tpu.memory_space<vmem>> -> memref<1x128xi32, #tpu.memory_space<vmem>>
    %dma_start3A_372 = tpu.memref_squeeze %dma_start3A_371 : memref<1x128xi32, #tpu.memory_space<vmem>> -> memref<128xi32, #tpu.memory_space<vmem>>
    %dma_start3A_373 = arith.constant 0 : i32
    %dma_start3A_374 = tpu.memref_slice %arg2[%dma_start3A_373] : memref<1000000xf32, #tpu.memory_space<hbm>> -> memref<1000000xf32, #tpu.memory_space<hbm>>
    tpu.enqueue_indirect_dma source(%dma_start3A_374 : memref<1000000xf32, #tpu.memory_space<hbm>>) target(%dma_start3A_369 : memref<128xf32, #tpu.memory_space<vmem>>) offsets(%dma_start3A_372 : memref<128xi32, #tpu.memory_space<vmem>>) semaphore(%arg17 : memref<!tpu.dma_semaphore, #tpu.memory_space<semaphore_mem>>)
    %dma_start3A_375 = arith.constant 249 : i32
    %dma_start3A_376 = arith.constant 1152 : i32
    %dma_start3A_377 = tpu.memref_slice %arg15[%dma_start3A_376] : memref<5120xf32, #tpu.memory_space<vmem>> -> memref<128xf32, #tpu.memory_space<vmem>>
    %dma_start3A_378 = arith.constant 0 : i32
    %dma_start3A_379 = tpu.memref_slice %arg13[%dma_start3A_375, %dma_start3A_378] : memref<256x128xi32, #tpu.memory_space<vmem>> -> memref<1x128xi32, #tpu.memory_space<vmem>>
    %dma_start3A_380 = tpu.memref_squeeze %dma_start3A_379 : memref<1x128xi32, #tpu.memory_space<vmem>> -> memref<128xi32, #tpu.memory_space<vmem>>
    %dma_start3A_381 = arith.constant 0 : i32
    %dma_start3A_382 = tpu.memref_slice %arg3[%dma_start3A_381] : memref<1000000xf32, #tpu.memory_space<hbm>> -> memref<1000000xf32, #tpu.memory_space<hbm>>
    tpu.enqueue_indirect_dma source(%dma_start3A_382 : memref<1000000xf32, #tpu.memory_space<hbm>>) target(%dma_start3A_377 : memref<128xf32, #tpu.memory_space<vmem>>) offsets(%dma_start3A_380 : memref<128xi32, #tpu.memory_space<vmem>>) semaphore(%arg17 : memref<!tpu.dma_semaphore, #tpu.memory_space<semaphore_mem>>)
    %dma_start3A_383 = arith.constant 249 : i32
    %dma_start3A_384 = arith.constant 2176 : i32
    %dma_start3A_385 = tpu.memref_slice %arg15[%dma_start3A_384] : memref<5120xf32, #tpu.memory_space<vmem>> -> memref<128xf32, #tpu.memory_space<vmem>>
    %dma_start3A_386 = arith.constant 0 : i32
    %dma_start3A_387 = tpu.memref_slice %arg13[%dma_start3A_383, %dma_start3A_386] : memref<256x128xi32, #tpu.memory_space<vmem>> -> memref<1x128xi32, #tpu.memory_space<vmem>>
    %dma_start3A_388 = tpu.memref_squeeze %dma_start3A_387 : memref<1x128xi32, #tpu.memory_space<vmem>> -> memref<128xi32, #tpu.memory_space<vmem>>
    %dma_start3A_389 = arith.constant 0 : i32
    %dma_start3A_390 = tpu.memref_slice %arg4[%dma_start3A_389] : memref<1000000xf32, #tpu.memory_space<hbm>> -> memref<1000000xf32, #tpu.memory_space<hbm>>
    tpu.enqueue_indirect_dma source(%dma_start3A_390 : memref<1000000xf32, #tpu.memory_space<hbm>>) target(%dma_start3A_385 : memref<128xf32, #tpu.memory_space<vmem>>) offsets(%dma_start3A_388 : memref<128xi32, #tpu.memory_space<vmem>>) semaphore(%arg17 : memref<!tpu.dma_semaphore, #tpu.memory_space<semaphore_mem>>)
    %dma_start3A_391 = arith.constant 249 : i32
    %dma_start3A_392 = arith.constant 3200 : i32
    %dma_start3A_393 = tpu.memref_slice %arg15[%dma_start3A_392] : memref<5120xf32, #tpu.memory_space<vmem>> -> memref<128xf32, #tpu.memory_space<vmem>>
    %dma_start3A_394 = arith.constant 0 : i32
    %dma_start3A_395 = tpu.memref_slice %arg13[%dma_start3A_391, %dma_start3A_394] : memref<256x128xi32, #tpu.memory_space<vmem>> -> memref<1x128xi32, #tpu.memory_space<vmem>>
    %dma_start3A_396 = tpu.memref_squeeze %dma_start3A_395 : memref<1x128xi32, #tpu.memory_space<vmem>> -> memref<128xi32, #tpu.memory_space<vmem>>
    %dma_start3A_397 = arith.constant 0 : i32
    %dma_start3A_398 = tpu.memref_slice %arg5[%dma_start3A_397] : memref<1000000xf32, #tpu.memory_space<hbm>> -> memref<1000000xf32, #tpu.memory_space<hbm>>
    tpu.enqueue_indirect_dma source(%dma_start3A_398 : memref<1000000xf32, #tpu.memory_space<hbm>>) target(%dma_start3A_393 : memref<128xf32, #tpu.memory_space<vmem>>) offsets(%dma_start3A_396 : memref<128xi32, #tpu.memory_space<vmem>>) semaphore(%arg17 : memref<!tpu.dma_semaphore, #tpu.memory_space<semaphore_mem>>)
    %dma_start3A_399 = arith.constant 249 : i32
    %dma_start3A_400 = arith.constant 4224 : i32
    %dma_start3A_401 = tpu.memref_slice %arg15[%dma_start3A_400] : memref<5120xf32, #tpu.memory_space<vmem>> -> memref<128xf32, #tpu.memory_space<vmem>>
    %dma_start3A_402 = arith.constant 0 : i32
    %dma_start3A_403 = tpu.memref_slice %arg13[%dma_start3A_399, %dma_start3A_402] : memref<256x128xi32, #tpu.memory_space<vmem>> -> memref<1x128xi32, #tpu.memory_space<vmem>>
    %dma_start3A_404 = tpu.memref_squeeze %dma_start3A_403 : memref<1x128xi32, #tpu.memory_space<vmem>> -> memref<128xi32, #tpu.memory_space<vmem>>
    %dma_start3A_405 = arith.constant 0 : i32
    %dma_start3A_406 = tpu.memref_slice %arg6[%dma_start3A_405] : memref<1000000xf32, #tpu.memory_space<hbm>> -> memref<1000000xf32, #tpu.memory_space<hbm>>
    tpu.enqueue_indirect_dma source(%dma_start3A_406 : memref<1000000xf32, #tpu.memory_space<hbm>>) target(%dma_start3A_401 : memref<128xf32, #tpu.memory_space<vmem>>) offsets(%dma_start3A_404 : memref<128xi32, #tpu.memory_space<vmem>>) semaphore(%arg17 : memref<!tpu.dma_semaphore, #tpu.memory_space<semaphore_mem>>)
    %dma_start3A_407 = arith.constant 250 : i32
    %dma_start3A_408 = arith.constant 256 : i32
    %dma_start3A_409 = tpu.memref_slice %arg15[%dma_start3A_408] : memref<5120xf32, #tpu.memory_space<vmem>> -> memref<128xf32, #tpu.memory_space<vmem>>
    %dma_start3A_410 = arith.constant 0 : i32
    %dma_start3A_411 = tpu.memref_slice %arg13[%dma_start3A_407, %dma_start3A_410] : memref<256x128xi32, #tpu.memory_space<vmem>> -> memref<1x128xi32, #tpu.memory_space<vmem>>
    %dma_start3A_412 = tpu.memref_squeeze %dma_start3A_411 : memref<1x128xi32, #tpu.memory_space<vmem>> -> memref<128xi32, #tpu.memory_space<vmem>>
    %dma_start3A_413 = arith.constant 0 : i32
    %dma_start3A_414 = tpu.memref_slice %arg2[%dma_start3A_413] : memref<1000000xf32, #tpu.memory_space<hbm>> -> memref<1000000xf32, #tpu.memory_space<hbm>>
    tpu.enqueue_indirect_dma source(%dma_start3A_414 : memref<1000000xf32, #tpu.memory_space<hbm>>) target(%dma_start3A_409 : memref<128xf32, #tpu.memory_space<vmem>>) offsets(%dma_start3A_412 : memref<128xi32, #tpu.memory_space<vmem>>) semaphore(%arg17 : memref<!tpu.dma_semaphore, #tpu.memory_space<semaphore_mem>>)
    %dma_start3A_415 = arith.constant 250 : i32
    %dma_start3A_416 = arith.constant 1280 : i32
    %dma_start3A_417 = tpu.memref_slice %arg15[%dma_start3A_416] : memref<5120xf32, #tpu.memory_space<vmem>> -> memref<128xf32, #tpu.memory_space<vmem>>
    %dma_start3A_418 = arith.constant 0 : i32
    %dma_start3A_419 = tpu.memref_slice %arg13[%dma_start3A_415, %dma_start3A_418] : memref<256x128xi32, #tpu.memory_space<vmem>> -> memref<1x128xi32, #tpu.memory_space<vmem>>
    %dma_start3A_420 = tpu.memref_squeeze %dma_start3A_419 : memref<1x128xi32, #tpu.memory_space<vmem>> -> memref<128xi32, #tpu.memory_space<vmem>>
    %dma_start3A_421 = arith.constant 0 : i32
    %dma_start3A_422 = tpu.memref_slice %arg3[%dma_start3A_421] : memref<1000000xf32, #tpu.memory_space<hbm>> -> memref<1000000xf32, #tpu.memory_space<hbm>>
    tpu.enqueue_indirect_dma source(%dma_start3A_422 : memref<1000000xf32, #tpu.memory_space<hbm>>) target(%dma_start3A_417 : memref<128xf32, #tpu.memory_space<vmem>>) offsets(%dma_start3A_420 : memref<128xi32, #tpu.memory_space<vmem>>) semaphore(%arg17 : memref<!tpu.dma_semaphore, #tpu.memory_space<semaphore_mem>>)
    %dma_start3A_423 = arith.constant 250 : i32
    %dma_start3A_424 = arith.constant 2304 : i32
    %dma_start3A_425 = tpu.memref_slice %arg15[%dma_start3A_424] : memref<5120xf32, #tpu.memory_space<vmem>> -> memref<128xf32, #tpu.memory_space<vmem>>
    %dma_start3A_426 = arith.constant 0 : i32
    %dma_start3A_427 = tpu.memref_slice %arg13[%dma_start3A_423, %dma_start3A_426] : memref<256x128xi32, #tpu.memory_space<vmem>> -> memref<1x128xi32, #tpu.memory_space<vmem>>
    %dma_start3A_428 = tpu.memref_squeeze %dma_start3A_427 : memref<1x128xi32, #tpu.memory_space<vmem>> -> memref<128xi32, #tpu.memory_space<vmem>>
    %dma_start3A_429 = arith.constant 0 : i32
    %dma_start3A_430 = tpu.memref_slice %arg4[%dma_start3A_429] : memref<1000000xf32, #tpu.memory_space<hbm>> -> memref<1000000xf32, #tpu.memory_space<hbm>>
    tpu.enqueue_indirect_dma source(%dma_start3A_430 : memref<1000000xf32, #tpu.memory_space<hbm>>) target(%dma_start3A_425 : memref<128xf32, #tpu.memory_space<vmem>>) offsets(%dma_start3A_428 : memref<128xi32, #tpu.memory_space<vmem>>) semaphore(%arg17 : memref<!tpu.dma_semaphore, #tpu.memory_space<semaphore_mem>>)
    %dma_start3A_431 = arith.constant 250 : i32
    %dma_start3A_432 = arith.constant 3328 : i32
    %dma_start3A_433 = tpu.memref_slice %arg15[%dma_start3A_432] : memref<5120xf32, #tpu.memory_space<vmem>> -> memref<128xf32, #tpu.memory_space<vmem>>
    %dma_start3A_434 = arith.constant 0 : i32
    %dma_start3A_435 = tpu.memref_slice %arg13[%dma_start3A_431, %dma_start3A_434] : memref<256x128xi32, #tpu.memory_space<vmem>> -> memref<1x128xi32, #tpu.memory_space<vmem>>
    %dma_start3A_436 = tpu.memref_squeeze %dma_start3A_435 : memref<1x128xi32, #tpu.memory_space<vmem>> -> memref<128xi32, #tpu.memory_space<vmem>>
    %dma_start3A_437 = arith.constant 0 : i32
    %dma_start3A_438 = tpu.memref_slice %arg5[%dma_start3A_437] : memref<1000000xf32, #tpu.memory_space<hbm>> -> memref<1000000xf32, #tpu.memory_space<hbm>>
    tpu.enqueue_indirect_dma source(%dma_start3A_438 : memref<1000000xf32, #tpu.memory_space<hbm>>) target(%dma_start3A_433 : memref<128xf32, #tpu.memory_space<vmem>>) offsets(%dma_start3A_436 : memref<128xi32, #tpu.memory_space<vmem>>) semaphore(%arg17 : memref<!tpu.dma_semaphore, #tpu.memory_space<semaphore_mem>>)
    %dma_start3A_439 = arith.constant 250 : i32
    %dma_start3A_440 = arith.constant 4352 : i32
    %dma_start3A_441 = tpu.memref_slice %arg15[%dma_start3A_440] : memref<5120xf32, #tpu.memory_space<vmem>> -> memref<128xf32, #tpu.memory_space<vmem>>
    %dma_start3A_442 = arith.constant 0 : i32
    %dma_start3A_443 = tpu.memref_slice %arg13[%dma_start3A_439, %dma_start3A_442] : memref<256x128xi32, #tpu.memory_space<vmem>> -> memref<1x128xi32, #tpu.memory_space<vmem>>
    %dma_start3A_444 = tpu.memref_squeeze %dma_start3A_443 : memref<1x128xi32, #tpu.memory_space<vmem>> -> memref<128xi32, #tpu.memory_space<vmem>>
    %dma_start3A_445 = arith.constant 0 : i32
    %dma_start3A_446 = tpu.memref_slice %arg6[%dma_start3A_445] : memref<1000000xf32, #tpu.memory_space<hbm>> -> memref<1000000xf32, #tpu.memory_space<hbm>>
    tpu.enqueue_indirect_dma source(%dma_start3A_446 : memref<1000000xf32, #tpu.memory_space<hbm>>) target(%dma_start3A_441 : memref<128xf32, #tpu.memory_space<vmem>>) offsets(%dma_start3A_444 : memref<128xi32, #tpu.memory_space<vmem>>) semaphore(%arg17 : memref<!tpu.dma_semaphore, #tpu.memory_space<semaphore_mem>>)
    %dma_start3A_447 = arith.constant 251 : i32
    %dma_start3A_448 = arith.constant 384 : i32
    %dma_start3A_449 = tpu.memref_slice %arg15[%dma_start3A_448] : memref<5120xf32, #tpu.memory_space<vmem>> -> memref<128xf32, #tpu.memory_space<vmem>>
    %dma_start3A_450 = arith.constant 0 : i32
    %dma_start3A_451 = tpu.memref_slice %arg13[%dma_start3A_447, %dma_start3A_450] : memref<256x128xi32, #tpu.memory_space<vmem>> -> memref<1x128xi32, #tpu.memory_space<vmem>>
    %dma_start3A_452 = tpu.memref_squeeze %dma_start3A_451 : memref<1x128xi32, #tpu.memory_space<vmem>> -> memref<128xi32, #tpu.memory_space<vmem>>
    %dma_start3A_453 = arith.constant 0 : i32
    %dma_start3A_454 = tpu.memref_slice %arg2[%dma_start3A_453] : memref<1000000xf32, #tpu.memory_space<hbm>> -> memref<1000000xf32, #tpu.memory_space<hbm>>
    tpu.enqueue_indirect_dma source(%dma_start3A_454 : memref<1000000xf32, #tpu.memory_space<hbm>>) target(%dma_start3A_449 : memref<128xf32, #tpu.memory_space<vmem>>) offsets(%dma_start3A_452 : memref<128xi32, #tpu.memory_space<vmem>>) semaphore(%arg17 : memref<!tpu.dma_semaphore, #tpu.memory_space<semaphore_mem>>)
    %dma_start3A_455 = arith.constant 251 : i32
    %dma_start3A_456 = arith.constant 1408 : i32
    %dma_start3A_457 = tpu.memref_slice %arg15[%dma_start3A_456] : memref<5120xf32, #tpu.memory_space<vmem>> -> memref<128xf32, #tpu.memory_space<vmem>>
    %dma_start3A_458 = arith.constant 0 : i32
    %dma_start3A_459 = tpu.memref_slice %arg13[%dma_start3A_455, %dma_start3A_458] : memref<256x128xi32, #tpu.memory_space<vmem>> -> memref<1x128xi32, #tpu.memory_space<vmem>>
    %dma_start3A_460 = tpu.memref_squeeze %dma_start3A_459 : memref<1x128xi32, #tpu.memory_space<vmem>> -> memref<128xi32, #tpu.memory_space<vmem>>
    %dma_start3A_461 = arith.constant 0 : i32
    %dma_start3A_462 = tpu.memref_slice %arg3[%dma_start3A_461] : memref<1000000xf32, #tpu.memory_space<hbm>> -> memref<1000000xf32, #tpu.memory_space<hbm>>
    tpu.enqueue_indirect_dma source(%dma_start3A_462 : memref<1000000xf32, #tpu.memory_space<hbm>>) target(%dma_start3A_457 : memref<128xf32, #tpu.memory_space<vmem>>) offsets(%dma_start3A_460 : memref<128xi32, #tpu.memory_space<vmem>>) semaphore(%arg17 : memref<!tpu.dma_semaphore, #tpu.memory_space<semaphore_mem>>)
    %dma_start3A_463 = arith.constant 251 : i32
    %dma_start3A_464 = arith.constant 2432 : i32
    %dma_start3A_465 = tpu.memref_slice %arg15[%dma_start3A_464] : memref<5120xf32, #tpu.memory_space<vmem>> -> memref<128xf32, #tpu.memory_space<vmem>>
    %dma_start3A_466 = arith.constant 0 : i32
    %dma_start3A_467 = tpu.memref_slice %arg13[%dma_start3A_463, %dma_start3A_466] : memref<256x128xi32, #tpu.memory_space<vmem>> -> memref<1x128xi32, #tpu.memory_space<vmem>>
    %dma_start3A_468 = tpu.memref_squeeze %dma_start3A_467 : memref<1x128xi32, #tpu.memory_space<vmem>> -> memref<128xi32, #tpu.memory_space<vmem>>
    %dma_start3A_469 = arith.constant 0 : i32
    %dma_start3A_470 = tpu.memref_slice %arg4[%dma_start3A_469] : memref<1000000xf32, #tpu.memory_space<hbm>> -> memref<1000000xf32, #tpu.memory_space<hbm>>
    tpu.enqueue_indirect_dma source(%dma_start3A_470 : memref<1000000xf32, #tpu.memory_space<hbm>>) target(%dma_start3A_465 : memref<128xf32, #tpu.memory_space<vmem>>) offsets(%dma_start3A_468 : memref<128xi32, #tpu.memory_space<vmem>>) semaphore(%arg17 : memref<!tpu.dma_semaphore, #tpu.memory_space<semaphore_mem>>)
    %dma_start3A_471 = arith.constant 251 : i32
    %dma_start3A_472 = arith.constant 3456 : i32
    %dma_start3A_473 = tpu.memref_slice %arg15[%dma_start3A_472] : memref<5120xf32, #tpu.memory_space<vmem>> -> memref<128xf32, #tpu.memory_space<vmem>>
    %dma_start3A_474 = arith.constant 0 : i32
    %dma_start3A_475 = tpu.memref_slice %arg13[%dma_start3A_471, %dma_start3A_474] : memref<256x128xi32, #tpu.memory_space<vmem>> -> memref<1x128xi32, #tpu.memory_space<vmem>>
    %dma_start3A_476 = tpu.memref_squeeze %dma_start3A_475 : memref<1x128xi32, #tpu.memory_space<vmem>> -> memref<128xi32, #tpu.memory_space<vmem>>
    %dma_start3A_477 = arith.constant 0 : i32
    %dma_start3A_478 = tpu.memref_slice %arg5[%dma_start3A_477] : memref<1000000xf32, #tpu.memory_space<hbm>> -> memref<1000000xf32, #tpu.memory_space<hbm>>
    tpu.enqueue_indirect_dma source(%dma_start3A_478 : memref<1000000xf32, #tpu.memory_space<hbm>>) target(%dma_start3A_473 : memref<128xf32, #tpu.memory_space<vmem>>) offsets(%dma_start3A_476 : memref<128xi32, #tpu.memory_space<vmem>>) semaphore(%arg17 : memref<!tpu.dma_semaphore, #tpu.memory_space<semaphore_mem>>)
    %dma_start3A_479 = arith.constant 251 : i32
    %dma_start3A_480 = arith.constant 4480 : i32
    %dma_start3A_481 = tpu.memref_slice %arg15[%dma_start3A_480] : memref<5120xf32, #tpu.memory_space<vmem>> -> memref<128xf32, #tpu.memory_space<vmem>>
    %dma_start3A_482 = arith.constant 0 : i32
    %dma_start3A_483 = tpu.memref_slice %arg13[%dma_start3A_479, %dma_start3A_482] : memref<256x128xi32, #tpu.memory_space<vmem>> -> memref<1x128xi32, #tpu.memory_space<vmem>>
    %dma_start3A_484 = tpu.memref_squeeze %dma_start3A_483 : memref<1x128xi32, #tpu.memory_space<vmem>> -> memref<128xi32, #tpu.memory_space<vmem>>
    %dma_start3A_485 = arith.constant 0 : i32
    %dma_start3A_486 = tpu.memref_slice %arg6[%dma_start3A_485] : memref<1000000xf32, #tpu.memory_space<hbm>> -> memref<1000000xf32, #tpu.memory_space<hbm>>
    tpu.enqueue_indirect_dma source(%dma_start3A_486 : memref<1000000xf32, #tpu.memory_space<hbm>>) target(%dma_start3A_481 : memref<128xf32, #tpu.memory_space<vmem>>) offsets(%dma_start3A_484 : memref<128xi32, #tpu.memory_space<vmem>>) semaphore(%arg17 : memref<!tpu.dma_semaphore, #tpu.memory_space<semaphore_mem>>)
    %dma_start3A_487 = arith.constant 252 : i32
    %dma_start3A_488 = arith.constant 512 : i32
    %dma_start3A_489 = tpu.memref_slice %arg15[%dma_start3A_488] : memref<5120xf32, #tpu.memory_space<vmem>> -> memref<128xf32, #tpu.memory_space<vmem>>
    %dma_start3A_490 = arith.constant 0 : i32
    %dma_start3A_491 = tpu.memref_slice %arg13[%dma_start3A_487, %dma_start3A_490] : memref<256x128xi32, #tpu.memory_space<vmem>> -> memref<1x128xi32, #tpu.memory_space<vmem>>
    %dma_start3A_492 = tpu.memref_squeeze %dma_start3A_491 : memref<1x128xi32, #tpu.memory_space<vmem>> -> memref<128xi32, #tpu.memory_space<vmem>>
    %dma_start3A_493 = arith.constant 0 : i32
    %dma_start3A_494 = tpu.memref_slice %arg2[%dma_start3A_493] : memref<1000000xf32, #tpu.memory_space<hbm>> -> memref<1000000xf32, #tpu.memory_space<hbm>>
    tpu.enqueue_indirect_dma source(%dma_start3A_494 : memref<1000000xf32, #tpu.memory_space<hbm>>) target(%dma_start3A_489 : memref<128xf32, #tpu.memory_space<vmem>>) offsets(%dma_start3A_492 : memref<128xi32, #tpu.memory_space<vmem>>) semaphore(%arg17 : memref<!tpu.dma_semaphore, #tpu.memory_space<semaphore_mem>>)
    %dma_start3A_495 = arith.constant 252 : i32
    %dma_start3A_496 = arith.constant 1536 : i32
    %dma_start3A_497 = tpu.memref_slice %arg15[%dma_start3A_496] : memref<5120xf32, #tpu.memory_space<vmem>> -> memref<128xf32, #tpu.memory_space<vmem>>
    %dma_start3A_498 = arith.constant 0 : i32
    %dma_start3A_499 = tpu.memref_slice %arg13[%dma_start3A_495, %dma_start3A_498] : memref<256x128xi32, #tpu.memory_space<vmem>> -> memref<1x128xi32, #tpu.memory_space<vmem>>
    %dma_start3A_500 = tpu.memref_squeeze %dma_start3A_499 : memref<1x128xi32, #tpu.memory_space<vmem>> -> memref<128xi32, #tpu.memory_space<vmem>>
    %dma_start3A_501 = arith.constant 0 : i32
    %dma_start3A_502 = tpu.memref_slice %arg3[%dma_start3A_501] : memref<1000000xf32, #tpu.memory_space<hbm>> -> memref<1000000xf32, #tpu.memory_space<hbm>>
    tpu.enqueue_indirect_dma source(%dma_start3A_502 : memref<1000000xf32, #tpu.memory_space<hbm>>) target(%dma_start3A_497 : memref<128xf32, #tpu.memory_space<vmem>>) offsets(%dma_start3A_500 : memref<128xi32, #tpu.memory_space<vmem>>) semaphore(%arg17 : memref<!tpu.dma_semaphore, #tpu.memory_space<semaphore_mem>>)
    %dma_start3A_503 = arith.constant 252 : i32
    %dma_start3A_504 = arith.constant 2560 : i32
    %dma_start3A_505 = tpu.memref_slice %arg15[%dma_start3A_504] : memref<5120xf32, #tpu.memory_space<vmem>> -> memref<128xf32, #tpu.memory_space<vmem>>
    %dma_start3A_506 = arith.constant 0 : i32
    %dma_start3A_507 = tpu.memref_slice %arg13[%dma_start3A_503, %dma_start3A_506] : memref<256x128xi32, #tpu.memory_space<vmem>> -> memref<1x128xi32, #tpu.memory_space<vmem>>
    %dma_start3A_508 = tpu.memref_squeeze %dma_start3A_507 : memref<1x128xi32, #tpu.memory_space<vmem>> -> memref<128xi32, #tpu.memory_space<vmem>>
    %dma_start3A_509 = arith.constant 0 : i32
    %dma_start3A_510 = tpu.memref_slice %arg4[%dma_start3A_509] : memref<1000000xf32, #tpu.memory_space<hbm>> -> memref<1000000xf32, #tpu.memory_space<hbm>>
    tpu.enqueue_indirect_dma source(%dma_start3A_510 : memref<1000000xf32, #tpu.memory_space<hbm>>) target(%dma_start3A_505 : memref<128xf32, #tpu.memory_space<vmem>>) offsets(%dma_start3A_508 : memref<128xi32, #tpu.memory_space<vmem>>) semaphore(%arg17 : memref<!tpu.dma_semaphore, #tpu.memory_space<semaphore_mem>>)
    %dma_start3A_511 = arith.constant 252 : i32
    %dma_start3A_512 = arith.constant 3584 : i32
    %dma_start3A_513 = tpu.memref_slice %arg15[%dma_start3A_512] : memref<5120xf32, #tpu.memory_space<vmem>> -> memref<128xf32, #tpu.memory_space<vmem>>
    %dma_start3A_514 = arith.constant 0 : i32
    %dma_start3A_515 = tpu.memref_slice %arg13[%dma_start3A_511, %dma_start3A_514] : memref<256x128xi32, #tpu.memory_space<vmem>> -> memref<1x128xi32, #tpu.memory_space<vmem>>
    %dma_start3A_516 = tpu.memref_squeeze %dma_start3A_515 : memref<1x128xi32, #tpu.memory_space<vmem>> -> memref<128xi32, #tpu.memory_space<vmem>>
    %dma_start3A_517 = arith.constant 0 : i32
    %dma_start3A_518 = tpu.memref_slice %arg5[%dma_start3A_517] : memref<1000000xf32, #tpu.memory_space<hbm>> -> memref<1000000xf32, #tpu.memory_space<hbm>>
    tpu.enqueue_indirect_dma source(%dma_start3A_518 : memref<1000000xf32, #tpu.memory_space<hbm>>) target(%dma_start3A_513 : memref<128xf32, #tpu.memory_space<vmem>>) offsets(%dma_start3A_516 : memref<128xi32, #tpu.memory_space<vmem>>) semaphore(%arg17 : memref<!tpu.dma_semaphore, #tpu.memory_space<semaphore_mem>>)
    %dma_start3A_519 = arith.constant 252 : i32
    %dma_start3A_520 = arith.constant 4608 : i32
    %dma_start3A_521 = tpu.memref_slice %arg15[%dma_start3A_520] : memref<5120xf32, #tpu.memory_space<vmem>> -> memref<128xf32, #tpu.memory_space<vmem>>
    %dma_start3A_522 = arith.constant 0 : i32
    %dma_start3A_523 = tpu.memref_slice %arg13[%dma_start3A_519, %dma_start3A_522] : memref<256x128xi32, #tpu.memory_space<vmem>> -> memref<1x128xi32, #tpu.memory_space<vmem>>
    %dma_start3A_524 = tpu.memref_squeeze %dma_start3A_523 : memref<1x128xi32, #tpu.memory_space<vmem>> -> memref<128xi32, #tpu.memory_space<vmem>>
    %dma_start3A_525 = arith.constant 0 : i32
    %dma_start3A_526 = tpu.memref_slice %arg6[%dma_start3A_525] : memref<1000000xf32, #tpu.memory_space<hbm>> -> memref<1000000xf32, #tpu.memory_space<hbm>>
    tpu.enqueue_indirect_dma source(%dma_start3A_526 : memref<1000000xf32, #tpu.memory_space<hbm>>) target(%dma_start3A_521 : memref<128xf32, #tpu.memory_space<vmem>>) offsets(%dma_start3A_524 : memref<128xi32, #tpu.memory_space<vmem>>) semaphore(%arg17 : memref<!tpu.dma_semaphore, #tpu.memory_space<semaphore_mem>>)
    %dma_start3A_527 = arith.constant 253 : i32
    %dma_start3A_528 = arith.constant 640 : i32
    %dma_start3A_529 = tpu.memref_slice %arg15[%dma_start3A_528] : memref<5120xf32, #tpu.memory_space<vmem>> -> memref<128xf32, #tpu.memory_space<vmem>>
    %dma_start3A_530 = arith.constant 0 : i32
    %dma_start3A_531 = tpu.memref_slice %arg13[%dma_start3A_527, %dma_start3A_530] : memref<256x128xi32, #tpu.memory_space<vmem>> -> memref<1x128xi32, #tpu.memory_space<vmem>>
    %dma_start3A_532 = tpu.memref_squeeze %dma_start3A_531 : memref<1x128xi32, #tpu.memory_space<vmem>> -> memref<128xi32, #tpu.memory_space<vmem>>
    %dma_start3A_533 = arith.constant 0 : i32
    %dma_start3A_534 = tpu.memref_slice %arg2[%dma_start3A_533] : memref<1000000xf32, #tpu.memory_space<hbm>> -> memref<1000000xf32, #tpu.memory_space<hbm>>
    tpu.enqueue_indirect_dma source(%dma_start3A_534 : memref<1000000xf32, #tpu.memory_space<hbm>>) target(%dma_start3A_529 : memref<128xf32, #tpu.memory_space<vmem>>) offsets(%dma_start3A_532 : memref<128xi32, #tpu.memory_space<vmem>>) semaphore(%arg17 : memref<!tpu.dma_semaphore, #tpu.memory_space<semaphore_mem>>)
    %dma_start3A_535 = arith.constant 253 : i32
    %dma_start3A_536 = arith.constant 1664 : i32
    %dma_start3A_537 = tpu.memref_slice %arg15[%dma_start3A_536] : memref<5120xf32, #tpu.memory_space<vmem>> -> memref<128xf32, #tpu.memory_space<vmem>>
    %dma_start3A_538 = arith.constant 0 : i32
    %dma_start3A_539 = tpu.memref_slice %arg13[%dma_start3A_535, %dma_start3A_538] : memref<256x128xi32, #tpu.memory_space<vmem>> -> memref<1x128xi32, #tpu.memory_space<vmem>>
    %dma_start3A_540 = tpu.memref_squeeze %dma_start3A_539 : memref<1x128xi32, #tpu.memory_space<vmem>> -> memref<128xi32, #tpu.memory_space<vmem>>
    %dma_start3A_541 = arith.constant 0 : i32
    %dma_start3A_542 = tpu.memref_slice %arg3[%dma_start3A_541] : memref<1000000xf32, #tpu.memory_space<hbm>> -> memref<1000000xf32, #tpu.memory_space<hbm>>
    tpu.enqueue_indirect_dma source(%dma_start3A_542 : memref<1000000xf32, #tpu.memory_space<hbm>>) target(%dma_start3A_537 : memref<128xf32, #tpu.memory_space<vmem>>) offsets(%dma_start3A_540 : memref<128xi32, #tpu.memory_space<vmem>>) semaphore(%arg17 : memref<!tpu.dma_semaphore, #tpu.memory_space<semaphore_mem>>)
    %dma_start3A_543 = arith.constant 253 : i32
    %dma_start3A_544 = arith.constant 2688 : i32
    %dma_start3A_545 = tpu.memref_slice %arg15[%dma_start3A_544] : memref<5120xf32, #tpu.memory_space<vmem>> -> memref<128xf32, #tpu.memory_space<vmem>>
    %dma_start3A_546 = arith.constant 0 : i32
    %dma_start3A_547 = tpu.memref_slice %arg13[%dma_start3A_543, %dma_start3A_546] : memref<256x128xi32, #tpu.memory_space<vmem>> -> memref<1x128xi32, #tpu.memory_space<vmem>>
    %dma_start3A_548 = tpu.memref_squeeze %dma_start3A_547 : memref<1x128xi32, #tpu.memory_space<vmem>> -> memref<128xi32, #tpu.memory_space<vmem>>
    %dma_start3A_549 = arith.constant 0 : i32
    %dma_start3A_550 = tpu.memref_slice %arg4[%dma_start3A_549] : memref<1000000xf32, #tpu.memory_space<hbm>> -> memref<1000000xf32, #tpu.memory_space<hbm>>
    tpu.enqueue_indirect_dma source(%dma_start3A_550 : memref<1000000xf32, #tpu.memory_space<hbm>>) target(%dma_start3A_545 : memref<128xf32, #tpu.memory_space<vmem>>) offsets(%dma_start3A_548 : memref<128xi32, #tpu.memory_space<vmem>>) semaphore(%arg17 : memref<!tpu.dma_semaphore, #tpu.memory_space<semaphore_mem>>)
    %dma_start3A_551 = arith.constant 253 : i32
    %dma_start3A_552 = arith.constant 3712 : i32
    %dma_start3A_553 = tpu.memref_slice %arg15[%dma_start3A_552] : memref<5120xf32, #tpu.memory_space<vmem>> -> memref<128xf32, #tpu.memory_space<vmem>>
    %dma_start3A_554 = arith.constant 0 : i32
    %dma_start3A_555 = tpu.memref_slice %arg13[%dma_start3A_551, %dma_start3A_554] : memref<256x128xi32, #tpu.memory_space<vmem>> -> memref<1x128xi32, #tpu.memory_space<vmem>>
    %dma_start3A_556 = tpu.memref_squeeze %dma_start3A_555 : memref<1x128xi32, #tpu.memory_space<vmem>> -> memref<128xi32, #tpu.memory_space<vmem>>
    %dma_start3A_557 = arith.constant 0 : i32
    %dma_start3A_558 = tpu.memref_slice %arg5[%dma_start3A_557] : memref<1000000xf32, #tpu.memory_space<hbm>> -> memref<1000000xf32, #tpu.memory_space<hbm>>
    tpu.enqueue_indirect_dma source(%dma_start3A_558 : memref<1000000xf32, #tpu.memory_space<hbm>>) target(%dma_start3A_553 : memref<128xf32, #tpu.memory_space<vmem>>) offsets(%dma_start3A_556 : memref<128xi32, #tpu.memory_space<vmem>>) semaphore(%arg17 : memref<!tpu.dma_semaphore, #tpu.memory_space<semaphore_mem>>)
    %dma_start3A_559 = arith.constant 253 : i32
    %dma_start3A_560 = arith.constant 4736 : i32
    %dma_start3A_561 = tpu.memref_slice %arg15[%dma_start3A_560] : memref<5120xf32, #tpu.memory_space<vmem>> -> memref<128xf32, #tpu.memory_space<vmem>>
    %dma_start3A_562 = arith.constant 0 : i32
    %dma_start3A_563 = tpu.memref_slice %arg13[%dma_start3A_559, %dma_start3A_562] : memref<256x128xi32, #tpu.memory_space<vmem>> -> memref<1x128xi32, #tpu.memory_space<vmem>>
    %dma_start3A_564 = tpu.memref_squeeze %dma_start3A_563 : memref<1x128xi32, #tpu.memory_space<vmem>> -> memref<128xi32, #tpu.memory_space<vmem>>
    %dma_start3A_565 = arith.constant 0 : i32
    %dma_start3A_566 = tpu.memref_slice %arg6[%dma_start3A_565] : memref<1000000xf32, #tpu.memory_space<hbm>> -> memref<1000000xf32, #tpu.memory_space<hbm>>
    tpu.enqueue_indirect_dma source(%dma_start3A_566 : memref<1000000xf32, #tpu.memory_space<hbm>>) target(%dma_start3A_561 : memref<128xf32, #tpu.memory_space<vmem>>) offsets(%dma_start3A_564 : memref<128xi32, #tpu.memory_space<vmem>>) semaphore(%arg17 : memref<!tpu.dma_semaphore, #tpu.memory_space<semaphore_mem>>)
    %dma_start3A_567 = arith.constant 254 : i32
    %dma_start3A_568 = arith.constant 768 : i32
    %dma_start3A_569 = tpu.memref_slice %arg15[%dma_start3A_568] : memref<5120xf32, #tpu.memory_space<vmem>> -> memref<128xf32, #tpu.memory_space<vmem>>
    %dma_start3A_570 = arith.constant 0 : i32
    %dma_start3A_571 = tpu.memref_slice %arg13[%dma_start3A_567, %dma_start3A_570] : memref<256x128xi32, #tpu.memory_space<vmem>> -> memref<1x128xi32, #tpu.memory_space<vmem>>
    %dma_start3A_572 = tpu.memref_squeeze %dma_start3A_571 : memref<1x128xi32, #tpu.memory_space<vmem>> -> memref<128xi32, #tpu.memory_space<vmem>>
    %dma_start3A_573 = arith.constant 0 : i32
    %dma_start3A_574 = tpu.memref_slice %arg2[%dma_start3A_573] : memref<1000000xf32, #tpu.memory_space<hbm>> -> memref<1000000xf32, #tpu.memory_space<hbm>>
    tpu.enqueue_indirect_dma source(%dma_start3A_574 : memref<1000000xf32, #tpu.memory_space<hbm>>) target(%dma_start3A_569 : memref<128xf32, #tpu.memory_space<vmem>>) offsets(%dma_start3A_572 : memref<128xi32, #tpu.memory_space<vmem>>) semaphore(%arg17 : memref<!tpu.dma_semaphore, #tpu.memory_space<semaphore_mem>>)
    %dma_start3A_575 = arith.constant 254 : i32
    %dma_start3A_576 = arith.constant 1792 : i32
    %dma_start3A_577 = tpu.memref_slice %arg15[%dma_start3A_576] : memref<5120xf32, #tpu.memory_space<vmem>> -> memref<128xf32, #tpu.memory_space<vmem>>
    %dma_start3A_578 = arith.constant 0 : i32
    %dma_start3A_579 = tpu.memref_slice %arg13[%dma_start3A_575, %dma_start3A_578] : memref<256x128xi32, #tpu.memory_space<vmem>> -> memref<1x128xi32, #tpu.memory_space<vmem>>
    %dma_start3A_580 = tpu.memref_squeeze %dma_start3A_579 : memref<1x128xi32, #tpu.memory_space<vmem>> -> memref<128xi32, #tpu.memory_space<vmem>>
    %dma_start3A_581 = arith.constant 0 : i32
    %dma_start3A_582 = tpu.memref_slice %arg3[%dma_start3A_581] : memref<1000000xf32, #tpu.memory_space<hbm>> -> memref<1000000xf32, #tpu.memory_space<hbm>>
    tpu.enqueue_indirect_dma source(%dma_start3A_582 : memref<1000000xf32, #tpu.memory_space<hbm>>) target(%dma_start3A_577 : memref<128xf32, #tpu.memory_space<vmem>>) offsets(%dma_start3A_580 : memref<128xi32, #tpu.memory_space<vmem>>) semaphore(%arg17 : memref<!tpu.dma_semaphore, #tpu.memory_space<semaphore_mem>>)
    %dma_start3A_583 = arith.constant 254 : i32
    %dma_start3A_584 = arith.constant 2816 : i32
    %dma_start3A_585 = tpu.memref_slice %arg15[%dma_start3A_584] : memref<5120xf32, #tpu.memory_space<vmem>> -> memref<128xf32, #tpu.memory_space<vmem>>
    %dma_start3A_586 = arith.constant 0 : i32
    %dma_start3A_587 = tpu.memref_slice %arg13[%dma_start3A_583, %dma_start3A_586] : memref<256x128xi32, #tpu.memory_space<vmem>> -> memref<1x128xi32, #tpu.memory_space<vmem>>
    %dma_start3A_588 = tpu.memref_squeeze %dma_start3A_587 : memref<1x128xi32, #tpu.memory_space<vmem>> -> memref<128xi32, #tpu.memory_space<vmem>>
    %dma_start3A_589 = arith.constant 0 : i32
    %dma_start3A_590 = tpu.memref_slice %arg4[%dma_start3A_589] : memref<1000000xf32, #tpu.memory_space<hbm>> -> memref<1000000xf32, #tpu.memory_space<hbm>>
    tpu.enqueue_indirect_dma source(%dma_start3A_590 : memref<1000000xf32, #tpu.memory_space<hbm>>) target(%dma_start3A_585 : memref<128xf32, #tpu.memory_space<vmem>>) offsets(%dma_start3A_588 : memref<128xi32, #tpu.memory_space<vmem>>) semaphore(%arg17 : memref<!tpu.dma_semaphore, #tpu.memory_space<semaphore_mem>>)
    %dma_start3A_591 = arith.constant 254 : i32
    %dma_start3A_592 = arith.constant 3840 : i32
    %dma_start3A_593 = tpu.memref_slice %arg15[%dma_start3A_592] : memref<5120xf32, #tpu.memory_space<vmem>> -> memref<128xf32, #tpu.memory_space<vmem>>
    %dma_start3A_594 = arith.constant 0 : i32
    %dma_start3A_595 = tpu.memref_slice %arg13[%dma_start3A_591, %dma_start3A_594] : memref<256x128xi32, #tpu.memory_space<vmem>> -> memref<1x128xi32, #tpu.memory_space<vmem>>
    %dma_start3A_596 = tpu.memref_squeeze %dma_start3A_595 : memref<1x128xi32, #tpu.memory_space<vmem>> -> memref<128xi32, #tpu.memory_space<vmem>>
    %dma_start3A_597 = arith.constant 0 : i32
    %dma_start3A_598 = tpu.memref_slice %arg5[%dma_start3A_597] : memref<1000000xf32, #tpu.memory_space<hbm>> -> memref<1000000xf32, #tpu.memory_space<hbm>>
    tpu.enqueue_indirect_dma source(%dma_start3A_598 : memref<1000000xf32, #tpu.memory_space<hbm>>) target(%dma_start3A_593 : memref<128xf32, #tpu.memory_space<vmem>>) offsets(%dma_start3A_596 : memref<128xi32, #tpu.memory_space<vmem>>) semaphore(%arg17 : memref<!tpu.dma_semaphore, #tpu.memory_space<semaphore_mem>>)
    %dma_start3A_599 = arith.constant 254 : i32
    %dma_start3A_600 = arith.constant 4864 : i32
    %dma_start3A_601 = tpu.memref_slice %arg15[%dma_start3A_600] : memref<5120xf32, #tpu.memory_space<vmem>> -> memref<128xf32, #tpu.memory_space<vmem>>
    %dma_start3A_602 = arith.constant 0 : i32
    %dma_start3A_603 = tpu.memref_slice %arg13[%dma_start3A_599, %dma_start3A_602] : memref<256x128xi32, #tpu.memory_space<vmem>> -> memref<1x128xi32, #tpu.memory_space<vmem>>
    %dma_start3A_604 = tpu.memref_squeeze %dma_start3A_603 : memref<1x128xi32, #tpu.memory_space<vmem>> -> memref<128xi32, #tpu.memory_space<vmem>>
    %dma_start3A_605 = arith.constant 0 : i32
    %dma_start3A_606 = tpu.memref_slice %arg6[%dma_start3A_605] : memref<1000000xf32, #tpu.memory_space<hbm>> -> memref<1000000xf32, #tpu.memory_space<hbm>>
    tpu.enqueue_indirect_dma source(%dma_start3A_606 : memref<1000000xf32, #tpu.memory_space<hbm>>) target(%dma_start3A_601 : memref<128xf32, #tpu.memory_space<vmem>>) offsets(%dma_start3A_604 : memref<128xi32, #tpu.memory_space<vmem>>) semaphore(%arg17 : memref<!tpu.dma_semaphore, #tpu.memory_space<semaphore_mem>>)
    %dma_start3A_607 = arith.constant 255 : i32
    %dma_start3A_608 = arith.constant 896 : i32
    %dma_start3A_609 = tpu.memref_slice %arg15[%dma_start3A_608] : memref<5120xf32, #tpu.memory_space<vmem>> -> memref<128xf32, #tpu.memory_space<vmem>>
    %dma_start3A_610 = arith.constant 0 : i32
    %dma_start3A_611 = tpu.memref_slice %arg13[%dma_start3A_607, %dma_start3A_610] : memref<256x128xi32, #tpu.memory_space<vmem>> -> memref<1x128xi32, #tpu.memory_space<vmem>>
    %dma_start3A_612 = tpu.memref_squeeze %dma_start3A_611 : memref<1x128xi32, #tpu.memory_space<vmem>> -> memref<128xi32, #tpu.memory_space<vmem>>
    %dma_start3A_613 = arith.constant 0 : i32
    %dma_start3A_614 = tpu.memref_slice %arg2[%dma_start3A_613] : memref<1000000xf32, #tpu.memory_space<hbm>> -> memref<1000000xf32, #tpu.memory_space<hbm>>
    tpu.enqueue_indirect_dma source(%dma_start3A_614 : memref<1000000xf32, #tpu.memory_space<hbm>>) target(%dma_start3A_609 : memref<128xf32, #tpu.memory_space<vmem>>) offsets(%dma_start3A_612 : memref<128xi32, #tpu.memory_space<vmem>>) semaphore(%arg17 : memref<!tpu.dma_semaphore, #tpu.memory_space<semaphore_mem>>)
    %dma_start3A_615 = arith.constant 255 : i32
    %dma_start3A_616 = arith.constant 1920 : i32
    %dma_start3A_617 = tpu.memref_slice %arg15[%dma_start3A_616] : memref<5120xf32, #tpu.memory_space<vmem>> -> memref<128xf32, #tpu.memory_space<vmem>>
    %dma_start3A_618 = arith.constant 0 : i32
    %dma_start3A_619 = tpu.memref_slice %arg13[%dma_start3A_615, %dma_start3A_618] : memref<256x128xi32, #tpu.memory_space<vmem>> -> memref<1x128xi32, #tpu.memory_space<vmem>>
    %dma_start3A_620 = tpu.memref_squeeze %dma_start3A_619 : memref<1x128xi32, #tpu.memory_space<vmem>> -> memref<128xi32, #tpu.memory_space<vmem>>
    %dma_start3A_621 = arith.constant 0 : i32
    %dma_start3A_622 = tpu.memref_slice %arg3[%dma_start3A_621] : memref<1000000xf32, #tpu.memory_space<hbm>> -> memref<1000000xf32, #tpu.memory_space<hbm>>
    tpu.enqueue_indirect_dma source(%dma_start3A_622 : memref<1000000xf32, #tpu.memory_space<hbm>>) target(%dma_start3A_617 : memref<128xf32, #tpu.memory_space<vmem>>) offsets(%dma_start3A_620 : memref<128xi32, #tpu.memory_space<vmem>>) semaphore(%arg17 : memref<!tpu.dma_semaphore, #tpu.memory_space<semaphore_mem>>)
    %dma_start3A_623 = arith.constant 255 : i32
    %dma_start3A_624 = arith.constant 2944 : i32
    %dma_start3A_625 = tpu.memref_slice %arg15[%dma_start3A_624] : memref<5120xf32, #tpu.memory_space<vmem>> -> memref<128xf32, #tpu.memory_space<vmem>>
    %dma_start3A_626 = arith.constant 0 : i32
    %dma_start3A_627 = tpu.memref_slice %arg13[%dma_start3A_623, %dma_start3A_626] : memref<256x128xi32, #tpu.memory_space<vmem>> -> memref<1x128xi32, #tpu.memory_space<vmem>>
    %dma_start3A_628 = tpu.memref_squeeze %dma_start3A_627 : memref<1x128xi32, #tpu.memory_space<vmem>> -> memref<128xi32, #tpu.memory_space<vmem>>
    %dma_start3A_629 = arith.constant 0 : i32
    %dma_start3A_630 = tpu.memref_slice %arg4[%dma_start3A_629] : memref<1000000xf32, #tpu.memory_space<hbm>> -> memref<1000000xf32, #tpu.memory_space<hbm>>
    tpu.enqueue_indirect_dma source(%dma_start3A_630 : memref<1000000xf32, #tpu.memory_space<hbm>>) target(%dma_start3A_625 : memref<128xf32, #tpu.memory_space<vmem>>) offsets(%dma_start3A_628 : memref<128xi32, #tpu.memory_space<vmem>>) semaphore(%arg17 : memref<!tpu.dma_semaphore, #tpu.memory_space<semaphore_mem>>)
    %dma_start3A_631 = arith.constant 255 : i32
    %dma_start3A_632 = arith.constant 3968 : i32
    %dma_start3A_633 = tpu.memref_slice %arg15[%dma_start3A_632] : memref<5120xf32, #tpu.memory_space<vmem>> -> memref<128xf32, #tpu.memory_space<vmem>>
    %dma_start3A_634 = arith.constant 0 : i32
    %dma_start3A_635 = tpu.memref_slice %arg13[%dma_start3A_631, %dma_start3A_634] : memref<256x128xi32, #tpu.memory_space<vmem>> -> memref<1x128xi32, #tpu.memory_space<vmem>>
    %dma_start3A_636 = tpu.memref_squeeze %dma_start3A_635 : memref<1x128xi32, #tpu.memory_space<vmem>> -> memref<128xi32, #tpu.memory_space<vmem>>
    %dma_start3A_637 = arith.constant 0 : i32
    %dma_start3A_638 = tpu.memref_slice %arg5[%dma_start3A_637] : memref<1000000xf32, #tpu.memory_space<hbm>> -> memref<1000000xf32, #tpu.memory_space<hbm>>
    tpu.enqueue_indirect_dma source(%dma_start3A_638 : memref<1000000xf32, #tpu.memory_space<hbm>>) target(%dma_start3A_633 : memref<128xf32, #tpu.memory_space<vmem>>) offsets(%dma_start3A_636 : memref<128xi32, #tpu.memory_space<vmem>>) semaphore(%arg17 : memref<!tpu.dma_semaphore, #tpu.memory_space<semaphore_mem>>)
    %dma_start3A_639 = arith.constant 255 : i32
    %dma_start3A_640 = arith.constant 4992 : i32
    %dma_start3A_641 = tpu.memref_slice %arg15[%dma_start3A_640] : memref<5120xf32, #tpu.memory_space<vmem>> -> memref<128xf32, #tpu.memory_space<vmem>>
    %dma_start3A_642 = arith.constant 0 : i32
    %dma_start3A_643 = tpu.memref_slice %arg13[%dma_start3A_639, %dma_start3A_642] : memref<256x128xi32, #tpu.memory_space<vmem>> -> memref<1x128xi32, #tpu.memory_space<vmem>>
    %dma_start3A_644 = tpu.memref_squeeze %dma_start3A_643 : memref<1x128xi32, #tpu.memory_space<vmem>> -> memref<128xi32, #tpu.memory_space<vmem>>
    %dma_start3A_645 = arith.constant 0 : i32
    %dma_start3A_646 = tpu.memref_slice %arg6[%dma_start3A_645] : memref<1000000xf32, #tpu.memory_space<hbm>> -> memref<1000000xf32, #tpu.memory_space<hbm>>
    tpu.enqueue_indirect_dma source(%dma_start3A_646 : memref<1000000xf32, #tpu.memory_space<hbm>>) target(%dma_start3A_641 : memref<128xf32, #tpu.memory_space<vmem>>) offsets(%dma_start3A_644 : memref<128xi32, #tpu.memory_space<vmem>>) semaphore(%arg17 : memref<!tpu.dma_semaphore, #tpu.memory_space<semaphore_mem>>)
    %dma_wait3A = arith.constant 0 : i32
    %dma_wait3A_647 = tpu.memref_slice %arg2[%dma_wait3A] : memref<1000000xf32, #tpu.memory_space<hbm>> -> memref<5120xf32, #tpu.memory_space<hbm>>
    %dma_wait3A_648 = arith.constant 0 : i32
    %dma_wait3A_649 = tpu.memref_slice %arg2[%dma_wait3A_648] : memref<1000000xf32, #tpu.memory_space<hbm>> -> memref<5120xf32, #tpu.memory_space<hbm>>
    tpu.wait_dma2 semaphore(%arg16 : memref<!tpu.dma_semaphore, #tpu.memory_space<semaphore_mem>>) src(%dma_wait3A_649 : memref<5120xf32, #tpu.memory_space<hbm>>) dst(%arg14 : memref<5120xf32, #tpu.memory_space<vmem>>)
    %scan3A_650 = arith.constant 0 : i32
    %scan3A_651 = arith.constant 0 : i32
    %scan3A_652 = arith.constant 64 : i32
    %scan3A_653 = arith.addi %scan3A_651, %scan3A_652 : i32
    %scan3A_654 = arith.constant 1 : i32
    scf.for %scan3A_674 = %scan3A_651 to %scan3A_653 step %scan3A_654  : i32 {
      %mul3A_675 = arith.constant 16 : i32
      %mul3A_676 = arith.muli %scan3A_674, %mul3A_675 : i32
      %add3A_677 = arith.constant 2048 : i32
      %add3A_678 = arith.addi %add3A_677, %mul3A_676 : i32
      %get3A = arith.index_cast %add3A_678 : i32 to index
      %get3A_679 = tpu.vector_load %arg14[%get3A] {strides = array<i32>} : memref<5120xf32, #tpu.memory_space<vmem>>, vector<16xf32>,
      %mul3A_680 = arith.constant 16 : i32
      %mul3A_681 = arith.muli %scan3A_674, %mul3A_680 : i32
      %add3A_682 = arith.constant 3072 : i32
      %add3A_683 = arith.addi %add3A_682, %mul3A_681 : i32
      %get3A_684 = arith.index_cast %add3A_683 : i32 to index
      %get3A_685 = tpu.vector_load %arg14[%get3A_684] {strides = array<i32>} : memref<5120xf32, #tpu.memory_space<vmem>>, vector<16xf32>,
      %mul3A_686 = arith.constant 16 : i32
      %mul3A_687 = arith.muli %scan3A_674, %mul3A_686 : i32
      %add3A_688 = arith.constant 4096 : i32
      %add3A_689 = arith.addi %add3A_688, %mul3A_687 : i32
      %get3A_690 = arith.index_cast %add3A_689 : i32 to index
      %get3A_691 = tpu.vector_load %arg14[%get3A_690] {strides = array<i32>} : memref<5120xf32, #tpu.memory_space<vmem>>, vector<16xf32>,
      %mul3A_692 = arith.mulf %get3A_679, %get3A_679 : vector<16xf32>
      %mul3A_693 = arith.mulf %get3A_685, %get3A_685 : vector<16xf32>
      %add3A_694 = arith.addf %mul3A_692, %mul3A_693 : vector<16xf32>
      %mul3A_695 = arith.mulf %get3A_691, %get3A_691 : vector<16xf32>
      %add3A_696 = arith.addf %add3A_694, %mul3A_695 : vector<16xf32>
      %bitcast3A = vector.bitcast %add3A_696 : vector<16xf32> to vector<16xi32>
      %shift_right_logical3A = arith.constant 1 : i32
      %shift_right_logical3A_697 = vector.broadcast %shift_right_logical3A : i32 to vector<16xi32>
      %shift_right_logical3A_698 = arith.shrui %bitcast3A, %shift_right_logical3A_697 : vector<16xi32>
      %sub3A = arith.constant 1597463007 : i32
      %sub3A_699 = vector.broadcast %sub3A : i32 to vector<16xi32>
      %sub3A_700 = arith.subi %sub3A_699, %shift_right_logical3A_698 : vector<16xi32>
      %bitcast3A_701 = vector.bitcast %sub3A_700 : vector<16xi32> to vector<16xf32>
      %mul3A_702 = arith.constant 5.000000e-01 : f32
      %mul3A_703 = vector.broadcast %mul3A_702 : f32 to vector<16xf32>
      %mul3A_704 = arith.mulf %mul3A_703, %add3A_696 : vector<16xf32>
      %mul3A_705 = arith.mulf %mul3A_704, %bitcast3A_701 : vector<16xf32>
      %mul3A_706 = arith.mulf %mul3A_705, %bitcast3A_701 : vector<16xf32>
      %sub3A_707 = arith.constant 1.500000e+00 : f32
      %sub3A_708 = vector.broadcast %sub3A_707 : f32 to vector<16xf32>
      %sub3A_709 = arith.subf %sub3A_708, %mul3A_706 : vector<16xf32>
      %mul3A_710 = arith.mulf %bitcast3A_701, %sub3A_709 : vector<16xf32>
      %mul3A_711 = arith.mulf %mul3A_704, %mul3A_710 : vector<16xf32>
      %mul3A_712 = arith.mulf %mul3A_711, %mul3A_710 : vector<16xf32>
      %sub3A_713 = arith.constant 1.500000e+00 : f32
      %sub3A_714 = vector.broadcast %sub3A_713 : f32 to vector<16xf32>
      %sub3A_715 = arith.subf %sub3A_714, %mul3A_712 : vector<16xf32>
      %mul3A_716 = arith.mulf %mul3A_710, %sub3A_715 : vector<16xf32>
      %mul3A_717 = arith.mulf %mul3A_704, %mul3A_716 : vector<16xf32>
      %mul3A_718 = arith.mulf %mul3A_717, %mul3A_716 : vector<16xf32>
      %sub3A_719 = arith.constant 1.500000e+00 : f32
      %sub3A_720 = vector.broadcast %sub3A_719 : f32 to vector<16xf32>
      %sub3A_721 = arith.subf %sub3A_720, %mul3A_718 : vector<16xf32>
      %mul3A_722 = arith.mulf %mul3A_716, %sub3A_721 : vector<16xf32>
      %mul3A_723 = arith.mulf %get3A_679, %mul3A_722 : vector<16xf32>
      %mul3A_724 = arith.constant 16 : i32
      %mul3A_725 = arith.muli %scan3A_674, %mul3A_724 : i32
      %add3A_726 = arith.constant 2048 : i32
      %add3A_727 = arith.addi %add3A_726, %mul3A_725 : i32
      %swap3A = arith.index_cast %add3A_727 : i32 to index
      %swap3A_728 = tpu.vector_load %arg14[%swap3A] {strides = array<i32>} : memref<5120xf32, #tpu.memory_space<vmem>>, vector<16xf32>,
      tpu.vector_store %arg14[%swap3A], %mul3A_723 {strides = array<i32>} : memref<5120xf32, #tpu.memory_space<vmem>>, vector<16xf32>,
      %mul3A_729 = arith.mulf %get3A_685, %mul3A_722 : vector<16xf32>
      %mul3A_730 = arith.constant 16 : i32
      %mul3A_731 = arith.muli %scan3A_674, %mul3A_730 : i32
      %add3A_732 = arith.constant 3072 : i32
      %add3A_733 = arith.addi %add3A_732, %mul3A_731 : i32
      %swap3A_734 = arith.index_cast %add3A_733 : i32 to index
      %swap3A_735 = tpu.vector_load %arg14[%swap3A_734] {strides = array<i32>} : memref<5120xf32, #tpu.memory_space<vmem>>, vector<16xf32>,
      tpu.vector_store %arg14[%swap3A_734], %mul3A_729 {strides = array<i32>} : memref<5120xf32, #tpu.memory_space<vmem>>, vector<16xf32>,
      %mul3A_736 = arith.mulf %get3A_691, %mul3A_722 : vector<16xf32>
      %mul3A_737 = arith.constant 16 : i32
      %mul3A_738 = arith.muli %scan3A_674, %mul3A_737 : i32
      %add3A_739 = arith.constant 4096 : i32
      %add3A_740 = arith.addi %add3A_739, %mul3A_738 : i32
      %swap3A_741 = arith.index_cast %add3A_740 : i32 to index
      %swap3A_742 = tpu.vector_load %arg14[%swap3A_741] {strides = array<i32>} : memref<5120xf32, #tpu.memory_space<vmem>>, vector<16xf32>,
      tpu.vector_store %arg14[%swap3A_741], %mul3A_736 {strides = array<i32>} : memref<5120xf32, #tpu.memory_space<vmem>>, vector<16xf32>,
    }
    %scan3A_655 = arith.constant 64 : i32
    %mul3A_656 = arith.constant 32768 : i32
    %mul3A_657 = arith.muli %add3A, %mul3A_656 : i32
    %add3A_658 = arith.constant 30720 : i32
    %add3A_659 = arith.addi %mul3A_657, %add3A_658 : i32
    "tpu.region"() ({
      %run_scoped3A = tpu.sem_alloc : memref<!tpu.dma_semaphore, #tpu.memory_space<semaphore_mem>>
      %dma_start3A_674 = arith.constant 0 : i32
      %dma_start3A_675 = tpu.memref_slice %arg14[%dma_start3A_674] : memref<5120xf32, #tpu.memory_space<vmem>> -> memref<1024xf32, #tpu.memory_space<vmem>>
      %dma_start3A_676 = tpu.memref_slice %arg8[%add3A_659] : memref<1048576xf32, #tpu.memory_space<hbm>> -> memref<1024xf32, #tpu.memory_space<hbm>>
      %dma_start3A_677 = tpu.memref_slice %arg8[%add3A_659] : memref<1048576xf32, #tpu.memory_space<hbm>> -> memref<1024xf32, #tpu.memory_space<hbm>>
      %dma_start3A_678 = arith.constant 0 : i32
      %dma_start3A_679 = tpu.memref_slice %arg14[%dma_start3A_678] : memref<5120xf32, #tpu.memory_space<vmem>> -> memref<1024xf32, #tpu.memory_space<vmem>>
      tpu.enqueue_dma source(%dma_start3A_679 : memref<1024xf32, #tpu.memory_space<vmem>>) target(%dma_start3A_677 : memref<1024xf32, #tpu.memory_space<hbm>>) target_semaphore(%run_scoped3A : memref<!tpu.dma_semaphore, #tpu.memory_space<semaphore_mem>>)
      %dma_wait3A_680 = arith.constant 0 : i32
      %dma_wait3A_681 = tpu.memref_slice %arg14[%dma_wait3A_680] : memref<5120xf32, #tpu.memory_space<vmem>> -> memref<1024xf32, #tpu.memory_space<vmem>>
      %dma_wait3A_682 = tpu.memref_slice %arg8[%add3A_659] : memref<1048576xf32, #tpu.memory_space<hbm>> -> memref<1024xf32, #tpu.memory_space<hbm>>
      %dma_wait3A_683 = tpu.memref_slice %arg8[%add3A_659] : memref<1048576xf32, #tpu.memory_space<hbm>> -> memref<1024xf32, #tpu.memory_space<hbm>>
      %dma_wait3A_684 = arith.constant 0 : i32
      %dma_wait3A_685 = tpu.memref_slice %arg14[%dma_wait3A_684] : memref<5120xf32, #tpu.memory_space<vmem>> -> memref<1024xf32, #tpu.memory_space<vmem>>
      tpu.wait_dma2 semaphore(%run_scoped3A : memref<!tpu.dma_semaphore, #tpu.memory_space<semaphore_mem>>) src(%dma_wait3A_685 : memref<1024xf32, #tpu.memory_space<vmem>>) dst(%dma_wait3A_683 : memref<1024xf32, #tpu.memory_space<hbm>>)
      tpu.yield
    }) : () -> ()
    "tpu.region"() ({
      %run_scoped3A = tpu.sem_alloc : memref<!tpu.dma_semaphore, #tpu.memory_space<semaphore_mem>>
      %dma_start3A_674 = arith.constant 1024 : i32
      %dma_start3A_675 = tpu.memref_slice %arg14[%dma_start3A_674] : memref<5120xf32, #tpu.memory_space<vmem>> -> memref<1024xf32, #tpu.memory_space<vmem>>
      %dma_start3A_676 = tpu.memref_slice %arg9[%add3A_659] : memref<1048576xf32, #tpu.memory_space<hbm>> -> memref<1024xf32, #tpu.memory_space<hbm>>
      %dma_start3A_677 = tpu.memref_slice %arg9[%add3A_659] : memref<1048576xf32, #tpu.memory_space<hbm>> -> memref<1024xf32, #tpu.memory_space<hbm>>
      %dma_start3A_678 = arith.constant 1024 : i32
      %dma_start3A_679 = tpu.memref_slice %arg14[%dma_start3A_678] : memref<5120xf32, #tpu.memory_space<vmem>> -> memref<1024xf32, #tpu.memory_space<vmem>>
      tpu.enqueue_dma source(%dma_start3A_679 : memref<1024xf32, #tpu.memory_space<vmem>>) target(%dma_start3A_677 : memref<1024xf32, #tpu.memory_space<hbm>>) target_semaphore(%run_scoped3A : memref<!tpu.dma_semaphore, #tpu.memory_space<semaphore_mem>>)
      %dma_wait3A_680 = arith.constant 1024 : i32
      %dma_wait3A_681 = tpu.memref_slice %arg14[%dma_wait3A_680] : memref<5120xf32, #tpu.memory_space<vmem>> -> memref<1024xf32, #tpu.memory_space<vmem>>
      %dma_wait3A_682 = tpu.memref_slice %arg9[%add3A_659] : memref<1048576xf32, #tpu.memory_space<hbm>> -> memref<1024xf32, #tpu.memory_space<hbm>>
      %dma_wait3A_683 = tpu.memref_slice %arg9[%add3A_659] : memref<1048576xf32, #tpu.memory_space<hbm>> -> memref<1024xf32, #tpu.memory_space<hbm>>
      %dma_wait3A_684 = arith.constant 1024 : i32
      %dma_wait3A_685 = tpu.memref_slice %arg14[%dma_wait3A_684] : memref<5120xf32, #tpu.memory_space<vmem>> -> memref<1024xf32, #tpu.memory_space<vmem>>
      tpu.wait_dma2 semaphore(%run_scoped3A : memref<!tpu.dma_semaphore, #tpu.memory_space<semaphore_mem>>) src(%dma_wait3A_685 : memref<1024xf32, #tpu.memory_space<vmem>>) dst(%dma_wait3A_683 : memref<1024xf32, #tpu.memory_space<hbm>>)
      tpu.yield
    }) : () -> ()
    "tpu.region"() ({
      %run_scoped3A = tpu.sem_alloc : memref<!tpu.dma_semaphore, #tpu.memory_space<semaphore_mem>>
      %dma_start3A_674 = arith.constant 2048 : i32
      %dma_start3A_675 = tpu.memref_slice %arg14[%dma_start3A_674] : memref<5120xf32, #tpu.memory_space<vmem>> -> memref<1024xf32, #tpu.memory_space<vmem>>
      %dma_start3A_676 = tpu.memref_slice %arg10[%add3A_659] : memref<1048576xf32, #tpu.memory_space<hbm>> -> memref<1024xf32, #tpu.memory_space<hbm>>
      %dma_start3A_677 = tpu.memref_slice %arg10[%add3A_659] : memref<1048576xf32, #tpu.memory_space<hbm>> -> memref<1024xf32, #tpu.memory_space<hbm>>
      %dma_start3A_678 = arith.constant 2048 : i32
      %dma_start3A_679 = tpu.memref_slice %arg14[%dma_start3A_678] : memref<5120xf32, #tpu.memory_space<vmem>> -> memref<1024xf32, #tpu.memory_space<vmem>>
      tpu.enqueue_dma source(%dma_start3A_679 : memref<1024xf32, #tpu.memory_space<vmem>>) target(%dma_start3A_677 : memref<1024xf32, #tpu.memory_space<hbm>>) target_semaphore(%run_scoped3A : memref<!tpu.dma_semaphore, #tpu.memory_space<semaphore_mem>>)
      %dma_wait3A_680 = arith.constant 2048 : i32
      %dma_wait3A_681 = tpu.memref_slice %arg14[%dma_wait3A_680] : memref<5120xf32, #tpu.memory_space<vmem>> -> memref<1024xf32, #tpu.memory_space<vmem>>
      %dma_wait3A_682 = tpu.memref_slice %arg10[%add3A_659] : memref<1048576xf32, #tpu.memory_space<hbm>> -> memref<1024xf32, #tpu.memory_space<hbm>>
      %dma_wait3A_683 = tpu.memref_slice %arg10[%add3A_659] : memref<1048576xf32, #tpu.memory_space<hbm>> -> memref<1024xf32, #tpu.memory_space<hbm>>
      %dma_wait3A_684 = arith.constant 2048 : i32
      %dma_wait3A_685 = tpu.memref_slice %arg14[%dma_wait3A_684] : memref<5120xf32, #tpu.memory_space<vmem>> -> memref<1024xf32, #tpu.memory_space<vmem>>
      tpu.wait_dma2 semaphore(%run_scoped3A : memref<!tpu.dma_semaphore, #tpu.memory_space<semaphore_mem>>) src(%dma_wait3A_685 : memref<1024xf32, #tpu.memory_space<vmem>>) dst(%dma_wait3A_683 : memref<1024xf32, #tpu.memory_space<hbm>>)
      tpu.yield
    }) : () -> ()
    "tpu.region"() ({
      %run_scoped3A = tpu.sem_alloc : memref<!tpu.dma_semaphore, #tpu.memory_space<semaphore_mem>>
      %dma_start3A_674 = arith.constant 3072 : i32
      %dma_start3A_675 = tpu.memref_slice %arg14[%dma_start3A_674] : memref<5120xf32, #tpu.memory_space<vmem>> -> memref<1024xf32, #tpu.memory_space<vmem>>
      %dma_start3A_676 = tpu.memref_slice %arg11[%add3A_659] : memref<1048576xf32, #tpu.memory_space<hbm>> -> memref<1024xf32, #tpu.memory_space<hbm>>
      %dma_start3A_677 = tpu.memref_slice %arg11[%add3A_659] : memref<1048576xf32, #tpu.memory_space<hbm>> -> memref<1024xf32, #tpu.memory_space<hbm>>
      %dma_start3A_678 = arith.constant 3072 : i32
      %dma_start3A_679 = tpu.memref_slice %arg14[%dma_start3A_678] : memref<5120xf32, #tpu.memory_space<vmem>> -> memref<1024xf32, #tpu.memory_space<vmem>>
      tpu.enqueue_dma source(%dma_start3A_679 : memref<1024xf32, #tpu.memory_space<vmem>>) target(%dma_start3A_677 : memref<1024xf32, #tpu.memory_space<hbm>>) target_semaphore(%run_scoped3A : memref<!tpu.dma_semaphore, #tpu.memory_space<semaphore_mem>>)
      %dma_wait3A_680 = arith.constant 3072 : i32
      %dma_wait3A_681 = tpu.memref_slice %arg14[%dma_wait3A_680] : memref<5120xf32, #tpu.memory_space<vmem>> -> memref<1024xf32, #tpu.memory_space<vmem>>
      %dma_wait3A_682 = tpu.memref_slice %arg11[%add3A_659] : memref<1048576xf32, #tpu.memory_space<hbm>> -> memref<1024xf32, #tpu.memory_space<hbm>>
      %dma_wait3A_683 = tpu.memref_slice %arg11[%add3A_659] : memref<1048576xf32, #tpu.memory_space<hbm>> -> memref<1024xf32, #tpu.memory_space<hbm>>
      %dma_wait3A_684 = arith.constant 3072 : i32
      %dma_wait3A_685 = tpu.memref_slice %arg14[%dma_wait3A_684] : memref<5120xf32, #tpu.memory_space<vmem>> -> memref<1024xf32, #tpu.memory_space<vmem>>
      tpu.wait_dma2 semaphore(%run_scoped3A : memref<!tpu.dma_semaphore, #tpu.memory_space<semaphore_mem>>) src(%dma_wait3A_685 : memref<1024xf32, #tpu.memory_space<vmem>>) dst(%dma_wait3A_683 : memref<1024xf32, #tpu.memory_space<hbm>>)
      tpu.yield
    }) : () -> ()
    "tpu.region"() ({
      %run_scoped3A = tpu.sem_alloc : memref<!tpu.dma_semaphore, #tpu.memory_space<semaphore_mem>>
      %dma_start3A_674 = arith.constant 4096 : i32
      %dma_start3A_675 = tpu.memref_slice %arg14[%dma_start3A_674] : memref<5120xf32, #tpu.memory_space<vmem>> -> memref<1024xf32, #tpu.memory_space<vmem>>
      %dma_start3A_676 = tpu.memref_slice %arg12[%add3A_659] : memref<1048576xf32, #tpu.memory_space<hbm>> -> memref<1024xf32, #tpu.memory_space<hbm>>
      %dma_start3A_677 = tpu.memref_slice %arg12[%add3A_659] : memref<1048576xf32, #tpu.memory_space<hbm>> -> memref<1024xf32, #tpu.memory_space<hbm>>
      %dma_start3A_678 = arith.constant 4096 : i32
      %dma_start3A_679 = tpu.memref_slice %arg14[%dma_start3A_678] : memref<5120xf32, #tpu.memory_space<vmem>> -> memref<1024xf32, #tpu.memory_space<vmem>>
      tpu.enqueue_dma source(%dma_start3A_679 : memref<1024xf32, #tpu.memory_space<vmem>>) target(%dma_start3A_677 : memref<1024xf32, #tpu.memory_space<hbm>>) target_semaphore(%run_scoped3A : memref<!tpu.dma_semaphore, #tpu.memory_space<semaphore_mem>>)
      %dma_wait3A_680 = arith.constant 4096 : i32
      %dma_wait3A_681 = tpu.memref_slice %arg14[%dma_wait3A_680] : memref<5120xf32, #tpu.memory_space<vmem>> -> memref<1024xf32, #tpu.memory_space<vmem>>
      %dma_wait3A_682 = tpu.memref_slice %arg12[%add3A_659] : memref<1048576xf32, #tpu.memory_space<hbm>> -> memref<1024xf32, #tpu.memory_space<hbm>>
      %dma_wait3A_683 = tpu.memref_slice %arg12[%add3A_659] : memref<1048576xf32, #tpu.memory_space<hbm>> -> memref<1024xf32, #tpu.memory_space<hbm>>
      %dma_wait3A_684 = arith.constant 4096 : i32
      %dma_wait3A_685 = tpu.memref_slice %arg14[%dma_wait3A_684] : memref<5120xf32, #tpu.memory_space<vmem>> -> memref<1024xf32, #tpu.memory_space<vmem>>
      tpu.wait_dma2 semaphore(%run_scoped3A : memref<!tpu.dma_semaphore, #tpu.memory_space<semaphore_mem>>) src(%dma_wait3A_685 : memref<1024xf32, #tpu.memory_space<vmem>>) dst(%dma_wait3A_683 : memref<1024xf32, #tpu.memory_space<hbm>>)
      tpu.yield
    }) : () -> ()
    %dma_wait3A_660 = arith.constant 0 : i32
    %dma_wait3A_661 = tpu.memref_slice %arg2[%dma_wait3A_660] : memref<1000000xf32, #tpu.memory_space<hbm>> -> memref<5120xf32, #tpu.memory_space<hbm>>
    %dma_wait3A_662 = arith.constant 0 : i32
    %dma_wait3A_663 = tpu.memref_slice %arg2[%dma_wait3A_662] : memref<1000000xf32, #tpu.memory_space<hbm>> -> memref<5120xf32, #tpu.memory_space<hbm>>
    tpu.wait_dma2 semaphore(%arg17 : memref<!tpu.dma_semaphore, #tpu.memory_space<semaphore_mem>>) src(%dma_wait3A_663 : memref<5120xf32, #tpu.memory_space<hbm>>) dst(%arg15 : memref<5120xf32, #tpu.memory_space<vmem>>)
    %scan3A_664 = arith.constant 0 : i32
    %scan3A_665 = arith.constant 0 : i32
    %scan3A_666 = arith.constant 64 : i32
    %scan3A_667 = arith.addi %scan3A_665, %scan3A_666 : i32
    %scan3A_668 = arith.constant 1 : i32
    scf.for %scan3A_674 = %scan3A_665 to %scan3A_667 step %scan3A_668  : i32 {
      %mul3A_675 = arith.constant 16 : i32
      %mul3A_676 = arith.muli %scan3A_674, %mul3A_675 : i32
      %add3A_677 = arith.constant 2048 : i32
      %add3A_678 = arith.addi %add3A_677, %mul3A_676 : i32
      %get3A = arith.index_cast %add3A_678 : i32 to index
      %get3A_679 = tpu.vector_load %arg15[%get3A] {strides = array<i32>} : memref<5120xf32, #tpu.memory_space<vmem>>, vector<16xf32>,
      %mul3A_680 = arith.constant 16 : i32
      %mul3A_681 = arith.muli %scan3A_674, %mul3A_680 : i32
      %add3A_682 = arith.constant 3072 : i32
      %add3A_683 = arith.addi %add3A_682, %mul3A_681 : i32
      %get3A_684 = arith.index_cast %add3A_683 : i32 to index
      %get3A_685 = tpu.vector_load %arg15[%get3A_684] {strides = array<i32>} : memref<5120xf32, #tpu.memory_space<vmem>>, vector<16xf32>,
      %mul3A_686 = arith.constant 16 : i32
      %mul3A_687 = arith.muli %scan3A_674, %mul3A_686 : i32
      %add3A_688 = arith.constant 4096 : i32
      %add3A_689 = arith.addi %add3A_688, %mul3A_687 : i32
      %get3A_690 = arith.index_cast %add3A_689 : i32 to index
      %get3A_691 = tpu.vector_load %arg15[%get3A_690] {strides = array<i32>} : memref<5120xf32, #tpu.memory_space<vmem>>, vector<16xf32>,
      %mul3A_692 = arith.mulf %get3A_679, %get3A_679 : vector<16xf32>
      %mul3A_693 = arith.mulf %get3A_685, %get3A_685 : vector<16xf32>
      %add3A_694 = arith.addf %mul3A_692, %mul3A_693 : vector<16xf32>
      %mul3A_695 = arith.mulf %get3A_691, %get3A_691 : vector<16xf32>
      %add3A_696 = arith.addf %add3A_694, %mul3A_695 : vector<16xf32>
      %bitcast3A = vector.bitcast %add3A_696 : vector<16xf32> to vector<16xi32>
      %shift_right_logical3A = arith.constant 1 : i32
      %shift_right_logical3A_697 = vector.broadcast %shift_right_logical3A : i32 to vector<16xi32>
      %shift_right_logical3A_698 = arith.shrui %bitcast3A, %shift_right_logical3A_697 : vector<16xi32>
      %sub3A = arith.constant 1597463007 : i32
      %sub3A_699 = vector.broadcast %sub3A : i32 to vector<16xi32>
      %sub3A_700 = arith.subi %sub3A_699, %shift_right_logical3A_698 : vector<16xi32>
      %bitcast3A_701 = vector.bitcast %sub3A_700 : vector<16xi32> to vector<16xf32>
      %mul3A_702 = arith.constant 5.000000e-01 : f32
      %mul3A_703 = vector.broadcast %mul3A_702 : f32 to vector<16xf32>
      %mul3A_704 = arith.mulf %mul3A_703, %add3A_696 : vector<16xf32>
      %mul3A_705 = arith.mulf %mul3A_704, %bitcast3A_701 : vector<16xf32>
      %mul3A_706 = arith.mulf %mul3A_705, %bitcast3A_701 : vector<16xf32>
      %sub3A_707 = arith.constant 1.500000e+00 : f32
      %sub3A_708 = vector.broadcast %sub3A_707 : f32 to vector<16xf32>
      %sub3A_709 = arith.subf %sub3A_708, %mul3A_706 : vector<16xf32>
      %mul3A_710 = arith.mulf %bitcast3A_701, %sub3A_709 : vector<16xf32>
      %mul3A_711 = arith.mulf %mul3A_704, %mul3A_710 : vector<16xf32>
      %mul3A_712 = arith.mulf %mul3A_711, %mul3A_710 : vector<16xf32>
      %sub3A_713 = arith.constant 1.500000e+00 : f32
      %sub3A_714 = vector.broadcast %sub3A_713 : f32 to vector<16xf32>
      %sub3A_715 = arith.subf %sub3A_714, %mul3A_712 : vector<16xf32>
      %mul3A_716 = arith.mulf %mul3A_710, %sub3A_715 : vector<16xf32>
      %mul3A_717 = arith.mulf %mul3A_704, %mul3A_716 : vector<16xf32>
      %mul3A_718 = arith.mulf %mul3A_717, %mul3A_716 : vector<16xf32>
      %sub3A_719 = arith.constant 1.500000e+00 : f32
      %sub3A_720 = vector.broadcast %sub3A_719 : f32 to vector<16xf32>
      %sub3A_721 = arith.subf %sub3A_720, %mul3A_718 : vector<16xf32>
      %mul3A_722 = arith.mulf %mul3A_716, %sub3A_721 : vector<16xf32>
      %mul3A_723 = arith.mulf %get3A_679, %mul3A_722 : vector<16xf32>
      %mul3A_724 = arith.constant 16 : i32
      %mul3A_725 = arith.muli %scan3A_674, %mul3A_724 : i32
      %add3A_726 = arith.constant 2048 : i32
      %add3A_727 = arith.addi %add3A_726, %mul3A_725 : i32
      %swap3A = arith.index_cast %add3A_727 : i32 to index
      %swap3A_728 = tpu.vector_load %arg15[%swap3A] {strides = array<i32>} : memref<5120xf32, #tpu.memory_space<vmem>>, vector<16xf32>,
      tpu.vector_store %arg15[%swap3A], %mul3A_723 {strides = array<i32>} : memref<5120xf32, #tpu.memory_space<vmem>>, vector<16xf32>,
      %mul3A_729 = arith.mulf %get3A_685, %mul3A_722 : vector<16xf32>
      %mul3A_730 = arith.constant 16 : i32
      %mul3A_731 = arith.muli %scan3A_674, %mul3A_730 : i32
      %add3A_732 = arith.constant 3072 : i32
      %add3A_733 = arith.addi %add3A_732, %mul3A_731 : i32
      %swap3A_734 = arith.index_cast %add3A_733 : i32 to index
      %swap3A_735 = tpu.vector_load %arg15[%swap3A_734] {strides = array<i32>} : memref<5120xf32, #tpu.memory_space<vmem>>, vector<16xf32>,
      tpu.vector_store %arg15[%swap3A_734], %mul3A_729 {strides = array<i32>} : memref<5120xf32, #tpu.memory_space<vmem>>, vector<16xf32>,
      %mul3A_736 = arith.mulf %get3A_691, %mul3A_722 : vector<16xf32>
      %mul3A_737 = arith.constant 16 : i32
      %mul3A_738 = arith.muli %scan3A_674, %mul3A_737 : i32
      %add3A_739 = arith.constant 4096 : i32
      %add3A_740 = arith.addi %add3A_739, %mul3A_738 : i32
      %swap3A_741 = arith.index_cast %add3A_740 : i32 to index
      %swap3A_742 = tpu.vector_load %arg15[%swap3A_741] {strides = array<i32>} : memref<5120xf32, #tpu.memory_space<vmem>>, vector<16xf32>,
      tpu.vector_store %arg15[%swap3A_741], %mul3A_736 {strides = array<i32>} : memref<5120xf32, #tpu.memory_space<vmem>>, vector<16xf32>,
    }
    %scan3A_669 = arith.constant 64 : i32
    %mul3A_670 = arith.constant 32768 : i32
    %mul3A_671 = arith.muli %add3A, %mul3A_670 : i32
    %add3A_672 = arith.constant 31744 : i32
    %add3A_673 = arith.addi %mul3A_671, %add3A_672 : i32
    "tpu.region"() ({
      %run_scoped3A = tpu.sem_alloc : memref<!tpu.dma_semaphore, #tpu.memory_space<semaphore_mem>>
      %dma_start3A_674 = arith.constant 0 : i32
      %dma_start3A_675 = tpu.memref_slice %arg15[%dma_start3A_674] : memref<5120xf32, #tpu.memory_space<vmem>> -> memref<1024xf32, #tpu.memory_space<vmem>>
      %dma_start3A_676 = tpu.memref_slice %arg8[%add3A_673] : memref<1048576xf32, #tpu.memory_space<hbm>> -> memref<1024xf32, #tpu.memory_space<hbm>>
      %dma_start3A_677 = tpu.memref_slice %arg8[%add3A_673] : memref<1048576xf32, #tpu.memory_space<hbm>> -> memref<1024xf32, #tpu.memory_space<hbm>>
      %dma_start3A_678 = arith.constant 0 : i32
      %dma_start3A_679 = tpu.memref_slice %arg15[%dma_start3A_678] : memref<5120xf32, #tpu.memory_space<vmem>> -> memref<1024xf32, #tpu.memory_space<vmem>>
      tpu.enqueue_dma source(%dma_start3A_679 : memref<1024xf32, #tpu.memory_space<vmem>>) target(%dma_start3A_677 : memref<1024xf32, #tpu.memory_space<hbm>>) target_semaphore(%run_scoped3A : memref<!tpu.dma_semaphore, #tpu.memory_space<semaphore_mem>>)
      %dma_wait3A_680 = arith.constant 0 : i32
      %dma_wait3A_681 = tpu.memref_slice %arg15[%dma_wait3A_680] : memref<5120xf32, #tpu.memory_space<vmem>> -> memref<1024xf32, #tpu.memory_space<vmem>>
      %dma_wait3A_682 = tpu.memref_slice %arg8[%add3A_673] : memref<1048576xf32, #tpu.memory_space<hbm>> -> memref<1024xf32, #tpu.memory_space<hbm>>
      %dma_wait3A_683 = tpu.memref_slice %arg8[%add3A_673] : memref<1048576xf32, #tpu.memory_space<hbm>> -> memref<1024xf32, #tpu.memory_space<hbm>>
      %dma_wait3A_684 = arith.constant 0 : i32
      %dma_wait3A_685 = tpu.memref_slice %arg15[%dma_wait3A_684] : memref<5120xf32, #tpu.memory_space<vmem>> -> memref<1024xf32, #tpu.memory_space<vmem>>
      tpu.wait_dma2 semaphore(%run_scoped3A : memref<!tpu.dma_semaphore, #tpu.memory_space<semaphore_mem>>) src(%dma_wait3A_685 : memref<1024xf32, #tpu.memory_space<vmem>>) dst(%dma_wait3A_683 : memref<1024xf32, #tpu.memory_space<hbm>>)
      tpu.yield
    }) : () -> ()
    "tpu.region"() ({
      %run_scoped3A = tpu.sem_alloc : memref<!tpu.dma_semaphore, #tpu.memory_space<semaphore_mem>>
      %dma_start3A_674 = arith.constant 1024 : i32
      %dma_start3A_675 = tpu.memref_slice %arg15[%dma_start3A_674] : memref<5120xf32, #tpu.memory_space<vmem>> -> memref<1024xf32, #tpu.memory_space<vmem>>
      %dma_start3A_676 = tpu.memref_slice %arg9[%add3A_673] : memref<1048576xf32, #tpu.memory_space<hbm>> -> memref<1024xf32, #tpu.memory_space<hbm>>
      %dma_start3A_677 = tpu.memref_slice %arg9[%add3A_673] : memref<1048576xf32, #tpu.memory_space<hbm>> -> memref<1024xf32, #tpu.memory_space<hbm>>
      %dma_start3A_678 = arith.constant 1024 : i32
      %dma_start3A_679 = tpu.memref_slice %arg15[%dma_start3A_678] : memref<5120xf32, #tpu.memory_space<vmem>> -> memref<1024xf32, #tpu.memory_space<vmem>>
      tpu.enqueue_dma source(%dma_start3A_679 : memref<1024xf32, #tpu.memory_space<vmem>>) target(%dma_start3A_677 : memref<1024xf32, #tpu.memory_space<hbm>>) target_semaphore(%run_scoped3A : memref<!tpu.dma_semaphore, #tpu.memory_space<semaphore_mem>>)
      %dma_wait3A_680 = arith.constant 1024 : i32
      %dma_wait3A_681 = tpu.memref_slice %arg15[%dma_wait3A_680] : memref<5120xf32, #tpu.memory_space<vmem>> -> memref<1024xf32, #tpu.memory_space<vmem>>
      %dma_wait3A_682 = tpu.memref_slice %arg9[%add3A_673] : memref<1048576xf32, #tpu.memory_space<hbm>> -> memref<1024xf32, #tpu.memory_space<hbm>>
      %dma_wait3A_683 = tpu.memref_slice %arg9[%add3A_673] : memref<1048576xf32, #tpu.memory_space<hbm>> -> memref<1024xf32, #tpu.memory_space<hbm>>
      %dma_wait3A_684 = arith.constant 1024 : i32
      %dma_wait3A_685 = tpu.memref_slice %arg15[%dma_wait3A_684] : memref<5120xf32, #tpu.memory_space<vmem>> -> memref<1024xf32, #tpu.memory_space<vmem>>
      tpu.wait_dma2 semaphore(%run_scoped3A : memref<!tpu.dma_semaphore, #tpu.memory_space<semaphore_mem>>) src(%dma_wait3A_685 : memref<1024xf32, #tpu.memory_space<vmem>>) dst(%dma_wait3A_683 : memref<1024xf32, #tpu.memory_space<hbm>>)
      tpu.yield
    }) : () -> ()
    "tpu.region"() ({
      %run_scoped3A = tpu.sem_alloc : memref<!tpu.dma_semaphore, #tpu.memory_space<semaphore_mem>>
      %dma_start3A_674 = arith.constant 2048 : i32
      %dma_start3A_675 = tpu.memref_slice %arg15[%dma_start3A_674] : memref<5120xf32, #tpu.memory_space<vmem>> -> memref<1024xf32, #tpu.memory_space<vmem>>
      %dma_start3A_676 = tpu.memref_slice %arg10[%add3A_673] : memref<1048576xf32, #tpu.memory_space<hbm>> -> memref<1024xf32, #tpu.memory_space<hbm>>
      %dma_start3A_677 = tpu.memref_slice %arg10[%add3A_673] : memref<1048576xf32, #tpu.memory_space<hbm>> -> memref<1024xf32, #tpu.memory_space<hbm>>
      %dma_start3A_678 = arith.constant 2048 : i32
      %dma_start3A_679 = tpu.memref_slice %arg15[%dma_start3A_678] : memref<5120xf32, #tpu.memory_space<vmem>> -> memref<1024xf32, #tpu.memory_space<vmem>>
      tpu.enqueue_dma source(%dma_start3A_679 : memref<1024xf32, #tpu.memory_space<vmem>>) target(%dma_start3A_677 : memref<1024xf32, #tpu.memory_space<hbm>>) target_semaphore(%run_scoped3A : memref<!tpu.dma_semaphore, #tpu.memory_space<semaphore_mem>>)
      %dma_wait3A_680 = arith.constant 2048 : i32
      %dma_wait3A_681 = tpu.memref_slice %arg15[%dma_wait3A_680] : memref<5120xf32, #tpu.memory_space<vmem>> -> memref<1024xf32, #tpu.memory_space<vmem>>
      %dma_wait3A_682 = tpu.memref_slice %arg10[%add3A_673] : memref<1048576xf32, #tpu.memory_space<hbm>> -> memref<1024xf32, #tpu.memory_space<hbm>>
      %dma_wait3A_683 = tpu.memref_slice %arg10[%add3A_673] : memref<1048576xf32, #tpu.memory_space<hbm>> -> memref<1024xf32, #tpu.memory_space<hbm>>
      %dma_wait3A_684 = arith.constant 2048 : i32
      %dma_wait3A_685 = tpu.memref_slice %arg15[%dma_wait3A_684] : memref<5120xf32, #tpu.memory_space<vmem>> -> memref<1024xf32, #tpu.memory_space<vmem>>
      tpu.wait_dma2 semaphore(%run_scoped3A : memref<!tpu.dma_semaphore, #tpu.memory_space<semaphore_mem>>) src(%dma_wait3A_685 : memref<1024xf32, #tpu.memory_space<vmem>>) dst(%dma_wait3A_683 : memref<1024xf32, #tpu.memory_space<hbm>>)
      tpu.yield
    }) : () -> ()
    "tpu.region"() ({
      %run_scoped3A = tpu.sem_alloc : memref<!tpu.dma_semaphore, #tpu.memory_space<semaphore_mem>>
      %dma_start3A_674 = arith.constant 3072 : i32
      %dma_start3A_675 = tpu.memref_slice %arg15[%dma_start3A_674] : memref<5120xf32, #tpu.memory_space<vmem>> -> memref<1024xf32, #tpu.memory_space<vmem>>
      %dma_start3A_676 = tpu.memref_slice %arg11[%add3A_673] : memref<1048576xf32, #tpu.memory_space<hbm>> -> memref<1024xf32, #tpu.memory_space<hbm>>
      %dma_start3A_677 = tpu.memref_slice %arg11[%add3A_673] : memref<1048576xf32, #tpu.memory_space<hbm>> -> memref<1024xf32, #tpu.memory_space<hbm>>
      %dma_start3A_678 = arith.constant 3072 : i32
      %dma_start3A_679 = tpu.memref_slice %arg15[%dma_start3A_678] : memref<5120xf32, #tpu.memory_space<vmem>> -> memref<1024xf32, #tpu.memory_space<vmem>>
      tpu.enqueue_dma source(%dma_start3A_679 : memref<1024xf32, #tpu.memory_space<vmem>>) target(%dma_start3A_677 : memref<1024xf32, #tpu.memory_space<hbm>>) target_semaphore(%run_scoped3A : memref<!tpu.dma_semaphore, #tpu.memory_space<semaphore_mem>>)
      %dma_wait3A_680 = arith.constant 3072 : i32
      %dma_wait3A_681 = tpu.memref_slice %arg15[%dma_wait3A_680] : memref<5120xf32, #tpu.memory_space<vmem>> -> memref<1024xf32, #tpu.memory_space<vmem>>
      %dma_wait3A_682 = tpu.memref_slice %arg11[%add3A_673] : memref<1048576xf32, #tpu.memory_space<hbm>> -> memref<1024xf32, #tpu.memory_space<hbm>>
      %dma_wait3A_683 = tpu.memref_slice %arg11[%add3A_673] : memref<1048576xf32, #tpu.memory_space<hbm>> -> memref<1024xf32, #tpu.memory_space<hbm>>
      %dma_wait3A_684 = arith.constant 3072 : i32
      %dma_wait3A_685 = tpu.memref_slice %arg15[%dma_wait3A_684] : memref<5120xf32, #tpu.memory_space<vmem>> -> memref<1024xf32, #tpu.memory_space<vmem>>
      tpu.wait_dma2 semaphore(%run_scoped3A : memref<!tpu.dma_semaphore, #tpu.memory_space<semaphore_mem>>) src(%dma_wait3A_685 : memref<1024xf32, #tpu.memory_space<vmem>>) dst(%dma_wait3A_683 : memref<1024xf32, #tpu.memory_space<hbm>>)
      tpu.yield
    }) : () -> ()
    "tpu.region"() ({
      %run_scoped3A = tpu.sem_alloc : memref<!tpu.dma_semaphore, #tpu.memory_space<semaphore_mem>>
      %dma_start3A_674 = arith.constant 4096 : i32
      %dma_start3A_675 = tpu.memref_slice %arg15[%dma_start3A_674] : memref<5120xf32, #tpu.memory_space<vmem>> -> memref<1024xf32, #tpu.memory_space<vmem>>
      %dma_start3A_676 = tpu.memref_slice %arg12[%add3A_673] : memref<1048576xf32, #tpu.memory_space<hbm>> -> memref<1024xf32, #tpu.memory_space<hbm>>
      %dma_start3A_677 = tpu.memref_slice %arg12[%add3A_673] : memref<1048576xf32, #tpu.memory_space<hbm>> -> memref<1024xf32, #tpu.memory_space<hbm>>
      %dma_start3A_678 = arith.constant 4096 : i32
      %dma_start3A_679 = tpu.memref_slice %arg15[%dma_start3A_678] : memref<5120xf32, #tpu.memory_space<vmem>> -> memref<1024xf32, #tpu.memory_space<vmem>>
      tpu.enqueue_dma source(%dma_start3A_679 : memref<1024xf32, #tpu.memory_space<vmem>>) target(%dma_start3A_677 : memref<1024xf32, #tpu.memory_space<hbm>>) target_semaphore(%run_scoped3A : memref<!tpu.dma_semaphore, #tpu.memory_space<semaphore_mem>>)
      %dma_wait3A_680 = arith.constant 4096 : i32
      %dma_wait3A_681 = tpu.memref_slice %arg15[%dma_wait3A_680] : memref<5120xf32, #tpu.memory_space<vmem>> -> memref<1024xf32, #tpu.memory_space<vmem>>
      %dma_wait3A_682 = tpu.memref_slice %arg12[%add3A_673] : memref<1048576xf32, #tpu.memory_space<hbm>> -> memref<1024xf32, #tpu.memory_space<hbm>>
      %dma_wait3A_683 = tpu.memref_slice %arg12[%add3A_673] : memref<1048576xf32, #tpu.memory_space<hbm>> -> memref<1024xf32, #tpu.memory_space<hbm>>
      %dma_wait3A_684 = arith.constant 4096 : i32
      %dma_wait3A_685 = tpu.memref_slice %arg15[%dma_wait3A_684] : memref<5120xf32, #tpu.memory_space<vmem>> -> memref<1024xf32, #tpu.memory_space<vmem>>
      tpu.wait_dma2 semaphore(%run_scoped3A : memref<!tpu.dma_semaphore, #tpu.memory_space<semaphore_mem>>) src(%dma_wait3A_685 : memref<1024xf32, #tpu.memory_space<vmem>>) dst(%dma_wait3A_683 : memref<1024xf32, #tpu.memory_space<hbm>>)
      tpu.yield
    }) : () -> ()
    return
  }
}

</mosaic_0001>

<sc_bundles>
// kernel: kernel.3.cloned.1.call-start
scs
__scs_entry_jumppad:
0x0: {  	(pc) =	sbr.rel $0x88, $3  }
0x1: {  	(tag) =	ssettag $0x0;
	lr =	simm.s32 $0x1  }
0x2: {  	[smem:$0x3F9F] =	sst lr;
	_ =	strace $0xD0000000  }
0x3: {  	_ = 	snop  }
0x4: {  	_ = 	snop  }
0x5: {  	_ = 	snop  }
0x6: {  	_ = 	snop  }
0x7: {  	_ = 	snop  }
__scs_overlays_trampoline_lowered:
0x8: {  	[smem:$0x3FAE] =	sst s0  }
0x9: {  	[smem:$0x3FAF] =	sst s1  }
0xa: {  	[smem:$0x3FB0] =	sst s2  }
0xb: {  	[smem:$0x3FB1] =	sst s3  }
0xc: {  	[smem:$0x3FB2] =	sst s4  }
0xd: {  	[smem:$0x3FB3] =	sst s5  }
0xe: {  	[smem:$0x3FB4] =	sst s6  }
0xf: {  	[smem:$0x3FB5] =	sst s7  }
0x10: {  	[smem:$0x3FB6] =	sst s8  }
0x11: {  	[smem:$0x3FB7] =	sst s9;
	s0 =	simm.s32 @!p0 $0x0  }
0x12: {  	s1 =	sld [smem:$0x3F9D];
	s0 =	simm.s32 @p0 $0x1  }
0x13: {  	[smem:$0x3FB8] =	sst s0;
	s0 =	simm.s32 @!p1 $0x0  }
0x14: {  	s2 =	sld [smem:$0x3F9C];
	s0 =	simm.s32 @p1 $0x1  }
0x15: {  	[smem:$0x3FB9] =	sst s0;
	s0 =	simm.s32 @!p2 $0x0  }
0x16: {  	s3 =	sld [smem:$0x3FDB];
	s0 =	simm.s32 @p2 $0x1  }
0x17: {  	s4 =	simm.s32 $0x1BF5;
	[smem:$0x3FBB] =	sst s0  }
0x18: {  	s0 =	sld [smem:$0x3F9E];
	_ =	swait.ge [sflag:s4], $0x0  }
0x19: {  	s7 =	sld [smem:$0x3F9F]  }
0x1a: {  	s8 =	sadd.s32 $0xFFFFE003, lr  }
0x1b: {  	s9 =	sadd.s32 $0xFFFFFEF7, lr;
	s5 =	simm.s32 $0xFFFFFFFF;
	p2 =	slt.u32 s8, $0xFFFFF086  }
0x1c: {  	p1 =	slt.u32 s9, $0xF7A;
	s5 =	simm.s32 @!p2 $0x0  }
0x1d: {  	s5 =	simm.s32 @p1 $0x1;
	p0 =	seq.s32 s7, s2  }
0x1e: {  	s7 =	smul.u32 @!p0 $0xF7A, s2;
	p2 =	seq.s32 @!p0 s5, $0x0  }
0x1f: {  	s9 =	smul.u32 $0xF7A, s1;
	s8 =	simm.s32 @!p0 $0x1BF5;
	p2 =	por !p2, p0  }
0x20: {  	[sflag:s8] =	ssyncset.s32 @!p0 $0xFFFFF086;
	s6 =	sadd.s32 @!p0 s3, s7;
	s7 =	simm.s32 @!p0 $0x108  }
0x21: {  	s3 =	sadd.s32 s3, s9;
	s6 =	sadd.s32 @!p0 $0x88, s6;
	s7 =	simm.s32 @p2 $0x1082  }
0x22: {  	[simem:s7], [sflag:s8] =	dma.local @!p0 [hbm:s6], $0xF7A  }
0x23: {  	s9 =	sor.u32 $0xD0000000, s2;
	s6 =	simm.s32 $0x108;
	_ =	swait.ge @!p0 [sflag:s8], $0x0  }
0x24: {  	s3 =	sadd.s32 $0x88, s3;
	s6 =	simm.s32 @!p1 $0x1082;
	[sflag:s4] =	ssyncset.s32 $0xFFFFF086  }
0x25: {  	[simem:s6], [sflag:s4] =	dma.local [hbm:s3], $0xF7A  }
0x26: {  	[smem:$0x3F9F] =	sst s1;
	(tag) =	ssettag s2;
	_ =	strace s9  }
0x27: {  	s1 =	sld [smem:$0x3FAF]  }
0x28: {  	s2 =	sld [smem:$0x3FB0]  }
0x29: {  	s4 =	sld [smem:$0x3FB2]  }
0x2a: {  	p0 =	seq.s32 s5, $0x0;
	s5 =	sld [smem:$0x3FB3]  }
0x2b: {  	s6 =	sld [smem:$0x3FB4]  }
0x2c: {  	s7 =	sld [smem:$0x3FB5]  }
0x2d: {  	s3 =	simm.s32 $0x108;
	s8 =	sld [smem:$0x3FB6]  }
0x2e: {  	s3 =	simm.s32 @!p0 $0x1082;
	s9 =	sld [smem:$0x3FB7]  }
0x2f: {  	lr =	sadd.s32 s0, s3;
	s0 =	sld [smem:$0x3FAE]  }
0x30: {  	s3 =	sld [smem:$0x3FB1]  }
0x31: {  	[smem:$0x3FBA] =	sst s10  }
0x32: {  	s10 =	sld [smem:$0x3FB8];
	_ =	sdelay $0x3  }
0x33: {  	p0 =	seq.s32 s10, $0x1;
	s10 =	sld [smem:$0x3FBA];
	_ =	sdelay $0x3  }
0x34: {  	[smem:$0x3FBA] =	sst s10  }
0x35: {  	s10 =	sld [smem:$0x3FB9];
	_ =	sdelay $0x3  }
0x36: {  	p1 =	seq.s32 s10, $0x1;
	s10 =	sld [smem:$0x3FBA];
	_ =	sdelay $0x3  }
0x37: {  	[smem:$0x3FBA] =	sst s10  }
0x38: {  	s10 =	sld [smem:$0x3FBB]  }
0x39: {  	_ = 	snop;
	(pc) =	sbr.ind lr, $3  }
0x3a: {  	_ = 	snop  }
0x3b: {  	_ = 	snop  }
0x3c: {  	p2 =	seq.s32 s10, $0x1;
	s10 =	sld [smem:$0x3FBA]  }
0x3d: {  	_ =	shalt  }
0x3e: {  	_ =	shalt  }
0x3f: {  	_ =	shalt  }
0x40: {  	_ =	shalt  }
0x41: {  	_ =	shalt  }
0x42: {  	_ =	shalt  }
0x43: {  	_ =	shalt  }
0x44: {  	_ =	shalt  }
0x45: {  	_ =	shalt  }
0x46: {  	_ =	shalt  }
0x47: {  	_ =	shalt  }
0x48: {  	_ =	shalt  }
0x49: {  	_ =	shalt  }
0x4a: {  	_ =	shalt  }
0x4b: {  	_ =	shalt  }
0x4c: {  	_ =	shalt  }
0x4d: {  	_ =	shalt  }
0x4e: {  	_ =	shalt  }
0x4f: {  	_ =	shalt  }
0x50: {  	_ =	shalt  }
0x51: {  	_ =	shalt  }
0x52: {  	_ =	shalt  }
0x53: {  	_ =	shalt  }
0x54: {  	_ =	shalt  }
0x55: {  	_ =	shalt  }
0x56: {  	_ =	shalt  }
0x57: {  	_ =	shalt  }
0x58: {  	_ =	shalt  }
0x59: {  	_ =	shalt  }
0x5a: {  	_ =	shalt  }
0x5b: {  	_ =	shalt  }
0x5c: {  	_ =	shalt  }
0x5d: {  	_ =	shalt  }
0x5e: {  	_ =	shalt  }
0x5f: {  	_ =	shalt  }
0x60: {  	_ =	shalt  }
0x61: {  	_ =	shalt  }
0x62: {  	_ =	shalt  }
0x63: {  	_ =	shalt  }
0x64: {  	_ =	shalt  }
0x65: {  	_ =	shalt  }
0x66: {  	_ =	shalt  }
0x67: {  	_ =	shalt  }
0x68: {  	_ =	shalt  }
0x69: {  	_ =	shalt  }
0x6a: {  	_ =	shalt  }
0x6b: {  	_ =	shalt  }
0x6c: {  	_ =	shalt  }
0x6d: {  	_ =	shalt  }
0x6e: {  	_ =	shalt  }
0x6f: {  	_ =	shalt  }
0x70: {  	_ =	shalt  }
0x71: {  	_ =	shalt  }
0x72: {  	_ =	shalt  }
0x73: {  	_ =	shalt  }
0x74: {  	_ =	shalt  }
0x75: {  	_ =	shalt  }
0x76: {  	_ =	shalt  }
0x77: {  	_ =	shalt  }
0x78: {  	_ =	shalt  }
0x79: {  	_ =	shalt  }
0x7a: {  	_ =	shalt  }
0x7b: {  	_ =	shalt  }
0x7c: {  	_ =	shalt  }
0x7d: {  	_ =	shalt  }
0x7e: {  	_ =	shalt  }
0x7f: {  	_ =	shalt  }
0x80: {  	_ =	shalt  }
0x81: {  	_ =	shalt  }
0x82: {  	_ =	shalt  }
0x83: {  	_ =	shalt  }
0x84: {  	_ =	shalt  }
0x85: {  	_ =	shalt  }
0x86: {  	_ =	shalt  }
0x87: {  	_ =	shalt  }
.Lfunc_end0:
.L_simem_size_0:
called_computation_lowered:
.L_overlay_start_0:
0x88: {  	s2 =	sld [smem:$0x3FD9]  }
0x89: {  	s3 =	sld [smem:$0x3FFE];
	_ =	sdelay $0x1  }
0x8a: {  	s1 =	srdreg.scid  }
0x8b: {  	s0 =	sand.u32 $0x1, s1  }
0x8c: {  	s14 =	sshll.u32 s0, $0xA;
	s2 =	sadd.s32 s3, s2  }
0x8d: {  	s2 =	sadd.s32 s2, s14  }
0x8e: {  	[smem:$0x3FC6] =	sst s2  }
0x8f: {  	_ = 	snop  }
0x90: {  	s2 =	sld [smem:$0x3FD0];
	_ =	sdelay $0x2  }
0x91: {  	s4 =	simm.s32 $0xA;
	s5 =	simm.s32 $0x10;
	s15 =	sld [smem:$0x3FC8]  }
0x92: {  	[smem:s5], [sflag:s4] =	dma.local [hbm:s2], $0x1  }
0x93: {  	_ =	swait.eq [sflag:s4], $0x1  }
0x94: {  	[sflag:s4] =	ssyncset.done $0x0  }
0x95: {  	s16 =	sld [smem:$0x10];
	[sflag:s4] =	ssyncadd.s32 $0xFFFFFFFF  }
0x96: {  	s17 =	sld [smem:$0x11];
	(tm) =	ssettm $0x1  }
0x97: {  	s18 =	sld [smem:$0x3FFB];
	_ =	sdelay $0x3  }
0x98: {  	_ =	strace s18  }
0x99: {  	s5 =	sld [smem:$0x3FFC];
	_ =	sdelay $0x3  }
0x9a: {  	_ =	strace s5  }
0x9b: {  	s5 =	sld [smem:$0x3FFD];
	_ =	sdelay $0x3  }
0x9c: {  	_ =	strace s5  }
0x9d: {  	_ =	strace $0x8FFFFFFF  }
0x9e: {  	s19 =	sld [smem:$0x3FDB];
	_ =	sdelay $0x1  }
0x9f: {  	s6 =	simm.s32 $_scs_section_size  }
0xa0: {  	s7 =	simm.s32 $_size__tile_overlayer_lowered;
	s8 =	simm.s32 $_tile_overlayer_lowered  }
0xa1: {  	s22 =	simm.s32 $0x1BFF;
	s21 =	sshll.u32 s8, $0x1;
	s5 =	sadd.s32 s6, s19  }
0xa2: {  	s9 =	simm.s32 $0x0;
	s20 =	sshll.u32 s7, $0x1;
	s7 =	sadd.s32 s21, s5  }
0xa3: {  	[timem:s9], [sflag:s22] =	dma.local [hbm:s7], s20  }
0xa4: {  	_ =	swait.ge [sflag:s22], s20  }
0xa5: {  	s6 =	ssub.s32 $0x0, s20;
	[sflag:s22] =	ssyncset.done $0x0  }
0xa6: {  	[sflag:s22] =	ssyncadd.s32 s6;
	_ =	sdelay $0x1  }
0xa7: {  	s23 =	simm.s32 $0x1B8B  }
0xa8: {  	_ =	swait.ge [sflag:s23], $0x1  }
0xa9: {  	[sflag:s23] =	ssyncset.done $0x0  }
0xaa: {  	s25 =	simm.s32 $0x1B8E;
	s24 =	sld [smem:$0x3FFE];
	[sflag:s23] =	ssyncadd.s32 $0xFFFFFFFF  }
0xab: {  	s26 =	simm.s32 $execute0_lowered;
	[smem:$0x3FD2] =	sst s25  }
0xac: {  	s7 =	sshll.u32 s26, $0x1;
	_ =	strace $0x80000046;
	[dreg:$0x1] =	wrdreg $0xFFFFFFFF  }
0xad: {  	s28 =	simm.s32 $_size_execute0_lowered;
	s5 =	sadd.s32 s5, s7;
	[dreg:$0x0] =	wrdreg $0x0  }
0xae: {  	s7 =	sshll.u32 s28, $0x1;
	[dreg:$0x2] =	wrdreg s5  }
0xaf: {  	[dreg:$0x3] =	wrdreg s7  }
0xb0: {  	[dreg:$0x4] =	wrdreg $0xC0  }
0xb1: {  	_ =	task [dreg:s9], $0x5FFFF  }
0xb2: {  	[dreg:$0x1] =	wrdreg $0xFFFFFFFF  }
0xb3: {  	[dreg:$0x0] =	wrdreg $0x60  }
0xb4: {  	[dreg:$0x2] =	wrdreg s24  }
0xb5: {  	[dreg:$0x3] =	wrdreg s15  }
0xb6: {  	[dreg:$0x4] =	wrdreg s17  }
0xb7: {  	[dreg:$0x5] =	wrdreg s16  }
0xb8: {  	[dreg:$0x6] =	wrdreg $0x9  }
0xb9: {  	_ =	task.clear_ibuf [dreg:s9], $0x7FFFF;
	_ =	strace $0x90000046  }
0xba: {  	s29 =	simm.s32 $0x9;
	_ =	strace $0x80000048  }
0xbb: {  	_ =	swait.ge [sflag:s29], $0x1  }
0xbc: {  	[sflag:s29] =	ssyncadd.s32 $0xFFFFFFFF  }
0xbd: {  	_ =	strace $0x90000048  }
0xbe: {  	_ =	sfence  }
0xbf: {  	s30 =	sld [smem:$0x0];
	_ =	sdelay $0x2  }
0xc0: {  	s31 =	sshll.u32 s1, $0xD;
	s1 =	sshrl.u32 s1, $0x2  }
0xc1: {  	s3 =	sand.u32 $0x4000, s31;
	s1 =	sadd.s32 s1, s30  }
0xc2: {  	s0 =	sor.u32 s3, s0;
	s1 =	sshll.u32 s1, $0x11  }
0xc3: {  	s0 =	sor.u32 s1, s0  }
0xc4: {  	s0 =	sadd.s32 $0x8F2B, s0  }
0xc5: {  	[sflag:s0] =	ssyncadd.remote.s32 $0x1  }
0xc6: {  	_ =	sfence.sel $0xFFFF  }
0xc7: {  	[dreg:$0x0] =	wrdreg $0xFFFFFFFF;
	(pc) =	sbr.abs _section_cstart, $3  }
0xc8: {  	[dreg:$0x1] =	wrdreg $0xFFFFFFFF  }
0xc9: {  	_ =	task.clear_ibuf [dreg:s9], $0x2FFFF;
	_ =	strace $0x9FFFFFFF  }
0xca: {  	(tm) =	ssettm $0x7FFFFFFF  }
0xcb: {  	_ =	shalt  }
tec
execute0_lowered:
.L_overlay_start_1:
0x0: {  	(tag) =	ssettag $0x1  }
0x1: {  	s1 =	rddreg [dreg:$0x0]  }
0x2: {  	s0 =	rddreg [dreg:$0x1]  }
0x3: {  	s2 =	rddreg [dreg:$0x2]  }
0x4: {  	s16 =	rddreg [dreg:$0x3];
	s4 =	simm.s32 $0x0;
	s6 =	srdreg.scid  }
0x5: {  	s3 =	stileid.u32;
	s28 =	simm.s32 $0x80;
	s29 =	simm.s32 $0x8000  }
0x6: {  	s30 =	simm.s32 $0x8400;
	s31 =	simm.s32 $0x8800;
	[smem:$0x7FF] =	sst s4  }
0x7: {  	s5 =	sadd.s32 $0x7A800, s1;
	s7 =	sadd.s32 $0x5BE00, s1;
	s8 =	sadd.s32 $0x3D400, s1  }
0x8: {  	s9 =	sadd.s32 $0x1EA00, s1;
	s6 =	sand.u32 $0x1, s6;
	s12 =	sshll.u32 s3, $0x1  }
0x9: {  	s10 =	sadd.s32 $0xB9200, s1;
	s13 =	ssub.s32 $0x2, s6;
	s6 =	sor.u32 s6, s12  }
0xa: {  	s11 =	sadd.s32 $0xD9200, s1;
	s3 =	smov.u32 s16;
	s15 =	sshll.u32 s6, $0xC  }
0xb: {  	_ =	strace $0x80000047;
	s0 =	sadd.s32 s0, s15;
	s17 =	sor.u32 $0xF00, s15  }
0xc: {  	s12 =	sadd.s32 $0x99200, s1;
	[dreg:$0x5] =	wrdreg s0;
	s18 =	sadd.s32 s2, s17  }
0xd: {  	s14 =	sshrl.u32 s13, $0x1;
	s19 =	sadd.s32 s16, s17;
	[dreg:$0x6] =	wrdreg s18  }
0xe: {  	s13 =	ssub.s32 s13, s14;
	s20 =	sadd.s32 s10, s17;
	[dreg:$0x7] =	wrdreg s19  }
0xf: {  	s14 =	sshll.u32 s6, $0xF;
	s21 =	sadd.s32 s11, s17;
	[dreg:$0x8] =	wrdreg s20  }
0x10: {  	s22 =	sor.u32 $0xF80, s15;
	s0 =	sadd.s32 s12, s17;
	[dreg:$0x9] =	wrdreg s21  }
0x11: {  	s6 =	simm.s32 $0x9000;
	s2 =	sadd.s32 s2, s22;
	[dreg:$0xa] =	wrdreg s0  }
0x12: {  	s15 =	simm.s32 $0x9C00;
	s23 =	sadd.s32 s16, s22;
	[dreg:$0xb] =	wrdreg s2  }
0x13: {  	s24 =	sadd.s32 s10, s22;
	s25 =	sadd.s32 s11, s22;
	[dreg:$0xc] =	wrdreg s23  }
0x14: {  	s26 =	smax.u32 s13, $0x1;
	s13 =	simm.s32 $0x9800;
	[dreg:$0xd] =	wrdreg s24  }
0x15: {  	s16 =	simm.s32 $0xA000;
	s17 =	simm.s32 $0xA400;
	[dreg:$0xe] =	wrdreg s25  }
0x16: {  	s0 =	sadd.s32 s12, s22;
	[dreg:$0x10] =	wrdreg s26;
	s26 =	simm.s32 $0x3  }
0x17: {  	s25 =	simm.s32 $0x9400;
	s18 =	simm.s32 $0x1;
	s20 =	simm.s32 $0x2  }
0x18: {  	s19 =	simm.s32 $0x0;
	[dreg:$0xf] =	wrdreg s0;
	s0 =	simm.s32 $0x8C00  }
.LBB2_1:
0x19: {  	[dreg:$0x11] =	wrdreg s19  }
0x1a: {  	s2 =	rddreg [dreg:$0x5]  }
0x1b: {  	[tilespmem:s4], [sflag:$0x3] =	stream.linear.gather [hbm4b:s2+s4], $0x8000, $0x38;
	[tilespmem:$0xA800] =	vst v63  }
0x1c: {  	_ =	swait.ge [sflag:s26], $0x8000  }
0x1d: {  	[sflag:s26] =	ssyncset.done $0x0  }
0x1e: {  	[sflag:s26] =	ssyncadd.s32 $0xFFFF8000  }
0x1f: {  	[tilespmem:s29], [sflag:$0x1] =	stream.indirect.gather [hbm4b:s5+s28], $0x1, s4, s28, $0xb8;
	[tilespmem:$0xA800] =	vst v63  }
0x20: {  	_ = 	snop  }
0x21: {  	[tilespmem:s30], [sflag:$0x1] =	stream.indirect.gather [hbm4b:s7+s28], $0x1, s4, s28, $0xb8;
	[tilespmem:$0xA800] =	vst v63  }
0x22: {  	_ = 	snop  }
0x23: {  	[tilespmem:s31], [sflag:$0x1] =	stream.indirect.gather [hbm4b:s8+s28], $0x1, s4, s28, $0xb8;
	[tilespmem:$0xA800] =	vst v63  }
0x24: {  	_ = 	snop  }
0x25: {  	[tilespmem:s0], [sflag:$0x1] =	stream.indirect.gather [hbm4b:s9+s28], $0x1, s4, s28, $0xb8;
	[tilespmem:$0xA800] =	vst v63  }
0x26: {  	_ = 	snop  }
0x27: {  	[tilespmem:s6], [sflag:$0x1] =	stream.indirect.gather [hbm4b:s1+s28], $0x1, s4, s28, $0xb8;
	[tilespmem:$0xA800] =	vst v63  }
0x28: {  	s23 =	simm.s32 $0x8080  }
0x29: {  	[tilespmem:s23], [sflag:$0x1] =	stream.indirect.gather [hbm4b:s5+s28], $0x1, s28, s28, $0xb8;
	[tilespmem:$0xA800] =	vst v63  }
0x2a: {  	s24 =	simm.s32 $0x8480  }
0x2b: {  	[tilespmem:s24], [sflag:$0x1] =	stream.indirect.gather [hbm4b:s7+s28], $0x1, s28, s28, $0xb8;
	[tilespmem:$0xA800] =	vst v63  }
0x2c: {  	s19 =	simm.s32 $0x8880  }
0x2d: {  	[tilespmem:s19], [sflag:$0x1] =	stream.indirect.gather [hbm4b:s8+s28], $0x1, s28, s28, $0xb8;
	[tilespmem:$0xA800] =	vst v63  }
0x2e: {  	s21 =	simm.s32 $0x8C80  }
0x2f: {  	[tilespmem:s21], [sflag:$0x1] =	stream.indirect.gather [hbm4b:s9+s28], $0x1, s28, s28, $0xb8;
	[tilespmem:$0xA800] =	vst v63  }
0x30: {  	s22 =	simm.s32 $0x9080  }
0x31: {  	[tilespmem:s22], [sflag:$0x1] =	stream.indirect.gather [hbm4b:s1+s28], $0x1, s28, s28, $0xb8;
	[tilespmem:$0xA800] =	vst v63  }
0x32: {  	s2 =	simm.s32 $0x100;
	s23 =	simm.s32 $0x8100  }
0x33: {  	[tilespmem:s23], [sflag:$0x1] =	stream.indirect.gather [hbm4b:s5+s28], $0x1, s2, s28, $0xb8;
	[tilespmem:$0xA800] =	vst v63  }
0x34: {  	s24 =	simm.s32 $0x8500  }
0x35: {  	[tilespmem:s24], [sflag:$0x1] =	stream.indirect.gather [hbm4b:s7+s28], $0x1, s2, s28, $0xb8;
	[tilespmem:$0xA800] =	vst v63  }
0x36: {  	s21 =	simm.s32 $0x8900  }
0x37: {  	[tilespmem:s21], [sflag:$0x1] =	stream.indirect.gather [hbm4b:s8+s28], $0x1, s2, s28, $0xb8;
	[tilespmem:$0xA800] =	vst v63  }
0x38: {  	s22 =	simm.s32 $0x8D00  }
0x39: {  	[tilespmem:s22], [sflag:$0x1] =	stream.indirect.gather [hbm4b:s9+s28], $0x1, s2, s28, $0xb8;
	[tilespmem:$0xA800] =	vst v63  }
0x3a: {  	s23 =	simm.s32 $0x9100  }
0x3b: {  	[tilespmem:s23], [sflag:$0x1] =	stream.indirect.gather [hbm4b:s1+s28], $0x1, s2, s28, $0xb8;
	[tilespmem:$0xA800] =	vst v63  }
0x3c: {  	s24 =	simm.s32 $0x8180;
	s2 =	simm.s32 $0x180  }
0x3d: {  	[tilespmem:s24], [sflag:$0x1] =	stream.indirect.gather [hbm4b:s5+s28], $0x1, s2, s28, $0xb8;
	[tilespmem:$0xA800] =	vst v63  }
0x3e: {  	s21 =	simm.s32 $0x8580  }
0x3f: {  	[tilespmem:s21], [sflag:$0x1] =	stream.indirect.gather [hbm4b:s7+s28], $0x1, s2, s28, $0xb8;
	[tilespmem:$0xA800] =	vst v63  }
0x40: {  	s22 =	simm.s32 $0x8980  }
0x41: {  	[tilespmem:s22], [sflag:$0x1] =	stream.indirect.gather [hbm4b:s8+s28], $0x1, s2, s28, $0xb8;
	[tilespmem:$0xA800] =	vst v63  }
0x42: {  	s23 =	simm.s32 $0x8D80  }
0x43: {  	[tilespmem:s23], [sflag:$0x1] =	stream.indirect.gather [hbm4b:s9+s28], $0x1, s2, s28, $0xb8;
	[tilespmem:$0xA800] =	vst v63  }
0x44: {  	s24 =	simm.s32 $0x9180  }
0x45: {  	[tilespmem:s24], [sflag:$0x1] =	stream.indirect.gather [hbm4b:s1+s28], $0x1, s2, s28, $0xb8;
	[tilespmem:$0xA800] =	vst v63  }
0x46: {  	s21 =	simm.s32 $0x8200;
	s2 =	simm.s32 $0x200  }
0x47: {  	[tilespmem:s21], [sflag:$0x1] =	stream.indirect.gather [hbm4b:s5+s28], $0x1, s2, s28, $0xb8;
	[tilespmem:$0xA800] =	vst v63  }
0x48: {  	s22 =	simm.s32 $0x8600  }
0x49: {  	[tilespmem:s22], [sflag:$0x1] =	stream.indirect.gather [hbm4b:s7+s28], $0x1, s2, s28, $0xb8;
	[tilespmem:$0xA800] =	vst v63  }
0x4a: {  	s23 =	simm.s32 $0x8A00  }
0x4b: {  	[tilespmem:s23], [sflag:$0x1] =	stream.indirect.gather [hbm4b:s8+s28], $0x1, s2, s28, $0xb8;
	[tilespmem:$0xA800] =	vst v63  }
0x4c: {  	s24 =	simm.s32 $0x8E00  }
0x4d: {  	[tilespmem:s24], [sflag:$0x1] =	stream.indirect.gather [hbm4b:s9+s28], $0x1, s2, s28, $0xb8;
	[tilespmem:$0xA800] =	vst v63  }
0x4e: {  	s21 =	simm.s32 $0x9200  }
0x4f: {  	[tilespmem:s21], [sflag:$0x1] =	stream.indirect.gather [hbm4b:s1+s28], $0x1, s2, s28, $0xb8;
	[tilespmem:$0xA800] =	vst v63  }
0x50: {  	s22 =	simm.s32 $0x8280;
	s2 =	simm.s32 $0x280  }
0x51: {  	[tilespmem:s22], [sflag:$0x1] =	stream.indirect.gather [hbm4b:s5+s28], $0x1, s2, s28, $0xb8;
	[tilespmem:$0xA800] =	vst v63  }
0x52: {  	s23 =	simm.s32 $0x8680  }
0x53: {  	[tilespmem:s23], [sflag:$0x1] =	stream.indirect.gather [hbm4b:s7+s28], $0x1, s2, s28, $0xb8;
	[tilespmem:$0xA800] =	vst v63  }
0x54: {  	s24 =	simm.s32 $0x8A80  }
0x55: {  	[tilespmem:s24], [sflag:$0x1] =	stream.indirect.gather [hbm4b:s8+s28], $0x1, s2, s28, $0xb8;
	[tilespmem:$0xA800] =	vst v63  }
0x56: {  	s21 =	simm.s32 $0x8E80  }
0x57: {  	[tilespmem:s21], [sflag:$0x1] =	stream.indirect.gather [hbm4b:s9+s28], $0x1, s2, s28, $0xb8;
	[tilespmem:$0xA800] =	vst v63  }
0x58: {  	s22 =	simm.s32 $0x9280  }
0x59: {  	[tilespmem:s22], [sflag:$0x1] =	stream.indirect.gather [hbm4b:s1+s28], $0x1, s2, s28, $0xb8;
	[tilespmem:$0xA800] =	vst v63  }
0x5a: {  	s23 =	simm.s32 $0x8300;
	s2 =	simm.s32 $0x300  }
0x5b: {  	[tilespmem:s23], [sflag:$0x1] =	stream.indirect.gather [hbm4b:s5+s28], $0x1, s2, s28, $0xb8;
	[tilespmem:$0xA800] =	vst v63  }
0x5c: {  	s24 =	simm.s32 $0x8700  }
0x5d: {  	[tilespmem:s24], [sflag:$0x1] =	stream.indirect.gather [hbm4b:s7+s28], $0x1, s2, s28, $0xb8;
	[tilespmem:$0xA800] =	vst v63  }
0x5e: {  	s21 =	simm.s32 $0x8B00  }
0x5f: {  	[tilespmem:s21], [sflag:$0x1] =	stream.indirect.gather [hbm4b:s8+s28], $0x1, s2, s28, $0xb8;
	[tilespmem:$0xA800] =	vst v63  }
0x60: {  	s22 =	simm.s32 $0x8F00  }
0x61: {  	[tilespmem:s22], [sflag:$0x1] =	stream.indirect.gather [hbm4b:s9+s28], $0x1, s2, s28, $0xb8;
	[tilespmem:$0xA800] =	vst v63  }
0x62: {  	s23 =	simm.s32 $0x9300  }
0x63: {  	[tilespmem:s23], [sflag:$0x1] =	stream.indirect.gather [hbm4b:s1+s28], $0x1, s2, s28, $0xb8;
	[tilespmem:$0xA800] =	vst v63  }
0x64: {  	s24 =	simm.s32 $0x8380;
	s2 =	simm.s32 $0x380  }
0x65: {  	[tilespmem:s24], [sflag:$0x1] =	stream.indirect.gather [hbm4b:s5+s28], $0x1, s2, s28, $0xb8;
	[tilespmem:$0xA800] =	vst v63  }
0x66: {  	s21 =	simm.s32 $0x8780  }
0x67: {  	[tilespmem:s21], [sflag:$0x1] =	stream.indirect.gather [hbm4b:s7+s28], $0x1, s2, s28, $0xb8;
	[tilespmem:$0xA800] =	vst v63  }
0x68: {  	s22 =	simm.s32 $0x8B80  }
0x69: {  	[tilespmem:s22], [sflag:$0x1] =	stream.indirect.gather [hbm4b:s8+s28], $0x1, s2, s28, $0xb8;
	[tilespmem:$0xA800] =	vst v63  }
0x6a: {  	s23 =	simm.s32 $0x8F80  }
0x6b: {  	[tilespmem:s23], [sflag:$0x1] =	stream.indirect.gather [hbm4b:s9+s28], $0x1, s2, s28, $0xb8;
	[tilespmem:$0xA800] =	vst v63  }
0x6c: {  	s24 =	simm.s32 $0x9380;
	s21 =	simm.s32 $0x0  }
0x6d: {  	[tilespmem:s24], [sflag:$0x1] =	stream.indirect.gather [hbm4b:s1+s28], $0x1, s2, s28, $0xb8;
	[tilespmem:$0xA800] =	vst v63  }
.LBB2_2:
0x6e: {  	s22 =	sshllo.u32 s21, $0x1  }
0x6f: {  	s22 =	sshll.u32 s22, $0xA  }
0x70: {  	s23 =	sand.u32 $0x3FFFFC00, s22  }
0x71: {  	[tilespmem:s25], [sflag:$0x2] =	stream.indirect.gather [hbm4b:s5+s28], $0x1, s23, s28, $0xb8;
	[tilespmem:$0xA800] =	vst v63  }
0x72: {  	_ = 	snop  }
0x73: {  	[tilespmem:s13], [sflag:$0x2] =	stream.indirect.gather [hbm4b:s7+s28], $0x1, s23, s28, $0xb8;
	[tilespmem:$0xA800] =	vst v63  }
0x74: {  	_ = 	snop  }
0x75: {  	[tilespmem:s15], [sflag:$0x2] =	stream.indirect.gather [hbm4b:s8+s28], $0x1, s23, s28, $0xb8;
	[tilespmem:$0xA800] =	vst v63  }
0x76: {  	_ = 	snop  }
0x77: {  	[tilespmem:s16], [sflag:$0x2] =	stream.indirect.gather [hbm4b:s9+s28], $0x1, s23, s28, $0xb8;
	[tilespmem:$0xA800] =	vst v63  }
0x78: {  	_ = 	snop  }
0x79: {  	[tilespmem:s17], [sflag:$0x2] =	stream.indirect.gather [hbm4b:s1+s28], $0x1, s23, s28, $0xb8;
	[tilespmem:$0xA800] =	vst v63  }
0x7a: {  	s2 =	simm.s32 $0x9480;
	s24 =	sor.u32 $0x80, s23  }
0x7b: {  	[tilespmem:s2], [sflag:$0x2] =	stream.indirect.gather [hbm4b:s5+s28], $0x1, s24, s28, $0xb8;
	[tilespmem:$0xA800] =	vst v63  }
0x7c: {  	s19 =	simm.s32 $0x9880  }
0x7d: {  	[tilespmem:s19], [sflag:$0x2] =	stream.indirect.gather [hbm4b:s7+s28], $0x1, s24, s28, $0xb8;
	[tilespmem:$0xA800] =	vst v63  }
0x7e: {  	s19 =	simm.s32 $0x9C80  }
0x7f: {  	[tilespmem:s19], [sflag:$0x2] =	stream.indirect.gather [hbm4b:s8+s28], $0x1, s24, s28, $0xb8;
	[tilespmem:$0xA800] =	vst v63  }
0x80: {  	s19 =	simm.s32 $0xA080  }
0x81: {  	[tilespmem:s19], [sflag:$0x2] =	stream.indirect.gather [hbm4b:s9+s28], $0x1, s24, s28, $0xb8;
	[tilespmem:$0xA800] =	vst v63  }
0x82: {  	s19 =	simm.s32 $0xA480  }
0x83: {  	[tilespmem:s19], [sflag:$0x2] =	stream.indirect.gather [hbm4b:s1+s28], $0x1, s24, s28, $0xb8;
	[tilespmem:$0xA800] =	vst v63  }
0x84: {  	s24 =	sor.u32 $0x100, s23;
	s19 =	simm.s32 $0x9500  }
0x85: {  	[tilespmem:s19], [sflag:$0x2] =	stream.indirect.gather [hbm4b:s5+s28], $0x1, s24, s28, $0xb8;
	[tilespmem:$0xA800] =	vst v63  }
0x86: {  	s19 =	simm.s32 $0x9900  }
0x87: {  	[tilespmem:s19], [sflag:$0x2] =	stream.indirect.gather [hbm4b:s7+s28], $0x1, s24, s28, $0xb8;
	[tilespmem:$0xA800] =	vst v63  }
0x88: {  	s19 =	simm.s32 $0x9D00  }
0x89: {  	[tilespmem:s19], [sflag:$0x2] =	stream.indirect.gather [hbm4b:s8+s28], $0x1, s24, s28, $0xb8;
	[tilespmem:$0xA800] =	vst v63  }
0x8a: {  	s19 =	simm.s32 $0xA100  }
0x8b: {  	[tilespmem:s19], [sflag:$0x2] =	stream.indirect.gather [hbm4b:s9+s28], $0x1, s24, s28, $0xb8;
	[tilespmem:$0xA800] =	vst v63  }
0x8c: {  	s19 =	simm.s32 $0xA500  }
0x8d: {  	[tilespmem:s19], [sflag:$0x2] =	stream.indirect.gather [hbm4b:s1+s28], $0x1, s24, s28, $0xb8;
	[tilespmem:$0xA800] =	vst v63  }
0x8e: {  	s24 =	sor.u32 $0x180, s23;
	s19 =	simm.s32 $0x9580  }
0x8f: {  	[tilespmem:s19], [sflag:$0x2] =	stream.indirect.gather [hbm4b:s5+s28], $0x1, s24, s28, $0xb8;
	[tilespmem:$0xA800] =	vst v63  }
0x90: {  	s19 =	simm.s32 $0x9980  }
0x91: {  	[tilespmem:s19], [sflag:$0x2] =	stream.indirect.gather [hbm4b:s7+s28], $0x1, s24, s28, $0xb8;
	[tilespmem:$0xA800] =	vst v63  }
0x92: {  	s19 =	simm.s32 $0x9D80  }
0x93: {  	[tilespmem:s19], [sflag:$0x2] =	stream.indirect.gather [hbm4b:s8+s28], $0x1, s24, s28, $0xb8;
	[tilespmem:$0xA800] =	vst v63  }
0x94: {  	s19 =	simm.s32 $0xA180  }
0x95: {  	[tilespmem:s19], [sflag:$0x2] =	stream.indirect.gather [hbm4b:s9+s28], $0x1, s24, s28, $0xb8;
	[tilespmem:$0xA800] =	vst v63  }
0x96: {  	s19 =	simm.s32 $0xA580  }
0x97: {  	[tilespmem:s19], [sflag:$0x2] =	stream.indirect.gather [hbm4b:s1+s28], $0x1, s24, s28, $0xb8;
	[tilespmem:$0xA800] =	vst v63  }
0x98: {  	s24 =	sor.u32 $0x200, s23;
	s19 =	simm.s32 $0x9600  }
0x99: {  	[tilespmem:s19], [sflag:$0x2] =	stream.indirect.gather [hbm4b:s5+s28], $0x1, s24, s28, $0xb8;
	[tilespmem:$0xA800] =	vst v63  }
0x9a: {  	s19 =	simm.s32 $0x9A00  }
0x9b: {  	[tilespmem:s19], [sflag:$0x2] =	stream.indirect.gather [hbm4b:s7+s28], $0x1, s24, s28, $0xb8;
	[tilespmem:$0xA800] =	vst v63  }
0x9c: {  	s19 =	simm.s32 $0x9E00  }
0x9d: {  	[tilespmem:s19], [sflag:$0x2] =	stream.indirect.gather [hbm4b:s8+s28], $0x1, s24, s28, $0xb8;
	[tilespmem:$0xA800] =	vst v63  }
0x9e: {  	s19 =	simm.s32 $0xA200  }
0x9f: {  	[tilespmem:s19], [sflag:$0x2] =	stream.indirect.gather [hbm4b:s9+s28], $0x1, s24, s28, $0xb8;
	[tilespmem:$0xA800] =	vst v63  }
0xa0: {  	s19 =	simm.s32 $0xA600  }
0xa1: {  	[tilespmem:s19], [sflag:$0x2] =	stream.indirect.gather [hbm4b:s1+s28], $0x1, s24, s28, $0xb8;
	[tilespmem:$0xA800] =	vst v63  }
0xa2: {  	s24 =	sor.u32 $0x280, s23;
	s19 =	simm.s32 $0x9680  }
0xa3: {  	[tilespmem:s19], [sflag:$0x2] =	stream.indirect.gather [hbm4b:s5+s28], $0x1, s24, s28, $0xb8;
	[tilespmem:$0xA800] =	vst v63  }
0xa4: {  	s19 =	simm.s32 $0x9A80  }
0xa5: {  	[tilespmem:s19], [sflag:$0x2] =	stream.indirect.gather [hbm4b:s7+s28], $0x1, s24, s28, $0xb8;
	[tilespmem:$0xA800] =	vst v63  }
0xa6: {  	s19 =	simm.s32 $0x9E80  }
0xa7: {  	[tilespmem:s19], [sflag:$0x2] =	stream.indirect.gather [hbm4b:s8+s28], $0x1, s24, s28, $0xb8;
	[tilespmem:$0xA800] =	vst v63  }
0xa8: {  	s19 =	simm.s32 $0xA280  }
0xa9: {  	[tilespmem:s19], [sflag:$0x2] =	stream.indirect.gather [hbm4b:s9+s28], $0x1, s24, s28, $0xb8;
	[tilespmem:$0xA800] =	vst v63  }
0xaa: {  	s19 =	simm.s32 $0xA680  }
0xab: {  	[tilespmem:s19], [sflag:$0x2] =	stream.indirect.gather [hbm4b:s1+s28], $0x1, s24, s28, $0xb8;
	[tilespmem:$0xA800] =	vst v63  }
0xac: {  	s24 =	sor.u32 $0x300, s23;
	s19 =	simm.s32 $0x9700  }
0xad: {  	[tilespmem:s19], [sflag:$0x2] =	stream.indirect.gather [hbm4b:s5+s28], $0x1, s24, s28, $0xb8;
	[tilespmem:$0xA800] =	vst v63  }
0xae: {  	s19 =	simm.s32 $0x9B00  }
0xaf: {  	[tilespmem:s19], [sflag:$0x2] =	stream.indirect.gather [hbm4b:s7+s28], $0x1, s24, s28, $0xb8;
	[tilespmem:$0xA800] =	vst v63  }
0xb0: {  	s19 =	simm.s32 $0x9F00  }
0xb1: {  	[tilespmem:s19], [sflag:$0x2] =	stream.indirect.gather [hbm4b:s8+s28], $0x1, s24, s28, $0xb8;
	[tilespmem:$0xA800] =	vst v63  }
0xb2: {  	s19 =	simm.s32 $0xA300  }
0xb3: {  	[tilespmem:s19], [sflag:$0x2] =	stream.indirect.gather [hbm4b:s9+s28], $0x1, s24, s28, $0xb8;
	[tilespmem:$0xA800] =	vst v63  }
0xb4: {  	s19 =	simm.s32 $0xA700  }
0xb5: {  	[tilespmem:s19], [sflag:$0x2] =	stream.indirect.gather [hbm4b:s1+s28], $0x1, s24, s28, $0xb8;
	[tilespmem:$0xA800] =	vst v63  }
0xb6: {  	s23 =	sor.u32 $0x380, s23;
	s24 =	simm.s32 $0x9780  }
0xb7: {  	[tilespmem:s24], [sflag:$0x2] =	stream.indirect.gather [hbm4b:s5+s28], $0x1, s23, s28, $0xb8;
	[tilespmem:$0xA800] =	vst v63  }
0xb8: {  	s19 =	simm.s32 $0x9B80  }
0xb9: {  	[tilespmem:s19], [sflag:$0x2] =	stream.indirect.gather [hbm4b:s7+s28], $0x1, s23, s28, $0xb8;
	[tilespmem:$0xA800] =	vst v63  }
0xba: {  	s24 =	simm.s32 $0x9F80  }
0xbb: {  	[tilespmem:s24], [sflag:$0x2] =	stream.indirect.gather [hbm4b:s8+s28], $0x1, s23, s28, $0xb8;
	[tilespmem:$0xA800] =	vst v63  }
0xbc: {  	s19 =	simm.s32 $0xA380  }
0xbd: {  	[tilespmem:s19], [sflag:$0x2] =	stream.indirect.gather [hbm4b:s9+s28], $0x1, s23, s28, $0xb8;
	[tilespmem:$0xA800] =	vst v63  }
0xbe: {  	s24 =	simm.s32 $0xA780  }
0xbf: {  	[tilespmem:s24], [sflag:$0x2] =	stream.indirect.gather [hbm4b:s1+s28], $0x1, s23, s28, $0xb8;
	[tilespmem:$0xA800] =	vst v63  }
0xc0: {  	_ =	swait.ge [sflag:s18], $0x1400  }
0xc1: {  	[sflag:s18] =	ssyncset.done $0x0  }
0xc2: {  	s23 =	simm.s32 $0x0;
	[sflag:s18] =	ssyncadd.s32 $0xFFFFEC00  }
0xc3: {  	s24 =	simm.s32 $0x40;
	v0 =	vld [tilespmem:s23+$0x8C00]  }
.LBB2_3:
0xc4: {  	p0 =	sne.s32 s24, $0xFC0;
	v1 =	vld [tilespmem:s23+$0x8800];
	_ =	sdelay $0x1  }
0xc5: {  	v2 =	vld [tilespmem:s23+$0x9000];
	_ =	sdelay $0x2  }
0xc6: {  	v4 =	vmul.f32 v0, v0;
	v3 =	vmul.f32 v1, v1;
	_ =	sdelay $0x1  }
0xc7: {  	v3 =	vadd.f32 v4, v3;
	v4 =	vmul.f32 v2, v2;
	_ =	sdelay $0x1  }
0xc8: {  	v3 =	vadd.f32 v4, v3;
	_ =	sdelay $0x1  }
0xc9: {  	v4 =	vshrl.u32 v3, $0x1;
	v3 =	vmul.f32 $5.000000000e-01, v3  }
0xca: {  	v4 =	vsub.s32 $0x5F3759DF, v4  }
0xcb: {  	v5 =	vmul.f32 v4, v3;
	_ =	sdelay $0x1  }
0xcc: {  	v5 =	vmul.f32 v4, v5;
	_ =	sdelay $0x1  }
0xcd: {  	v5 =	vsub.f32 $1.500000000e+00, v5;
	_ =	sdelay $0x1  }
0xce: {  	v4 =	vmul.f32 v4, v5;
	_ =	sdelay $0x1  }
0xcf: {  	v5 =	vmul.f32 v4, v3;
	_ =	sdelay $0x1  }
0xd0: {  	v5 =	vmul.f32 v5, v4;
	_ =	sdelay $0x1  }
0xd1: {  	v5 =	vsub.f32 $1.500000000e+00, v5;
	_ =	sdelay $0x1  }
0xd2: {  	v4 =	vmul.f32 v5, v4;
	_ =	sdelay $0x1  }
0xd3: {  	v3 =	vmul.f32 v4, v3;
	_ =	sdelay $0x1  }
0xd4: {  	v3 =	vmul.f32 v3, v4;
	_ =	sdelay $0x1  }
0xd5: {  	v3 =	vsub.f32 $1.500000000e+00, v3;
	_ =	sdelay $0x1  }
0xd6: {  	v3 =	vmul.f32 v3, v4;
	_ =	sdelay $0x1  }
.Ltmp0:
0xd7: {  	v1 =	vmul.f32 v3, v1;
	v0 =	vmul.f32 v3, v0;
	(pc) =	sbr.rel @p0 .LBB2_3-.Ltmp0, $4  }
0xd8: {  	v2 =	vmul.f32 v3, v2  }
0xd9: {  	[tilespmem:s23+$0x8800] =	vst v1  }
0xda: {  	s19 =	sshra.s32 s24, $0x2;
	[tilespmem:s23+$0x8C00] =	vst v0  }
0xdb: {  	s24 =	sadd.s32 $0x40, s24;
	v0 =	vld [tilespmem:s19+$0x8C00];
	[tilespmem:s23+$0x9000] =	vst v2;
	s23 =	smov.u32 s19  }
0xdc: {  	v1 =	vld [tilespmem:s23+$0x8800];
	_ =	sdelay $0x1  }
0xdd: {  	v2 =	vld [tilespmem:s23+$0x9000];
	_ =	sdelay $0x2  }
0xde: {  	v4 =	vmul.f32 v0, v0;
	v3 =	vmul.f32 v1, v1;
	_ =	sdelay $0x1  }
0xdf: {  	v63 =	vmul.f32 v2, v2;
	v3 =	vadd.f32 v4, v3;
	_ =	sdelay $0x1  }
0xe0: {  	v3 =	vadd.f32 v63, v3;
	_ =	sdelay $0x1  }
0xe1: {  	v4 =	vshrl.u32 v3, $0x1;
	v3 =	vmul.f32 $5.000000000e-01, v3  }
0xe2: {  	v4 =	vsub.s32 $0x5F3759DF, v4  }
0xe3: {  	v5 =	vmul.f32 v4, v3;
	_ =	sdelay $0x1  }
0xe4: {  	v5 =	vmul.f32 v4, v5;
	_ =	sdelay $0x1  }
0xe5: {  	v5 =	vsub.f32 $1.500000000e+00, v5;
	_ =	sdelay $0x1  }
0xe6: {  	v4 =	vmul.f32 v4, v5;
	_ =	sdelay $0x1  }
0xe7: {  	v5 =	vmul.f32 v4, v3;
	_ =	sdelay $0x1  }
0xe8: {  	v5 =	vmul.f32 v5, v4;
	_ =	sdelay $0x1  }
0xe9: {  	v5 =	vsub.f32 $1.500000000e+00, v5;
	_ =	sdelay $0x1  }
0xea: {  	v4 =	vmul.f32 v5, v4;
	_ =	sdelay $0x1  }
0xeb: {  	v3 =	vmul.f32 v4, v3;
	_ =	sdelay $0x1  }
0xec: {  	v3 =	vmul.f32 v3, v4;
	_ =	sdelay $0x1  }
0xed: {  	v3 =	vsub.f32 $1.500000000e+00, v3;
	_ =	sdelay $0x1  }
0xee: {  	v3 =	vmul.f32 v3, v4;
	_ =	sdelay $0x1  }
0xef: {  	v1 =	vmul.f32 v3, v1  }
0xf0: {  	s19 =	sshll.u32 s21, $0xB;
	v0 =	vmul.f32 v3, v0  }
0xf1: {  	s24 =	sadd.s32 s14, s19;
	v2 =	vmul.f32 v3, v2;
	[tilespmem:s23+$0x8800] =	vst v1  }
0xf2: {  	s2 =	rddreg [dreg:$0x2];
	s24 =	sshrl.u32 s24, $0x3;
	[tilespmem:s23+$0x8C00] =	vst v0  }
0xf3: {  	[tilespmem:s23+$0x9000] =	vst v2;
	s23 =	sadd.s32 s2, s24;
	s2 =	simm.s32 $0x0  }
0xf4: {  	[hbm4b:s23+s2] =	stream.linear.scatter [tilespmem:s29], [sflag:$0x3], $0x400, $0x38;
	[tilespmem:$0xA800] =	vst v63  }
0xf5: {  	_ =	swait.ge [sflag:s26], $0x400  }
0xf6: {  	[sflag:s26] =	ssyncset.done $0x0  }
0xf7: {  	s23 =	sadd.s32 s3, s24;
	[sflag:s26] =	ssyncadd.s32 $0xFFFFFC00  }
0xf8: {  	[hbm4b:s23+s2] =	stream.linear.scatter [tilespmem:s30], [sflag:$0x3], $0x400, $0x38;
	[tilespmem:$0xA800] =	vst v63  }
0xf9: {  	_ =	swait.ge [sflag:s26], $0x400  }
0xfa: {  	[sflag:s26] =	ssyncset.done $0x0  }
0xfb: {  	s23 =	sadd.s32 s10, s24;
	[sflag:s26] =	ssyncadd.s32 $0xFFFFFC00  }
0xfc: {  	[hbm4b:s23+s2] =	stream.linear.scatter [tilespmem:s31], [sflag:$0x3], $0x400, $0x38;
	[tilespmem:$0xA800] =	vst v63  }
0xfd: {  	_ =	swait.ge [sflag:s26], $0x400  }
0xfe: {  	[sflag:s26] =	ssyncset.done $0x0  }
0xff: {  	s23 =	sadd.s32 s11, s24;
	[sflag:s26] =	ssyncadd.s32 $0xFFFFFC00  }
0x100: {  	[hbm4b:s23+s2] =	stream.linear.scatter [tilespmem:s0], [sflag:$0x3], $0x400, $0x38;
	[tilespmem:$0xA800] =	vst v63  }
0x101: {  	_ =	swait.ge [sflag:s26], $0x400  }
0x102: {  	[sflag:s26] =	ssyncset.done $0x0  }
0x103: {  	s24 =	sadd.s32 s12, s24;
	[sflag:s26] =	ssyncadd.s32 $0xFFFFFC00  }
0x104: {  	[hbm4b:s24+s2] =	stream.linear.scatter [tilespmem:s6], [sflag:$0x3], $0x400, $0x38;
	[tilespmem:$0xA800] =	vst v63  }
0x105: {  	_ =	swait.ge [sflag:s26], $0x400  }
0x106: {  	s2 =	sand.u32 $0x3FFFF800, s19;
	[sflag:s26] =	ssyncset.done $0x0  }
0x107: {  	s19 =	sadd.s32 $0x800, s2;
	[sflag:s26] =	ssyncadd.s32 $0xFFFFFC00  }
0x108: {  	[tilespmem:s29], [sflag:$0x1] =	stream.indirect.gather [hbm4b:s5+s28], $0x1, s19, s28, $0xb8;
	[tilespmem:$0xA800] =	vst v63  }
0x109: {  	_ = 	snop  }
0x10a: {  	[tilespmem:s30], [sflag:$0x1] =	stream.indirect.gather [hbm4b:s7+s28], $0x1, s19, s28, $0xb8;
	[tilespmem:$0xA800] =	vst v63  }
0x10b: {  	_ = 	snop  }
0x10c: {  	[tilespmem:s31], [sflag:$0x1] =	stream.indirect.gather [hbm4b:s8+s28], $0x1, s19, s28, $0xb8;
	[tilespmem:$0xA800] =	vst v63  }
0x10d: {  	_ = 	snop  }
0x10e: {  	[tilespmem:s0], [sflag:$0x1] =	stream.indirect.gather [hbm4b:s9+s28], $0x1, s19, s28, $0xb8;
	[tilespmem:$0xA800] =	vst v63  }
0x10f: {  	_ = 	snop  }
0x110: {  	[tilespmem:s6], [sflag:$0x1] =	stream.indirect.gather [hbm4b:s1+s28], $0x1, s19, s28, $0xb8;
	[tilespmem:$0xA800] =	vst v63  }
0x111: {  	s24 =	simm.s32 $0x8080;
	s19 =	sadd.s32 $0x880, s2  }
0x112: {  	[tilespmem:s24], [sflag:$0x1] =	stream.indirect.gather [hbm4b:s5+s28], $0x1, s19, s28, $0xb8;
	[tilespmem:$0xA800] =	vst v63  }
0x113: {  	s24 =	simm.s32 $0x8480  }
0x114: {  	[tilespmem:s24], [sflag:$0x1] =	stream.indirect.gather [hbm4b:s7+s28], $0x1, s19, s28, $0xb8;
	[tilespmem:$0xA800] =	vst v63  }
0x115: {  	s24 =	simm.s32 $0x8880  }
0x116: {  	[tilespmem:s24], [sflag:$0x1] =	stream.indirect.gather [hbm4b:s8+s28], $0x1, s19, s28, $0xb8;
	[tilespmem:$0xA800] =	vst v63  }
0x117: {  	s24 =	simm.s32 $0x8C80  }
0x118: {  	[tilespmem:s24], [sflag:$0x1] =	stream.indirect.gather [hbm4b:s9+s28], $0x1, s19, s28, $0xb8;
	[tilespmem:$0xA800] =	vst v63  }
0x119: {  	s24 =	simm.s32 $0x9080  }
0x11a: {  	[tilespmem:s24], [sflag:$0x1] =	stream.indirect.gather [hbm4b:s1+s28], $0x1, s19, s28, $0xb8;
	[tilespmem:$0xA800] =	vst v63  }
0x11b: {  	s19 =	sadd.s32 $0x900, s2;
	s24 =	simm.s32 $0x8100  }
0x11c: {  	[tilespmem:s24], [sflag:$0x1] =	stream.indirect.gather [hbm4b:s5+s28], $0x1, s19, s28, $0xb8;
	[tilespmem:$0xA800] =	vst v63  }
0x11d: {  	s24 =	simm.s32 $0x8500  }
0x11e: {  	[tilespmem:s24], [sflag:$0x1] =	stream.indirect.gather [hbm4b:s7+s28], $0x1, s19, s28, $0xb8;
	[tilespmem:$0xA800] =	vst v63  }
0x11f: {  	s24 =	simm.s32 $0x8900  }
0x120: {  	[tilespmem:s24], [sflag:$0x1] =	stream.indirect.gather [hbm4b:s8+s28], $0x1, s19, s28, $0xb8;
	[tilespmem:$0xA800] =	vst v63  }
0x121: {  	s24 =	simm.s32 $0x8D00  }
0x122: {  	[tilespmem:s24], [sflag:$0x1] =	stream.indirect.gather [hbm4b:s9+s28], $0x1, s19, s28, $0xb8;
	[tilespmem:$0xA800] =	vst v63  }
0x123: {  	s24 =	simm.s32 $0x9100  }
0x124: {  	[tilespmem:s24], [sflag:$0x1] =	stream.indirect.gather [hbm4b:s1+s28], $0x1, s19, s28, $0xb8;
	[tilespmem:$0xA800] =	vst v63  }
0x125: {  	s19 =	sadd.s32 $0x980, s2;
	s24 =	simm.s32 $0x8180  }
0x126: {  	[tilespmem:s24], [sflag:$0x1] =	stream.indirect.gather [hbm4b:s5+s28], $0x1, s19, s28, $0xb8;
	[tilespmem:$0xA800] =	vst v63  }
0x127: {  	s24 =	simm.s32 $0x8580  }
0x128: {  	[tilespmem:s24], [sflag:$0x1] =	stream.indirect.gather [hbm4b:s7+s28], $0x1, s19, s28, $0xb8;
	[tilespmem:$0xA800] =	vst v63  }
0x129: {  	s24 =	simm.s32 $0x8980  }
0x12a: {  	[tilespmem:s24], [sflag:$0x1] =	stream.indirect.gather [hbm4b:s8+s28], $0x1, s19, s28, $0xb8;
	[tilespmem:$0xA800] =	vst v63  }
0x12b: {  	s24 =	simm.s32 $0x8D80  }
0x12c: {  	[tilespmem:s24], [sflag:$0x1] =	stream.indirect.gather [hbm4b:s9+s28], $0x1, s19, s28, $0xb8;
	[tilespmem:$0xA800] =	vst v63  }
0x12d: {  	s24 =	simm.s32 $0x9180  }
0x12e: {  	[tilespmem:s24], [sflag:$0x1] =	stream.indirect.gather [hbm4b:s1+s28], $0x1, s19, s28, $0xb8;
	[tilespmem:$0xA800] =	vst v63  }
0x12f: {  	s19 =	sadd.s32 $0xA00, s2;
	s24 =	simm.s32 $0x8200  }
0x130: {  	[tilespmem:s24], [sflag:$0x1] =	stream.indirect.gather [hbm4b:s5+s28], $0x1, s19, s28, $0xb8;
	[tilespmem:$0xA800] =	vst v63  }
0x131: {  	s24 =	simm.s32 $0x8600  }
0x132: {  	[tilespmem:s24], [sflag:$0x1] =	stream.indirect.gather [hbm4b:s7+s28], $0x1, s19, s28, $0xb8;
	[tilespmem:$0xA800] =	vst v63  }
0x133: {  	s24 =	simm.s32 $0x8A00  }
0x134: {  	[tilespmem:s24], [sflag:$0x1] =	stream.indirect.gather [hbm4b:s8+s28], $0x1, s19, s28, $0xb8;
	[tilespmem:$0xA800] =	vst v63  }
0x135: {  	s24 =	simm.s32 $0x8E00  }
0x136: {  	[tilespmem:s24], [sflag:$0x1] =	stream.indirect.gather [hbm4b:s9+s28], $0x1, s19, s28, $0xb8;
	[tilespmem:$0xA800] =	vst v63  }
0x137: {  	s24 =	simm.s32 $0x9200  }
0x138: {  	[tilespmem:s24], [sflag:$0x1] =	stream.indirect.gather [hbm4b:s1+s28], $0x1, s19, s28, $0xb8;
	[tilespmem:$0xA800] =	vst v63  }
0x139: {  	s19 =	sadd.s32 $0xA80, s2;
	s24 =	simm.s32 $0x8280  }
0x13a: {  	[tilespmem:s24], [sflag:$0x1] =	stream.indirect.gather [hbm4b:s5+s28], $0x1, s19, s28, $0xb8;
	[tilespmem:$0xA800] =	vst v63  }
0x13b: {  	s24 =	simm.s32 $0x8680  }
0x13c: {  	[tilespmem:s24], [sflag:$0x1] =	stream.indirect.gather [hbm4b:s7+s28], $0x1, s19, s28, $0xb8;
	[tilespmem:$0xA800] =	vst v63  }
0x13d: {  	s24 =	simm.s32 $0x8A80  }
0x13e: {  	[tilespmem:s24], [sflag:$0x1] =	stream.indirect.gather [hbm4b:s8+s28], $0x1, s19, s28, $0xb8;
	[tilespmem:$0xA800] =	vst v63  }
0x13f: {  	s24 =	simm.s32 $0x8E80  }
0x140: {  	[tilespmem:s24], [sflag:$0x1] =	stream.indirect.gather [hbm4b:s9+s28], $0x1, s19, s28, $0xb8;
	[tilespmem:$0xA800] =	vst v63  }
0x141: {  	s24 =	simm.s32 $0x9280  }
0x142: {  	[tilespmem:s24], [sflag:$0x1] =	stream.indirect.gather [hbm4b:s1+s28], $0x1, s19, s28, $0xb8;
	[tilespmem:$0xA800] =	vst v63  }
0x143: {  	s19 =	sadd.s32 $0xB00, s2;
	s24 =	simm.s32 $0x8300  }
0x144: {  	[tilespmem:s24], [sflag:$0x1] =	stream.indirect.gather [hbm4b:s5+s28], $0x1, s19, s28, $0xb8;
	[tilespmem:$0xA800] =	vst v63  }
0x145: {  	s24 =	simm.s32 $0x8700  }
0x146: {  	[tilespmem:s24], [sflag:$0x1] =	stream.indirect.gather [hbm4b:s7+s28], $0x1, s19, s28, $0xb8;
	[tilespmem:$0xA800] =	vst v63  }
0x147: {  	s24 =	simm.s32 $0x8B00  }
0x148: {  	[tilespmem:s24], [sflag:$0x1] =	stream.indirect.gather [hbm4b:s8+s28], $0x1, s19, s28, $0xb8;
	[tilespmem:$0xA800] =	vst v63  }
0x149: {  	s24 =	simm.s32 $0x8F00  }
0x14a: {  	[tilespmem:s24], [sflag:$0x1] =	stream.indirect.gather [hbm4b:s9+s28], $0x1, s19, s28, $0xb8;
	[tilespmem:$0xA800] =	vst v63  }
0x14b: {  	s24 =	simm.s32 $0x9300  }
0x14c: {  	[tilespmem:s24], [sflag:$0x1] =	stream.indirect.gather [hbm4b:s1+s28], $0x1, s19, s28, $0xb8;
	[tilespmem:$0xA800] =	vst v63  }
0x14d: {  	s2 =	sadd.s32 $0xB80, s2;
	s24 =	simm.s32 $0x8380  }
0x14e: {  	[tilespmem:s24], [sflag:$0x1] =	stream.indirect.gather [hbm4b:s5+s28], $0x1, s2, s28, $0xb8;
	[tilespmem:$0xA800] =	vst v63  }
0x14f: {  	s23 =	simm.s32 $0x8780  }
0x150: {  	[tilespmem:s23], [sflag:$0x1] =	stream.indirect.gather [hbm4b:s7+s28], $0x1, s2, s28, $0xb8;
	[tilespmem:$0xA800] =	vst v63  }
0x151: {  	s24 =	simm.s32 $0x8B80  }
0x152: {  	[tilespmem:s24], [sflag:$0x1] =	stream.indirect.gather [hbm4b:s8+s28], $0x1, s2, s28, $0xb8;
	[tilespmem:$0xA800] =	vst v63  }
0x153: {  	s23 =	simm.s32 $0x8F80  }
0x154: {  	[tilespmem:s23], [sflag:$0x1] =	stream.indirect.gather [hbm4b:s9+s28], $0x1, s2, s28, $0xb8;
	[tilespmem:$0xA800] =	vst v63  }
0x155: {  	s24 =	simm.s32 $0x9380  }
0x156: {  	[tilespmem:s24], [sflag:$0x1] =	stream.indirect.gather [hbm4b:s1+s28], $0x1, s2, s28, $0xb8;
	[tilespmem:$0xA800] =	vst v63  }
0x157: {  	_ =	swait.ge [sflag:s20], $0x1400  }
0x158: {  	[sflag:s20] =	ssyncset.done $0x0  }
0x159: {  	s23 =	simm.s32 $0x0;
	[sflag:s20] =	ssyncadd.s32 $0xFFFFEC00  }
0x15a: {  	s24 =	simm.s32 $0x40;
	v0 =	vld [tilespmem:s23+$0xA000]  }
.LBB2_5:
0x15b: {  	p0 =	sne.s32 s24, $0xFC0;
	v1 =	vld [tilespmem:s23+$0x9C00];
	_ =	sdelay $0x1  }
0x15c: {  	v2 =	vld [tilespmem:s23+$0xA400];
	_ =	sdelay $0x2  }
0x15d: {  	v4 =	vmul.f32 v0, v0;
	v3 =	vmul.f32 v1, v1;
	_ =	sdelay $0x1  }
0x15e: {  	v3 =	vadd.f32 v4, v3;
	v4 =	vmul.f32 v2, v2;
	_ =	sdelay $0x1  }
0x15f: {  	v3 =	vadd.f32 v4, v3;
	_ =	sdelay $0x1  }
0x160: {  	v4 =	vshrl.u32 v3, $0x1;
	v3 =	vmul.f32 $5.000000000e-01, v3  }
0x161: {  	v4 =	vsub.s32 $0x5F3759DF, v4  }
0x162: {  	v5 =	vmul.f32 v4, v3;
	_ =	sdelay $0x1  }
0x163: {  	v5 =	vmul.f32 v4, v5;
	_ =	sdelay $0x1  }
0x164: {  	v5 =	vsub.f32 $1.500000000e+00, v5;
	_ =	sdelay $0x1  }
0x165: {  	v4 =	vmul.f32 v4, v5;
	_ =	sdelay $0x1  }
0x166: {  	v5 =	vmul.f32 v4, v3;
	_ =	sdelay $0x1  }
0x167: {  	v5 =	vmul.f32 v5, v4;
	_ =	sdelay $0x1  }
0x168: {  	v5 =	vsub.f32 $1.500000000e+00, v5;
	_ =	sdelay $0x1  }
0x169: {  	v4 =	vmul.f32 v5, v4;
	_ =	sdelay $0x1  }
0x16a: {  	v3 =	vmul.f32 v4, v3;
	_ =	sdelay $0x1  }
0x16b: {  	v3 =	vmul.f32 v3, v4;
	_ =	sdelay $0x1  }
0x16c: {  	v3 =	vsub.f32 $1.500000000e+00, v3;
	_ =	sdelay $0x1  }
0x16d: {  	v3 =	vmul.f32 v3, v4;
	_ =	sdelay $0x1  }
.Ltmp1:
0x16e: {  	v1 =	vmul.f32 v3, v1;
	v0 =	vmul.f32 v3, v0;
	(pc) =	sbr.rel @p0 .LBB2_5-.Ltmp1, $4  }
0x16f: {  	v2 =	vmul.f32 v3, v2  }
0x170: {  	[tilespmem:s23+$0x9C00] =	vst v1  }
0x171: {  	s2 =	sshra.s32 s24, $0x2;
	[tilespmem:s23+$0xA000] =	vst v0  }
0x172: {  	s24 =	sadd.s32 $0x40, s24;
	v0 =	vld [tilespmem:s2+$0xA000];
	[tilespmem:s23+$0xA400] =	vst v2;
	s23 =	smov.u32 s2  }
0x173: {  	v1 =	vld [tilespmem:s23+$0x9C00];
	_ =	sdelay $0x1  }
0x174: {  	v2 =	vld [tilespmem:s23+$0xA400];
	_ =	sdelay $0x2  }
0x175: {  	v4 =	vmul.f32 v0, v0;
	v3 =	vmul.f32 v1, v1;
	_ =	sdelay $0x1  }
0x176: {  	v62 =	vmul.f32 v2, v2;
	v3 =	vadd.f32 v4, v3;
	_ =	sdelay $0x1  }
0x177: {  	v3 =	vadd.f32 v62, v3;
	_ =	sdelay $0x1  }
0x178: {  	v4 =	vshrl.u32 v3, $0x1;
	v3 =	vmul.f32 $5.000000000e-01, v3  }
0x179: {  	v4 =	vsub.s32 $0x5F3759DF, v4  }
0x17a: {  	v5 =	vmul.f32 v4, v3;
	_ =	sdelay $0x1  }
0x17b: {  	v5 =	vmul.f32 v4, v5;
	_ =	sdelay $0x1  }
0x17c: {  	v5 =	vsub.f32 $1.500000000e+00, v5;
	_ =	sdelay $0x1  }
0x17d: {  	v4 =	vmul.f32 v4, v5;
	_ =	sdelay $0x1  }
0x17e: {  	v5 =	vmul.f32 v4, v3;
	_ =	sdelay $0x1  }
0x17f: {  	v5 =	vmul.f32 v5, v4;
	_ =	sdelay $0x1  }
0x180: {  	v5 =	vsub.f32 $1.500000000e+00, v5;
	_ =	sdelay $0x1  }
0x181: {  	v4 =	vmul.f32 v5, v4;
	_ =	sdelay $0x1  }
0x182: {  	v3 =	vmul.f32 v4, v3;
	_ =	sdelay $0x1  }
0x183: {  	v3 =	vmul.f32 v3, v4;
	_ =	sdelay $0x1  }
0x184: {  	v3 =	vsub.f32 $1.500000000e+00, v3;
	_ =	sdelay $0x1  }
0x185: {  	v3 =	vmul.f32 v3, v4;
	_ =	sdelay $0x1  }
0x186: {  	v1 =	vmul.f32 v3, v1  }
0x187: {  	v63 =	vmul.f32 v3, v0  }
0x188: {  	s2 =	sadd.s32 s14, s22;
	v2 =	vmul.f32 v3, v2;
	[tilespmem:s23+$0x9C00] =	vst v1  }
0x189: {  	s19 =	rddreg [dreg:$0x2];
	s2 =	sshrl.u32 s2, $0x3;
	[tilespmem:s23+$0xA000] =	vst v63  }
0x18a: {  	s19 =	sadd.s32 s19, s2;
	[tilespmem:s23+$0xA400] =	vst v2  }
0x18b: {  	[hbm4b:s19+s4] =	stream.linear.scatter [tilespmem:s25], [sflag:$0x3], $0x400, $0x38;
	[tilespmem:$0xA800] =	vst v63  }
0x18c: {  	_ =	swait.ge [sflag:s26], $0x400  }
0x18d: {  	[sflag:s26] =	ssyncset.done $0x0  }
0x18e: {  	s22 =	sadd.s32 s3, s2;
	[sflag:s26] =	ssyncadd.s32 $0xFFFFFC00  }
0x18f: {  	[hbm4b:s22+s4] =	stream.linear.scatter [tilespmem:s13], [sflag:$0x3], $0x400, $0x38;
	[tilespmem:$0xA800] =	vst v63  }
0x190: {  	_ =	swait.ge [sflag:s26], $0x400  }
0x191: {  	[sflag:s26] =	ssyncset.done $0x0  }
0x192: {  	s23 =	sadd.s32 s10, s2;
	[sflag:s26] =	ssyncadd.s32 $0xFFFFFC00  }
0x193: {  	[hbm4b:s23+s4] =	stream.linear.scatter [tilespmem:s15], [sflag:$0x3], $0x400, $0x38;
	[tilespmem:$0xA800] =	vst v63  }
0x194: {  	_ =	swait.ge [sflag:s26], $0x400  }
0x195: {  	[sflag:s26] =	ssyncset.done $0x0  }
0x196: {  	s24 =	sadd.s32 s11, s2;
	[sflag:s26] =	ssyncadd.s32 $0xFFFFFC00  }
0x197: {  	[hbm4b:s24+s4] =	stream.linear.scatter [tilespmem:s16], [sflag:$0x3], $0x400, $0x38;
	[tilespmem:$0xA800] =	vst v63  }
0x198: {  	s21 =	sadd.s32 $0x1, s21;
	_ =	swait.ge [sflag:s26], $0x400  }
0x199: {  	p0 =	sne.s32 s21, $0xF;
	[sflag:s26] =	ssyncset.done $0x0  }
.Ltmp2:
0x19a: {  	s2 =	sadd.s32 s12, s2;
	[sflag:s26] =	ssyncadd.s32 $0xFFFFFC00;
	(pc) =	sbr.rel @p0 .LBB2_2-.Ltmp2, $4  }
0x19b: {  	[hbm4b:s2+s4] =	stream.linear.scatter [tilespmem:s17], [sflag:$0x3], $0x400, $0x38;
	[tilespmem:$0xA800] =	vst v63  }
0x19c: {  	_ =	swait.ge [sflag:s26], $0x400  }
0x19d: {  	[sflag:s26] =	ssyncset.done $0x0  }
0x19e: {  	[sflag:s26] =	ssyncadd.s32 $0xFFFFFC00  }
0x19f: {  	s2 =	simm.s32 $0x7C00  }
0x1a0: {  	[tilespmem:s25], [sflag:$0x2] =	stream.indirect.gather [hbm4b:s5+s28], $0x1, s2, s28, $0xb8;
	[tilespmem:$0xA800] =	vst v63  }
0x1a1: {  	_ = 	snop  }
0x1a2: {  	[tilespmem:s13], [sflag:$0x2] =	stream.indirect.gather [hbm4b:s7+s28], $0x1, s2, s28, $0xb8;
	[tilespmem:$0xA800] =	vst v63  }
0x1a3: {  	_ = 	snop  }
0x1a4: {  	[tilespmem:s15], [sflag:$0x2] =	stream.indirect.gather [hbm4b:s8+s28], $0x1, s2, s28, $0xb8;
	[tilespmem:$0xA800] =	vst v63  }
0x1a5: {  	_ = 	snop  }
0x1a6: {  	[tilespmem:s16], [sflag:$0x2] =	stream.indirect.gather [hbm4b:s9+s28], $0x1, s2, s28, $0xb8;
	[tilespmem:$0xA800] =	vst v63  }
0x1a7: {  	_ = 	snop  }
0x1a8: {  	[tilespmem:s17], [sflag:$0x2] =	stream.indirect.gather [hbm4b:s1+s28], $0x1, s2, s28, $0xb8;
	[tilespmem:$0xA800] =	vst v63  }
0x1a9: {  	s22 =	simm.s32 $0x9480;
	s19 =	simm.s32 $0x7C80  }
0x1aa: {  	[tilespmem:s22], [sflag:$0x2] =	stream.indirect.gather [hbm4b:s5+s28], $0x1, s19, s28, $0xb8;
	[tilespmem:$0xA800] =	vst v63  }
0x1ab: {  	s23 =	simm.s32 $0x9880  }
0x1ac: {  	[tilespmem:s23], [sflag:$0x2] =	stream.indirect.gather [hbm4b:s7+s28], $0x1, s19, s28, $0xb8;
	[tilespmem:$0xA800] =	vst v63  }
0x1ad: {  	s24 =	simm.s32 $0x9C80  }
0x1ae: {  	[tilespmem:s24], [sflag:$0x2] =	stream.indirect.gather [hbm4b:s8+s28], $0x1, s19, s28, $0xb8;
	[tilespmem:$0xA800] =	vst v63  }
0x1af: {  	s21 =	simm.s32 $0xA080  }
0x1b0: {  	[tilespmem:s21], [sflag:$0x2] =	stream.indirect.gather [hbm4b:s9+s28], $0x1, s19, s28, $0xb8;
	[tilespmem:$0xA800] =	vst v63  }
0x1b1: {  	s22 =	simm.s32 $0xA480  }
0x1b2: {  	[tilespmem:s22], [sflag:$0x2] =	stream.indirect.gather [hbm4b:s1+s28], $0x1, s19, s28, $0xb8;
	[tilespmem:$0xA800] =	vst v63  }
0x1b3: {  	s23 =	simm.s32 $0x9500;
	s19 =	simm.s32 $0x7D00  }
0x1b4: {  	[tilespmem:s23], [sflag:$0x2] =	stream.indirect.gather [hbm4b:s5+s28], $0x1, s19, s28, $0xb8;
	[tilespmem:$0xA800] =	vst v63  }
0x1b5: {  	s24 =	simm.s32 $0x9900  }
0x1b6: {  	[tilespmem:s24], [sflag:$0x2] =	stream.indirect.gather [hbm4b:s7+s28], $0x1, s19, s28, $0xb8;
	[tilespmem:$0xA800] =	vst v63  }
0x1b7: {  	s21 =	simm.s32 $0x9D00  }
0x1b8: {  	[tilespmem:s21], [sflag:$0x2] =	stream.indirect.gather [hbm4b:s8+s28], $0x1, s19, s28, $0xb8;
	[tilespmem:$0xA800] =	vst v63  }
0x1b9: {  	s22 =	simm.s32 $0xA100  }
0x1ba: {  	[tilespmem:s22], [sflag:$0x2] =	stream.indirect.gather [hbm4b:s9+s28], $0x1, s19, s28, $0xb8;
	[tilespmem:$0xA800] =	vst v63  }
0x1bb: {  	s23 =	simm.s32 $0xA500  }
0x1bc: {  	[tilespmem:s23], [sflag:$0x2] =	stream.indirect.gather [hbm4b:s1+s28], $0x1, s19, s28, $0xb8;
	[tilespmem:$0xA800] =	vst v63  }
0x1bd: {  	s24 =	simm.s32 $0x9580;
	s19 =	simm.s32 $0x7D80  }
0x1be: {  	[tilespmem:s24], [sflag:$0x2] =	stream.indirect.gather [hbm4b:s5+s28], $0x1, s19, s28, $0xb8;
	[tilespmem:$0xA800] =	vst v63  }
0x1bf: {  	s21 =	simm.s32 $0x9980  }
0x1c0: {  	[tilespmem:s21], [sflag:$0x2] =	stream.indirect.gather [hbm4b:s7+s28], $0x1, s19, s28, $0xb8;
	[tilespmem:$0xA800] =	vst v63  }
0x1c1: {  	s22 =	simm.s32 $0x9D80  }
0x1c2: {  	[tilespmem:s22], [sflag:$0x2] =	stream.indirect.gather [hbm4b:s8+s28], $0x1, s19, s28, $0xb8;
	[tilespmem:$0xA800] =	vst v63  }
0x1c3: {  	s23 =	simm.s32 $0xA180  }
0x1c4: {  	[tilespmem:s23], [sflag:$0x2] =	stream.indirect.gather [hbm4b:s9+s28], $0x1, s19, s28, $0xb8;
	[tilespmem:$0xA800] =	vst v63  }
0x1c5: {  	s24 =	simm.s32 $0xA580  }
0x1c6: {  	[tilespmem:s24], [sflag:$0x2] =	stream.indirect.gather [hbm4b:s1+s28], $0x1, s19, s28, $0xb8;
	[tilespmem:$0xA800] =	vst v63  }
0x1c7: {  	s21 =	simm.s32 $0x9600;
	s19 =	simm.s32 $0x7E00  }
0x1c8: {  	[tilespmem:s21], [sflag:$0x2] =	stream.indirect.gather [hbm4b:s5+s28], $0x1, s19, s28, $0xb8;
	[tilespmem:$0xA800] =	vst v63  }
0x1c9: {  	s22 =	simm.s32 $0x9A00  }
0x1ca: {  	[tilespmem:s22], [sflag:$0x2] =	stream.indirect.gather [hbm4b:s7+s28], $0x1, s19, s28, $0xb8;
	[tilespmem:$0xA800] =	vst v63  }
0x1cb: {  	s23 =	simm.s32 $0x9E00  }
0x1cc: {  	[tilespmem:s23], [sflag:$0x2] =	stream.indirect.gather [hbm4b:s8+s28], $0x1, s19, s28, $0xb8;
	[tilespmem:$0xA800] =	vst v63  }
0x1cd: {  	s24 =	simm.s32 $0xA200  }
0x1ce: {  	[tilespmem:s24], [sflag:$0x2] =	stream.indirect.gather [hbm4b:s9+s28], $0x1, s19, s28, $0xb8;
	[tilespmem:$0xA800] =	vst v63  }
0x1cf: {  	s21 =	simm.s32 $0xA600  }
0x1d0: {  	[tilespmem:s21], [sflag:$0x2] =	stream.indirect.gather [hbm4b:s1+s28], $0x1, s19, s28, $0xb8;
	[tilespmem:$0xA800] =	vst v63  }
0x1d1: {  	s22 =	simm.s32 $0x9680;
	s19 =	simm.s32 $0x7E80  }
0x1d2: {  	[tilespmem:s22], [sflag:$0x2] =	stream.indirect.gather [hbm4b:s5+s28], $0x1, s19, s28, $0xb8;
	[tilespmem:$0xA800] =	vst v63  }
0x1d3: {  	s23 =	simm.s32 $0x9A80  }
0x1d4: {  	[tilespmem:s23], [sflag:$0x2] =	stream.indirect.gather [hbm4b:s7+s28], $0x1, s19, s28, $0xb8;
	[tilespmem:$0xA800] =	vst v63  }
0x1d5: {  	s24 =	simm.s32 $0x9E80  }
0x1d6: {  	[tilespmem:s24], [sflag:$0x2] =	stream.indirect.gather [hbm4b:s8+s28], $0x1, s19, s28, $0xb8;
	[tilespmem:$0xA800] =	vst v63  }
0x1d7: {  	s21 =	simm.s32 $0xA280  }
0x1d8: {  	[tilespmem:s21], [sflag:$0x2] =	stream.indirect.gather [hbm4b:s9+s28], $0x1, s19, s28, $0xb8;
	[tilespmem:$0xA800] =	vst v63  }
0x1d9: {  	s22 =	simm.s32 $0xA680  }
0x1da: {  	[tilespmem:s22], [sflag:$0x2] =	stream.indirect.gather [hbm4b:s1+s28], $0x1, s19, s28, $0xb8;
	[tilespmem:$0xA800] =	vst v63  }
0x1db: {  	s23 =	simm.s32 $0x9700;
	s19 =	simm.s32 $0x7F00  }
0x1dc: {  	[tilespmem:s23], [sflag:$0x2] =	stream.indirect.gather [hbm4b:s5+s28], $0x1, s19, s28, $0xb8;
	[tilespmem:$0xA800] =	vst v63  }
0x1dd: {  	s24 =	simm.s32 $0x9B00  }
0x1de: {  	[tilespmem:s24], [sflag:$0x2] =	stream.indirect.gather [hbm4b:s7+s28], $0x1, s19, s28, $0xb8;
	[tilespmem:$0xA800] =	vst v63  }
0x1df: {  	s21 =	simm.s32 $0x9F00  }
0x1e0: {  	[tilespmem:s21], [sflag:$0x2] =	stream.indirect.gather [hbm4b:s8+s28], $0x1, s19, s28, $0xb8;
	[tilespmem:$0xA800] =	vst v63  }
0x1e1: {  	s22 =	simm.s32 $0xA300  }
0x1e2: {  	[tilespmem:s22], [sflag:$0x2] =	stream.indirect.gather [hbm4b:s9+s28], $0x1, s19, s28, $0xb8;
	[tilespmem:$0xA800] =	vst v63  }
0x1e3: {  	s23 =	simm.s32 $0xA700  }
0x1e4: {  	[tilespmem:s23], [sflag:$0x2] =	stream.indirect.gather [hbm4b:s1+s28], $0x1, s19, s28, $0xb8;
	[tilespmem:$0xA800] =	vst v63  }
0x1e5: {  	s24 =	simm.s32 $0x9780;
	s19 =	simm.s32 $0x7F80  }
0x1e6: {  	[tilespmem:s24], [sflag:$0x2] =	stream.indirect.gather [hbm4b:s5+s28], $0x1, s19, s28, $0xb8;
	[tilespmem:$0xA800] =	vst v63  }
0x1e7: {  	s21 =	simm.s32 $0x9B80  }
0x1e8: {  	[tilespmem:s21], [sflag:$0x2] =	stream.indirect.gather [hbm4b:s7+s28], $0x1, s19, s28, $0xb8;
	[tilespmem:$0xA800] =	vst v63  }
0x1e9: {  	s22 =	simm.s32 $0x9F80  }
0x1ea: {  	[tilespmem:s22], [sflag:$0x2] =	stream.indirect.gather [hbm4b:s8+s28], $0x1, s19, s28, $0xb8;
	[tilespmem:$0xA800] =	vst v63  }
0x1eb: {  	s23 =	simm.s32 $0xA380  }
0x1ec: {  	[tilespmem:s23], [sflag:$0x2] =	stream.indirect.gather [hbm4b:s9+s28], $0x1, s19, s28, $0xb8;
	[tilespmem:$0xA800] =	vst v63  }
0x1ed: {  	s24 =	simm.s32 $0xA780  }
0x1ee: {  	[tilespmem:s24], [sflag:$0x2] =	stream.indirect.gather [hbm4b:s1+s28], $0x1, s19, s28, $0xb8;
	[tilespmem:$0xA800] =	vst v63  }
0x1ef: {  	_ =	swait.ge [sflag:s18], $0x1400  }
0x1f0: {  	[sflag:s18] =	ssyncset.done $0x0  }
0x1f1: {  	s21 =	simm.s32 $0x0;
	[sflag:s18] =	ssyncadd.s32 $0xFFFFEC00  }
0x1f2: {  	s22 =	simm.s32 $0x40;
	v0 =	vld [tilespmem:s21+$0x8C00]  }
.LBB2_8:
0x1f3: {  	p0 =	sne.s32 s22, $0xFC0;
	v1 =	vld [tilespmem:s21+$0x8800];
	_ =	sdelay $0x1  }
0x1f4: {  	v2 =	vld [tilespmem:s21+$0x9000];
	_ =	sdelay $0x2  }
0x1f5: {  	v4 =	vmul.f32 v0, v0;
	v3 =	vmul.f32 v1, v1;
	_ =	sdelay $0x1  }
0x1f6: {  	v3 =	vadd.f32 v4, v3;
	v4 =	vmul.f32 v2, v2;
	_ =	sdelay $0x1  }
0x1f7: {  	v3 =	vadd.f32 v4, v3;
	_ =	sdelay $0x1  }
0x1f8: {  	v4 =	vshrl.u32 v3, $0x1;
	v3 =	vmul.f32 $5.000000000e-01, v3  }
0x1f9: {  	v4 =	vsub.s32 $0x5F3759DF, v4  }
0x1fa: {  	v5 =	vmul.f32 v4, v3;
	_ =	sdelay $0x1  }
0x1fb: {  	v5 =	vmul.f32 v4, v5;
	_ =	sdelay $0x1  }
0x1fc: {  	v5 =	vsub.f32 $1.500000000e+00, v5;
	_ =	sdelay $0x1  }
0x1fd: {  	v4 =	vmul.f32 v4, v5;
	_ =	sdelay $0x1  }
0x1fe: {  	v5 =	vmul.f32 v4, v3;
	_ =	sdelay $0x1  }
0x1ff: {  	v5 =	vmul.f32 v5, v4;
	_ =	sdelay $0x1  }
0x200: {  	v5 =	vsub.f32 $1.500000000e+00, v5;
	_ =	sdelay $0x1  }
0x201: {  	v4 =	vmul.f32 v5, v4;
	_ =	sdelay $0x1  }
0x202: {  	v3 =	vmul.f32 v4, v3;
	_ =	sdelay $0x1  }
0x203: {  	v3 =	vmul.f32 v3, v4;
	_ =	sdelay $0x1  }
0x204: {  	v3 =	vsub.f32 $1.500000000e+00, v3;
	_ =	sdelay $0x1  }
0x205: {  	v3 =	vmul.f32 v3, v4;
	_ =	sdelay $0x1  }
.Ltmp3:
0x206: {  	v1 =	vmul.f32 v3, v1;
	v0 =	vmul.f32 v3, v0;
	(pc) =	sbr.rel @p0 .LBB2_8-.Ltmp3, $4  }
0x207: {  	v2 =	vmul.f32 v3, v2  }
0x208: {  	[tilespmem:s21+$0x8800] =	vst v1  }
0x209: {  	s2 =	sshra.s32 s22, $0x2;
	[tilespmem:s21+$0x8C00] =	vst v0  }
0x20a: {  	s22 =	sadd.s32 $0x40, s22;
	v0 =	vld [tilespmem:s2+$0x8C00];
	[tilespmem:s21+$0x9000] =	vst v2;
	s21 =	smov.u32 s2  }
0x20b: {  	v1 =	vld [tilespmem:s21+$0x8800];
	_ =	sdelay $0x1  }
0x20c: {  	v2 =	vld [tilespmem:s21+$0x9000];
	_ =	sdelay $0x2  }
0x20d: {  	v4 =	vmul.f32 v0, v0;
	v3 =	vmul.f32 v1, v1;
	_ =	sdelay $0x1  }
0x20e: {  	v63 =	vmul.f32 v2, v2;
	v3 =	vadd.f32 v4, v3;
	_ =	sdelay $0x1  }
0x20f: {  	v3 =	vadd.f32 v63, v3;
	_ =	sdelay $0x1  }
0x210: {  	v4 =	vshrl.u32 v3, $0x1;
	v3 =	vmul.f32 $5.000000000e-01, v3  }
0x211: {  	v4 =	vsub.s32 $0x5F3759DF, v4  }
0x212: {  	v5 =	vmul.f32 v4, v3;
	_ =	sdelay $0x1  }
0x213: {  	v5 =	vmul.f32 v4, v5;
	_ =	sdelay $0x1  }
0x214: {  	v5 =	vsub.f32 $1.500000000e+00, v5;
	_ =	sdelay $0x1  }
0x215: {  	v4 =	vmul.f32 v4, v5;
	_ =	sdelay $0x1  }
0x216: {  	v5 =	vmul.f32 v4, v3;
	_ =	sdelay $0x1  }
0x217: {  	v5 =	vmul.f32 v5, v4;
	_ =	sdelay $0x1  }
0x218: {  	v5 =	vsub.f32 $1.500000000e+00, v5;
	_ =	sdelay $0x1  }
0x219: {  	v4 =	vmul.f32 v5, v4;
	_ =	sdelay $0x1  }
0x21a: {  	v3 =	vmul.f32 v4, v3;
	_ =	sdelay $0x1  }
0x21b: {  	v3 =	vmul.f32 v3, v4;
	_ =	sdelay $0x1  }
0x21c: {  	v3 =	vsub.f32 $1.500000000e+00, v3;
	_ =	sdelay $0x1  }
0x21d: {  	v3 =	vmul.f32 v3, v4;
	_ =	sdelay $0x1  }
0x21e: {  	v1 =	vmul.f32 v3, v1  }
0x21f: {  	v0 =	vmul.f32 v3, v0  }
0x220: {  	v2 =	vmul.f32 v3, v2;
	[tilespmem:s21+$0x8800] =	vst v1  }
0x221: {  	[tilespmem:s21+$0x8C00] =	vst v0  }
0x222: {  	s2 =	simm.s32 $0x0;
	s19 =	rddreg [dreg:$0x6];
	[tilespmem:s21+$0x9000] =	vst v2  }
0x223: {  	[hbm4b:s19+s2] =	stream.linear.scatter [tilespmem:s29], [sflag:$0x3], $0x400, $0x38;
	[tilespmem:$0xA800] =	vst v63  }
0x224: {  	_ =	swait.ge [sflag:s26], $0x400  }
0x225: {  	[sflag:s26] =	ssyncset.done $0x0  }
0x226: {  	s21 =	rddreg [dreg:$0x7];
	[sflag:s26] =	ssyncadd.s32 $0xFFFFFC00  }
0x227: {  	[hbm4b:s21+s2] =	stream.linear.scatter [tilespmem:s30], [sflag:$0x3], $0x400, $0x38;
	[tilespmem:$0xA800] =	vst v63  }
0x228: {  	_ =	swait.ge [sflag:s26], $0x400  }
0x229: {  	[sflag:s26] =	ssyncset.done $0x0  }
0x22a: {  	s22 =	rddreg [dreg:$0x8];
	[sflag:s26] =	ssyncadd.s32 $0xFFFFFC00  }
0x22b: {  	[hbm4b:s22+s2] =	stream.linear.scatter [tilespmem:s31], [sflag:$0x3], $0x400, $0x38;
	[tilespmem:$0xA800] =	vst v63  }
0x22c: {  	_ =	swait.ge [sflag:s26], $0x400  }
0x22d: {  	[sflag:s26] =	ssyncset.done $0x0  }
0x22e: {  	s23 =	rddreg [dreg:$0x9];
	[sflag:s26] =	ssyncadd.s32 $0xFFFFFC00  }
0x22f: {  	[hbm4b:s23+s2] =	stream.linear.scatter [tilespmem:s0], [sflag:$0x3], $0x400, $0x38;
	[tilespmem:$0xA800] =	vst v63  }
0x230: {  	_ =	swait.ge [sflag:s26], $0x400  }
0x231: {  	[sflag:s26] =	ssyncset.done $0x0  }
0x232: {  	s24 =	rddreg [dreg:$0xa];
	[sflag:s26] =	ssyncadd.s32 $0xFFFFFC00  }
0x233: {  	[hbm4b:s24+s2] =	stream.linear.scatter [tilespmem:s6], [sflag:$0x3], $0x400, $0x38;
	[tilespmem:$0xA800] =	vst v63  }
0x234: {  	_ =	swait.ge [sflag:s26], $0x400  }
0x235: {  	[sflag:s26] =	ssyncset.done $0x0  }
0x236: {  	[sflag:s26] =	ssyncadd.s32 $0xFFFFFC00  }
0x237: {  	_ =	swait.ge [sflag:s20], $0x1400  }
0x238: {  	[sflag:s20] =	ssyncset.done $0x0  }
0x239: {  	s21 =	simm.s32 $0x0;
	[sflag:s20] =	ssyncadd.s32 $0xFFFFEC00  }
0x23a: {  	s22 =	simm.s32 $0x40;
	v0 =	vld [tilespmem:s21+$0xA000]  }
.LBB2_10:
0x23b: {  	p0 =	sne.s32 s22, $0xFC0;
	v1 =	vld [tilespmem:s21+$0x9C00];
	_ =	sdelay $0x1  }
0x23c: {  	v2 =	vld [tilespmem:s21+$0xA400];
	_ =	sdelay $0x2  }
0x23d: {  	v4 =	vmul.f32 v0, v0;
	v3 =	vmul.f32 v1, v1;
	_ =	sdelay $0x1  }
0x23e: {  	v3 =	vadd.f32 v4, v3;
	v4 =	vmul.f32 v2, v2;
	_ =	sdelay $0x1  }
0x23f: {  	v3 =	vadd.f32 v4, v3;
	_ =	sdelay $0x1  }
0x240: {  	v4 =	vshrl.u32 v3, $0x1;
	v3 =	vmul.f32 $5.000000000e-01, v3  }
0x241: {  	v4 =	vsub.s32 $0x5F3759DF, v4  }
0x242: {  	v5 =	vmul.f32 v4, v3;
	_ =	sdelay $0x1  }
0x243: {  	v5 =	vmul.f32 v4, v5;
	_ =	sdelay $0x1  }
0x244: {  	v5 =	vsub.f32 $1.500000000e+00, v5;
	_ =	sdelay $0x1  }
0x245: {  	v4 =	vmul.f32 v4, v5;
	_ =	sdelay $0x1  }
0x246: {  	v5 =	vmul.f32 v4, v3;
	_ =	sdelay $0x1  }
0x247: {  	v5 =	vmul.f32 v5, v4;
	_ =	sdelay $0x1  }
0x248: {  	v5 =	vsub.f32 $1.500000000e+00, v5;
	_ =	sdelay $0x1  }
0x249: {  	v4 =	vmul.f32 v5, v4;
	_ =	sdelay $0x1  }
0x24a: {  	v3 =	vmul.f32 v4, v3;
	_ =	sdelay $0x1  }
0x24b: {  	v3 =	vmul.f32 v3, v4;
	_ =	sdelay $0x1  }
0x24c: {  	v3 =	vsub.f32 $1.500000000e+00, v3;
	_ =	sdelay $0x1  }
0x24d: {  	v3 =	vmul.f32 v3, v4;
	_ =	sdelay $0x1  }
.Ltmp4:
0x24e: {  	v1 =	vmul.f32 v3, v1;
	v0 =	vmul.f32 v3, v0;
	(pc) =	sbr.rel @p0 .LBB2_10-.Ltmp4, $4  }
0x24f: {  	v2 =	vmul.f32 v3, v2  }
0x250: {  	[tilespmem:s21+$0x9C00] =	vst v1  }
0x251: {  	s2 =	sshra.s32 s22, $0x2;
	[tilespmem:s21+$0xA000] =	vst v0  }
0x252: {  	s22 =	sadd.s32 $0x40, s22;
	v0 =	vld [tilespmem:s2+$0xA000];
	[tilespmem:s21+$0xA400] =	vst v2;
	s21 =	smov.u32 s2  }
0x253: {  	v1 =	vld [tilespmem:s21+$0x9C00];
	_ =	sdelay $0x1  }
0x254: {  	v2 =	vld [tilespmem:s21+$0xA400];
	_ =	sdelay $0x2  }
0x255: {  	v4 =	vmul.f32 v0, v0;
	v3 =	vmul.f32 v1, v1;
	_ =	sdelay $0x1  }
0x256: {  	v62 =	vmul.f32 v2, v2;
	v3 =	vadd.f32 v4, v3;
	_ =	sdelay $0x1  }
0x257: {  	v3 =	vadd.f32 v62, v3;
	_ =	sdelay $0x1  }
0x258: {  	v4 =	vshrl.u32 v3, $0x1;
	v3 =	vmul.f32 $5.000000000e-01, v3  }
0x259: {  	v4 =	vsub.s32 $0x5F3759DF, v4  }
0x25a: {  	v5 =	vmul.f32 v4, v3;
	_ =	sdelay $0x1  }
0x25b: {  	v5 =	vmul.f32 v4, v5;
	_ =	sdelay $0x1  }
0x25c: {  	v5 =	vsub.f32 $1.500000000e+00, v5;
	_ =	sdelay $0x1  }
0x25d: {  	v4 =	vmul.f32 v4, v5;
	_ =	sdelay $0x1  }
0x25e: {  	v5 =	vmul.f32 v4, v3;
	_ =	sdelay $0x1  }
0x25f: {  	v5 =	vmul.f32 v5, v4;
	_ =	sdelay $0x1  }
0x260: {  	v5 =	vsub.f32 $1.500000000e+00, v5;
	_ =	sdelay $0x1  }
0x261: {  	v4 =	vmul.f32 v5, v4;
	_ =	sdelay $0x1  }
0x262: {  	v3 =	vmul.f32 v4, v3;
	_ =	sdelay $0x1  }
0x263: {  	v3 =	vmul.f32 v3, v4;
	_ =	sdelay $0x1  }
0x264: {  	v3 =	vsub.f32 $1.500000000e+00, v3;
	_ =	sdelay $0x1  }
0x265: {  	v3 =	vmul.f32 v3, v4;
	_ =	sdelay $0x1  }
0x266: {  	v1 =	vmul.f32 v3, v1  }
0x267: {  	v63 =	vmul.f32 v3, v0  }
0x268: {  	v2 =	vmul.f32 v3, v2;
	[tilespmem:s21+$0x9C00] =	vst v1  }
0x269: {  	[tilespmem:s21+$0xA000] =	vst v63  }
0x26a: {  	s2 =	rddreg [dreg:$0xb];
	[tilespmem:s21+$0xA400] =	vst v2  }
0x26b: {  	[hbm4b:s2+s4] =	stream.linear.scatter [tilespmem:s25], [sflag:$0x3], $0x400, $0x38;
	[tilespmem:$0xA800] =	vst v63  }
0x26c: {  	_ =	swait.ge [sflag:s26], $0x400  }
0x26d: {  	[sflag:s26] =	ssyncset.done $0x0  }
0x26e: {  	s19 =	rddreg [dreg:$0xc];
	[sflag:s26] =	ssyncadd.s32 $0xFFFFFC00  }
0x26f: {  	[hbm4b:s19+s4] =	stream.linear.scatter [tilespmem:s13], [sflag:$0x3], $0x400, $0x38;
	[tilespmem:$0xA800] =	vst v63  }
0x270: {  	_ =	swait.ge [sflag:s26], $0x400  }
0x271: {  	[sflag:s26] =	ssyncset.done $0x0  }
0x272: {  	s21 =	rddreg [dreg:$0xd];
	[sflag:s26] =	ssyncadd.s32 $0xFFFFFC00  }
0x273: {  	[hbm4b:s21+s4] =	stream.linear.scatter [tilespmem:s15], [sflag:$0x3], $0x400, $0x38;
	[tilespmem:$0xA800] =	vst v63  }
0x274: {  	_ =	swait.ge [sflag:s26], $0x400  }
0x275: {  	[sflag:s26] =	ssyncset.done $0x0  }
0x276: {  	s22 =	rddreg [dreg:$0xe];
	[sflag:s26] =	ssyncadd.s32 $0xFFFFFC00  }
0x277: {  	[hbm4b:s22+s4] =	stream.linear.scatter [tilespmem:s16], [sflag:$0x3], $0x400, $0x38;
	[tilespmem:$0xA800] =	vst v63  }
0x278: {  	_ =	swait.ge [sflag:s26], $0x400  }
0x279: {  	[sflag:s26] =	ssyncset.done $0x0  }
0x27a: {  	s23 =	rddreg [dreg:$0xf];
	[sflag:s26] =	ssyncadd.s32 $0xFFFFFC00  }
0x27b: {  	[hbm4b:s23+s4] =	stream.linear.scatter [tilespmem:s17], [sflag:$0x3], $0x400, $0x38;
	[tilespmem:$0xA800] =	vst v63  }
0x27c: {  	_ =	swait.ge [sflag:s26], $0x400  }
0x27d: {  	s19 =	rddreg [dreg:$0x11]  }
0x27e: {  	s24 =	rddreg [dreg:$0x10];
	s19 =	sadd.s32 $0x1, s19  }
0x27f: {  	p0 =	sne.s32 s19, s24  }
.Ltmp5:
0x280: {  	_ = 	snop;
	(pc) =	sbr.rel @p0 .LBB2_1-.Ltmp5, $3  }
0x281: {  	_ =	sdelay $0x1  }
0x282: {  	[sflag:s26] =	ssyncset.done $0x0  }
0x283: {  	[sflag:s26] =	ssyncadd.s32 $0xFFFFFC00  }
0x284: {  	_ =	sfence.sel $0x180000  }
0x285: {  	[bflag:$0x0] =	sbarrier.arrive $0xFFFF  }
0x286: {  	_ =	strace $0x90000047  }
0x287: {  	s0 =	stileid.u32;
	[bflag:$0x2] =	sbarrier.arrive $0xFFFF  }
0x288: {  	p0 =	sne.s32 s0, $0x0;
	s0 =	rddreg [dreg:$0x4]  }
0x289: {  	s0 =	sadd.s32 @!p0 $0x100000, s0  }
0x28a: {  	[sflag:s0] =	ssyncadd.tile.s32 @!p0 $0x1;
	_ =	shalt  }
.Lfunc_end2:
_tile_overlayer_lowered:
.L_overlay_start_2:
0x28b: {  	(tag) =	ssettag $0x2  }
0x28c: {  	s0 =	rddreg [dreg:$0x0];
	s2 =	stileid.u32  }
0x28d: {  	s1 =	rddreg [dreg:$0x1];
	p0 =	sne.s32 s2, $0x0  }
0x28e: {  	s3 =	rddreg [dreg:$0x2];
	[bflag:$0x3] =	sbarrier.arrive $0xFFFF;
	s2 =	simm.s32 @!p0 $0x1C03  }
0x28f: {  	[timem:s3], [sflag:s2] =	dma.local @!p0 [hbm:s0], s1  }
0x290: {  	s0 =	simm.s32 @!p0 $0x3  }
0x291: {  	_ =	swait.ge @!p0 [sflag:s0], s1  }
0x292: {  	s1 =	ssub.s32 @!p0 $0x0, s1;
	[sflag:s0] =	ssyncset.done @!p0 $0x0  }
0x293: {  	[sflag:s0] =	ssyncadd.s32 @!p0 s1  }
0x294: {  	[bflag:$0x3] =	sbarrier.arrive $0xFFFF  }
0x295: {  	_ =	shalt  }

</sc_bundles>
